<compile_context>
chip_gen: v7x
topology: tpu7x:2x2x1
jax: 0.10.2.dev20260603
libtpu: 0.0.44.dev20260713+nightly
codegen_flags: <defaults>
</compile_context>

<pallas_src>
import functools

import jax
import jax.numpy as jnp
import numpy as np
from jax import lax
from jax.experimental import pallas as pl
from jax.experimental.pallas import tpu as pltpu
from jax.experimental.pallas import tpu_sc as plsc

B, S, D, H, M, K, FF = 2, 512, 1024, 16, 65536, 16, 4096
DH = D // H
R = B * S
CHUNK = 128
NCHUNK = M // CHUNK
MB = 2048
NMB = M // MB
CPB = MB // CHUNK
f32 = jnp.float32
bf16 = jnp.bfloat16

_CP = pltpu.CompilerParams(vmem_limit_bytes=128 * 1024 * 1024)


def _dot_t(a, b):
    return lax.dot_general(a.astype(bf16), b.astype(bf16),
                           (((1,), (1,)), ((), ())),
                           preferred_element_type=f32)


def _dot(a, b):
    return lax.dot_general(a.astype(bf16), b.astype(bf16),
                           (((1,), (0,)), ((), ())),
                           preferred_element_type=f32)


def _ln(y, g, b):
    mu = jnp.mean(y, axis=1, keepdims=True)
    yc = y - mu
    var = jnp.mean(yc * yc, axis=1, keepdims=True)
    return yc * lax.rsqrt(var + 1e-5) * g + b


def _attend(q, k, v, scale):
    s = _dot_t(q * scale, k).astype(bf16)
    m = jnp.max(s, axis=1, keepdims=True)
    p = jnp.exp(s - m)
    ps = jnp.sum(p, axis=1, keepdims=True)
    o = lax.dot_general(p, v.astype(bf16), (((1,), (0,)), ((), ())),
                        preferred_element_type=f32)
    return o / ps.astype(f32)


def _sortable(v):
    i = lax.bitcast_convert_type(v, jnp.int32)
    return jnp.where(i < 0, i ^ np.int32(0x7FFFFFFF), i)


def _erf(x):
    t = 1.0 / (1.0 + 0.3275911 * jnp.abs(x))
    y = 1.0 - (((((1.061405429 * t - 1.453152027) * t) + 1.421413741) * t
                - 0.284496736) * t + 0.254829592) * t * jnp.exp(-x * x)
    return jnp.sign(x) * y


def _gelu_exact(x):
    return 0.5 * x * (1.0 + _erf(x * np.float32(1.0 / np.sqrt(2.0))))


def _full(a):
    return pl.BlockSpec(a.shape, lambda *_: (0,) * a.ndim)


def _proj_body(x_ref, w_ref, b_ref, o_ref):
    o_ref[...] = _dot_t(x_ref[...], w_ref[...]) + b_ref[...]


def _proj(xf, w, b, nblk=2):
    rows = xf.shape[0] // nblk
    return pl.pallas_call(
        _proj_body,
        grid=(nblk,),
        in_specs=[pl.BlockSpec((rows, xf.shape[1]), lambda i: (i, 0)),
                  _full(w), _full(b)],
        out_specs=pl.BlockSpec((rows, w.shape[0]), lambda i: (i, 0)),
        out_shape=jax.ShapeDtypeStruct((xf.shape[0], w.shape[0]), f32),
        compiler_params=_CP,
    )(xf, w, b)


def _sa_body(q_ref, k_ref, v_ref, o_ref):
    scale = np.float32(1.0 / np.sqrt(DH))
    for j in range(2):
        sl = slice(j * DH, (j + 1) * DH)
        o_ref[:, sl] = _attend(q_ref[:, sl], k_ref[:, sl], v_ref[:, sl],
                               scale)


def _self_attn(qkv):
    hp = H // 2
    return pl.pallas_call(
        _sa_body,
        grid=(B, hp),
        in_specs=[pl.BlockSpec((S, 2 * DH), lambda b, h: (b, h)),
                  pl.BlockSpec((S, 2 * DH), lambda b, h: (b, hp + h)),
                  pl.BlockSpec((S, 2 * DH), lambda b, h: (b, 2 * hp + h))],
        out_specs=pl.BlockSpec((S, 2 * DH), lambda b, h: (b, h)),
        out_shape=jax.ShapeDtypeStruct((R, D), f32),
        compiler_params=_CP,
    )(qkv, qkv, qkv)


def _oln_body(x_ref, o_ref, w_ref, b_ref, g_ref, gb_ref, y_ref):
    a = _dot_t(o_ref[...], w_ref[...]) + b_ref[...]
    y_ref[...] = _ln(x_ref[...] + a, g_ref[...], gb_ref[...])


def _out_ln(xf, o, w, b, g, gb):
    return pl.pallas_call(
        _oln_body,
        grid=(B,),
        in_specs=[pl.BlockSpec((S, D), lambda i: (i, 0)),
                  pl.BlockSpec((S, D), lambda i: (i, 0)),
                  _full(w), _full(b), _full(g), _full(gb)],
        out_specs=pl.BlockSpec((S, D), lambda i: (i, 0)),
        out_shape=jax.ShapeDtypeStruct((R, D), f32),
        compiler_params=_CP,
    )(xf, o, w, b, g, gb)


def _sims_body(q_ref, mk_ref, sims_ref, cmax_ref):
    mk = mk_ref[...]
    inv = lax.rsqrt(jnp.maximum(jnp.sum(mk * mk, axis=1, keepdims=True),
                                1e-24))
    mkn = mk * inv
    s = _dot_t(q_ref[...], mkn)
    for c in range(CPB):
        sims_ref[:, c] = s[:, c * CHUNK:(c + 1) * CHUNK].reshape(R // 8, 8,
                                                                 CHUNK)
    cms = [jnp.max(s[:, j * CHUNK:(j + 1) * CHUNK], axis=1, keepdims=True)
           for j in range(CPB)]
    cmax_ref[0] = jnp.concatenate(cms, axis=1)


def _sims_chunkmax(x1f, mem_k):
    return pl.pallas_call(
        _sims_body,
        grid=(NMB,),
        in_specs=[pl.BlockSpec((R, D), lambda m: (0, 0)),
                  pl.BlockSpec((MB, D), lambda m: (m, 0))],
        out_specs=[pl.BlockSpec((R // 8, CPB, 8, CHUNK),
                                lambda m: (0, m, 0, 0)),
                   pl.BlockSpec((1, R, CPB), lambda m: (m, 0, 0))],
        out_shape=[jax.ShapeDtypeStruct((R // 8, NCHUNK, 8, CHUNK), f32),
                   jax.ShapeDtypeStruct((NMB, R, CPB), f32)],
        compiler_params=_CP,
    )(x1f, mem_k)


_RB3 = 128


def _chunk_topk_body(cm_ref, out_ref):
    cm = jnp.concatenate([cm_ref[i] for i in range(NMB)], axis=1)
    iota = lax.broadcasted_iota(jnp.int32, (_RB3, NCHUNK), 1)
    key = (_sortable(cm) & np.int32(~0x1FF)) | iota
    sel = []
    for _ in range(K):
        m = jnp.max(key, axis=1, keepdims=True)
        sel.append(m & np.int32(0x1FF))
        key = jnp.where(key == m, jnp.int32(-2147483648), key)
    out_ref[...] = jnp.concatenate(sel, axis=1)


def _chunk_topk(cmax):
    return pl.pallas_call(
        _chunk_topk_body,
        grid=(R // _RB3,),
        in_specs=[pl.BlockSpec((NMB, _RB3, CPB), lambda i: (0, i, 0))],
        out_specs=pl.BlockSpec((_RB3, K), lambda i: (i, 0)),
        out_shape=jax.ShapeDtypeStruct((R, K), jnp.int32),
        compiler_params=_CP,
    )(cmax)


def _sc_gather(table, idx, d_cols, rows_chunk):
    n_rows = idx.shape[0]
    dt = table.dtype
    info = plsc.get_sparse_core_info()
    nw = info.num_cores * info.num_subcores
    rpw = n_rows // nw
    nck = rpw // rows_chunk
    idx2d = idx.reshape(nw * nck, rows_chunk)
    mesh = plsc.VectorSubcoreMesh(core_axis_name="c", subcore_axis_name="s")

    @functools.partial(
        pl.kernel, mesh=mesh,
        out_type=jax.ShapeDtypeStruct((n_rows, d_cols), dt),
        scratch_types=[
            pltpu.VMEM((nck, rows_chunk), jnp.int32),
            pltpu.VMEM((rows_chunk, d_cols), dt),
            pltpu.VMEM((rows_chunk, d_cols), dt),
            pltpu.SemaphoreType.DMA,
            pltpu.SemaphoreType.DMA,
        ],
    )
    def k(table_hbm, idx_hbm, out_hbm, idx_v, buf0, buf1, sem0, sem1):
        wid = lax.axis_index("s") * info.num_cores + lax.axis_index("c")
        base = wid * rpw
        pltpu.sync_copy(idx_hbm.at[pl.ds(wid * nck, nck)], idx_v)
        bufs = (buf0, buf1)
        sems = (sem0, sem1)
        pend = [pltpu.async_copy(table_hbm.at[idx_v.at[0]], buf0, sem0)]
        for c in range(nck):
            pend[c].wait()
            if c + 1 < nck:
                pend.append(pltpu.async_copy(table_hbm.at[idx_v.at[c + 1]],
                                             bufs[(c + 1) % 2],
                                             sems[(c + 1) % 2]))
            pltpu.sync_copy(bufs[c % 2],
                            out_hbm.at[pl.ds(base + c * rows_chunk,
                                             rows_chunk)])
    return k(table, idx2d)


_RB5 = 64


def _final_topk_body(cands_ref, cid_ref, idx_ref):
    cid = cid_ref[...]
    iota128 = lax.broadcasted_iota(jnp.int32, (_RB5, CHUNK), 1)
    gparts = [cid[:, i:i + 1] * CHUNK + iota128 for i in range(K)]
    gidx = jnp.concatenate(gparts, axis=1)
    cands = cands_ref[...]
    key = (_sortable(cands) & np.int32(-65536)) | gidx
    out = []
    for _ in range(K):
        m = jnp.max(key, axis=1, keepdims=True)
        out.append(m & np.int32(0xFFFF))
        key = jnp.where(key == m, jnp.int32(-2147483648), key)
    idx_ref[...] = jnp.concatenate(out, axis=1)


def _final_topk(cands, cid):
    return pl.pallas_call(
        _final_topk_body,
        grid=(R // _RB5,),
        in_specs=[pl.BlockSpec((_RB5, K * CHUNK), lambda i: (i, 0)),
                  pl.BlockSpec((_RB5, K), lambda i: (i, 0))],
        out_specs=pl.BlockSpec((_RB5, K), lambda i: (i, 0)),
        out_shape=jax.ShapeDtypeStruct((R, K), jnp.int32),
        compiler_params=_CP,
    )(cands, cid)


def _kv_body(r_ref, kw_ref, vw_ref, vb_ref, kp_ref, vp_ref):
    r = r_ref[...]
    kp_ref[...] = _dot_t(r, kw_ref[...]).astype(bf16)
    vp_ref[...] = (_dot_t(r, vw_ref[...]) + vb_ref[...]).astype(bf16)


def _kv_proj(retr, kw, vw, vb):
    nblk = 8
    rows = (R * K) // nblk
    return pl.pallas_call(
        _kv_body,
        grid=(nblk,),
        in_specs=[pl.BlockSpec((rows, D), lambda i: (i, 0)),
                  _full(kw), _full(vw), _full(vb)],
        out_specs=[pl.BlockSpec((rows, D), lambda i: (i, 0)),
                   pl.BlockSpec((rows, D), lambda i: (i, 0))],
        out_shape=[jax.ShapeDtypeStruct((R * K, D), bf16),
                   jax.ShapeDtypeStruct((R * K, D), bf16)],
        compiler_params=_CP,
    )(retr, kw, vw, vb)


_QB = 512


def _ma_body(q_ref, kp_ref, vp_ref, o_ref):
    scale = np.float32(1.0 / np.sqrt(DH))
    for j in range(2):
        sl = slice(j * DH, (j + 1) * DH)
        o_ref[:, sl] = _attend(q_ref[:, sl], kp_ref[:, sl], vp_ref[:, sl],
                               scale)


def _ma_attn(qm, kp, vp):
    nq = S // _QB
    return pl.pallas_call(
        _ma_body,
        grid=(B, H // 2, nq),
        in_specs=[pl.BlockSpec((_QB, 2 * DH), lambda b, h, q: (b * nq + q, h)),
                  pl.BlockSpec((S * K, 2 * DH), lambda b, h, q: (b, h)),
                  pl.BlockSpec((S * K, 2 * DH), lambda b, h, q: (b, h))],
        out_specs=pl.BlockSpec((_QB, 2 * DH), lambda b, h, q: (b * nq + q, h)),
        out_shape=jax.ShapeDtypeStruct((R, D), f32),
        compiler_params=_CP,
    )(qm, kp, vp)


_NFF = 4
_FFB = FF // _NFF


def _tail_body(x1_ref, o_ref, ow_ref, ob_ref, mg_ref, mb_ref,
               w1_ref, b1_ref, w2_ref, b2_ref, fg_ref, fb_ref, out_ref,
               x2_s, acc_s):
    fb = pl.program_id(1)

    @pl.when(fb == 0)
    def _init():
        m = _dot_t(o_ref[...], ow_ref[...]) + ob_ref[...]
        x2_s[...] = _ln(x1_ref[...] + m, mg_ref[...], mb_ref[...])
        acc_s[...] = jnp.zeros_like(acc_s)

    h = _gelu_exact(_dot_t(x2_s[...], w1_ref[...]) + b1_ref[...])
    acc_s[...] += _dot_t(h, w2_ref[...])

    @pl.when(fb == _NFF - 1)
    def _fin():
        y = x2_s[...] + acc_s[...] + b2_ref[...]
        out_ref[...] = _ln(y, fg_ref[...], fb_ref[...])


def _tail(x1f, o, ow, ob, mg, mb, w1, b1, w2, b2, fg, fb):
    return pl.pallas_call(
        _tail_body,
        grid=(B, _NFF),
        in_specs=[pl.BlockSpec((S, D), lambda b, f: (b, 0)),
                  pl.BlockSpec((S, D), lambda b, f: (b, 0)),
                  _full(ow), _full(ob), _full(mg), _full(mb),
                  pl.BlockSpec((_FFB, D), lambda b, f: (f, 0)),
                  pl.BlockSpec((1, _FFB), lambda b, f: (0, f)),
                  pl.BlockSpec((D, _FFB), lambda b, f: (0, f)),
                  _full(b2), _full(fg), _full(fb)],
        out_specs=pl.BlockSpec((S, D), lambda b, f: (b, 0)),
        out_shape=jax.ShapeDtypeStruct((R, D), f32),
        scratch_shapes=[pltpu.VMEM((S, D), f32), pltpu.VMEM((S, D), f32)],
        compiler_params=_CP,
    )(x1f, o, ow, ob, mg, mb, w1, b1, w2, b2, fg, fb)


def kernel(x, sa_in_w, sa_in_b, sa_out_w, sa_out_b, an_g, an_b, mem_k, mem_v,
           ma_in_w, ma_in_b, ma_out_w, ma_out_b, mn_g, mn_b, w1, b1, w2, b2,
           fn_g, fn_b):
    row = lambda v: v.reshape(1, -1)
    xf = x.reshape(R, D)

    qkv = _proj(xf, sa_in_w, row(sa_in_b))
    o_sa = _self_attn(qkv)
    x1f = _out_ln(xf, o_sa, sa_out_w, row(sa_out_b), row(an_g), row(an_b))

    sims, cmax = _sims_chunkmax(x1f, mem_k)
    cid = _chunk_topk(cmax)

    r = jnp.arange(R, dtype=jnp.int32)[:, None]
    flat = ((((r >> 3) * NCHUNK + cid) << 3) + (r & 7)).reshape(R * K)
    cands = _sc_gather(sims.reshape(R // 8 * NCHUNK * 8, CHUNK), flat,
                       CHUNK, rows_chunk=128)
    idx = _final_topk(cands.reshape(R, K * CHUNK), cid)

    retr = _sc_gather(mem_v, idx.reshape(R * K), D, rows_chunk=32)

    qm = _proj(x1f, ma_in_w[:D], row(ma_in_b[:D]))
    kp, vp = _kv_proj(retr, ma_in_w[D:2 * D], ma_in_w[2 * D:],
                      row(ma_in_b[2 * D:]))
    o = _ma_attn(qm, kp, vp)

    out = _tail(x1f, o, ma_out_w, row(ma_out_b), row(mn_g), row(mn_b),
                w1, row(b1), w2, row(b2), row(fn_g), row(fn_b))
    return out.reshape(B, S, D)

# --- scband reference (transcript-rebuilt; emitter-appended) ---
"""Pipeline reference for scband-memorizing-transformer-layer-89945205113177 (READ-ONLY COPY).

The authoritative reference and input builder live on the scoring server;
editing this copy changes nothing except your own understanding.
"""

import jax, jax.numpy as jnp
import numpy as np

B, S, D, H, M, K, FF = 2, 512, 1024, 16, 65536, 16, 4096

def _ln(x, g, b, eps=1e-5):
    mu = jnp.mean(x, axis=-1, keepdims=True)
    var = jnp.mean((x - mu) ** 2, axis=-1, keepdims=True)
    return (x - mu) / jnp.sqrt(var + eps) * g + b

def _mha(q, k, v, in_w, in_b, out_w, out_b, nh):
    Bq, Lq, Dm = q.shape
    Lk = k.shape[1]
    dh = Dm // nh
    wq, wk, wv = in_w[:Dm], in_w[Dm:2 * Dm], in_w[2 * Dm:]
    bq, bk, bv = in_b[:Dm], in_b[Dm:2 * Dm], in_b[2 * Dm:]
    qp = (q @ wq.T + bq).reshape(Bq, Lq, nh, dh).transpose(0, 2, 1, 3)
    kp = (k @ wk.T + bk).reshape(Bq, Lk, nh, dh).transpose(0, 2, 1, 3)
    vp = (v @ wv.T + bv).reshape(Bq, Lk, nh, dh).transpose(0, 2, 1, 3)
    scores = jnp.einsum('bhqd,bhkd->bhqk', qp, kp) / np.sqrt(dh).astype(np.float32)
    a = jax.nn.softmax(scores, axis=-1)
    o = jnp.einsum('bhqk,bhkd->bhqd', a, vp).transpose(0, 2, 1, 3).reshape(Bq, Lq, Dm)
    return o @ out_w.T + out_b

def _forward(x, sa_in_w, sa_in_b, sa_out_w, sa_out_b, an_g, an_b, mem_k, mem_v, ma_in_w, ma_in_b, ma_out_w, ma_out_b, mn_g, mn_b, w1, b1, w2, b2, fn_g, fn_b):
    res = x
    a = _mha(x, x, x, sa_in_w, sa_in_b, sa_out_w, sa_out_b, H)
    x = _ln(res + a, an_g, an_b)
    # retrieve_from_memory: cosine similarity top-k (inference mode; no memory update)
    qn = x / jnp.maximum(jnp.linalg.norm(x, axis=-1, keepdims=True), 1e-12)
    mkn = mem_k / jnp.maximum(jnp.linalg.norm(mem_k, axis=-1, keepdims=True), 1e-12)
    sims = qn @ mkn.T  # [B, S, M]
    _, idx = jax.lax.top_k(sims, K)  # [B, S, K]
    retrieved = mem_v[idx]  # [B, S, K, D] gather
    rflat = retrieved.reshape(x.shape[0], x.shape[1] * K, D)
    res = x
    m = _mha(x, rflat, rflat, ma_in_w, ma_in_b, ma_out_w, ma_out_b, H)
    x = _ln(res + m, mn_g, mn_b)
    res = x
    h = jax.nn.gelu(x @ w1.T + b1, approximate=False)
    x = h @ w2.T + b2
    return _ln(res + x, fn_g, fn_b)

def setup_inputs(seed: int = 0):
    key = jax.random.key(seed)
    ks = jax.random.split(key, 10)
    s = 0.02
    f32 = jnp.float32
    return {
        'x': jax.random.normal(ks[0], (B, S, D), f32),
        'sa_in_w': jax.random.normal(ks[1], (3 * D, D), f32) * s,
        'sa_in_b': jnp.zeros((3 * D,), f32),
        'sa_out_w': jax.random.normal(ks[2], (D, D), f32) * s,
        'sa_out_b': jnp.zeros((D,), f32),
        'an_g': jnp.ones((D,), f32),
        'an_b': jnp.zeros((D,), f32),
        'mem_k': jax.random.normal(ks[3], (M, D), f32),
        'mem_v': jax.random.normal(ks[4], (M, D), f32),
        'ma_in_w': jax.random.normal(ks[5], (3 * D, D), f32) * s,
        'ma_in_b': jnp.zeros((3 * D,), f32),
        'ma_out_w': jax.random.normal(ks[6], (D, D), f32) * s,
        'ma_out_b': jnp.zeros((D,), f32),
        'mn_g': jnp.ones((D,), f32),
        'mn_b': jnp.zeros((D,), f32),
        'w1': jax.random.normal(ks[7], (FF, D), f32) * s,
        'b1': jnp.zeros((FF,), f32),
        'w2': jax.random.normal(ks[8], (D, FF), f32) * s,
        'b2': jnp.zeros((D,), f32),
        'fn_g': jnp.ones((D,), f32),
        'fn_b': jnp.zeros((D,), f32),
    }

def reference(x, sa_in_w, sa_in_b, sa_out_w, sa_out_b, an_g, an_b, mem_k, mem_v, ma_in_w, ma_in_b, ma_out_w, ma_out_b, mn_g, mn_b, w1, b1, w2, b2, fn_g, fn_b):
    return _forward(x, sa_in_w, sa_in_b, sa_out_w, sa_out_b, an_g, an_b, mem_k, mem_v, ma_in_w, ma_in_b, ma_out_w, ma_out_b, mn_g, mn_b, w1, b1, w2, b2, fn_g, fn_b)

if __name__ == "__main__":
    import jax
    _d = setup_inputs()
    print(jax.jit(kernel)(*tuple(_d.values())))

</pallas_src>

<mosaic_0001>
#map = affine_map<(d0, d1) -> (0, 0)>
module attributes {stable_mosaic.version = 14 : i64} {
  func.func @k(%arg0: i32, %arg1: i32, %arg2: memref<65536x1024xf32, #tpu.memory_space<hbm>>, %arg3: memref<512x32xi32, #tpu.memory_space<hbm>>, %arg4: memref<16384x1024xf32, #tpu.memory_space<hbm>>, %arg5: memref<16x32xi32, #tpu.memory_space<vmem>>, %arg6: memref<32x1024xf32, #tpu.memory_space<vmem>>, %arg7: memref<32x1024xf32, #tpu.memory_space<vmem>>, %arg8: memref<!tpu.dma_semaphore, #tpu.memory_space<semaphore_mem>>, %arg9: memref<!tpu.dma_semaphore, #tpu.memory_space<semaphore_mem>>) attributes {dimension_semantics = [#tpu.dimension_semantics<core_parallel>, #tpu.dimension_semantics<subcore_parallel>], iteration_bounds = array<i64: 2, 16>, scalar_prefetch = 0 : i64, scratch_operands = 5 : i64, tpu.core_type = #tpu.core_type<sc_vector_subcore>, window_params = [{transform_indices = #map}, {transform_indices = #map}, {transform_indices = #map}]} {
    %mul3A = arith.constant 2 : i32
    %mul3A_0 = arith.muli %arg1, %mul3A : i32
    %add3A = arith.addi %mul3A_0, %arg0 : i32
    %mul3A_1 = arith.constant 512 : i32
    %mul3A_2 = arith.muli %add3A, %mul3A_1 : i32
    %mul3A_3 = arith.constant 16 : i32
    %mul3A_4 = arith.muli %add3A, %mul3A_3 : i32
    "tpu.region"() ({
      %run_scoped3A = tpu.sem_alloc : memref<!tpu.dma_semaphore, #tpu.memory_space<semaphore_mem>>
      %dma_start3A_259 = arith.constant 0 : i32
      %dma_start3A_260 = tpu.memref_slice %arg3[%mul3A_4, %dma_start3A_259] : memref<512x32xi32, #tpu.memory_space<hbm>> -> memref<16x32xi32, #tpu.memory_space<hbm>>
      %dma_start3A_261 = arith.constant 0 : i32
      %dma_start3A_262 = tpu.memref_slice %arg3[%mul3A_4, %dma_start3A_261] : memref<512x32xi32, #tpu.memory_space<hbm>> -> memref<16x32xi32, #tpu.memory_space<hbm>>
      tpu.enqueue_dma source(%dma_start3A_262 : memref<16x32xi32, #tpu.memory_space<hbm>>) target(%arg5 : memref<16x32xi32, #tpu.memory_space<vmem>>) target_semaphore(%run_scoped3A : memref<!tpu.dma_semaphore, #tpu.memory_space<semaphore_mem>>)
      %dma_wait3A_263 = arith.constant 0 : i32
      %dma_wait3A_264 = tpu.memref_slice %arg3[%mul3A_4, %dma_wait3A_263] : memref<512x32xi32, #tpu.memory_space<hbm>> -> memref<16x32xi32, #tpu.memory_space<hbm>>
      %dma_wait3A_265 = arith.constant 0 : i32
      %dma_wait3A_266 = tpu.memref_slice %arg3[%mul3A_4, %dma_wait3A_265] : memref<512x32xi32, #tpu.memory_space<hbm>> -> memref<16x32xi32, #tpu.memory_space<hbm>>
      tpu.wait_dma2 semaphore(%run_scoped3A : memref<!tpu.dma_semaphore, #tpu.memory_space<semaphore_mem>>) src(%dma_wait3A_266 : memref<16x32xi32, #tpu.memory_space<hbm>>) dst(%arg5 : memref<16x32xi32, #tpu.memory_space<vmem>>)
      tpu.yield
    }) : () -> ()
    %dma_start3A = arith.constant 0 : i32
    %dma_start3A_5 = arith.constant 0 : i32
    %dma_start3A_6 = tpu.memref_slice %arg5[%dma_start3A, %dma_start3A_5] : memref<16x32xi32, #tpu.memory_space<vmem>> -> memref<1x32xi32, #tpu.memory_space<vmem>>
    %dma_start3A_7 = tpu.memref_squeeze %dma_start3A_6 : memref<1x32xi32, #tpu.memory_space<vmem>> -> memref<32xi32, #tpu.memory_space<vmem>>
    %dma_start3A_8 = arith.constant 0 : i32
    %dma_start3A_9 = arith.constant 0 : i32
    %dma_start3A_10 = tpu.memref_slice %arg2[%dma_start3A_8, %dma_start3A_9] : memref<65536x1024xf32, #tpu.memory_space<hbm>> -> memref<65536x1024xf32, #tpu.memory_space<hbm>>
    tpu.enqueue_indirect_dma source(%dma_start3A_10 : memref<65536x1024xf32, #tpu.memory_space<hbm>>) target(%arg6 : memref<32x1024xf32, #tpu.memory_space<vmem>>) offsets(%dma_start3A_7 : memref<32xi32, #tpu.memory_space<vmem>>) semaphore(%arg8 : memref<!tpu.dma_semaphore, #tpu.memory_space<semaphore_mem>>)
    %dma_wait3A = arith.constant 0 : i32
    %dma_wait3A_11 = arith.constant 0 : i32
    %dma_wait3A_12 = tpu.memref_slice %arg5[%dma_wait3A, %dma_wait3A_11] : memref<16x32xi32, #tpu.memory_space<vmem>> -> memref<1x32xi32, #tpu.memory_space<vmem>>
    %dma_wait3A_13 = tpu.memref_squeeze %dma_wait3A_12 : memref<1x32xi32, #tpu.memory_space<vmem>> -> memref<32xi32, #tpu.memory_space<vmem>>
    %dma_wait3A_14 = arith.constant 0 : i32
    %dma_wait3A_15 = arith.constant 0 : i32
    %dma_wait3A_16 = tpu.memref_slice %arg2[%dma_wait3A_14, %dma_wait3A_15] : memref<65536x1024xf32, #tpu.memory_space<hbm>> -> memref<65536x1024xf32, #tpu.memory_space<hbm>>
    tpu.wait_indirect_dma semaphore(%arg8 : memref<!tpu.dma_semaphore, #tpu.memory_space<semaphore_mem>>) src(%dma_wait3A_16 : memref<65536x1024xf32, #tpu.memory_space<hbm>>) dst(%arg6 : memref<32x1024xf32, #tpu.memory_space<vmem>>)
    %dma_start3A_17 = arith.constant 1 : i32
    %dma_start3A_18 = arith.constant 0 : i32
    %dma_start3A_19 = tpu.memref_slice %arg5[%dma_start3A_17, %dma_start3A_18] : memref<16x32xi32, #tpu.memory_space<vmem>> -> memref<1x32xi32, #tpu.memory_space<vmem>>
    %dma_start3A_20 = tpu.memref_squeeze %dma_start3A_19 : memref<1x32xi32, #tpu.memory_space<vmem>> -> memref<32xi32, #tpu.memory_space<vmem>>
    %dma_start3A_21 = arith.constant 0 : i32
    %dma_start3A_22 = arith.constant 0 : i32
    %dma_start3A_23 = tpu.memref_slice %arg2[%dma_start3A_21, %dma_start3A_22] : memref<65536x1024xf32, #tpu.memory_space<hbm>> -> memref<65536x1024xf32, #tpu.memory_space<hbm>>
    tpu.enqueue_indirect_dma source(%dma_start3A_23 : memref<65536x1024xf32, #tpu.memory_space<hbm>>) target(%arg7 : memref<32x1024xf32, #tpu.memory_space<vmem>>) offsets(%dma_start3A_20 : memref<32xi32, #tpu.memory_space<vmem>>) semaphore(%arg9 : memref<!tpu.dma_semaphore, #tpu.memory_space<semaphore_mem>>)
    %add3A_24 = arith.constant 0 : i32
    %add3A_25 = arith.addi %mul3A_2, %add3A_24 : i32
    "tpu.region"() ({
      %run_scoped3A = tpu.sem_alloc : memref<!tpu.dma_semaphore, #tpu.memory_space<semaphore_mem>>
      %dma_start3A_259 = arith.constant 0 : i32
      %dma_start3A_260 = tpu.memref_slice %arg4[%add3A_25, %dma_start3A_259] : memref<16384x1024xf32, #tpu.memory_space<hbm>> -> memref<32x1024xf32, #tpu.memory_space<hbm>>
      %dma_start3A_261 = arith.constant 0 : i32
      %dma_start3A_262 = tpu.memref_slice %arg4[%add3A_25, %dma_start3A_261] : memref<16384x1024xf32, #tpu.memory_space<hbm>> -> memref<32x1024xf32, #tpu.memory_space<hbm>>
      tpu.enqueue_dma source(%arg6 : memref<32x1024xf32, #tpu.memory_space<vmem>>) target(%dma_start3A_262 : memref<32x1024xf32, #tpu.memory_space<hbm>>) target_semaphore(%run_scoped3A : memref<!tpu.dma_semaphore, #tpu.memory_space<semaphore_mem>>)
      %dma_wait3A_263 = arith.constant 0 : i32
      %dma_wait3A_264 = tpu.memref_slice %arg4[%add3A_25, %dma_wait3A_263] : memref<16384x1024xf32, #tpu.memory_space<hbm>> -> memref<32x1024xf32, #tpu.memory_space<hbm>>
      %dma_wait3A_265 = arith.constant 0 : i32
      %dma_wait3A_266 = tpu.memref_slice %arg4[%add3A_25, %dma_wait3A_265] : memref<16384x1024xf32, #tpu.memory_space<hbm>> -> memref<32x1024xf32, #tpu.memory_space<hbm>>
      tpu.wait_dma2 semaphore(%run_scoped3A : memref<!tpu.dma_semaphore, #tpu.memory_space<semaphore_mem>>) src(%arg6 : memref<32x1024xf32, #tpu.memory_space<vmem>>) dst(%dma_wait3A_266 : memref<32x1024xf32, #tpu.memory_space<hbm>>)
      tpu.yield
    }) : () -> ()
    %dma_wait3A_26 = arith.constant 1 : i32
    %dma_wait3A_27 = arith.constant 0 : i32
    %dma_wait3A_28 = tpu.memref_slice %arg5[%dma_wait3A_26, %dma_wait3A_27] : memref<16x32xi32, #tpu.memory_space<vmem>> -> memref<1x32xi32, #tpu.memory_space<vmem>>
    %dma_wait3A_29 = tpu.memref_squeeze %dma_wait3A_28 : memref<1x32xi32, #tpu.memory_space<vmem>> -> memref<32xi32, #tpu.memory_space<vmem>>
    %dma_wait3A_30 = arith.constant 0 : i32
    %dma_wait3A_31 = arith.constant 0 : i32
    %dma_wait3A_32 = tpu.memref_slice %arg2[%dma_wait3A_30, %dma_wait3A_31] : memref<65536x1024xf32, #tpu.memory_space<hbm>> -> memref<65536x1024xf32, #tpu.memory_space<hbm>>
    tpu.wait_indirect_dma semaphore(%arg9 : memref<!tpu.dma_semaphore, #tpu.memory_space<semaphore_mem>>) src(%dma_wait3A_32 : memref<65536x1024xf32, #tpu.memory_space<hbm>>) dst(%arg7 : memref<32x1024xf32, #tpu.memory_space<vmem>>)
    %dma_start3A_33 = arith.constant 2 : i32
    %dma_start3A_34 = arith.constant 0 : i32
    %dma_start3A_35 = tpu.memref_slice %arg5[%dma_start3A_33, %dma_start3A_34] : memref<16x32xi32, #tpu.memory_space<vmem>> -> memref<1x32xi32, #tpu.memory_space<vmem>>
    %dma_start3A_36 = tpu.memref_squeeze %dma_start3A_35 : memref<1x32xi32, #tpu.memory_space<vmem>> -> memref<32xi32, #tpu.memory_space<vmem>>
    %dma_start3A_37 = arith.constant 0 : i32
    %dma_start3A_38 = arith.constant 0 : i32
    %dma_start3A_39 = tpu.memref_slice %arg2[%dma_start3A_37, %dma_start3A_38] : memref<65536x1024xf32, #tpu.memory_space<hbm>> -> memref<65536x1024xf32, #tpu.memory_space<hbm>>
    tpu.enqueue_indirect_dma source(%dma_start3A_39 : memref<65536x1024xf32, #tpu.memory_space<hbm>>) target(%arg6 : memref<32x1024xf32, #tpu.memory_space<vmem>>) offsets(%dma_start3A_36 : memref<32xi32, #tpu.memory_space<vmem>>) semaphore(%arg8 : memref<!tpu.dma_semaphore, #tpu.memory_space<semaphore_mem>>)
    %add3A_40 = arith.constant 32 : i32
    %add3A_41 = arith.addi %mul3A_2, %add3A_40 : i32
    "tpu.region"() ({
      %run_scoped3A = tpu.sem_alloc : memref<!tpu.dma_semaphore, #tpu.memory_space<semaphore_mem>>
      %dma_start3A_259 = arith.constant 0 : i32
      %dma_start3A_260 = tpu.memref_slice %arg4[%add3A_41, %dma_start3A_259] : memref<16384x1024xf32, #tpu.memory_space<hbm>> -> memref<32x1024xf32, #tpu.memory_space<hbm>>
      %dma_start3A_261 = arith.constant 0 : i32
      %dma_start3A_262 = tpu.memref_slice %arg4[%add3A_41, %dma_start3A_261] : memref<16384x1024xf32, #tpu.memory_space<hbm>> -> memref<32x1024xf32, #tpu.memory_space<hbm>>
      tpu.enqueue_dma source(%arg7 : memref<32x1024xf32, #tpu.memory_space<vmem>>) target(%dma_start3A_262 : memref<32x1024xf32, #tpu.memory_space<hbm>>) target_semaphore(%run_scoped3A : memref<!tpu.dma_semaphore, #tpu.memory_space<semaphore_mem>>)
      %dma_wait3A_263 = arith.constant 0 : i32
      %dma_wait3A_264 = tpu.memref_slice %arg4[%add3A_41, %dma_wait3A_263] : memref<16384x1024xf32, #tpu.memory_space<hbm>> -> memref<32x1024xf32, #tpu.memory_space<hbm>>
      %dma_wait3A_265 = arith.constant 0 : i32
      %dma_wait3A_266 = tpu.memref_slice %arg4[%add3A_41, %dma_wait3A_265] : memref<16384x1024xf32, #tpu.memory_space<hbm>> -> memref<32x1024xf32, #tpu.memory_space<hbm>>
      tpu.wait_dma2 semaphore(%run_scoped3A : memref<!tpu.dma_semaphore, #tpu.memory_space<semaphore_mem>>) src(%arg7 : memref<32x1024xf32, #tpu.memory_space<vmem>>) dst(%dma_wait3A_266 : memref<32x1024xf32, #tpu.memory_space<hbm>>)
      tpu.yield
    }) : () -> ()
    %dma_wait3A_42 = arith.constant 2 : i32
    %dma_wait3A_43 = arith.constant 0 : i32
    %dma_wait3A_44 = tpu.memref_slice %arg5[%dma_wait3A_42, %dma_wait3A_43] : memref<16x32xi32, #tpu.memory_space<vmem>> -> memref<1x32xi32, #tpu.memory_space<vmem>>
    %dma_wait3A_45 = tpu.memref_squeeze %dma_wait3A_44 : memref<1x32xi32, #tpu.memory_space<vmem>> -> memref<32xi32, #tpu.memory_space<vmem>>
    %dma_wait3A_46 = arith.constant 0 : i32
    %dma_wait3A_47 = arith.constant 0 : i32
    %dma_wait3A_48 = tpu.memref_slice %arg2[%dma_wait3A_46, %dma_wait3A_47] : memref<65536x1024xf32, #tpu.memory_space<hbm>> -> memref<65536x1024xf32, #tpu.memory_space<hbm>>
    tpu.wait_indirect_dma semaphore(%arg8 : memref<!tpu.dma_semaphore, #tpu.memory_space<semaphore_mem>>) src(%dma_wait3A_48 : memref<65536x1024xf32, #tpu.memory_space<hbm>>) dst(%arg6 : memref<32x1024xf32, #tpu.memory_space<vmem>>)
    %dma_start3A_49 = arith.constant 3 : i32
    %dma_start3A_50 = arith.constant 0 : i32
    %dma_start3A_51 = tpu.memref_slice %arg5[%dma_start3A_49, %dma_start3A_50] : memref<16x32xi32, #tpu.memory_space<vmem>> -> memref<1x32xi32, #tpu.memory_space<vmem>>
    %dma_start3A_52 = tpu.memref_squeeze %dma_start3A_51 : memref<1x32xi32, #tpu.memory_space<vmem>> -> memref<32xi32, #tpu.memory_space<vmem>>
    %dma_start3A_53 = arith.constant 0 : i32
    %dma_start3A_54 = arith.constant 0 : i32
    %dma_start3A_55 = tpu.memref_slice %arg2[%dma_start3A_53, %dma_start3A_54] : memref<65536x1024xf32, #tpu.memory_space<hbm>> -> memref<65536x1024xf32, #tpu.memory_space<hbm>>
    tpu.enqueue_indirect_dma source(%dma_start3A_55 : memref<65536x1024xf32, #tpu.memory_space<hbm>>) target(%arg7 : memref<32x1024xf32, #tpu.memory_space<vmem>>) offsets(%dma_start3A_52 : memref<32xi32, #tpu.memory_space<vmem>>) semaphore(%arg9 : memref<!tpu.dma_semaphore, #tpu.memory_space<semaphore_mem>>)
    %add3A_56 = arith.constant 64 : i32
    %add3A_57 = arith.addi %mul3A_2, %add3A_56 : i32
    "tpu.region"() ({
      %run_scoped3A = tpu.sem_alloc : memref<!tpu.dma_semaphore, #tpu.memory_space<semaphore_mem>>
      %dma_start3A_259 = arith.constant 0 : i32
      %dma_start3A_260 = tpu.memref_slice %arg4[%add3A_57, %dma_start3A_259] : memref<16384x1024xf32, #tpu.memory_space<hbm>> -> memref<32x1024xf32, #tpu.memory_space<hbm>>
      %dma_start3A_261 = arith.constant 0 : i32
      %dma_start3A_262 = tpu.memref_slice %arg4[%add3A_57, %dma_start3A_261] : memref<16384x1024xf32, #tpu.memory_space<hbm>> -> memref<32x1024xf32, #tpu.memory_space<hbm>>
      tpu.enqueue_dma source(%arg6 : memref<32x1024xf32, #tpu.memory_space<vmem>>) target(%dma_start3A_262 : memref<32x1024xf32, #tpu.memory_space<hbm>>) target_semaphore(%run_scoped3A : memref<!tpu.dma_semaphore, #tpu.memory_space<semaphore_mem>>)
      %dma_wait3A_263 = arith.constant 0 : i32
      %dma_wait3A_264 = tpu.memref_slice %arg4[%add3A_57, %dma_wait3A_263] : memref<16384x1024xf32, #tpu.memory_space<hbm>> -> memref<32x1024xf32, #tpu.memory_space<hbm>>
      %dma_wait3A_265 = arith.constant 0 : i32
      %dma_wait3A_266 = tpu.memref_slice %arg4[%add3A_57, %dma_wait3A_265] : memref<16384x1024xf32, #tpu.memory_space<hbm>> -> memref<32x1024xf32, #tpu.memory_space<hbm>>
      tpu.wait_dma2 semaphore(%run_scoped3A : memref<!tpu.dma_semaphore, #tpu.memory_space<semaphore_mem>>) src(%arg6 : memref<32x1024xf32, #tpu.memory_space<vmem>>) dst(%dma_wait3A_266 : memref<32x1024xf32, #tpu.memory_space<hbm>>)
      tpu.yield
    }) : () -> ()
    %dma_wait3A_58 = arith.constant 3 : i32
    %dma_wait3A_59 = arith.constant 0 : i32
    %dma_wait3A_60 = tpu.memref_slice %arg5[%dma_wait3A_58, %dma_wait3A_59] : memref<16x32xi32, #tpu.memory_space<vmem>> -> memref<1x32xi32, #tpu.memory_space<vmem>>
    %dma_wait3A_61 = tpu.memref_squeeze %dma_wait3A_60 : memref<1x32xi32, #tpu.memory_space<vmem>> -> memref<32xi32, #tpu.memory_space<vmem>>
    %dma_wait3A_62 = arith.constant 0 : i32
    %dma_wait3A_63 = arith.constant 0 : i32
    %dma_wait3A_64 = tpu.memref_slice %arg2[%dma_wait3A_62, %dma_wait3A_63] : memref<65536x1024xf32, #tpu.memory_space<hbm>> -> memref<65536x1024xf32, #tpu.memory_space<hbm>>
    tpu.wait_indirect_dma semaphore(%arg9 : memref<!tpu.dma_semaphore, #tpu.memory_space<semaphore_mem>>) src(%dma_wait3A_64 : memref<65536x1024xf32, #tpu.memory_space<hbm>>) dst(%arg7 : memref<32x1024xf32, #tpu.memory_space<vmem>>)
    %dma_start3A_65 = arith.constant 4 : i32
    %dma_start3A_66 = arith.constant 0 : i32
    %dma_start3A_67 = tpu.memref_slice %arg5[%dma_start3A_65, %dma_start3A_66] : memref<16x32xi32, #tpu.memory_space<vmem>> -> memref<1x32xi32, #tpu.memory_space<vmem>>
    %dma_start3A_68 = tpu.memref_squeeze %dma_start3A_67 : memref<1x32xi32, #tpu.memory_space<vmem>> -> memref<32xi32, #tpu.memory_space<vmem>>
    %dma_start3A_69 = arith.constant 0 : i32
    %dma_start3A_70 = arith.constant 0 : i32
    %dma_start3A_71 = tpu.memref_slice %arg2[%dma_start3A_69, %dma_start3A_70] : memref<65536x1024xf32, #tpu.memory_space<hbm>> -> memref<65536x1024xf32, #tpu.memory_space<hbm>>
    tpu.enqueue_indirect_dma source(%dma_start3A_71 : memref<65536x1024xf32, #tpu.memory_space<hbm>>) target(%arg6 : memref<32x1024xf32, #tpu.memory_space<vmem>>) offsets(%dma_start3A_68 : memref<32xi32, #tpu.memory_space<vmem>>) semaphore(%arg8 : memref<!tpu.dma_semaphore, #tpu.memory_space<semaphore_mem>>)
    %add3A_72 = arith.constant 96 : i32
    %add3A_73 = arith.addi %mul3A_2, %add3A_72 : i32
    "tpu.region"() ({
      %run_scoped3A = tpu.sem_alloc : memref<!tpu.dma_semaphore, #tpu.memory_space<semaphore_mem>>
      %dma_start3A_259 = arith.constant 0 : i32
      %dma_start3A_260 = tpu.memref_slice %arg4[%add3A_73, %dma_start3A_259] : memref<16384x1024xf32, #tpu.memory_space<hbm>> -> memref<32x1024xf32, #tpu.memory_space<hbm>>
      %dma_start3A_261 = arith.constant 0 : i32
      %dma_start3A_262 = tpu.memref_slice %arg4[%add3A_73, %dma_start3A_261] : memref<16384x1024xf32, #tpu.memory_space<hbm>> -> memref<32x1024xf32, #tpu.memory_space<hbm>>
      tpu.enqueue_dma source(%arg7 : memref<32x1024xf32, #tpu.memory_space<vmem>>) target(%dma_start3A_262 : memref<32x1024xf32, #tpu.memory_space<hbm>>) target_semaphore(%run_scoped3A : memref<!tpu.dma_semaphore, #tpu.memory_space<semaphore_mem>>)
      %dma_wait3A_263 = arith.constant 0 : i32
      %dma_wait3A_264 = tpu.memref_slice %arg4[%add3A_73, %dma_wait3A_263] : memref<16384x1024xf32, #tpu.memory_space<hbm>> -> memref<32x1024xf32, #tpu.memory_space<hbm>>
      %dma_wait3A_265 = arith.constant 0 : i32
      %dma_wait3A_266 = tpu.memref_slice %arg4[%add3A_73, %dma_wait3A_265] : memref<16384x1024xf32, #tpu.memory_space<hbm>> -> memref<32x1024xf32, #tpu.memory_space<hbm>>
      tpu.wait_dma2 semaphore(%run_scoped3A : memref<!tpu.dma_semaphore, #tpu.memory_space<semaphore_mem>>) src(%arg7 : memref<32x1024xf32, #tpu.memory_space<vmem>>) dst(%dma_wait3A_266 : memref<32x1024xf32, #tpu.memory_space<hbm>>)
      tpu.yield
    }) : () -> ()
    %dma_wait3A_74 = arith.constant 4 : i32
    %dma_wait3A_75 = arith.constant 0 : i32
    %dma_wait3A_76 = tpu.memref_slice %arg5[%dma_wait3A_74, %dma_wait3A_75] : memref<16x32xi32, #tpu.memory_space<vmem>> -> memref<1x32xi32, #tpu.memory_space<vmem>>
    %dma_wait3A_77 = tpu.memref_squeeze %dma_wait3A_76 : memref<1x32xi32, #tpu.memory_space<vmem>> -> memref<32xi32, #tpu.memory_space<vmem>>
    %dma_wait3A_78 = arith.constant 0 : i32
    %dma_wait3A_79 = arith.constant 0 : i32
    %dma_wait3A_80 = tpu.memref_slice %arg2[%dma_wait3A_78, %dma_wait3A_79] : memref<65536x1024xf32, #tpu.memory_space<hbm>> -> memref<65536x1024xf32, #tpu.memory_space<hbm>>
    tpu.wait_indirect_dma semaphore(%arg8 : memref<!tpu.dma_semaphore, #tpu.memory_space<semaphore_mem>>) src(%dma_wait3A_80 : memref<65536x1024xf32, #tpu.memory_space<hbm>>) dst(%arg6 : memref<32x1024xf32, #tpu.memory_space<vmem>>)
    %dma_start3A_81 = arith.constant 5 : i32
    %dma_start3A_82 = arith.constant 0 : i32
    %dma_start3A_83 = tpu.memref_slice %arg5[%dma_start3A_81, %dma_start3A_82] : memref<16x32xi32, #tpu.memory_space<vmem>> -> memref<1x32xi32, #tpu.memory_space<vmem>>
    %dma_start3A_84 = tpu.memref_squeeze %dma_start3A_83 : memref<1x32xi32, #tpu.memory_space<vmem>> -> memref<32xi32, #tpu.memory_space<vmem>>
    %dma_start3A_85 = arith.constant 0 : i32
    %dma_start3A_86 = arith.constant 0 : i32
    %dma_start3A_87 = tpu.memref_slice %arg2[%dma_start3A_85, %dma_start3A_86] : memref<65536x1024xf32, #tpu.memory_space<hbm>> -> memref<65536x1024xf32, #tpu.memory_space<hbm>>
    tpu.enqueue_indirect_dma source(%dma_start3A_87 : memref<65536x1024xf32, #tpu.memory_space<hbm>>) target(%arg7 : memref<32x1024xf32, #tpu.memory_space<vmem>>) offsets(%dma_start3A_84 : memref<32xi32, #tpu.memory_space<vmem>>) semaphore(%arg9 : memref<!tpu.dma_semaphore, #tpu.memory_space<semaphore_mem>>)
    %add3A_88 = arith.constant 128 : i32
    %add3A_89 = arith.addi %mul3A_2, %add3A_88 : i32
    "tpu.region"() ({
      %run_scoped3A = tpu.sem_alloc : memref<!tpu.dma_semaphore, #tpu.memory_space<semaphore_mem>>
      %dma_start3A_259 = arith.constant 0 : i32
      %dma_start3A_260 = tpu.memref_slice %arg4[%add3A_89, %dma_start3A_259] : memref<16384x1024xf32, #tpu.memory_space<hbm>> -> memref<32x1024xf32, #tpu.memory_space<hbm>>
      %dma_start3A_261 = arith.constant 0 : i32
      %dma_start3A_262 = tpu.memref_slice %arg4[%add3A_89, %dma_start3A_261] : memref<16384x1024xf32, #tpu.memory_space<hbm>> -> memref<32x1024xf32, #tpu.memory_space<hbm>>
      tpu.enqueue_dma source(%arg6 : memref<32x1024xf32, #tpu.memory_space<vmem>>) target(%dma_start3A_262 : memref<32x1024xf32, #tpu.memory_space<hbm>>) target_semaphore(%run_scoped3A : memref<!tpu.dma_semaphore, #tpu.memory_space<semaphore_mem>>)
      %dma_wait3A_263 = arith.constant 0 : i32
      %dma_wait3A_264 = tpu.memref_slice %arg4[%add3A_89, %dma_wait3A_263] : memref<16384x1024xf32, #tpu.memory_space<hbm>> -> memref<32x1024xf32, #tpu.memory_space<hbm>>
      %dma_wait3A_265 = arith.constant 0 : i32
      %dma_wait3A_266 = tpu.memref_slice %arg4[%add3A_89, %dma_wait3A_265] : memref<16384x1024xf32, #tpu.memory_space<hbm>> -> memref<32x1024xf32, #tpu.memory_space<hbm>>
      tpu.wait_dma2 semaphore(%run_scoped3A : memref<!tpu.dma_semaphore, #tpu.memory_space<semaphore_mem>>) src(%arg6 : memref<32x1024xf32, #tpu.memory_space<vmem>>) dst(%dma_wait3A_266 : memref<32x1024xf32, #tpu.memory_space<hbm>>)
      tpu.yield
    }) : () -> ()
    %dma_wait3A_90 = arith.constant 5 : i32
    %dma_wait3A_91 = arith.constant 0 : i32
    %dma_wait3A_92 = tpu.memref_slice %arg5[%dma_wait3A_90, %dma_wait3A_91] : memref<16x32xi32, #tpu.memory_space<vmem>> -> memref<1x32xi32, #tpu.memory_space<vmem>>
    %dma_wait3A_93 = tpu.memref_squeeze %dma_wait3A_92 : memref<1x32xi32, #tpu.memory_space<vmem>> -> memref<32xi32, #tpu.memory_space<vmem>>
    %dma_wait3A_94 = arith.constant 0 : i32
    %dma_wait3A_95 = arith.constant 0 : i32
    %dma_wait3A_96 = tpu.memref_slice %arg2[%dma_wait3A_94, %dma_wait3A_95] : memref<65536x1024xf32, #tpu.memory_space<hbm>> -> memref<65536x1024xf32, #tpu.memory_space<hbm>>
    tpu.wait_indirect_dma semaphore(%arg9 : memref<!tpu.dma_semaphore, #tpu.memory_space<semaphore_mem>>) src(%dma_wait3A_96 : memref<65536x1024xf32, #tpu.memory_space<hbm>>) dst(%arg7 : memref<32x1024xf32, #tpu.memory_space<vmem>>)
    %dma_start3A_97 = arith.constant 6 : i32
    %dma_start3A_98 = arith.constant 0 : i32
    %dma_start3A_99 = tpu.memref_slice %arg5[%dma_start3A_97, %dma_start3A_98] : memref<16x32xi32, #tpu.memory_space<vmem>> -> memref<1x32xi32, #tpu.memory_space<vmem>>
    %dma_start3A_100 = tpu.memref_squeeze %dma_start3A_99 : memref<1x32xi32, #tpu.memory_space<vmem>> -> memref<32xi32, #tpu.memory_space<vmem>>
    %dma_start3A_101 = arith.constant 0 : i32
    %dma_start3A_102 = arith.constant 0 : i32
    %dma_start3A_103 = tpu.memref_slice %arg2[%dma_start3A_101, %dma_start3A_102] : memref<65536x1024xf32, #tpu.memory_space<hbm>> -> memref<65536x1024xf32, #tpu.memory_space<hbm>>
    tpu.enqueue_indirect_dma source(%dma_start3A_103 : memref<65536x1024xf32, #tpu.memory_space<hbm>>) target(%arg6 : memref<32x1024xf32, #tpu.memory_space<vmem>>) offsets(%dma_start3A_100 : memref<32xi32, #tpu.memory_space<vmem>>) semaphore(%arg8 : memref<!tpu.dma_semaphore, #tpu.memory_space<semaphore_mem>>)
    %add3A_104 = arith.constant 160 : i32
    %add3A_105 = arith.addi %mul3A_2, %add3A_104 : i32
    "tpu.region"() ({
      %run_scoped3A = tpu.sem_alloc : memref<!tpu.dma_semaphore, #tpu.memory_space<semaphore_mem>>
      %dma_start3A_259 = arith.constant 0 : i32
      %dma_start3A_260 = tpu.memref_slice %arg4[%add3A_105, %dma_start3A_259] : memref<16384x1024xf32, #tpu.memory_space<hbm>> -> memref<32x1024xf32, #tpu.memory_space<hbm>>
      %dma_start3A_261 = arith.constant 0 : i32
      %dma_start3A_262 = tpu.memref_slice %arg4[%add3A_105, %dma_start3A_261] : memref<16384x1024xf32, #tpu.memory_space<hbm>> -> memref<32x1024xf32, #tpu.memory_space<hbm>>
      tpu.enqueue_dma source(%arg7 : memref<32x1024xf32, #tpu.memory_space<vmem>>) target(%dma_start3A_262 : memref<32x1024xf32, #tpu.memory_space<hbm>>) target_semaphore(%run_scoped3A : memref<!tpu.dma_semaphore, #tpu.memory_space<semaphore_mem>>)
      %dma_wait3A_263 = arith.constant 0 : i32
      %dma_wait3A_264 = tpu.memref_slice %arg4[%add3A_105, %dma_wait3A_263] : memref<16384x1024xf32, #tpu.memory_space<hbm>> -> memref<32x1024xf32, #tpu.memory_space<hbm>>
      %dma_wait3A_265 = arith.constant 0 : i32
      %dma_wait3A_266 = tpu.memref_slice %arg4[%add3A_105, %dma_wait3A_265] : memref<16384x1024xf32, #tpu.memory_space<hbm>> -> memref<32x1024xf32, #tpu.memory_space<hbm>>
      tpu.wait_dma2 semaphore(%run_scoped3A : memref<!tpu.dma_semaphore, #tpu.memory_space<semaphore_mem>>) src(%arg7 : memref<32x1024xf32, #tpu.memory_space<vmem>>) dst(%dma_wait3A_266 : memref<32x1024xf32, #tpu.memory_space<hbm>>)
      tpu.yield
    }) : () -> ()
    %dma_wait3A_106 = arith.constant 6 : i32
    %dma_wait3A_107 = arith.constant 0 : i32
    %dma_wait3A_108 = tpu.memref_slice %arg5[%dma_wait3A_106, %dma_wait3A_107] : memref<16x32xi32, #tpu.memory_space<vmem>> -> memref<1x32xi32, #tpu.memory_space<vmem>>
    %dma_wait3A_109 = tpu.memref_squeeze %dma_wait3A_108 : memref<1x32xi32, #tpu.memory_space<vmem>> -> memref<32xi32, #tpu.memory_space<vmem>>
    %dma_wait3A_110 = arith.constant 0 : i32
    %dma_wait3A_111 = arith.constant 0 : i32
    %dma_wait3A_112 = tpu.memref_slice %arg2[%dma_wait3A_110, %dma_wait3A_111] : memref<65536x1024xf32, #tpu.memory_space<hbm>> -> memref<65536x1024xf32, #tpu.memory_space<hbm>>
    tpu.wait_indirect_dma semaphore(%arg8 : memref<!tpu.dma_semaphore, #tpu.memory_space<semaphore_mem>>) src(%dma_wait3A_112 : memref<65536x1024xf32, #tpu.memory_space<hbm>>) dst(%arg6 : memref<32x1024xf32, #tpu.memory_space<vmem>>)
    %dma_start3A_113 = arith.constant 7 : i32
    %dma_start3A_114 = arith.constant 0 : i32
    %dma_start3A_115 = tpu.memref_slice %arg5[%dma_start3A_113, %dma_start3A_114] : memref<16x32xi32, #tpu.memory_space<vmem>> -> memref<1x32xi32, #tpu.memory_space<vmem>>
    %dma_start3A_116 = tpu.memref_squeeze %dma_start3A_115 : memref<1x32xi32, #tpu.memory_space<vmem>> -> memref<32xi32, #tpu.memory_space<vmem>>
    %dma_start3A_117 = arith.constant 0 : i32
    %dma_start3A_118 = arith.constant 0 : i32
    %dma_start3A_119 = tpu.memref_slice %arg2[%dma_start3A_117, %dma_start3A_118] : memref<65536x1024xf32, #tpu.memory_space<hbm>> -> memref<65536x1024xf32, #tpu.memory_space<hbm>>
    tpu.enqueue_indirect_dma source(%dma_start3A_119 : memref<65536x1024xf32, #tpu.memory_space<hbm>>) target(%arg7 : memref<32x1024xf32, #tpu.memory_space<vmem>>) offsets(%dma_start3A_116 : memref<32xi32, #tpu.memory_space<vmem>>) semaphore(%arg9 : memref<!tpu.dma_semaphore, #tpu.memory_space<semaphore_mem>>)
    %add3A_120 = arith.constant 192 : i32
    %add3A_121 = arith.addi %mul3A_2, %add3A_120 : i32
    "tpu.region"() ({
      %run_scoped3A = tpu.sem_alloc : memref<!tpu.dma_semaphore, #tpu.memory_space<semaphore_mem>>
      %dma_start3A_259 = arith.constant 0 : i32
      %dma_start3A_260 = tpu.memref_slice %arg4[%add3A_121, %dma_start3A_259] : memref<16384x1024xf32, #tpu.memory_space<hbm>> -> memref<32x1024xf32, #tpu.memory_space<hbm>>
      %dma_start3A_261 = arith.constant 0 : i32
      %dma_start3A_262 = tpu.memref_slice %arg4[%add3A_121, %dma_start3A_261] : memref<16384x1024xf32, #tpu.memory_space<hbm>> -> memref<32x1024xf32, #tpu.memory_space<hbm>>
      tpu.enqueue_dma source(%arg6 : memref<32x1024xf32, #tpu.memory_space<vmem>>) target(%dma_start3A_262 : memref<32x1024xf32, #tpu.memory_space<hbm>>) target_semaphore(%run_scoped3A : memref<!tpu.dma_semaphore, #tpu.memory_space<semaphore_mem>>)
      %dma_wait3A_263 = arith.constant 0 : i32
      %dma_wait3A_264 = tpu.memref_slice %arg4[%add3A_121, %dma_wait3A_263] : memref<16384x1024xf32, #tpu.memory_space<hbm>> -> memref<32x1024xf32, #tpu.memory_space<hbm>>
      %dma_wait3A_265 = arith.constant 0 : i32
      %dma_wait3A_266 = tpu.memref_slice %arg4[%add3A_121, %dma_wait3A_265] : memref<16384x1024xf32, #tpu.memory_space<hbm>> -> memref<32x1024xf32, #tpu.memory_space<hbm>>
      tpu.wait_dma2 semaphore(%run_scoped3A : memref<!tpu.dma_semaphore, #tpu.memory_space<semaphore_mem>>) src(%arg6 : memref<32x1024xf32, #tpu.memory_space<vmem>>) dst(%dma_wait3A_266 : memref<32x1024xf32, #tpu.memory_space<hbm>>)
      tpu.yield
    }) : () -> ()
    %dma_wait3A_122 = arith.constant 7 : i32
    %dma_wait3A_123 = arith.constant 0 : i32
    %dma_wait3A_124 = tpu.memref_slice %arg5[%dma_wait3A_122, %dma_wait3A_123] : memref<16x32xi32, #tpu.memory_space<vmem>> -> memref<1x32xi32, #tpu.memory_space<vmem>>
    %dma_wait3A_125 = tpu.memref_squeeze %dma_wait3A_124 : memref<1x32xi32, #tpu.memory_space<vmem>> -> memref<32xi32, #tpu.memory_space<vmem>>
    %dma_wait3A_126 = arith.constant 0 : i32
    %dma_wait3A_127 = arith.constant 0 : i32
    %dma_wait3A_128 = tpu.memref_slice %arg2[%dma_wait3A_126, %dma_wait3A_127] : memref<65536x1024xf32, #tpu.memory_space<hbm>> -> memref<65536x1024xf32, #tpu.memory_space<hbm>>
    tpu.wait_indirect_dma semaphore(%arg9 : memref<!tpu.dma_semaphore, #tpu.memory_space<semaphore_mem>>) src(%dma_wait3A_128 : memref<65536x1024xf32, #tpu.memory_space<hbm>>) dst(%arg7 : memref<32x1024xf32, #tpu.memory_space<vmem>>)
    %dma_start3A_129 = arith.constant 8 : i32
    %dma_start3A_130 = arith.constant 0 : i32
    %dma_start3A_131 = tpu.memref_slice %arg5[%dma_start3A_129, %dma_start3A_130] : memref<16x32xi32, #tpu.memory_space<vmem>> -> memref<1x32xi32, #tpu.memory_space<vmem>>
    %dma_start3A_132 = tpu.memref_squeeze %dma_start3A_131 : memref<1x32xi32, #tpu.memory_space<vmem>> -> memref<32xi32, #tpu.memory_space<vmem>>
    %dma_start3A_133 = arith.constant 0 : i32
    %dma_start3A_134 = arith.constant 0 : i32
    %dma_start3A_135 = tpu.memref_slice %arg2[%dma_start3A_133, %dma_start3A_134] : memref<65536x1024xf32, #tpu.memory_space<hbm>> -> memref<65536x1024xf32, #tpu.memory_space<hbm>>
    tpu.enqueue_indirect_dma source(%dma_start3A_135 : memref<65536x1024xf32, #tpu.memory_space<hbm>>) target(%arg6 : memref<32x1024xf32, #tpu.memory_space<vmem>>) offsets(%dma_start3A_132 : memref<32xi32, #tpu.memory_space<vmem>>) semaphore(%arg8 : memref<!tpu.dma_semaphore, #tpu.memory_space<semaphore_mem>>)
    %add3A_136 = arith.constant 224 : i32
    %add3A_137 = arith.addi %mul3A_2, %add3A_136 : i32
    "tpu.region"() ({
      %run_scoped3A = tpu.sem_alloc : memref<!tpu.dma_semaphore, #tpu.memory_space<semaphore_mem>>
      %dma_start3A_259 = arith.constant 0 : i32
      %dma_start3A_260 = tpu.memref_slice %arg4[%add3A_137, %dma_start3A_259] : memref<16384x1024xf32, #tpu.memory_space<hbm>> -> memref<32x1024xf32, #tpu.memory_space<hbm>>
      %dma_start3A_261 = arith.constant 0 : i32
      %dma_start3A_262 = tpu.memref_slice %arg4[%add3A_137, %dma_start3A_261] : memref<16384x1024xf32, #tpu.memory_space<hbm>> -> memref<32x1024xf32, #tpu.memory_space<hbm>>
      tpu.enqueue_dma source(%arg7 : memref<32x1024xf32, #tpu.memory_space<vmem>>) target(%dma_start3A_262 : memref<32x1024xf32, #tpu.memory_space<hbm>>) target_semaphore(%run_scoped3A : memref<!tpu.dma_semaphore, #tpu.memory_space<semaphore_mem>>)
      %dma_wait3A_263 = arith.constant 0 : i32
      %dma_wait3A_264 = tpu.memref_slice %arg4[%add3A_137, %dma_wait3A_263] : memref<16384x1024xf32, #tpu.memory_space<hbm>> -> memref<32x1024xf32, #tpu.memory_space<hbm>>
      %dma_wait3A_265 = arith.constant 0 : i32
      %dma_wait3A_266 = tpu.memref_slice %arg4[%add3A_137, %dma_wait3A_265] : memref<16384x1024xf32, #tpu.memory_space<hbm>> -> memref<32x1024xf32, #tpu.memory_space<hbm>>
      tpu.wait_dma2 semaphore(%run_scoped3A : memref<!tpu.dma_semaphore, #tpu.memory_space<semaphore_mem>>) src(%arg7 : memref<32x1024xf32, #tpu.memory_space<vmem>>) dst(%dma_wait3A_266 : memref<32x1024xf32, #tpu.memory_space<hbm>>)
      tpu.yield
    }) : () -> ()
    %dma_wait3A_138 = arith.constant 8 : i32
    %dma_wait3A_139 = arith.constant 0 : i32
    %dma_wait3A_140 = tpu.memref_slice %arg5[%dma_wait3A_138, %dma_wait3A_139] : memref<16x32xi32, #tpu.memory_space<vmem>> -> memref<1x32xi32, #tpu.memory_space<vmem>>
    %dma_wait3A_141 = tpu.memref_squeeze %dma_wait3A_140 : memref<1x32xi32, #tpu.memory_space<vmem>> -> memref<32xi32, #tpu.memory_space<vmem>>
    %dma_wait3A_142 = arith.constant 0 : i32
    %dma_wait3A_143 = arith.constant 0 : i32
    %dma_wait3A_144 = tpu.memref_slice %arg2[%dma_wait3A_142, %dma_wait3A_143] : memref<65536x1024xf32, #tpu.memory_space<hbm>> -> memref<65536x1024xf32, #tpu.memory_space<hbm>>
    tpu.wait_indirect_dma semaphore(%arg8 : memref<!tpu.dma_semaphore, #tpu.memory_space<semaphore_mem>>) src(%dma_wait3A_144 : memref<65536x1024xf32, #tpu.memory_space<hbm>>) dst(%arg6 : memref<32x1024xf32, #tpu.memory_space<vmem>>)
    %dma_start3A_145 = arith.constant 9 : i32
    %dma_start3A_146 = arith.constant 0 : i32
    %dma_start3A_147 = tpu.memref_slice %arg5[%dma_start3A_145, %dma_start3A_146] : memref<16x32xi32, #tpu.memory_space<vmem>> -> memref<1x32xi32, #tpu.memory_space<vmem>>
    %dma_start3A_148 = tpu.memref_squeeze %dma_start3A_147 : memref<1x32xi32, #tpu.memory_space<vmem>> -> memref<32xi32, #tpu.memory_space<vmem>>
    %dma_start3A_149 = arith.constant 0 : i32
    %dma_start3A_150 = arith.constant 0 : i32
    %dma_start3A_151 = tpu.memref_slice %arg2[%dma_start3A_149, %dma_start3A_150] : memref<65536x1024xf32, #tpu.memory_space<hbm>> -> memref<65536x1024xf32, #tpu.memory_space<hbm>>
    tpu.enqueue_indirect_dma source(%dma_start3A_151 : memref<65536x1024xf32, #tpu.memory_space<hbm>>) target(%arg7 : memref<32x1024xf32, #tpu.memory_space<vmem>>) offsets(%dma_start3A_148 : memref<32xi32, #tpu.memory_space<vmem>>) semaphore(%arg9 : memref<!tpu.dma_semaphore, #tpu.memory_space<semaphore_mem>>)
    %add3A_152 = arith.constant 256 : i32
    %add3A_153 = arith.addi %mul3A_2, %add3A_152 : i32
    "tpu.region"() ({
      %run_scoped3A = tpu.sem_alloc : memref<!tpu.dma_semaphore, #tpu.memory_space<semaphore_mem>>
      %dma_start3A_259 = arith.constant 0 : i32
      %dma_start3A_260 = tpu.memref_slice %arg4[%add3A_153, %dma_start3A_259] : memref<16384x1024xf32, #tpu.memory_space<hbm>> -> memref<32x1024xf32, #tpu.memory_space<hbm>>
      %dma_start3A_261 = arith.constant 0 : i32
      %dma_start3A_262 = tpu.memref_slice %arg4[%add3A_153, %dma_start3A_261] : memref<16384x1024xf32, #tpu.memory_space<hbm>> -> memref<32x1024xf32, #tpu.memory_space<hbm>>
      tpu.enqueue_dma source(%arg6 : memref<32x1024xf32, #tpu.memory_space<vmem>>) target(%dma_start3A_262 : memref<32x1024xf32, #tpu.memory_space<hbm>>) target_semaphore(%run_scoped3A : memref<!tpu.dma_semaphore, #tpu.memory_space<semaphore_mem>>)
      %dma_wait3A_263 = arith.constant 0 : i32
      %dma_wait3A_264 = tpu.memref_slice %arg4[%add3A_153, %dma_wait3A_263] : memref<16384x1024xf32, #tpu.memory_space<hbm>> -> memref<32x1024xf32, #tpu.memory_space<hbm>>
      %dma_wait3A_265 = arith.constant 0 : i32
      %dma_wait3A_266 = tpu.memref_slice %arg4[%add3A_153, %dma_wait3A_265] : memref<16384x1024xf32, #tpu.memory_space<hbm>> -> memref<32x1024xf32, #tpu.memory_space<hbm>>
      tpu.wait_dma2 semaphore(%run_scoped3A : memref<!tpu.dma_semaphore, #tpu.memory_space<semaphore_mem>>) src(%arg6 : memref<32x1024xf32, #tpu.memory_space<vmem>>) dst(%dma_wait3A_266 : memref<32x1024xf32, #tpu.memory_space<hbm>>)
      tpu.yield
    }) : () -> ()
    %dma_wait3A_154 = arith.constant 9 : i32
    %dma_wait3A_155 = arith.constant 0 : i32
    %dma_wait3A_156 = tpu.memref_slice %arg5[%dma_wait3A_154, %dma_wait3A_155] : memref<16x32xi32, #tpu.memory_space<vmem>> -> memref<1x32xi32, #tpu.memory_space<vmem>>
    %dma_wait3A_157 = tpu.memref_squeeze %dma_wait3A_156 : memref<1x32xi32, #tpu.memory_space<vmem>> -> memref<32xi32, #tpu.memory_space<vmem>>
    %dma_wait3A_158 = arith.constant 0 : i32
    %dma_wait3A_159 = arith.constant 0 : i32
    %dma_wait3A_160 = tpu.memref_slice %arg2[%dma_wait3A_158, %dma_wait3A_159] : memref<65536x1024xf32, #tpu.memory_space<hbm>> -> memref<65536x1024xf32, #tpu.memory_space<hbm>>
    tpu.wait_indirect_dma semaphore(%arg9 : memref<!tpu.dma_semaphore, #tpu.memory_space<semaphore_mem>>) src(%dma_wait3A_160 : memref<65536x1024xf32, #tpu.memory_space<hbm>>) dst(%arg7 : memref<32x1024xf32, #tpu.memory_space<vmem>>)
    %dma_start3A_161 = arith.constant 10 : i32
    %dma_start3A_162 = arith.constant 0 : i32
    %dma_start3A_163 = tpu.memref_slice %arg5[%dma_start3A_161, %dma_start3A_162] : memref<16x32xi32, #tpu.memory_space<vmem>> -> memref<1x32xi32, #tpu.memory_space<vmem>>
    %dma_start3A_164 = tpu.memref_squeeze %dma_start3A_163 : memref<1x32xi32, #tpu.memory_space<vmem>> -> memref<32xi32, #tpu.memory_space<vmem>>
    %dma_start3A_165 = arith.constant 0 : i32
    %dma_start3A_166 = arith.constant 0 : i32
    %dma_start3A_167 = tpu.memref_slice %arg2[%dma_start3A_165, %dma_start3A_166] : memref<65536x1024xf32, #tpu.memory_space<hbm>> -> memref<65536x1024xf32, #tpu.memory_space<hbm>>
    tpu.enqueue_indirect_dma source(%dma_start3A_167 : memref<65536x1024xf32, #tpu.memory_space<hbm>>) target(%arg6 : memref<32x1024xf32, #tpu.memory_space<vmem>>) offsets(%dma_start3A_164 : memref<32xi32, #tpu.memory_space<vmem>>) semaphore(%arg8 : memref<!tpu.dma_semaphore, #tpu.memory_space<semaphore_mem>>)
    %add3A_168 = arith.constant 288 : i32
    %add3A_169 = arith.addi %mul3A_2, %add3A_168 : i32
    "tpu.region"() ({
      %run_scoped3A = tpu.sem_alloc : memref<!tpu.dma_semaphore, #tpu.memory_space<semaphore_mem>>
      %dma_start3A_259 = arith.constant 0 : i32
      %dma_start3A_260 = tpu.memref_slice %arg4[%add3A_169, %dma_start3A_259] : memref<16384x1024xf32, #tpu.memory_space<hbm>> -> memref<32x1024xf32, #tpu.memory_space<hbm>>
      %dma_start3A_261 = arith.constant 0 : i32
      %dma_start3A_262 = tpu.memref_slice %arg4[%add3A_169, %dma_start3A_261] : memref<16384x1024xf32, #tpu.memory_space<hbm>> -> memref<32x1024xf32, #tpu.memory_space<hbm>>
      tpu.enqueue_dma source(%arg7 : memref<32x1024xf32, #tpu.memory_space<vmem>>) target(%dma_start3A_262 : memref<32x1024xf32, #tpu.memory_space<hbm>>) target_semaphore(%run_scoped3A : memref<!tpu.dma_semaphore, #tpu.memory_space<semaphore_mem>>)
      %dma_wait3A_263 = arith.constant 0 : i32
      %dma_wait3A_264 = tpu.memref_slice %arg4[%add3A_169, %dma_wait3A_263] : memref<16384x1024xf32, #tpu.memory_space<hbm>> -> memref<32x1024xf32, #tpu.memory_space<hbm>>
      %dma_wait3A_265 = arith.constant 0 : i32
      %dma_wait3A_266 = tpu.memref_slice %arg4[%add3A_169, %dma_wait3A_265] : memref<16384x1024xf32, #tpu.memory_space<hbm>> -> memref<32x1024xf32, #tpu.memory_space<hbm>>
      tpu.wait_dma2 semaphore(%run_scoped3A : memref<!tpu.dma_semaphore, #tpu.memory_space<semaphore_mem>>) src(%arg7 : memref<32x1024xf32, #tpu.memory_space<vmem>>) dst(%dma_wait3A_266 : memref<32x1024xf32, #tpu.memory_space<hbm>>)
      tpu.yield
    }) : () -> ()
    %dma_wait3A_170 = arith.constant 10 : i32
    %dma_wait3A_171 = arith.constant 0 : i32
    %dma_wait3A_172 = tpu.memref_slice %arg5[%dma_wait3A_170, %dma_wait3A_171] : memref<16x32xi32, #tpu.memory_space<vmem>> -> memref<1x32xi32, #tpu.memory_space<vmem>>
    %dma_wait3A_173 = tpu.memref_squeeze %dma_wait3A_172 : memref<1x32xi32, #tpu.memory_space<vmem>> -> memref<32xi32, #tpu.memory_space<vmem>>
    %dma_wait3A_174 = arith.constant 0 : i32
    %dma_wait3A_175 = arith.constant 0 : i32
    %dma_wait3A_176 = tpu.memref_slice %arg2[%dma_wait3A_174, %dma_wait3A_175] : memref<65536x1024xf32, #tpu.memory_space<hbm>> -> memref<65536x1024xf32, #tpu.memory_space<hbm>>
    tpu.wait_indirect_dma semaphore(%arg8 : memref<!tpu.dma_semaphore, #tpu.memory_space<semaphore_mem>>) src(%dma_wait3A_176 : memref<65536x1024xf32, #tpu.memory_space<hbm>>) dst(%arg6 : memref<32x1024xf32, #tpu.memory_space<vmem>>)
    %dma_start3A_177 = arith.constant 11 : i32
    %dma_start3A_178 = arith.constant 0 : i32
    %dma_start3A_179 = tpu.memref_slice %arg5[%dma_start3A_177, %dma_start3A_178] : memref<16x32xi32, #tpu.memory_space<vmem>> -> memref<1x32xi32, #tpu.memory_space<vmem>>
    %dma_start3A_180 = tpu.memref_squeeze %dma_start3A_179 : memref<1x32xi32, #tpu.memory_space<vmem>> -> memref<32xi32, #tpu.memory_space<vmem>>
    %dma_start3A_181 = arith.constant 0 : i32
    %dma_start3A_182 = arith.constant 0 : i32
    %dma_start3A_183 = tpu.memref_slice %arg2[%dma_start3A_181, %dma_start3A_182] : memref<65536x1024xf32, #tpu.memory_space<hbm>> -> memref<65536x1024xf32, #tpu.memory_space<hbm>>
    tpu.enqueue_indirect_dma source(%dma_start3A_183 : memref<65536x1024xf32, #tpu.memory_space<hbm>>) target(%arg7 : memref<32x1024xf32, #tpu.memory_space<vmem>>) offsets(%dma_start3A_180 : memref<32xi32, #tpu.memory_space<vmem>>) semaphore(%arg9 : memref<!tpu.dma_semaphore, #tpu.memory_space<semaphore_mem>>)
    %add3A_184 = arith.constant 320 : i32
    %add3A_185 = arith.addi %mul3A_2, %add3A_184 : i32
    "tpu.region"() ({
      %run_scoped3A = tpu.sem_alloc : memref<!tpu.dma_semaphore, #tpu.memory_space<semaphore_mem>>
      %dma_start3A_259 = arith.constant 0 : i32
      %dma_start3A_260 = tpu.memref_slice %arg4[%add3A_185, %dma_start3A_259] : memref<16384x1024xf32, #tpu.memory_space<hbm>> -> memref<32x1024xf32, #tpu.memory_space<hbm>>
      %dma_start3A_261 = arith.constant 0 : i32
      %dma_start3A_262 = tpu.memref_slice %arg4[%add3A_185, %dma_start3A_261] : memref<16384x1024xf32, #tpu.memory_space<hbm>> -> memref<32x1024xf32, #tpu.memory_space<hbm>>
      tpu.enqueue_dma source(%arg6 : memref<32x1024xf32, #tpu.memory_space<vmem>>) target(%dma_start3A_262 : memref<32x1024xf32, #tpu.memory_space<hbm>>) target_semaphore(%run_scoped3A : memref<!tpu.dma_semaphore, #tpu.memory_space<semaphore_mem>>)
      %dma_wait3A_263 = arith.constant 0 : i32
      %dma_wait3A_264 = tpu.memref_slice %arg4[%add3A_185, %dma_wait3A_263] : memref<16384x1024xf32, #tpu.memory_space<hbm>> -> memref<32x1024xf32, #tpu.memory_space<hbm>>
      %dma_wait3A_265 = arith.constant 0 : i32
      %dma_wait3A_266 = tpu.memref_slice %arg4[%add3A_185, %dma_wait3A_265] : memref<16384x1024xf32, #tpu.memory_space<hbm>> -> memref<32x1024xf32, #tpu.memory_space<hbm>>
      tpu.wait_dma2 semaphore(%run_scoped3A : memref<!tpu.dma_semaphore, #tpu.memory_space<semaphore_mem>>) src(%arg6 : memref<32x1024xf32, #tpu.memory_space<vmem>>) dst(%dma_wait3A_266 : memref<32x1024xf32, #tpu.memory_space<hbm>>)
      tpu.yield
    }) : () -> ()
    %dma_wait3A_186 = arith.constant 11 : i32
    %dma_wait3A_187 = arith.constant 0 : i32
    %dma_wait3A_188 = tpu.memref_slice %arg5[%dma_wait3A_186, %dma_wait3A_187] : memref<16x32xi32, #tpu.memory_space<vmem>> -> memref<1x32xi32, #tpu.memory_space<vmem>>
    %dma_wait3A_189 = tpu.memref_squeeze %dma_wait3A_188 : memref<1x32xi32, #tpu.memory_space<vmem>> -> memref<32xi32, #tpu.memory_space<vmem>>
    %dma_wait3A_190 = arith.constant 0 : i32
    %dma_wait3A_191 = arith.constant 0 : i32
    %dma_wait3A_192 = tpu.memref_slice %arg2[%dma_wait3A_190, %dma_wait3A_191] : memref<65536x1024xf32, #tpu.memory_space<hbm>> -> memref<65536x1024xf32, #tpu.memory_space<hbm>>
    tpu.wait_indirect_dma semaphore(%arg9 : memref<!tpu.dma_semaphore, #tpu.memory_space<semaphore_mem>>) src(%dma_wait3A_192 : memref<65536x1024xf32, #tpu.memory_space<hbm>>) dst(%arg7 : memref<32x1024xf32, #tpu.memory_space<vmem>>)
    %dma_start3A_193 = arith.constant 12 : i32
    %dma_start3A_194 = arith.constant 0 : i32
    %dma_start3A_195 = tpu.memref_slice %arg5[%dma_start3A_193, %dma_start3A_194] : memref<16x32xi32, #tpu.memory_space<vmem>> -> memref<1x32xi32, #tpu.memory_space<vmem>>
    %dma_start3A_196 = tpu.memref_squeeze %dma_start3A_195 : memref<1x32xi32, #tpu.memory_space<vmem>> -> memref<32xi32, #tpu.memory_space<vmem>>
    %dma_start3A_197 = arith.constant 0 : i32
    %dma_start3A_198 = arith.constant 0 : i32
    %dma_start3A_199 = tpu.memref_slice %arg2[%dma_start3A_197, %dma_start3A_198] : memref<65536x1024xf32, #tpu.memory_space<hbm>> -> memref<65536x1024xf32, #tpu.memory_space<hbm>>
    tpu.enqueue_indirect_dma source(%dma_start3A_199 : memref<65536x1024xf32, #tpu.memory_space<hbm>>) target(%arg6 : memref<32x1024xf32, #tpu.memory_space<vmem>>) offsets(%dma_start3A_196 : memref<32xi32, #tpu.memory_space<vmem>>) semaphore(%arg8 : memref<!tpu.dma_semaphore, #tpu.memory_space<semaphore_mem>>)
    %add3A_200 = arith.constant 352 : i32
    %add3A_201 = arith.addi %mul3A_2, %add3A_200 : i32
    "tpu.region"() ({
      %run_scoped3A = tpu.sem_alloc : memref<!tpu.dma_semaphore, #tpu.memory_space<semaphore_mem>>
      %dma_start3A_259 = arith.constant 0 : i32
      %dma_start3A_260 = tpu.memref_slice %arg4[%add3A_201, %dma_start3A_259] : memref<16384x1024xf32, #tpu.memory_space<hbm>> -> memref<32x1024xf32, #tpu.memory_space<hbm>>
      %dma_start3A_261 = arith.constant 0 : i32
      %dma_start3A_262 = tpu.memref_slice %arg4[%add3A_201, %dma_start3A_261] : memref<16384x1024xf32, #tpu.memory_space<hbm>> -> memref<32x1024xf32, #tpu.memory_space<hbm>>
      tpu.enqueue_dma source(%arg7 : memref<32x1024xf32, #tpu.memory_space<vmem>>) target(%dma_start3A_262 : memref<32x1024xf32, #tpu.memory_space<hbm>>) target_semaphore(%run_scoped3A : memref<!tpu.dma_semaphore, #tpu.memory_space<semaphore_mem>>)
      %dma_wait3A_263 = arith.constant 0 : i32
      %dma_wait3A_264 = tpu.memref_slice %arg4[%add3A_201, %dma_wait3A_263] : memref<16384x1024xf32, #tpu.memory_space<hbm>> -> memref<32x1024xf32, #tpu.memory_space<hbm>>
      %dma_wait3A_265 = arith.constant 0 : i32
      %dma_wait3A_266 = tpu.memref_slice %arg4[%add3A_201, %dma_wait3A_265] : memref<16384x1024xf32, #tpu.memory_space<hbm>> -> memref<32x1024xf32, #tpu.memory_space<hbm>>
      tpu.wait_dma2 semaphore(%run_scoped3A : memref<!tpu.dma_semaphore, #tpu.memory_space<semaphore_mem>>) src(%arg7 : memref<32x1024xf32, #tpu.memory_space<vmem>>) dst(%dma_wait3A_266 : memref<32x1024xf32, #tpu.memory_space<hbm>>)
      tpu.yield
    }) : () -> ()
    %dma_wait3A_202 = arith.constant 12 : i32
    %dma_wait3A_203 = arith.constant 0 : i32
    %dma_wait3A_204 = tpu.memref_slice %arg5[%dma_wait3A_202, %dma_wait3A_203] : memref<16x32xi32, #tpu.memory_space<vmem>> -> memref<1x32xi32, #tpu.memory_space<vmem>>
    %dma_wait3A_205 = tpu.memref_squeeze %dma_wait3A_204 : memref<1x32xi32, #tpu.memory_space<vmem>> -> memref<32xi32, #tpu.memory_space<vmem>>
    %dma_wait3A_206 = arith.constant 0 : i32
    %dma_wait3A_207 = arith.constant 0 : i32
    %dma_wait3A_208 = tpu.memref_slice %arg2[%dma_wait3A_206, %dma_wait3A_207] : memref<65536x1024xf32, #tpu.memory_space<hbm>> -> memref<65536x1024xf32, #tpu.memory_space<hbm>>
    tpu.wait_indirect_dma semaphore(%arg8 : memref<!tpu.dma_semaphore, #tpu.memory_space<semaphore_mem>>) src(%dma_wait3A_208 : memref<65536x1024xf32, #tpu.memory_space<hbm>>) dst(%arg6 : memref<32x1024xf32, #tpu.memory_space<vmem>>)
    %dma_start3A_209 = arith.constant 13 : i32
    %dma_start3A_210 = arith.constant 0 : i32
    %dma_start3A_211 = tpu.memref_slice %arg5[%dma_start3A_209, %dma_start3A_210] : memref<16x32xi32, #tpu.memory_space<vmem>> -> memref<1x32xi32, #tpu.memory_space<vmem>>
    %dma_start3A_212 = tpu.memref_squeeze %dma_start3A_211 : memref<1x32xi32, #tpu.memory_space<vmem>> -> memref<32xi32, #tpu.memory_space<vmem>>
    %dma_start3A_213 = arith.constant 0 : i32
    %dma_start3A_214 = arith.constant 0 : i32
    %dma_start3A_215 = tpu.memref_slice %arg2[%dma_start3A_213, %dma_start3A_214] : memref<65536x1024xf32, #tpu.memory_space<hbm>> -> memref<65536x1024xf32, #tpu.memory_space<hbm>>
    tpu.enqueue_indirect_dma source(%dma_start3A_215 : memref<65536x1024xf32, #tpu.memory_space<hbm>>) target(%arg7 : memref<32x1024xf32, #tpu.memory_space<vmem>>) offsets(%dma_start3A_212 : memref<32xi32, #tpu.memory_space<vmem>>) semaphore(%arg9 : memref<!tpu.dma_semaphore, #tpu.memory_space<semaphore_mem>>)
    %add3A_216 = arith.constant 384 : i32
    %add3A_217 = arith.addi %mul3A_2, %add3A_216 : i32
    "tpu.region"() ({
      %run_scoped3A = tpu.sem_alloc : memref<!tpu.dma_semaphore, #tpu.memory_space<semaphore_mem>>
      %dma_start3A_259 = arith.constant 0 : i32
      %dma_start3A_260 = tpu.memref_slice %arg4[%add3A_217, %dma_start3A_259] : memref<16384x1024xf32, #tpu.memory_space<hbm>> -> memref<32x1024xf32, #tpu.memory_space<hbm>>
      %dma_start3A_261 = arith.constant 0 : i32
      %dma_start3A_262 = tpu.memref_slice %arg4[%add3A_217, %dma_start3A_261] : memref<16384x1024xf32, #tpu.memory_space<hbm>> -> memref<32x1024xf32, #tpu.memory_space<hbm>>
      tpu.enqueue_dma source(%arg6 : memref<32x1024xf32, #tpu.memory_space<vmem>>) target(%dma_start3A_262 : memref<32x1024xf32, #tpu.memory_space<hbm>>) target_semaphore(%run_scoped3A : memref<!tpu.dma_semaphore, #tpu.memory_space<semaphore_mem>>)
      %dma_wait3A_263 = arith.constant 0 : i32
      %dma_wait3A_264 = tpu.memref_slice %arg4[%add3A_217, %dma_wait3A_263] : memref<16384x1024xf32, #tpu.memory_space<hbm>> -> memref<32x1024xf32, #tpu.memory_space<hbm>>
      %dma_wait3A_265 = arith.constant 0 : i32
      %dma_wait3A_266 = tpu.memref_slice %arg4[%add3A_217, %dma_wait3A_265] : memref<16384x1024xf32, #tpu.memory_space<hbm>> -> memref<32x1024xf32, #tpu.memory_space<hbm>>
      tpu.wait_dma2 semaphore(%run_scoped3A : memref<!tpu.dma_semaphore, #tpu.memory_space<semaphore_mem>>) src(%arg6 : memref<32x1024xf32, #tpu.memory_space<vmem>>) dst(%dma_wait3A_266 : memref<32x1024xf32, #tpu.memory_space<hbm>>)
      tpu.yield
    }) : () -> ()
    %dma_wait3A_218 = arith.constant 13 : i32
    %dma_wait3A_219 = arith.constant 0 : i32
    %dma_wait3A_220 = tpu.memref_slice %arg5[%dma_wait3A_218, %dma_wait3A_219] : memref<16x32xi32, #tpu.memory_space<vmem>> -> memref<1x32xi32, #tpu.memory_space<vmem>>
    %dma_wait3A_221 = tpu.memref_squeeze %dma_wait3A_220 : memref<1x32xi32, #tpu.memory_space<vmem>> -> memref<32xi32, #tpu.memory_space<vmem>>
    %dma_wait3A_222 = arith.constant 0 : i32
    %dma_wait3A_223 = arith.constant 0 : i32
    %dma_wait3A_224 = tpu.memref_slice %arg2[%dma_wait3A_222, %dma_wait3A_223] : memref<65536x1024xf32, #tpu.memory_space<hbm>> -> memref<65536x1024xf32, #tpu.memory_space<hbm>>
    tpu.wait_indirect_dma semaphore(%arg9 : memref<!tpu.dma_semaphore, #tpu.memory_space<semaphore_mem>>) src(%dma_wait3A_224 : memref<65536x1024xf32, #tpu.memory_space<hbm>>) dst(%arg7 : memref<32x1024xf32, #tpu.memory_space<vmem>>)
    %dma_start3A_225 = arith.constant 14 : i32
    %dma_start3A_226 = arith.constant 0 : i32
    %dma_start3A_227 = tpu.memref_slice %arg5[%dma_start3A_225, %dma_start3A_226] : memref<16x32xi32, #tpu.memory_space<vmem>> -> memref<1x32xi32, #tpu.memory_space<vmem>>
    %dma_start3A_228 = tpu.memref_squeeze %dma_start3A_227 : memref<1x32xi32, #tpu.memory_space<vmem>> -> memref<32xi32, #tpu.memory_space<vmem>>
    %dma_start3A_229 = arith.constant 0 : i32
    %dma_start3A_230 = arith.constant 0 : i32
    %dma_start3A_231 = tpu.memref_slice %arg2[%dma_start3A_229, %dma_start3A_230] : memref<65536x1024xf32, #tpu.memory_space<hbm>> -> memref<65536x1024xf32, #tpu.memory_space<hbm>>
    tpu.enqueue_indirect_dma source(%dma_start3A_231 : memref<65536x1024xf32, #tpu.memory_space<hbm>>) target(%arg6 : memref<32x1024xf32, #tpu.memory_space<vmem>>) offsets(%dma_start3A_228 : memref<32xi32, #tpu.memory_space<vmem>>) semaphore(%arg8 : memref<!tpu.dma_semaphore, #tpu.memory_space<semaphore_mem>>)
    %add3A_232 = arith.constant 416 : i32
    %add3A_233 = arith.addi %mul3A_2, %add3A_232 : i32
    "tpu.region"() ({
      %run_scoped3A = tpu.sem_alloc : memref<!tpu.dma_semaphore, #tpu.memory_space<semaphore_mem>>
      %dma_start3A_259 = arith.constant 0 : i32
      %dma_start3A_260 = tpu.memref_slice %arg4[%add3A_233, %dma_start3A_259] : memref<16384x1024xf32, #tpu.memory_space<hbm>> -> memref<32x1024xf32, #tpu.memory_space<hbm>>
      %dma_start3A_261 = arith.constant 0 : i32
      %dma_start3A_262 = tpu.memref_slice %arg4[%add3A_233, %dma_start3A_261] : memref<16384x1024xf32, #tpu.memory_space<hbm>> -> memref<32x1024xf32, #tpu.memory_space<hbm>>
      tpu.enqueue_dma source(%arg7 : memref<32x1024xf32, #tpu.memory_space<vmem>>) target(%dma_start3A_262 : memref<32x1024xf32, #tpu.memory_space<hbm>>) target_semaphore(%run_scoped3A : memref<!tpu.dma_semaphore, #tpu.memory_space<semaphore_mem>>)
      %dma_wait3A_263 = arith.constant 0 : i32
      %dma_wait3A_264 = tpu.memref_slice %arg4[%add3A_233, %dma_wait3A_263] : memref<16384x1024xf32, #tpu.memory_space<hbm>> -> memref<32x1024xf32, #tpu.memory_space<hbm>>
      %dma_wait3A_265 = arith.constant 0 : i32
      %dma_wait3A_266 = tpu.memref_slice %arg4[%add3A_233, %dma_wait3A_265] : memref<16384x1024xf32, #tpu.memory_space<hbm>> -> memref<32x1024xf32, #tpu.memory_space<hbm>>
      tpu.wait_dma2 semaphore(%run_scoped3A : memref<!tpu.dma_semaphore, #tpu.memory_space<semaphore_mem>>) src(%arg7 : memref<32x1024xf32, #tpu.memory_space<vmem>>) dst(%dma_wait3A_266 : memref<32x1024xf32, #tpu.memory_space<hbm>>)
      tpu.yield
    }) : () -> ()
    %dma_wait3A_234 = arith.constant 14 : i32
    %dma_wait3A_235 = arith.constant 0 : i32
    %dma_wait3A_236 = tpu.memref_slice %arg5[%dma_wait3A_234, %dma_wait3A_235] : memref<16x32xi32, #tpu.memory_space<vmem>> -> memref<1x32xi32, #tpu.memory_space<vmem>>
    %dma_wait3A_237 = tpu.memref_squeeze %dma_wait3A_236 : memref<1x32xi32, #tpu.memory_space<vmem>> -> memref<32xi32, #tpu.memory_space<vmem>>
    %dma_wait3A_238 = arith.constant 0 : i32
    %dma_wait3A_239 = arith.constant 0 : i32
    %dma_wait3A_240 = tpu.memref_slice %arg2[%dma_wait3A_238, %dma_wait3A_239] : memref<65536x1024xf32, #tpu.memory_space<hbm>> -> memref<65536x1024xf32, #tpu.memory_space<hbm>>
    tpu.wait_indirect_dma semaphore(%arg8 : memref<!tpu.dma_semaphore, #tpu.memory_space<semaphore_mem>>) src(%dma_wait3A_240 : memref<65536x1024xf32, #tpu.memory_space<hbm>>) dst(%arg6 : memref<32x1024xf32, #tpu.memory_space<vmem>>)
    %dma_start3A_241 = arith.constant 15 : i32
    %dma_start3A_242 = arith.constant 0 : i32
    %dma_start3A_243 = tpu.memref_slice %arg5[%dma_start3A_241, %dma_start3A_242] : memref<16x32xi32, #tpu.memory_space<vmem>> -> memref<1x32xi32, #tpu.memory_space<vmem>>
    %dma_start3A_244 = tpu.memref_squeeze %dma_start3A_243 : memref<1x32xi32, #tpu.memory_space<vmem>> -> memref<32xi32, #tpu.memory_space<vmem>>
    %dma_start3A_245 = arith.constant 0 : i32
    %dma_start3A_246 = arith.constant 0 : i32
    %dma_start3A_247 = tpu.memref_slice %arg2[%dma_start3A_245, %dma_start3A_246] : memref<65536x1024xf32, #tpu.memory_space<hbm>> -> memref<65536x1024xf32, #tpu.memory_space<hbm>>
    tpu.enqueue_indirect_dma source(%dma_start3A_247 : memref<65536x1024xf32, #tpu.memory_space<hbm>>) target(%arg7 : memref<32x1024xf32, #tpu.memory_space<vmem>>) offsets(%dma_start3A_244 : memref<32xi32, #tpu.memory_space<vmem>>) semaphore(%arg9 : memref<!tpu.dma_semaphore, #tpu.memory_space<semaphore_mem>>)
    %add3A_248 = arith.constant 448 : i32
    %add3A_249 = arith.addi %mul3A_2, %add3A_248 : i32
    "tpu.region"() ({
      %run_scoped3A = tpu.sem_alloc : memref<!tpu.dma_semaphore, #tpu.memory_space<semaphore_mem>>
      %dma_start3A_259 = arith.constant 0 : i32
      %dma_start3A_260 = tpu.memref_slice %arg4[%add3A_249, %dma_start3A_259] : memref<16384x1024xf32, #tpu.memory_space<hbm>> -> memref<32x1024xf32, #tpu.memory_space<hbm>>
      %dma_start3A_261 = arith.constant 0 : i32
      %dma_start3A_262 = tpu.memref_slice %arg4[%add3A_249, %dma_start3A_261] : memref<16384x1024xf32, #tpu.memory_space<hbm>> -> memref<32x1024xf32, #tpu.memory_space<hbm>>
      tpu.enqueue_dma source(%arg6 : memref<32x1024xf32, #tpu.memory_space<vmem>>) target(%dma_start3A_262 : memref<32x1024xf32, #tpu.memory_space<hbm>>) target_semaphore(%run_scoped3A : memref<!tpu.dma_semaphore, #tpu.memory_space<semaphore_mem>>)
      %dma_wait3A_263 = arith.constant 0 : i32
      %dma_wait3A_264 = tpu.memref_slice %arg4[%add3A_249, %dma_wait3A_263] : memref<16384x1024xf32, #tpu.memory_space<hbm>> -> memref<32x1024xf32, #tpu.memory_space<hbm>>
      %dma_wait3A_265 = arith.constant 0 : i32
      %dma_wait3A_266 = tpu.memref_slice %arg4[%add3A_249, %dma_wait3A_265] : memref<16384x1024xf32, #tpu.memory_space<hbm>> -> memref<32x1024xf32, #tpu.memory_space<hbm>>
      tpu.wait_dma2 semaphore(%run_scoped3A : memref<!tpu.dma_semaphore, #tpu.memory_space<semaphore_mem>>) src(%arg6 : memref<32x1024xf32, #tpu.memory_space<vmem>>) dst(%dma_wait3A_266 : memref<32x1024xf32, #tpu.memory_space<hbm>>)
      tpu.yield
    }) : () -> ()
    %dma_wait3A_250 = arith.constant 15 : i32
    %dma_wait3A_251 = arith.constant 0 : i32
    %dma_wait3A_252 = tpu.memref_slice %arg5[%dma_wait3A_250, %dma_wait3A_251] : memref<16x32xi32, #tpu.memory_space<vmem>> -> memref<1x32xi32, #tpu.memory_space<vmem>>
    %dma_wait3A_253 = tpu.memref_squeeze %dma_wait3A_252 : memref<1x32xi32, #tpu.memory_space<vmem>> -> memref<32xi32, #tpu.memory_space<vmem>>
    %dma_wait3A_254 = arith.constant 0 : i32
    %dma_wait3A_255 = arith.constant 0 : i32
    %dma_wait3A_256 = tpu.memref_slice %arg2[%dma_wait3A_254, %dma_wait3A_255] : memref<65536x1024xf32, #tpu.memory_space<hbm>> -> memref<65536x1024xf32, #tpu.memory_space<hbm>>
    tpu.wait_indirect_dma semaphore(%arg9 : memref<!tpu.dma_semaphore, #tpu.memory_space<semaphore_mem>>) src(%dma_wait3A_256 : memref<65536x1024xf32, #tpu.memory_space<hbm>>) dst(%arg7 : memref<32x1024xf32, #tpu.memory_space<vmem>>)
    %add3A_257 = arith.constant 480 : i32
    %add3A_258 = arith.addi %mul3A_2, %add3A_257 : i32
    "tpu.region"() ({
      %run_scoped3A = tpu.sem_alloc : memref<!tpu.dma_semaphore, #tpu.memory_space<semaphore_mem>>
      %dma_start3A_259 = arith.constant 0 : i32
      %dma_start3A_260 = tpu.memref_slice %arg4[%add3A_258, %dma_start3A_259] : memref<16384x1024xf32, #tpu.memory_space<hbm>> -> memref<32x1024xf32, #tpu.memory_space<hbm>>
      %dma_start3A_261 = arith.constant 0 : i32
      %dma_start3A_262 = tpu.memref_slice %arg4[%add3A_258, %dma_start3A_261] : memref<16384x1024xf32, #tpu.memory_space<hbm>> -> memref<32x1024xf32, #tpu.memory_space<hbm>>
      tpu.enqueue_dma source(%arg7 : memref<32x1024xf32, #tpu.memory_space<vmem>>) target(%dma_start3A_262 : memref<32x1024xf32, #tpu.memory_space<hbm>>) target_semaphore(%run_scoped3A : memref<!tpu.dma_semaphore, #tpu.memory_space<semaphore_mem>>)
      %dma_wait3A_263 = arith.constant 0 : i32
      %dma_wait3A_264 = tpu.memref_slice %arg4[%add3A_258, %dma_wait3A_263] : memref<16384x1024xf32, #tpu.memory_space<hbm>> -> memref<32x1024xf32, #tpu.memory_space<hbm>>
      %dma_wait3A_265 = arith.constant 0 : i32
      %dma_wait3A_266 = tpu.memref_slice %arg4[%add3A_258, %dma_wait3A_265] : memref<16384x1024xf32, #tpu.memory_space<hbm>> -> memref<32x1024xf32, #tpu.memory_space<hbm>>
      tpu.wait_dma2 semaphore(%run_scoped3A : memref<!tpu.dma_semaphore, #tpu.memory_space<semaphore_mem>>) src(%arg7 : memref<32x1024xf32, #tpu.memory_space<vmem>>) dst(%dma_wait3A_266 : memref<32x1024xf32, #tpu.memory_space<hbm>>)
      tpu.yield
    }) : () -> ()
    return
  }
}

#map = affine_map<(d0, d1) -> (0, 0)>
module attributes {stable_mosaic.version = 14 : i64} {
  func.func @k(%arg0: i32, %arg1: i32, %arg2: memref<524288x128xf32, #tpu.memory_space<hbm>>, %arg3: memref<128x128xi32, #tpu.memory_space<hbm>>, %arg4: memref<16384x128xf32, #tpu.memory_space<hbm>>, %arg5: memref<4x128xi32, #tpu.memory_space<vmem>>, %arg6: memref<128x128xf32, #tpu.memory_space<vmem>>, %arg7: memref<128x128xf32, #tpu.memory_space<vmem>>, %arg8: memref<!tpu.dma_semaphore, #tpu.memory_space<semaphore_mem>>, %arg9: memref<!tpu.dma_semaphore, #tpu.memory_space<semaphore_mem>>) attributes {dimension_semantics = [#tpu.dimension_semantics<core_parallel>, #tpu.dimension_semantics<subcore_parallel>], iteration_bounds = array<i64: 2, 16>, scalar_prefetch = 0 : i64, scratch_operands = 5 : i64, tpu.core_type = #tpu.core_type<sc_vector_subcore>, window_params = [{transform_indices = #map}, {transform_indices = #map}, {transform_indices = #map}]} {
    %mul3A = arith.constant 2 : i32
    %mul3A_0 = arith.muli %arg1, %mul3A : i32
    %add3A = arith.addi %mul3A_0, %arg0 : i32
    %mul3A_1 = arith.constant 512 : i32
    %mul3A_2 = arith.muli %add3A, %mul3A_1 : i32
    %mul3A_3 = arith.constant 4 : i32
    %mul3A_4 = arith.muli %add3A, %mul3A_3 : i32
    "tpu.region"() ({
      %run_scoped3A = tpu.sem_alloc : memref<!tpu.dma_semaphore, #tpu.memory_space<semaphore_mem>>
      %dma_start3A_67 = arith.constant 0 : i32
      %dma_start3A_68 = tpu.memref_slice %arg3[%mul3A_4, %dma_start3A_67] : memref<128x128xi32, #tpu.memory_space<hbm>> -> memref<4x128xi32, #tpu.memory_space<hbm>>
      %dma_start3A_69 = arith.constant 0 : i32
      %dma_start3A_70 = tpu.memref_slice %arg3[%mul3A_4, %dma_start3A_69] : memref<128x128xi32, #tpu.memory_space<hbm>> -> memref<4x128xi32, #tpu.memory_space<hbm>>
      tpu.enqueue_dma source(%dma_start3A_70 : memref<4x128xi32, #tpu.memory_space<hbm>>) target(%arg5 : memref<4x128xi32, #tpu.memory_space<vmem>>) target_semaphore(%run_scoped3A : memref<!tpu.dma_semaphore, #tpu.memory_space<semaphore_mem>>)
      %dma_wait3A_71 = arith.constant 0 : i32
      %dma_wait3A_72 = tpu.memref_slice %arg3[%mul3A_4, %dma_wait3A_71] : memref<128x128xi32, #tpu.memory_space<hbm>> -> memref<4x128xi32, #tpu.memory_space<hbm>>
      %dma_wait3A_73 = arith.constant 0 : i32
      %dma_wait3A_74 = tpu.memref_slice %arg3[%mul3A_4, %dma_wait3A_73] : memref<128x128xi32, #tpu.memory_space<hbm>> -> memref<4x128xi32, #tpu.memory_space<hbm>>
      tpu.wait_dma2 semaphore(%run_scoped3A : memref<!tpu.dma_semaphore, #tpu.memory_space<semaphore_mem>>) src(%dma_wait3A_74 : memref<4x128xi32, #tpu.memory_space<hbm>>) dst(%arg5 : memref<4x128xi32, #tpu.memory_space<vmem>>)
      tpu.yield
    }) : () -> ()
    %dma_start3A = arith.constant 0 : i32
    %dma_start3A_5 = arith.constant 0 : i32
    %dma_start3A_6 = tpu.memref_slice %arg5[%dma_start3A, %dma_start3A_5] : memref<4x128xi32, #tpu.memory_space<vmem>> -> memref<1x128xi32, #tpu.memory_space<vmem>>
    %dma_start3A_7 = tpu.memref_squeeze %dma_start3A_6 : memref<1x128xi32, #tpu.memory_space<vmem>> -> memref<128xi32, #tpu.memory_space<vmem>>
    %dma_start3A_8 = arith.constant 0 : i32
    %dma_start3A_9 = arith.constant 0 : i32
    %dma_start3A_10 = tpu.memref_slice %arg2[%dma_start3A_8, %dma_start3A_9] : memref<524288x128xf32, #tpu.memory_space<hbm>> -> memref<524288x128xf32, #tpu.memory_space<hbm>>
    tpu.enqueue_indirect_dma source(%dma_start3A_10 : memref<524288x128xf32, #tpu.memory_space<hbm>>) target(%arg6 : memref<128x128xf32, #tpu.memory_space<vmem>>) offsets(%dma_start3A_7 : memref<128xi32, #tpu.memory_space<vmem>>) semaphore(%arg8 : memref<!tpu.dma_semaphore, #tpu.memory_space<semaphore_mem>>)
    %dma_wait3A = arith.constant 0 : i32
    %dma_wait3A_11 = arith.constant 0 : i32
    %dma_wait3A_12 = tpu.memref_slice %arg5[%dma_wait3A, %dma_wait3A_11] : memref<4x128xi32, #tpu.memory_space<vmem>> -> memref<1x128xi32, #tpu.memory_space<vmem>>
    %dma_wait3A_13 = tpu.memref_squeeze %dma_wait3A_12 : memref<1x128xi32, #tpu.memory_space<vmem>> -> memref<128xi32, #tpu.memory_space<vmem>>
    %dma_wait3A_14 = arith.constant 0 : i32
    %dma_wait3A_15 = arith.constant 0 : i32
    %dma_wait3A_16 = tpu.memref_slice %arg2[%dma_wait3A_14, %dma_wait3A_15] : memref<524288x128xf32, #tpu.memory_space<hbm>> -> memref<524288x128xf32, #tpu.memory_space<hbm>>
    tpu.wait_indirect_dma semaphore(%arg8 : memref<!tpu.dma_semaphore, #tpu.memory_space<semaphore_mem>>) src(%dma_wait3A_16 : memref<524288x128xf32, #tpu.memory_space<hbm>>) dst(%arg6 : memref<128x128xf32, #tpu.memory_space<vmem>>)
    %dma_start3A_17 = arith.constant 1 : i32
    %dma_start3A_18 = arith.constant 0 : i32
    %dma_start3A_19 = tpu.memref_slice %arg5[%dma_start3A_17, %dma_start3A_18] : memref<4x128xi32, #tpu.memory_space<vmem>> -> memref<1x128xi32, #tpu.memory_space<vmem>>
    %dma_start3A_20 = tpu.memref_squeeze %dma_start3A_19 : memref<1x128xi32, #tpu.memory_space<vmem>> -> memref<128xi32, #tpu.memory_space<vmem>>
    %dma_start3A_21 = arith.constant 0 : i32
    %dma_start3A_22 = arith.constant 0 : i32
    %dma_start3A_23 = tpu.memref_slice %arg2[%dma_start3A_21, %dma_start3A_22] : memref<524288x128xf32, #tpu.memory_space<hbm>> -> memref<524288x128xf32, #tpu.memory_space<hbm>>
    tpu.enqueue_indirect_dma source(%dma_start3A_23 : memref<524288x128xf32, #tpu.memory_space<hbm>>) target(%arg7 : memref<128x128xf32, #tpu.memory_space<vmem>>) offsets(%dma_start3A_20 : memref<128xi32, #tpu.memory_space<vmem>>) semaphore(%arg9 : memref<!tpu.dma_semaphore, #tpu.memory_space<semaphore_mem>>)
    %add3A_24 = arith.constant 0 : i32
    %add3A_25 = arith.addi %mul3A_2, %add3A_24 : i32
    "tpu.region"() ({
      %run_scoped3A = tpu.sem_alloc : memref<!tpu.dma_semaphore, #tpu.memory_space<semaphore_mem>>
      %dma_start3A_67 = arith.constant 0 : i32
      %dma_start3A_68 = tpu.memref_slice %arg4[%add3A_25, %dma_start3A_67] : memref<16384x128xf32, #tpu.memory_space<hbm>> -> memref<128x128xf32, #tpu.memory_space<hbm>>
      %dma_start3A_69 = arith.constant 0 : i32
      %dma_start3A_70 = tpu.memref_slice %arg4[%add3A_25, %dma_start3A_69] : memref<16384x128xf32, #tpu.memory_space<hbm>> -> memref<128x128xf32, #tpu.memory_space<hbm>>
      tpu.enqueue_dma source(%arg6 : memref<128x128xf32, #tpu.memory_space<vmem>>) target(%dma_start3A_70 : memref<128x128xf32, #tpu.memory_space<hbm>>) target_semaphore(%run_scoped3A : memref<!tpu.dma_semaphore, #tpu.memory_space<semaphore_mem>>)
      %dma_wait3A_71 = arith.constant 0 : i32
      %dma_wait3A_72 = tpu.memref_slice %arg4[%add3A_25, %dma_wait3A_71] : memref<16384x128xf32, #tpu.memory_space<hbm>> -> memref<128x128xf32, #tpu.memory_space<hbm>>
      %dma_wait3A_73 = arith.constant 0 : i32
      %dma_wait3A_74 = tpu.memref_slice %arg4[%add3A_25, %dma_wait3A_73] : memref<16384x128xf32, #tpu.memory_space<hbm>> -> memref<128x128xf32, #tpu.memory_space<hbm>>
      tpu.wait_dma2 semaphore(%run_scoped3A : memref<!tpu.dma_semaphore, #tpu.memory_space<semaphore_mem>>) src(%arg6 : memref<128x128xf32, #tpu.memory_space<vmem>>) dst(%dma_wait3A_74 : memref<128x128xf32, #tpu.memory_space<hbm>>)
      tpu.yield
    }) : () -> ()
    %dma_wait3A_26 = arith.constant 1 : i32
    %dma_wait3A_27 = arith.constant 0 : i32
    %dma_wait3A_28 = tpu.memref_slice %arg5[%dma_wait3A_26, %dma_wait3A_27] : memref<4x128xi32, #tpu.memory_space<vmem>> -> memref<1x128xi32, #tpu.memory_space<vmem>>
    %dma_wait3A_29 = tpu.memref_squeeze %dma_wait3A_28 : memref<1x128xi32, #tpu.memory_space<vmem>> -> memref<128xi32, #tpu.memory_space<vmem>>
    %dma_wait3A_30 = arith.constant 0 : i32
    %dma_wait3A_31 = arith.constant 0 : i32
    %dma_wait3A_32 = tpu.memref_slice %arg2[%dma_wait3A_30, %dma_wait3A_31] : memref<524288x128xf32, #tpu.memory_space<hbm>> -> memref<524288x128xf32, #tpu.memory_space<hbm>>
    tpu.wait_indirect_dma semaphore(%arg9 : memref<!tpu.dma_semaphore, #tpu.memory_space<semaphore_mem>>) src(%dma_wait3A_32 : memref<524288x128xf32, #tpu.memory_space<hbm>>) dst(%arg7 : memref<128x128xf32, #tpu.memory_space<vmem>>)
    %dma_start3A_33 = arith.constant 2 : i32
    %dma_start3A_34 = arith.constant 0 : i32
    %dma_start3A_35 = tpu.memref_slice %arg5[%dma_start3A_33, %dma_start3A_34] : memref<4x128xi32, #tpu.memory_space<vmem>> -> memref<1x128xi32, #tpu.memory_space<vmem>>
    %dma_start3A_36 = tpu.memref_squeeze %dma_start3A_35 : memref<1x128xi32, #tpu.memory_space<vmem>> -> memref<128xi32, #tpu.memory_space<vmem>>
    %dma_start3A_37 = arith.constant 0 : i32
    %dma_start3A_38 = arith.constant 0 : i32
    %dma_start3A_39 = tpu.memref_slice %arg2[%dma_start3A_37, %dma_start3A_38] : memref<524288x128xf32, #tpu.memory_space<hbm>> -> memref<524288x128xf32, #tpu.memory_space<hbm>>
    tpu.enqueue_indirect_dma source(%dma_start3A_39 : memref<524288x128xf32, #tpu.memory_space<hbm>>) target(%arg6 : memref<128x128xf32, #tpu.memory_space<vmem>>) offsets(%dma_start3A_36 : memref<128xi32, #tpu.memory_space<vmem>>) semaphore(%arg8 : memref<!tpu.dma_semaphore, #tpu.memory_space<semaphore_mem>>)
    %add3A_40 = arith.constant 128 : i32
    %add3A_41 = arith.addi %mul3A_2, %add3A_40 : i32
    "tpu.region"() ({
      %run_scoped3A = tpu.sem_alloc : memref<!tpu.dma_semaphore, #tpu.memory_space<semaphore_mem>>
      %dma_start3A_67 = arith.constant 0 : i32
      %dma_start3A_68 = tpu.memref_slice %arg4[%add3A_41, %dma_start3A_67] : memref<16384x128xf32, #tpu.memory_space<hbm>> -> memref<128x128xf32, #tpu.memory_space<hbm>>
      %dma_start3A_69 = arith.constant 0 : i32
      %dma_start3A_70 = tpu.memref_slice %arg4[%add3A_41, %dma_start3A_69] : memref<16384x128xf32, #tpu.memory_space<hbm>> -> memref<128x128xf32, #tpu.memory_space<hbm>>
      tpu.enqueue_dma source(%arg7 : memref<128x128xf32, #tpu.memory_space<vmem>>) target(%dma_start3A_70 : memref<128x128xf32, #tpu.memory_space<hbm>>) target_semaphore(%run_scoped3A : memref<!tpu.dma_semaphore, #tpu.memory_space<semaphore_mem>>)
      %dma_wait3A_71 = arith.constant 0 : i32
      %dma_wait3A_72 = tpu.memref_slice %arg4[%add3A_41, %dma_wait3A_71] : memref<16384x128xf32, #tpu.memory_space<hbm>> -> memref<128x128xf32, #tpu.memory_space<hbm>>
      %dma_wait3A_73 = arith.constant 0 : i32
      %dma_wait3A_74 = tpu.memref_slice %arg4[%add3A_41, %dma_wait3A_73] : memref<16384x128xf32, #tpu.memory_space<hbm>> -> memref<128x128xf32, #tpu.memory_space<hbm>>
      tpu.wait_dma2 semaphore(%run_scoped3A : memref<!tpu.dma_semaphore, #tpu.memory_space<semaphore_mem>>) src(%arg7 : memref<128x128xf32, #tpu.memory_space<vmem>>) dst(%dma_wait3A_74 : memref<128x128xf32, #tpu.memory_space<hbm>>)
      tpu.yield
    }) : () -> ()
    %dma_wait3A_42 = arith.constant 2 : i32
    %dma_wait3A_43 = arith.constant 0 : i32
    %dma_wait3A_44 = tpu.memref_slice %arg5[%dma_wait3A_42, %dma_wait3A_43] : memref<4x128xi32, #tpu.memory_space<vmem>> -> memref<1x128xi32, #tpu.memory_space<vmem>>
    %dma_wait3A_45 = tpu.memref_squeeze %dma_wait3A_44 : memref<1x128xi32, #tpu.memory_space<vmem>> -> memref<128xi32, #tpu.memory_space<vmem>>
    %dma_wait3A_46 = arith.constant 0 : i32
    %dma_wait3A_47 = arith.constant 0 : i32
    %dma_wait3A_48 = tpu.memref_slice %arg2[%dma_wait3A_46, %dma_wait3A_47] : memref<524288x128xf32, #tpu.memory_space<hbm>> -> memref<524288x128xf32, #tpu.memory_space<hbm>>
    tpu.wait_indirect_dma semaphore(%arg8 : memref<!tpu.dma_semaphore, #tpu.memory_space<semaphore_mem>>) src(%dma_wait3A_48 : memref<524288x128xf32, #tpu.memory_space<hbm>>) dst(%arg6 : memref<128x128xf32, #tpu.memory_space<vmem>>)
    %dma_start3A_49 = arith.constant 3 : i32
    %dma_start3A_50 = arith.constant 0 : i32
    %dma_start3A_51 = tpu.memref_slice %arg5[%dma_start3A_49, %dma_start3A_50] : memref<4x128xi32, #tpu.memory_space<vmem>> -> memref<1x128xi32, #tpu.memory_space<vmem>>
    %dma_start3A_52 = tpu.memref_squeeze %dma_start3A_51 : memref<1x128xi32, #tpu.memory_space<vmem>> -> memref<128xi32, #tpu.memory_space<vmem>>
    %dma_start3A_53 = arith.constant 0 : i32
    %dma_start3A_54 = arith.constant 0 : i32
    %dma_start3A_55 = tpu.memref_slice %arg2[%dma_start3A_53, %dma_start3A_54] : memref<524288x128xf32, #tpu.memory_space<hbm>> -> memref<524288x128xf32, #tpu.memory_space<hbm>>
    tpu.enqueue_indirect_dma source(%dma_start3A_55 : memref<524288x128xf32, #tpu.memory_space<hbm>>) target(%arg7 : memref<128x128xf32, #tpu.memory_space<vmem>>) offsets(%dma_start3A_52 : memref<128xi32, #tpu.memory_space<vmem>>) semaphore(%arg9 : memref<!tpu.dma_semaphore, #tpu.memory_space<semaphore_mem>>)
    %add3A_56 = arith.constant 256 : i32
    %add3A_57 = arith.addi %mul3A_2, %add3A_56 : i32
    "tpu.region"() ({
      %run_scoped3A = tpu.sem_alloc : memref<!tpu.dma_semaphore, #tpu.memory_space<semaphore_mem>>
      %dma_start3A_67 = arith.constant 0 : i32
      %dma_start3A_68 = tpu.memref_slice %arg4[%add3A_57, %dma_start3A_67] : memref<16384x128xf32, #tpu.memory_space<hbm>> -> memref<128x128xf32, #tpu.memory_space<hbm>>
      %dma_start3A_69 = arith.constant 0 : i32
      %dma_start3A_70 = tpu.memref_slice %arg4[%add3A_57, %dma_start3A_69] : memref<16384x128xf32, #tpu.memory_space<hbm>> -> memref<128x128xf32, #tpu.memory_space<hbm>>
      tpu.enqueue_dma source(%arg6 : memref<128x128xf32, #tpu.memory_space<vmem>>) target(%dma_start3A_70 : memref<128x128xf32, #tpu.memory_space<hbm>>) target_semaphore(%run_scoped3A : memref<!tpu.dma_semaphore, #tpu.memory_space<semaphore_mem>>)
      %dma_wait3A_71 = arith.constant 0 : i32
      %dma_wait3A_72 = tpu.memref_slice %arg4[%add3A_57, %dma_wait3A_71] : memref<16384x128xf32, #tpu.memory_space<hbm>> -> memref<128x128xf32, #tpu.memory_space<hbm>>
      %dma_wait3A_73 = arith.constant 0 : i32
      %dma_wait3A_74 = tpu.memref_slice %arg4[%add3A_57, %dma_wait3A_73] : memref<16384x128xf32, #tpu.memory_space<hbm>> -> memref<128x128xf32, #tpu.memory_space<hbm>>
      tpu.wait_dma2 semaphore(%run_scoped3A : memref<!tpu.dma_semaphore, #tpu.memory_space<semaphore_mem>>) src(%arg6 : memref<128x128xf32, #tpu.memory_space<vmem>>) dst(%dma_wait3A_74 : memref<128x128xf32, #tpu.memory_space<hbm>>)
      tpu.yield
    }) : () -> ()
    %dma_wait3A_58 = arith.constant 3 : i32
    %dma_wait3A_59 = arith.constant 0 : i32
    %dma_wait3A_60 = tpu.memref_slice %arg5[%dma_wait3A_58, %dma_wait3A_59] : memref<4x128xi32, #tpu.memory_space<vmem>> -> memref<1x128xi32, #tpu.memory_space<vmem>>
    %dma_wait3A_61 = tpu.memref_squeeze %dma_wait3A_60 : memref<1x128xi32, #tpu.memory_space<vmem>> -> memref<128xi32, #tpu.memory_space<vmem>>
    %dma_wait3A_62 = arith.constant 0 : i32
    %dma_wait3A_63 = arith.constant 0 : i32
    %dma_wait3A_64 = tpu.memref_slice %arg2[%dma_wait3A_62, %dma_wait3A_63] : memref<524288x128xf32, #tpu.memory_space<hbm>> -> memref<524288x128xf32, #tpu.memory_space<hbm>>
    tpu.wait_indirect_dma semaphore(%arg9 : memref<!tpu.dma_semaphore, #tpu.memory_space<semaphore_mem>>) src(%dma_wait3A_64 : memref<524288x128xf32, #tpu.memory_space<hbm>>) dst(%arg7 : memref<128x128xf32, #tpu.memory_space<vmem>>)
    %add3A_65 = arith.constant 384 : i32
    %add3A_66 = arith.addi %mul3A_2, %add3A_65 : i32
    "tpu.region"() ({
      %run_scoped3A = tpu.sem_alloc : memref<!tpu.dma_semaphore, #tpu.memory_space<semaphore_mem>>
      %dma_start3A_67 = arith.constant 0 : i32
      %dma_start3A_68 = tpu.memref_slice %arg4[%add3A_66, %dma_start3A_67] : memref<16384x128xf32, #tpu.memory_space<hbm>> -> memref<128x128xf32, #tpu.memory_space<hbm>>
      %dma_start3A_69 = arith.constant 0 : i32
      %dma_start3A_70 = tpu.memref_slice %arg4[%add3A_66, %dma_start3A_69] : memref<16384x128xf32, #tpu.memory_space<hbm>> -> memref<128x128xf32, #tpu.memory_space<hbm>>
      tpu.enqueue_dma source(%arg7 : memref<128x128xf32, #tpu.memory_space<vmem>>) target(%dma_start3A_70 : memref<128x128xf32, #tpu.memory_space<hbm>>) target_semaphore(%run_scoped3A : memref<!tpu.dma_semaphore, #tpu.memory_space<semaphore_mem>>)
      %dma_wait3A_71 = arith.constant 0 : i32
      %dma_wait3A_72 = tpu.memref_slice %arg4[%add3A_66, %dma_wait3A_71] : memref<16384x128xf32, #tpu.memory_space<hbm>> -> memref<128x128xf32, #tpu.memory_space<hbm>>
      %dma_wait3A_73 = arith.constant 0 : i32
      %dma_wait3A_74 = tpu.memref_slice %arg4[%add3A_66, %dma_wait3A_73] : memref<16384x128xf32, #tpu.memory_space<hbm>> -> memref<128x128xf32, #tpu.memory_space<hbm>>
      tpu.wait_dma2 semaphore(%run_scoped3A : memref<!tpu.dma_semaphore, #tpu.memory_space<semaphore_mem>>) src(%arg7 : memref<128x128xf32, #tpu.memory_space<vmem>>) dst(%dma_wait3A_74 : memref<128x128xf32, #tpu.memory_space<hbm>>)
      tpu.yield
    }) : () -> ()
    return
  }
}

module attributes {stable_mosaic.version = 14 : i64} {
  func.func @_proj_body(%arg0: i32, %arg1: memref<512x1024xf32, #tpu.memory_space<vmem>>, %arg2: memref<3072x1024xf32, #tpu.memory_space<vmem>>, %arg3: memref<1x3072xf32, #tpu.memory_space<vmem>>, %arg4: memref<512x3072xf32, #tpu.memory_space<vmem>>) attributes {dimension_semantics = [#tpu.dimension_semantics<arbitrary>], iteration_bounds = array<i64: 2>, scalar_prefetch = 0 : i64, scratch_operands = 0 : i64, tpu.core_type = #tpu.core_type<tc>, window_params = [{transform_indices = @transform_0, window_bounds = array<i64: 512, 1024>}, {pipeline_mode = #tpu.pipeline_mode<synchronous>, transform_indices = @transform_1, window_bounds = array<i64: 3072, 1024>}, {pipeline_mode = #tpu.pipeline_mode<synchronous>, transform_indices = @transform_2, window_bounds = array<i64: 1, 3072>}, {transform_indices = @transform_3, window_bounds = array<i64: 512, 3072>}]} {
    %get3A = arith.constant 0 : index
    %get3A_0 = arith.constant 0 : index
    %get3A_1 = vector.load %arg1[%get3A, %get3A_0] : memref<512x1024xf32, #tpu.memory_space<vmem>>, vector<512x1024xf32>
    %get3A_2 = arith.constant 0 : index
    %get3A_3 = arith.constant 0 : index
    %get3A_4 = vector.load %arg2[%get3A_2, %get3A_3] : memref<3072x1024xf32, #tpu.memory_space<vmem>>, vector<3072x1024xf32>
    %convert_element_type3A = arith.truncf %get3A_1 : vector<512x1024xf32> to vector<512x1024xbf16>
    %convert_element_type3A_5 = arith.truncf %get3A_4 : vector<3072x1024xf32> to vector<3072x1024xbf16>
    %dot_general3A = arith.constant dense<0.000000e+00> : vector<512x3072xf32>
    %dot_general3A_6 = tpu.matmul %convert_element_type3A, %convert_element_type3A_5, %dot_general3A {dimension_numbers = #tpu.dot_dimension_numbers<[1], [1], [0], [0], [0, 0, 1, 0], [], []>, transpose_lhs_hint = false} : vector<512x1024xbf16>, vector<3072x1024xbf16>, vector<512x3072xf32> -> vector<512x3072xf32>
    %get3A_7 = arith.constant 0 : index
    %get3A_8 = arith.constant 0 : index
    %get3A_9 = vector.load %arg3[%get3A_7, %get3A_8] : memref<1x3072xf32, #tpu.memory_space<vmem>>, vector<1x3072xf32>
    %add3A = vector.broadcast %get3A_9 : vector<1x3072xf32> to vector<512x3072xf32>
    %add3A_10 = arith.addf %dot_general3A_6, %add3A : vector<512x3072xf32>
    %swap3A = arith.constant 0 : index
    %swap3A_11 = arith.constant 0 : index
    %swap3A_12 = vector.load %arg4[%swap3A, %swap3A_11] : memref<512x3072xf32, #tpu.memory_space<vmem>>, vector<512x3072xf32>
    tpu.vector_store %arg4[%swap3A, %swap3A_11], %add3A_10 {strides = array<i32>} : memref<512x3072xf32, #tpu.memory_space<vmem>>, vector<512x3072xf32>,
    return
  }
  func.func @transform_0(%arg0: i32) -> (i32, i32) {
    %c0_i32 = arith.constant 0 : i32
    %c0_i32_0 = arith.constant 0 : i32
    return %arg0, %c0_i32 : i32, i32
  }
  func.func @transform_1(%arg0: i32) -> (i32, i32) {
    %c0_i32 = arith.constant 0 : i32
    %c0_i32_0 = arith.constant 0 : i32
    %c0_i32_1 = arith.constant 0 : i32
    return %c0_i32, %c0_i32_0 : i32, i32
  }
  func.func @transform_2(%arg0: i32) -> (i32, i32) {
    %c0_i32 = arith.constant 0 : i32
    %c0_i32_0 = arith.constant 0 : i32
    %c0_i32_1 = arith.constant 0 : i32
    return %c0_i32, %c0_i32_0 : i32, i32
  }
  func.func @transform_3(%arg0: i32) -> (i32, i32) {
    %c0_i32 = arith.constant 0 : i32
    %c0_i32_0 = arith.constant 0 : i32
    return %arg0, %c0_i32 : i32, i32
  }
}

module attributes {stable_mosaic.version = 14 : i64} {
  func.func @_sa_body(%arg0: i32, %arg1: i32, %arg2: memref<512x128xf32, #tpu.memory_space<vmem>>, %arg3: memref<512x128xf32, #tpu.memory_space<vmem>>, %arg4: memref<512x128xf32, #tpu.memory_space<vmem>>, %arg5: memref<512x128xf32, #tpu.memory_space<vmem>>) attributes {dimension_semantics = [#tpu.dimension_semantics<arbitrary>, #tpu.dimension_semantics<arbitrary>], iteration_bounds = array<i64: 2, 8>, scalar_prefetch = 0 : i64, scratch_operands = 0 : i64, tpu.core_type = #tpu.core_type<tc>, window_params = [{transform_indices = @transform_0, window_bounds = array<i64: 512, 128>}, {transform_indices = @transform_1, window_bounds = array<i64: 512, 128>}, {transform_indices = @transform_2, window_bounds = array<i64: 512, 128>}, {transform_indices = @transform_3, window_bounds = array<i64: 512, 128>}]} {
    %get3A = arith.constant 0 : index
    %get3A_0 = arith.constant 0 : index
    %get3A_1 = vector.load %arg2[%get3A, %get3A_0] : memref<512x128xf32, #tpu.memory_space<vmem>>, vector<512x64xf32>
    %get3A_2 = arith.constant 0 : index
    %get3A_3 = arith.constant 0 : index
    %get3A_4 = vector.load %arg3[%get3A_2, %get3A_3] : memref<512x128xf32, #tpu.memory_space<vmem>>, vector<512x64xf32>
    %get3A_5 = arith.constant 0 : index
    %get3A_6 = arith.constant 0 : index
    %get3A_7 = vector.load %arg4[%get3A_5, %get3A_6] : memref<512x128xf32, #tpu.memory_space<vmem>>, vector<512x64xf32>
    %mul3A = arith.constant 1.250000e-01 : f32
    %mul3A_8 = vector.broadcast %mul3A : f32 to vector<512x64xf32>
    %mul3A_9 = arith.mulf %get3A_1, %mul3A_8 : vector<512x64xf32>
    %convert_element_type3A = arith.truncf %mul3A_9 : vector<512x64xf32> to vector<512x64xbf16>
    %convert_element_type3A_10 = arith.truncf %get3A_4 : vector<512x64xf32> to vector<512x64xbf16>
    %dot_general3A = arith.constant dense<0.000000e+00> : vector<512x512xf32>
    %dot_general3A_11 = tpu.matmul %convert_element_type3A, %convert_element_type3A_10, %dot_general3A {dimension_numbers = #tpu.dot_dimension_numbers<[1], [1], [0], [0], [0, 0, 1, 0], [], []>, transpose_lhs_hint = false} : vector<512x64xbf16>, vector<512x64xbf16>, vector<512x512xf32> -> vector<512x512xf32>
    %convert_element_type3A_12 = arith.truncf %dot_general3A_11 : vector<512x512xf32> to vector<512x512xbf16>
    %reduce_max3A = arith.constant dense<0xFF80> : vector<512xbf16>
    %reduce_max3A_13 = vector.multi_reduction <maximumf>, %convert_element_type3A_12, %reduce_max3A [1] : vector<512x512xbf16> to vector<512xbf16>
    %broadcast_in_dim3A = vector.shape_cast %reduce_max3A_13 : vector<512xbf16> to vector<512x1xbf16>
    %sub3A = vector.broadcast %broadcast_in_dim3A : vector<512x1xbf16> to vector<512x512xbf16>
    %sub3A_14 = arith.subf %convert_element_type3A_12, %sub3A : vector<512x512xbf16>
    %exp3A = math.exp %sub3A_14 : vector<512x512xbf16>
    %convert_element_type3A_15 = arith.extf %exp3A : vector<512x512xbf16> to vector<512x512xf32>
    %reduce_sum3A = arith.constant dense<0.000000e+00> : vector<512xf32>
    %reduce_sum3A_16 = vector.multi_reduction <add>, %convert_element_type3A_15, %reduce_sum3A [1] : vector<512x512xf32> to vector<512xf32>
    %broadcast_in_dim3A_17 = vector.shape_cast %reduce_sum3A_16 : vector<512xf32> to vector<512x1xf32>
    %convert_element_type3A_18 = arith.truncf %broadcast_in_dim3A_17 : vector<512x1xf32> to vector<512x1xbf16>
    %convert_element_type3A_19 = arith.truncf %get3A_7 : vector<512x64xf32> to vector<512x64xbf16>
    %dot_general3A_20 = arith.constant dense<0.000000e+00> : vector<512x64xf32>
    %dot_general3A_21 = tpu.matmul %exp3A, %convert_element_type3A_19, %dot_general3A_20 {dimension_numbers = #tpu.dot_dimension_numbers<[1], [0], [0], [1], [0, 0, 1, 1], [], []>, transpose_lhs_hint = false} : vector<512x512xbf16>, vector<512x64xbf16>, vector<512x64xf32> -> vector<512x64xf32>
    %convert_element_type3A_22 = arith.extf %convert_element_type3A_18 : vector<512x1xbf16> to vector<512x1xf32>
    %div3A = vector.broadcast %convert_element_type3A_22 : vector<512x1xf32> to vector<512x64xf32>
    %div3A_23 = arith.divf %dot_general3A_21, %div3A : vector<512x64xf32>
    %swap3A = arith.constant 0 : index
    %swap3A_24 = arith.constant 0 : index
    %swap3A_25 = vector.load %arg5[%swap3A, %swap3A_24] : memref<512x128xf32, #tpu.memory_space<vmem>>, vector<512x64xf32>
    tpu.vector_store %arg5[%swap3A, %swap3A_24], %div3A_23 {strides = array<i32>} : memref<512x128xf32, #tpu.memory_space<vmem>>, vector<512x64xf32>,
    %get3A_26 = arith.constant 0 : index
    %get3A_27 = arith.constant 64 : index
    %get3A_28 = vector.load %arg2[%get3A_26, %get3A_27] : memref<512x128xf32, #tpu.memory_space<vmem>>, vector<512x64xf32>
    %get3A_29 = arith.constant 0 : index
    %get3A_30 = arith.constant 64 : index
    %get3A_31 = vector.load %arg3[%get3A_29, %get3A_30] : memref<512x128xf32, #tpu.memory_space<vmem>>, vector<512x64xf32>
    %get3A_32 = arith.constant 0 : index
    %get3A_33 = arith.constant 64 : index
    %get3A_34 = vector.load %arg4[%get3A_32, %get3A_33] : memref<512x128xf32, #tpu.memory_space<vmem>>, vector<512x64xf32>
    %mul3A_35 = arith.constant 1.250000e-01 : f32
    %mul3A_36 = vector.broadcast %mul3A_35 : f32 to vector<512x64xf32>
    %mul3A_37 = arith.mulf %get3A_28, %mul3A_36 : vector<512x64xf32>
    %convert_element_type3A_38 = arith.truncf %mul3A_37 : vector<512x64xf32> to vector<512x64xbf16>
    %convert_element_type3A_39 = arith.truncf %get3A_31 : vector<512x64xf32> to vector<512x64xbf16>
    %dot_general3A_40 = arith.constant dense<0.000000e+00> : vector<512x512xf32>
    %dot_general3A_41 = tpu.matmul %convert_element_type3A_38, %convert_element_type3A_39, %dot_general3A_40 {dimension_numbers = #tpu.dot_dimension_numbers<[1], [1], [0], [0], [0, 0, 1, 0], [], []>, transpose_lhs_hint = false} : vector<512x64xbf16>, vector<512x64xbf16>, vector<512x512xf32> -> vector<512x512xf32>
    %convert_element_type3A_42 = arith.truncf %dot_general3A_41 : vector<512x512xf32> to vector<512x512xbf16>
    %reduce_max3A_43 = arith.constant dense<0xFF80> : vector<512xbf16>
    %reduce_max3A_44 = vector.multi_reduction <maximumf>, %convert_element_type3A_42, %reduce_max3A_43 [1] : vector<512x512xbf16> to vector<512xbf16>
    %broadcast_in_dim3A_45 = vector.shape_cast %reduce_max3A_44 : vector<512xbf16> to vector<512x1xbf16>
    %sub3A_46 = vector.broadcast %broadcast_in_dim3A_45 : vector<512x1xbf16> to vector<512x512xbf16>
    %sub3A_47 = arith.subf %convert_element_type3A_42, %sub3A_46 : vector<512x512xbf16>
    %exp3A_48 = math.exp %sub3A_47 : vector<512x512xbf16>
    %convert_element_type3A_49 = arith.extf %exp3A_48 : vector<512x512xbf16> to vector<512x512xf32>
    %reduce_sum3A_50 = arith.constant dense<0.000000e+00> : vector<512xf32>
    %reduce_sum3A_51 = vector.multi_reduction <add>, %convert_element_type3A_49, %reduce_sum3A_50 [1] : vector<512x512xf32> to vector<512xf32>
    %broadcast_in_dim3A_52 = vector.shape_cast %reduce_sum3A_51 : vector<512xf32> to vector<512x1xf32>
    %convert_element_type3A_53 = arith.truncf %broadcast_in_dim3A_52 : vector<512x1xf32> to vector<512x1xbf16>
    %convert_element_type3A_54 = arith.truncf %get3A_34 : vector<512x64xf32> to vector<512x64xbf16>
    %dot_general3A_55 = arith.constant dense<0.000000e+00> : vector<512x64xf32>
    %dot_general3A_56 = tpu.matmul %exp3A_48, %convert_element_type3A_54, %dot_general3A_55 {dimension_numbers = #tpu.dot_dimension_numbers<[1], [0], [0], [1], [0, 0, 1, 1], [], []>, transpose_lhs_hint = false} : vector<512x512xbf16>, vector<512x64xbf16>, vector<512x64xf32> -> vector<512x64xf32>
    %convert_element_type3A_57 = arith.extf %convert_element_type3A_53 : vector<512x1xbf16> to vector<512x1xf32>
    %div3A_58 = vector.broadcast %convert_element_type3A_57 : vector<512x1xf32> to vector<512x64xf32>
    %div3A_59 = arith.divf %dot_general3A_56, %div3A_58 : vector<512x64xf32>
    %swap3A_60 = arith.constant 0 : index
    %swap3A_61 = arith.constant 64 : index
    %swap3A_62 = vector.load %arg5[%swap3A_60, %swap3A_61] : memref<512x128xf32, #tpu.memory_space<vmem>>, vector<512x64xf32>
    tpu.vector_store %arg5[%swap3A_60, %swap3A_61], %div3A_59 {strides = array<i32>} : memref<512x128xf32, #tpu.memory_space<vmem>>, vector<512x64xf32>,
    return
  }
  func.func @transform_0(%arg0: i32, %arg1: i32) -> (i32, i32) {
    %c0_i32 = arith.constant 0 : i32
    return %arg0, %arg1 : i32, i32
  }
  func.func @transform_1(%arg0: i32, %arg1: i32) -> (i32, i32) {
    %add3A = arith.constant 8 : i32
    %add3A_0 = arith.addi %add3A, %arg1 : i32
    %c0_i32 = arith.constant 0 : i32
    return %arg0, %add3A_0 : i32, i32
  }
  func.func @transform_2(%arg0: i32, %arg1: i32) -> (i32, i32) {
    %add3A = arith.constant 16 : i32
    %add3A_0 = arith.addi %add3A, %arg1 : i32
    %c0_i32 = arith.constant 0 : i32
    return %arg0, %add3A_0 : i32, i32
  }
  func.func @transform_3(%arg0: i32, %arg1: i32) -> (i32, i32) {
    %c0_i32 = arith.constant 0 : i32
    return %arg0, %arg1 : i32, i32
  }
}

module attributes {stable_mosaic.version = 14 : i64} {
  func.func @_oln_body(%arg0: i32, %arg1: memref<512x1024xf32, #tpu.memory_space<vmem>>, %arg2: memref<512x1024xf32, #tpu.memory_space<vmem>>, %arg3: memref<1024x1024xf32, #tpu.memory_space<vmem>>, %arg4: memref<1x1024xf32, #tpu.memory_space<vmem>>, %arg5: memref<1x1024xf32, #tpu.memory_space<vmem>>, %arg6: memref<1x1024xf32, #tpu.memory_space<vmem>>, %arg7: memref<512x1024xf32, #tpu.memory_space<vmem>>) attributes {dimension_semantics = [#tpu.dimension_semantics<arbitrary>], iteration_bounds = array<i64: 2>, scalar_prefetch = 0 : i64, scratch_operands = 0 : i64, tpu.core_type = #tpu.core_type<tc>, window_params = [{transform_indices = @transform_0, window_bounds = array<i64: 512, 1024>}, {transform_indices = @transform_1, window_bounds = array<i64: 512, 1024>}, {pipeline_mode = #tpu.pipeline_mode<synchronous>, transform_indices = @transform_2, window_bounds = array<i64: 1024, 1024>}, {pipeline_mode = #tpu.pipeline_mode<synchronous>, transform_indices = @transform_3, window_bounds = array<i64: 1, 1024>}, {pipeline_mode = #tpu.pipeline_mode<synchronous>, transform_indices = @transform_4, window_bounds = array<i64: 1, 1024>}, {pipeline_mode = #tpu.pipeline_mode<synchronous>, transform_indices = @transform_5, window_bounds = array<i64: 1, 1024>}, {transform_indices = @transform_6, window_bounds = array<i64: 512, 1024>}]} {
    %get3A = arith.constant 0 : index
    %get3A_0 = arith.constant 0 : index
    %get3A_1 = vector.load %arg2[%get3A, %get3A_0] : memref<512x1024xf32, #tpu.memory_space<vmem>>, vector<512x1024xf32>
    %get3A_2 = arith.constant 0 : index
    %get3A_3 = arith.constant 0 : index
    %get3A_4 = vector.load %arg3[%get3A_2, %get3A_3] : memref<1024x1024xf32, #tpu.memory_space<vmem>>, vector<1024x1024xf32>
    %convert_element_type3A = arith.truncf %get3A_1 : vector<512x1024xf32> to vector<512x1024xbf16>
    %convert_element_type3A_5 = arith.truncf %get3A_4 : vector<1024x1024xf32> to vector<1024x1024xbf16>
    %dot_general3A = arith.constant dense<0.000000e+00> : vector<512x1024xf32>
    %dot_general3A_6 = tpu.matmul %convert_element_type3A, %convert_element_type3A_5, %dot_general3A {dimension_numbers = #tpu.dot_dimension_numbers<[1], [1], [0], [0], [0, 0, 1, 0], [], []>, transpose_lhs_hint = false} : vector<512x1024xbf16>, vector<1024x1024xbf16>, vector<512x1024xf32> -> vector<512x1024xf32>
    %get3A_7 = arith.constant 0 : index
    %get3A_8 = arith.constant 0 : index
    %get3A_9 = vector.load %arg4[%get3A_7, %get3A_8] : memref<1x1024xf32, #tpu.memory_space<vmem>>, vector<1x1024xf32>
    %add3A = vector.broadcast %get3A_9 : vector<1x1024xf32> to vector<512x1024xf32>
    %add3A_10 = arith.addf %dot_general3A_6, %add3A : vector<512x1024xf32>
    %get3A_11 = arith.constant 0 : index
    %get3A_12 = arith.constant 0 : index
    %get3A_13 = vector.load %arg1[%get3A_11, %get3A_12] : memref<512x1024xf32, #tpu.memory_space<vmem>>, vector<512x1024xf32>
    %add3A_14 = arith.addf %get3A_13, %add3A_10 : vector<512x1024xf32>
    %get3A_15 = arith.constant 0 : index
    %get3A_16 = arith.constant 0 : index
    %get3A_17 = vector.load %arg5[%get3A_15, %get3A_16] : memref<1x1024xf32, #tpu.memory_space<vmem>>, vector<1x1024xf32>
    %get3A_18 = arith.constant 0 : index
    %get3A_19 = arith.constant 0 : index
    %get3A_20 = vector.load %arg6[%get3A_18, %get3A_19] : memref<1x1024xf32, #tpu.memory_space<vmem>>, vector<1x1024xf32>
    %reduce_sum3A = arith.constant dense<0.000000e+00> : vector<512xf32>
    %reduce_sum3A_21 = vector.multi_reduction <add>, %add3A_14, %reduce_sum3A [1] : vector<512x1024xf32> to vector<512xf32>
    %broadcast_in_dim3A = vector.shape_cast %reduce_sum3A_21 : vector<512xf32> to vector<512x1xf32>
    %div3A = arith.constant 1.024000e+03 : f32
    %div3A_22 = vector.broadcast %div3A : f32 to vector<512x1xf32>
    %div3A_23 = arith.divf %broadcast_in_dim3A, %div3A_22 : vector<512x1xf32>
    %sub3A = vector.broadcast %div3A_23 : vector<512x1xf32> to vector<512x1024xf32>
    %sub3A_24 = arith.subf %add3A_14, %sub3A : vector<512x1024xf32>
    %integer_pow3A = arith.mulf %sub3A_24, %sub3A_24 : vector<512x1024xf32>
    %reduce_sum3A_25 = arith.constant dense<0.000000e+00> : vector<512xf32>
    %reduce_sum3A_26 = vector.multi_reduction <add>, %integer_pow3A, %reduce_sum3A_25 [1] : vector<512x1024xf32> to vector<512xf32>
    %broadcast_in_dim3A_27 = vector.shape_cast %reduce_sum3A_26 : vector<512xf32> to vector<512x1xf32>
    %div3A_28 = arith.constant 1.024000e+03 : f32
    %div3A_29 = vector.broadcast %div3A_28 : f32 to vector<512x1xf32>
    %div3A_30 = arith.divf %broadcast_in_dim3A_27, %div3A_29 : vector<512x1xf32>
    %sub3A_31 = vector.broadcast %div3A_23 : vector<512x1xf32> to vector<512x1024xf32>
    %sub3A_32 = arith.subf %add3A_14, %sub3A_31 : vector<512x1024xf32>
    %add3A_33 = arith.constant 9.99999974E-6 : f32
    %add3A_34 = vector.broadcast %add3A_33 : f32 to vector<512x1xf32>
    %add3A_35 = arith.addf %div3A_30, %add3A_34 : vector<512x1xf32>
    %sqrt3A = math.sqrt %add3A_35 : vector<512x1xf32>
    %div3A_36 = vector.broadcast %sqrt3A : vector<512x1xf32> to vector<512x1024xf32>
    %div3A_37 = arith.divf %sub3A_32, %div3A_36 : vector<512x1024xf32>
    %mul3A = vector.broadcast %get3A_17 : vector<1x1024xf32> to vector<512x1024xf32>
    %mul3A_38 = arith.mulf %div3A_37, %mul3A : vector<512x1024xf32>
    %add3A_39 = vector.broadcast %get3A_20 : vector<1x1024xf32> to vector<512x1024xf32>
    %add3A_40 = arith.addf %mul3A_38, %add3A_39 : vector<512x1024xf32>
    %swap3A = arith.constant 0 : index
    %swap3A_41 = arith.constant 0 : index
    %swap3A_42 = vector.load %arg7[%swap3A, %swap3A_41] : memref<512x1024xf32, #tpu.memory_space<vmem>>, vector<512x1024xf32>
    tpu.vector_store %arg7[%swap3A, %swap3A_41], %add3A_40 {strides = array<i32>} : memref<512x1024xf32, #tpu.memory_space<vmem>>, vector<512x1024xf32>,
    return
  }
  func.func @transform_0(%arg0: i32) -> (i32, i32) {
    %c0_i32 = arith.constant 0 : i32
    %c0_i32_0 = arith.constant 0 : i32
    return %arg0, %c0_i32 : i32, i32
  }
  func.func @transform_1(%arg0: i32) -> (i32, i32) {
    %c0_i32 = arith.constant 0 : i32
    %c0_i32_0 = arith.constant 0 : i32
    return %arg0, %c0_i32 : i32, i32
  }
  func.func @transform_2(%arg0: i32) -> (i32, i32) {
    %c0_i32 = arith.constant 0 : i32
    %c0_i32_0 = arith.constant 0 : i32
    %c0_i32_1 = arith.constant 0 : i32
    return %c0_i32, %c0_i32_0 : i32, i32
  }
  func.func @transform_3(%arg0: i32) -> (i32, i32) {
    %c0_i32 = arith.constant 0 : i32
    %c0_i32_0 = arith.constant 0 : i32
    %c0_i32_1 = arith.constant 0 : i32
    return %c0_i32, %c0_i32_0 : i32, i32
  }
  func.func @transform_4(%arg0: i32) -> (i32, i32) {
    %c0_i32 = arith.constant 0 : i32
    %c0_i32_0 = arith.constant 0 : i32
    %c0_i32_1 = arith.constant 0 : i32
    return %c0_i32, %c0_i32_0 : i32, i32
  }
  func.func @transform_5(%arg0: i32) -> (i32, i32) {
    %c0_i32 = arith.constant 0 : i32
    %c0_i32_0 = arith.constant 0 : i32
    %c0_i32_1 = arith.constant 0 : i32
    return %c0_i32, %c0_i32_0 : i32, i32
  }
  func.func @transform_6(%arg0: i32) -> (i32, i32) {
    %c0_i32 = arith.constant 0 : i32
    %c0_i32_0 = arith.constant 0 : i32
    return %arg0, %c0_i32 : i32, i32
  }
}

module attributes {stable_mosaic.version = 14 : i64} {
  func.func @_sims_body(%arg0: i32, %arg1: memref<1024x1024xf32, #tpu.memory_space<vmem>>, %arg2: memref<2048x1024xf32, #tpu.memory_space<vmem>>, %arg3: memref<128x16x8x128xf32, #tpu.memory_space<vmem>>, %arg4: memref<1x1024x16xf32, #tpu.memory_space<vmem>>) attributes {dimension_semantics = [#tpu.dimension_semantics<arbitrary>], iteration_bounds = array<i64: 32>, scalar_prefetch = 0 : i64, scratch_operands = 0 : i64, tpu.core_type = #tpu.core_type<tc>, window_params = [{pipeline_mode = #tpu.pipeline_mode<synchronous>, transform_indices = @transform_0, window_bounds = array<i64: 1024, 1024>}, {transform_indices = @transform_1, window_bounds = array<i64: 2048, 1024>}, {transform_indices = @transform_2, window_bounds = array<i64: 128, 16, 8, 128>}, {transform_indices = @transform_3, window_bounds = array<i64: 1, 1024, 16>}]} {
    %get3A = arith.constant 0 : index
    %get3A_0 = arith.constant 0 : index
    %get3A_1 = vector.load %arg2[%get3A, %get3A_0] : memref<2048x1024xf32, #tpu.memory_space<vmem>>, vector<2048x1024xf32>
    %mul3A = arith.mulf %get3A_1, %get3A_1 : vector<2048x1024xf32>
    %reduce_sum3A = arith.constant dense<0.000000e+00> : vector<2048xf32>
    %reduce_sum3A_2 = vector.multi_reduction <add>, %mul3A, %reduce_sum3A [1] : vector<2048x1024xf32> to vector<2048xf32>
    %broadcast_in_dim3A = vector.shape_cast %reduce_sum3A_2 : vector<2048xf32> to vector<2048x1xf32>
    %max3A = arith.constant 1.000000e-24 : f32
    %max3A_3 = vector.broadcast %max3A : f32 to vector<2048x1xf32>
    %max3A_4 = arith.maximumf %broadcast_in_dim3A, %max3A_3 : vector<2048x1xf32>
    %rsqrt3A = math.rsqrt %max3A_4 : vector<2048x1xf32>
    %mul3A_5 = vector.broadcast %rsqrt3A : vector<2048x1xf32> to vector<2048x1024xf32>
    %mul3A_6 = arith.mulf %get3A_1, %mul3A_5 : vector<2048x1024xf32>
    %get3A_7 = arith.constant 0 : index
    %get3A_8 = arith.constant 0 : index
    %get3A_9 = vector.load %arg1[%get3A_7, %get3A_8] : memref<1024x1024xf32, #tpu.memory_space<vmem>>, vector<1024x1024xf32>
    %convert_element_type3A = arith.truncf %get3A_9 : vector<1024x1024xf32> to vector<1024x1024xbf16>
    %convert_element_type3A_10 = arith.truncf %mul3A_6 : vector<2048x1024xf32> to vector<2048x1024xbf16>
    %dot_general3A = arith.constant dense<0.000000e+00> : vector<1024x2048xf32>
    %dot_general3A_11 = tpu.matmul %convert_element_type3A, %convert_element_type3A_10, %dot_general3A {dimension_numbers = #tpu.dot_dimension_numbers<[1], [1], [0], [0], [0, 0, 1, 0], [], []>, transpose_lhs_hint = false} : vector<1024x1024xbf16>, vector<2048x1024xbf16>, vector<1024x2048xf32> -> vector<1024x2048xf32>
    %slice3A = vector.extract_strided_slice %dot_general3A_11 {offsets = [0, 0], sizes = [1024, 128], strides = [1, 1]} : vector<1024x2048xf32> to vector<1024x128xf32>
    %reshape3A = vector.shape_cast %slice3A : vector<1024x128xf32> to vector<128x8x128xf32>
    %swap3A = arith.constant 0 : index
    %swap3A_12 = arith.constant 0 : index
    %swap3A_13 = arith.constant 0 : index
    %swap3A_14 = arith.constant 0 : index
    %swap3A_15 = vector.load %arg3[%swap3A, %swap3A_12, %swap3A_13, %swap3A_14] : memref<128x16x8x128xf32, #tpu.memory_space<vmem>>, vector<128x1x8x128xf32>
    %swap3A_16 = vector.shape_cast %swap3A_15 : vector<128x1x8x128xf32> to vector<128x8x128xf32>
    %swap3A_17 = vector.shape_cast %reshape3A : vector<128x8x128xf32> to vector<128x1x8x128xf32>
    tpu.vector_store %arg3[%swap3A, %swap3A_12, %swap3A_13, %swap3A_14], %swap3A_17 {strides = array<i32>} : memref<128x16x8x128xf32, #tpu.memory_space<vmem>>, vector<128x1x8x128xf32>,
    %slice3A_18 = vector.extract_strided_slice %dot_general3A_11 {offsets = [0, 128], sizes = [1024, 128], strides = [1, 1]} : vector<1024x2048xf32> to vector<1024x128xf32>
    %reshape3A_19 = vector.shape_cast %slice3A_18 : vector<1024x128xf32> to vector<128x8x128xf32>
    %swap3A_20 = arith.constant 0 : index
    %swap3A_21 = arith.constant 1 : index
    %swap3A_22 = arith.constant 0 : index
    %swap3A_23 = arith.constant 0 : index
    %swap3A_24 = vector.load %arg3[%swap3A_20, %swap3A_21, %swap3A_22, %swap3A_23] : memref<128x16x8x128xf32, #tpu.memory_space<vmem>>, vector<128x1x8x128xf32>
    %swap3A_25 = vector.shape_cast %swap3A_24 : vector<128x1x8x128xf32> to vector<128x8x128xf32>
    %swap3A_26 = vector.shape_cast %reshape3A_19 : vector<128x8x128xf32> to vector<128x1x8x128xf32>
    tpu.vector_store %arg3[%swap3A_20, %swap3A_21, %swap3A_22, %swap3A_23], %swap3A_26 {strides = array<i32>} : memref<128x16x8x128xf32, #tpu.memory_space<vmem>>, vector<128x1x8x128xf32>,
    %slice3A_27 = vector.extract_strided_slice %dot_general3A_11 {offsets = [0, 256], sizes = [1024, 128], strides = [1, 1]} : vector<1024x2048xf32> to vector<1024x128xf32>
    %reshape3A_28 = vector.shape_cast %slice3A_27 : vector<1024x128xf32> to vector<128x8x128xf32>
    %swap3A_29 = arith.constant 0 : index
    %swap3A_30 = arith.constant 2 : index
    %swap3A_31 = arith.constant 0 : index
    %swap3A_32 = arith.constant 0 : index
    %swap3A_33 = vector.load %arg3[%swap3A_29, %swap3A_30, %swap3A_31, %swap3A_32] : memref<128x16x8x128xf32, #tpu.memory_space<vmem>>, vector<128x1x8x128xf32>
    %swap3A_34 = vector.shape_cast %swap3A_33 : vector<128x1x8x128xf32> to vector<128x8x128xf32>
    %swap3A_35 = vector.shape_cast %reshape3A_28 : vector<128x8x128xf32> to vector<128x1x8x128xf32>
    tpu.vector_store %arg3[%swap3A_29, %swap3A_30, %swap3A_31, %swap3A_32], %swap3A_35 {strides = array<i32>} : memref<128x16x8x128xf32, #tpu.memory_space<vmem>>, vector<128x1x8x128xf32>,
    %slice3A_36 = vector.extract_strided_slice %dot_general3A_11 {offsets = [0, 384], sizes = [1024, 128], strides = [1, 1]} : vector<1024x2048xf32> to vector<1024x128xf32>
    %reshape3A_37 = vector.shape_cast %slice3A_36 : vector<1024x128xf32> to vector<128x8x128xf32>
    %swap3A_38 = arith.constant 0 : index
    %swap3A_39 = arith.constant 3 : index
    %swap3A_40 = arith.constant 0 : index
    %swap3A_41 = arith.constant 0 : index
    %swap3A_42 = vector.load %arg3[%swap3A_38, %swap3A_39, %swap3A_40, %swap3A_41] : memref<128x16x8x128xf32, #tpu.memory_space<vmem>>, vector<128x1x8x128xf32>
    %swap3A_43 = vector.shape_cast %swap3A_42 : vector<128x1x8x128xf32> to vector<128x8x128xf32>
    %swap3A_44 = vector.shape_cast %reshape3A_37 : vector<128x8x128xf32> to vector<128x1x8x128xf32>
    tpu.vector_store %arg3[%swap3A_38, %swap3A_39, %swap3A_40, %swap3A_41], %swap3A_44 {strides = array<i32>} : memref<128x16x8x128xf32, #tpu.memory_space<vmem>>, vector<128x1x8x128xf32>,
    %slice3A_45 = vector.extract_strided_slice %dot_general3A_11 {offsets = [0, 512], sizes = [1024, 128], strides = [1, 1]} : vector<1024x2048xf32> to vector<1024x128xf32>
    %reshape3A_46 = vector.shape_cast %slice3A_45 : vector<1024x128xf32> to vector<128x8x128xf32>
    %swap3A_47 = arith.constant 0 : index
    %swap3A_48 = arith.constant 4 : index
    %swap3A_49 = arith.constant 0 : index
    %swap3A_50 = arith.constant 0 : index
    %swap3A_51 = vector.load %arg3[%swap3A_47, %swap3A_48, %swap3A_49, %swap3A_50] : memref<128x16x8x128xf32, #tpu.memory_space<vmem>>, vector<128x1x8x128xf32>
    %swap3A_52 = vector.shape_cast %swap3A_51 : vector<128x1x8x128xf32> to vector<128x8x128xf32>
    %swap3A_53 = vector.shape_cast %reshape3A_46 : vector<128x8x128xf32> to vector<128x1x8x128xf32>
    tpu.vector_store %arg3[%swap3A_47, %swap3A_48, %swap3A_49, %swap3A_50], %swap3A_53 {strides = array<i32>} : memref<128x16x8x128xf32, #tpu.memory_space<vmem>>, vector<128x1x8x128xf32>,
    %slice3A_54 = vector.extract_strided_slice %dot_general3A_11 {offsets = [0, 640], sizes = [1024, 128], strides = [1, 1]} : vector<1024x2048xf32> to vector<1024x128xf32>
    %reshape3A_55 = vector.shape_cast %slice3A_54 : vector<1024x128xf32> to vector<128x8x128xf32>
    %swap3A_56 = arith.constant 0 : index
    %swap3A_57 = arith.constant 5 : index
    %swap3A_58 = arith.constant 0 : index
    %swap3A_59 = arith.constant 0 : index
    %swap3A_60 = vector.load %arg3[%swap3A_56, %swap3A_57, %swap3A_58, %swap3A_59] : memref<128x16x8x128xf32, #tpu.memory_space<vmem>>, vector<128x1x8x128xf32>
    %swap3A_61 = vector.shape_cast %swap3A_60 : vector<128x1x8x128xf32> to vector<128x8x128xf32>
    %swap3A_62 = vector.shape_cast %reshape3A_55 : vector<128x8x128xf32> to vector<128x1x8x128xf32>
    tpu.vector_store %arg3[%swap3A_56, %swap3A_57, %swap3A_58, %swap3A_59], %swap3A_62 {strides = array<i32>} : memref<128x16x8x128xf32, #tpu.memory_space<vmem>>, vector<128x1x8x128xf32>,
    %slice3A_63 = vector.extract_strided_slice %dot_general3A_11 {offsets = [0, 768], sizes = [1024, 128], strides = [1, 1]} : vector<1024x2048xf32> to vector<1024x128xf32>
    %reshape3A_64 = vector.shape_cast %slice3A_63 : vector<1024x128xf32> to vector<128x8x128xf32>
    %swap3A_65 = arith.constant 0 : index
    %swap3A_66 = arith.constant 6 : index
    %swap3A_67 = arith.constant 0 : index
    %swap3A_68 = arith.constant 0 : index
    %swap3A_69 = vector.load %arg3[%swap3A_65, %swap3A_66, %swap3A_67, %swap3A_68] : memref<128x16x8x128xf32, #tpu.memory_space<vmem>>, vector<128x1x8x128xf32>
    %swap3A_70 = vector.shape_cast %swap3A_69 : vector<128x1x8x128xf32> to vector<128x8x128xf32>
    %swap3A_71 = vector.shape_cast %reshape3A_64 : vector<128x8x128xf32> to vector<128x1x8x128xf32>
    tpu.vector_store %arg3[%swap3A_65, %swap3A_66, %swap3A_67, %swap3A_68], %swap3A_71 {strides = array<i32>} : memref<128x16x8x128xf32, #tpu.memory_space<vmem>>, vector<128x1x8x128xf32>,
    %slice3A_72 = vector.extract_strided_slice %dot_general3A_11 {offsets = [0, 896], sizes = [1024, 128], strides = [1, 1]} : vector<1024x2048xf32> to vector<1024x128xf32>
    %reshape3A_73 = vector.shape_cast %slice3A_72 : vector<1024x128xf32> to vector<128x8x128xf32>
    %swap3A_74 = arith.constant 0 : index
    %swap3A_75 = arith.constant 7 : index
    %swap3A_76 = arith.constant 0 : index
    %swap3A_77 = arith.constant 0 : index
    %swap3A_78 = vector.load %arg3[%swap3A_74, %swap3A_75, %swap3A_76, %swap3A_77] : memref<128x16x8x128xf32, #tpu.memory_space<vmem>>, vector<128x1x8x128xf32>
    %swap3A_79 = vector.shape_cast %swap3A_78 : vector<128x1x8x128xf32> to vector<128x8x128xf32>
    %swap3A_80 = vector.shape_cast %reshape3A_73 : vector<128x8x128xf32> to vector<128x1x8x128xf32>
    tpu.vector_store %arg3[%swap3A_74, %swap3A_75, %swap3A_76, %swap3A_77], %swap3A_80 {strides = array<i32>} : memref<128x16x8x128xf32, #tpu.memory_space<vmem>>, vector<128x1x8x128xf32>,
    %slice3A_81 = vector.extract_strided_slice %dot_general3A_11 {offsets = [0, 1024], sizes = [1024, 128], strides = [1, 1]} : vector<1024x2048xf32> to vector<1024x128xf32>
    %reshape3A_82 = vector.shape_cast %slice3A_81 : vector<1024x128xf32> to vector<128x8x128xf32>
    %swap3A_83 = arith.constant 0 : index
    %swap3A_84 = arith.constant 8 : index
    %swap3A_85 = arith.constant 0 : index
    %swap3A_86 = arith.constant 0 : index
    %swap3A_87 = vector.load %arg3[%swap3A_83, %swap3A_84, %swap3A_85, %swap3A_86] : memref<128x16x8x128xf32, #tpu.memory_space<vmem>>, vector<128x1x8x128xf32>
    %swap3A_88 = vector.shape_cast %swap3A_87 : vector<128x1x8x128xf32> to vector<128x8x128xf32>
    %swap3A_89 = vector.shape_cast %reshape3A_82 : vector<128x8x128xf32> to vector<128x1x8x128xf32>
    tpu.vector_store %arg3[%swap3A_83, %swap3A_84, %swap3A_85, %swap3A_86], %swap3A_89 {strides = array<i32>} : memref<128x16x8x128xf32, #tpu.memory_space<vmem>>, vector<128x1x8x128xf32>,
    %slice3A_90 = vector.extract_strided_slice %dot_general3A_11 {offsets = [0, 1152], sizes = [1024, 128], strides = [1, 1]} : vector<1024x2048xf32> to vector<1024x128xf32>
    %reshape3A_91 = vector.shape_cast %slice3A_90 : vector<1024x128xf32> to vector<128x8x128xf32>
    %swap3A_92 = arith.constant 0 : index
    %swap3A_93 = arith.constant 9 : index
    %swap3A_94 = arith.constant 0 : index
    %swap3A_95 = arith.constant 0 : index
    %swap3A_96 = vector.load %arg3[%swap3A_92, %swap3A_93, %swap3A_94, %swap3A_95] : memref<128x16x8x128xf32, #tpu.memory_space<vmem>>, vector<128x1x8x128xf32>
    %swap3A_97 = vector.shape_cast %swap3A_96 : vector<128x1x8x128xf32> to vector<128x8x128xf32>
    %swap3A_98 = vector.shape_cast %reshape3A_91 : vector<128x8x128xf32> to vector<128x1x8x128xf32>
    tpu.vector_store %arg3[%swap3A_92, %swap3A_93, %swap3A_94, %swap3A_95], %swap3A_98 {strides = array<i32>} : memref<128x16x8x128xf32, #tpu.memory_space<vmem>>, vector<128x1x8x128xf32>,
    %slice3A_99 = vector.extract_strided_slice %dot_general3A_11 {offsets = [0, 1280], sizes = [1024, 128], strides = [1, 1]} : vector<1024x2048xf32> to vector<1024x128xf32>
    %reshape3A_100 = vector.shape_cast %slice3A_99 : vector<1024x128xf32> to vector<128x8x128xf32>
    %swap3A_101 = arith.constant 0 : index
    %swap3A_102 = arith.constant 10 : index
    %swap3A_103 = arith.constant 0 : index
    %swap3A_104 = arith.constant 0 : index
    %swap3A_105 = vector.load %arg3[%swap3A_101, %swap3A_102, %swap3A_103, %swap3A_104] : memref<128x16x8x128xf32, #tpu.memory_space<vmem>>, vector<128x1x8x128xf32>
    %swap3A_106 = vector.shape_cast %swap3A_105 : vector<128x1x8x128xf32> to vector<128x8x128xf32>
    %swap3A_107 = vector.shape_cast %reshape3A_100 : vector<128x8x128xf32> to vector<128x1x8x128xf32>
    tpu.vector_store %arg3[%swap3A_101, %swap3A_102, %swap3A_103, %swap3A_104], %swap3A_107 {strides = array<i32>} : memref<128x16x8x128xf32, #tpu.memory_space<vmem>>, vector<128x1x8x128xf32>,
    %slice3A_108 = vector.extract_strided_slice %dot_general3A_11 {offsets = [0, 1408], sizes = [1024, 128], strides = [1, 1]} : vector<1024x2048xf32> to vector<1024x128xf32>
    %reshape3A_109 = vector.shape_cast %slice3A_108 : vector<1024x128xf32> to vector<128x8x128xf32>
    %swap3A_110 = arith.constant 0 : index
    %swap3A_111 = arith.constant 11 : index
    %swap3A_112 = arith.constant 0 : index
    %swap3A_113 = arith.constant 0 : index
    %swap3A_114 = vector.load %arg3[%swap3A_110, %swap3A_111, %swap3A_112, %swap3A_113] : memref<128x16x8x128xf32, #tpu.memory_space<vmem>>, vector<128x1x8x128xf32>
    %swap3A_115 = vector.shape_cast %swap3A_114 : vector<128x1x8x128xf32> to vector<128x8x128xf32>
    %swap3A_116 = vector.shape_cast %reshape3A_109 : vector<128x8x128xf32> to vector<128x1x8x128xf32>
    tpu.vector_store %arg3[%swap3A_110, %swap3A_111, %swap3A_112, %swap3A_113], %swap3A_116 {strides = array<i32>} : memref<128x16x8x128xf32, #tpu.memory_space<vmem>>, vector<128x1x8x128xf32>,
    %slice3A_117 = vector.extract_strided_slice %dot_general3A_11 {offsets = [0, 1536], sizes = [1024, 128], strides = [1, 1]} : vector<1024x2048xf32> to vector<1024x128xf32>
    %reshape3A_118 = vector.shape_cast %slice3A_117 : vector<1024x128xf32> to vector<128x8x128xf32>
    %swap3A_119 = arith.constant 0 : index
    %swap3A_120 = arith.constant 12 : index
    %swap3A_121 = arith.constant 0 : index
    %swap3A_122 = arith.constant 0 : index
    %swap3A_123 = vector.load %arg3[%swap3A_119, %swap3A_120, %swap3A_121, %swap3A_122] : memref<128x16x8x128xf32, #tpu.memory_space<vmem>>, vector<128x1x8x128xf32>
    %swap3A_124 = vector.shape_cast %swap3A_123 : vector<128x1x8x128xf32> to vector<128x8x128xf32>
    %swap3A_125 = vector.shape_cast %reshape3A_118 : vector<128x8x128xf32> to vector<128x1x8x128xf32>
    tpu.vector_store %arg3[%swap3A_119, %swap3A_120, %swap3A_121, %swap3A_122], %swap3A_125 {strides = array<i32>} : memref<128x16x8x128xf32, #tpu.memory_space<vmem>>, vector<128x1x8x128xf32>,
    %slice3A_126 = vector.extract_strided_slice %dot_general3A_11 {offsets = [0, 1664], sizes = [1024, 128], strides = [1, 1]} : vector<1024x2048xf32> to vector<1024x128xf32>
    %reshape3A_127 = vector.shape_cast %slice3A_126 : vector<1024x128xf32> to vector<128x8x128xf32>
    %swap3A_128 = arith.constant 0 : index
    %swap3A_129 = arith.constant 13 : index
    %swap3A_130 = arith.constant 0 : index
    %swap3A_131 = arith.constant 0 : index
    %swap3A_132 = vector.load %arg3[%swap3A_128, %swap3A_129, %swap3A_130, %swap3A_131] : memref<128x16x8x128xf32, #tpu.memory_space<vmem>>, vector<128x1x8x128xf32>
    %swap3A_133 = vector.shape_cast %swap3A_132 : vector<128x1x8x128xf32> to vector<128x8x128xf32>
    %swap3A_134 = vector.shape_cast %reshape3A_127 : vector<128x8x128xf32> to vector<128x1x8x128xf32>
    tpu.vector_store %arg3[%swap3A_128, %swap3A_129, %swap3A_130, %swap3A_131], %swap3A_134 {strides = array<i32>} : memref<128x16x8x128xf32, #tpu.memory_space<vmem>>, vector<128x1x8x128xf32>,
    %slice3A_135 = vector.extract_strided_slice %dot_general3A_11 {offsets = [0, 1792], sizes = [1024, 128], strides = [1, 1]} : vector<1024x2048xf32> to vector<1024x128xf32>
    %reshape3A_136 = vector.shape_cast %slice3A_135 : vector<1024x128xf32> to vector<128x8x128xf32>
    %swap3A_137 = arith.constant 0 : index
    %swap3A_138 = arith.constant 14 : index
    %swap3A_139 = arith.constant 0 : index
    %swap3A_140 = arith.constant 0 : index
    %swap3A_141 = vector.load %arg3[%swap3A_137, %swap3A_138, %swap3A_139, %swap3A_140] : memref<128x16x8x128xf32, #tpu.memory_space<vmem>>, vector<128x1x8x128xf32>
    %swap3A_142 = vector.shape_cast %swap3A_141 : vector<128x1x8x128xf32> to vector<128x8x128xf32>
    %swap3A_143 = vector.shape_cast %reshape3A_136 : vector<128x8x128xf32> to vector<128x1x8x128xf32>
    tpu.vector_store %arg3[%swap3A_137, %swap3A_138, %swap3A_139, %swap3A_140], %swap3A_143 {strides = array<i32>} : memref<128x16x8x128xf32, #tpu.memory_space<vmem>>, vector<128x1x8x128xf32>,
    %slice3A_144 = vector.extract_strided_slice %dot_general3A_11 {offsets = [0, 1920], sizes = [1024, 128], strides = [1, 1]} : vector<1024x2048xf32> to vector<1024x128xf32>
    %reshape3A_145 = vector.shape_cast %slice3A_144 : vector<1024x128xf32> to vector<128x8x128xf32>
    %swap3A_146 = arith.constant 0 : index
    %swap3A_147 = arith.constant 15 : index
    %swap3A_148 = arith.constant 0 : index
    %swap3A_149 = arith.constant 0 : index
    %swap3A_150 = vector.load %arg3[%swap3A_146, %swap3A_147, %swap3A_148, %swap3A_149] : memref<128x16x8x128xf32, #tpu.memory_space<vmem>>, vector<128x1x8x128xf32>
    %swap3A_151 = vector.shape_cast %swap3A_150 : vector<128x1x8x128xf32> to vector<128x8x128xf32>
    %swap3A_152 = vector.shape_cast %reshape3A_145 : vector<128x8x128xf32> to vector<128x1x8x128xf32>
    tpu.vector_store %arg3[%swap3A_146, %swap3A_147, %swap3A_148, %swap3A_149], %swap3A_152 {strides = array<i32>} : memref<128x16x8x128xf32, #tpu.memory_space<vmem>>, vector<128x1x8x128xf32>,
    %slice3A_153 = vector.extract_strided_slice %dot_general3A_11 {offsets = [0, 0], sizes = [1024, 128], strides = [1, 1]} : vector<1024x2048xf32> to vector<1024x128xf32>
    %reduce_max3A = arith.constant dense<0xFF800000> : vector<1024xf32>
    %reduce_max3A_154 = vector.multi_reduction <maximumf>, %slice3A_153, %reduce_max3A [1] : vector<1024x128xf32> to vector<1024xf32>
    %broadcast_in_dim3A_155 = vector.shape_cast %reduce_max3A_154 : vector<1024xf32> to vector<1024x1xf32>
    %slice3A_156 = vector.extract_strided_slice %dot_general3A_11 {offsets = [0, 128], sizes = [1024, 128], strides = [1, 1]} : vector<1024x2048xf32> to vector<1024x128xf32>
    %reduce_max3A_157 = arith.constant dense<0xFF800000> : vector<1024xf32>
    %reduce_max3A_158 = vector.multi_reduction <maximumf>, %slice3A_156, %reduce_max3A_157 [1] : vector<1024x128xf32> to vector<1024xf32>
    %broadcast_in_dim3A_159 = vector.shape_cast %reduce_max3A_158 : vector<1024xf32> to vector<1024x1xf32>
    %slice3A_160 = vector.extract_strided_slice %dot_general3A_11 {offsets = [0, 256], sizes = [1024, 128], strides = [1, 1]} : vector<1024x2048xf32> to vector<1024x128xf32>
    %reduce_max3A_161 = arith.constant dense<0xFF800000> : vector<1024xf32>
    %reduce_max3A_162 = vector.multi_reduction <maximumf>, %slice3A_160, %reduce_max3A_161 [1] : vector<1024x128xf32> to vector<1024xf32>
    %broadcast_in_dim3A_163 = vector.shape_cast %reduce_max3A_162 : vector<1024xf32> to vector<1024x1xf32>
    %slice3A_164 = vector.extract_strided_slice %dot_general3A_11 {offsets = [0, 384], sizes = [1024, 128], strides = [1, 1]} : vector<1024x2048xf32> to vector<1024x128xf32>
    %reduce_max3A_165 = arith.constant dense<0xFF800000> : vector<1024xf32>
    %reduce_max3A_166 = vector.multi_reduction <maximumf>, %slice3A_164, %reduce_max3A_165 [1] : vector<1024x128xf32> to vector<1024xf32>
    %broadcast_in_dim3A_167 = vector.shape_cast %reduce_max3A_166 : vector<1024xf32> to vector<1024x1xf32>
    %slice3A_168 = vector.extract_strided_slice %dot_general3A_11 {offsets = [0, 512], sizes = [1024, 128], strides = [1, 1]} : vector<1024x2048xf32> to vector<1024x128xf32>
    %reduce_max3A_169 = arith.constant dense<0xFF800000> : vector<1024xf32>
    %reduce_max3A_170 = vector.multi_reduction <maximumf>, %slice3A_168, %reduce_max3A_169 [1] : vector<1024x128xf32> to vector<1024xf32>
    %broadcast_in_dim3A_171 = vector.shape_cast %reduce_max3A_170 : vector<1024xf32> to vector<1024x1xf32>
    %slice3A_172 = vector.extract_strided_slice %dot_general3A_11 {offsets = [0, 640], sizes = [1024, 128], strides = [1, 1]} : vector<1024x2048xf32> to vector<1024x128xf32>
    %reduce_max3A_173 = arith.constant dense<0xFF800000> : vector<1024xf32>
    %reduce_max3A_174 = vector.multi_reduction <maximumf>, %slice3A_172, %reduce_max3A_173 [1] : vector<1024x128xf32> to vector<1024xf32>
    %broadcast_in_dim3A_175 = vector.shape_cast %reduce_max3A_174 : vector<1024xf32> to vector<1024x1xf32>
    %slice3A_176 = vector.extract_strided_slice %dot_general3A_11 {offsets = [0, 768], sizes = [1024, 128], strides = [1, 1]} : vector<1024x2048xf32> to vector<1024x128xf32>
    %reduce_max3A_177 = arith.constant dense<0xFF800000> : vector<1024xf32>
    %reduce_max3A_178 = vector.multi_reduction <maximumf>, %slice3A_176, %reduce_max3A_177 [1] : vector<1024x128xf32> to vector<1024xf32>
    %broadcast_in_dim3A_179 = vector.shape_cast %reduce_max3A_178 : vector<1024xf32> to vector<1024x1xf32>
    %slice3A_180 = vector.extract_strided_slice %dot_general3A_11 {offsets = [0, 896], sizes = [1024, 128], strides = [1, 1]} : vector<1024x2048xf32> to vector<1024x128xf32>
    %reduce_max3A_181 = arith.constant dense<0xFF800000> : vector<1024xf32>
    %reduce_max3A_182 = vector.multi_reduction <maximumf>, %slice3A_180, %reduce_max3A_181 [1] : vector<1024x128xf32> to vector<1024xf32>
    %broadcast_in_dim3A_183 = vector.shape_cast %reduce_max3A_182 : vector<1024xf32> to vector<1024x1xf32>
    %slice3A_184 = vector.extract_strided_slice %dot_general3A_11 {offsets = [0, 1024], sizes = [1024, 128], strides = [1, 1]} : vector<1024x2048xf32> to vector<1024x128xf32>
    %reduce_max3A_185 = arith.constant dense<0xFF800000> : vector<1024xf32>
    %reduce_max3A_186 = vector.multi_reduction <maximumf>, %slice3A_184, %reduce_max3A_185 [1] : vector<1024x128xf32> to vector<1024xf32>
    %broadcast_in_dim3A_187 = vector.shape_cast %reduce_max3A_186 : vector<1024xf32> to vector<1024x1xf32>
    %slice3A_188 = vector.extract_strided_slice %dot_general3A_11 {offsets = [0, 1152], sizes = [1024, 128], strides = [1, 1]} : vector<1024x2048xf32> to vector<1024x128xf32>
    %reduce_max3A_189 = arith.constant dense<0xFF800000> : vector<1024xf32>
    %reduce_max3A_190 = vector.multi_reduction <maximumf>, %slice3A_188, %reduce_max3A_189 [1] : vector<1024x128xf32> to vector<1024xf32>
    %broadcast_in_dim3A_191 = vector.shape_cast %reduce_max3A_190 : vector<1024xf32> to vector<1024x1xf32>
    %slice3A_192 = vector.extract_strided_slice %dot_general3A_11 {offsets = [0, 1280], sizes = [1024, 128], strides = [1, 1]} : vector<1024x2048xf32> to vector<1024x128xf32>
    %reduce_max3A_193 = arith.constant dense<0xFF800000> : vector<1024xf32>
    %reduce_max3A_194 = vector.multi_reduction <maximumf>, %slice3A_192, %reduce_max3A_193 [1] : vector<1024x128xf32> to vector<1024xf32>
    %broadcast_in_dim3A_195 = vector.shape_cast %reduce_max3A_194 : vector<1024xf32> to vector<1024x1xf32>
    %slice3A_196 = vector.extract_strided_slice %dot_general3A_11 {offsets = [0, 1408], sizes = [1024, 128], strides = [1, 1]} : vector<1024x2048xf32> to vector<1024x128xf32>
    %reduce_max3A_197 = arith.constant dense<0xFF800000> : vector<1024xf32>
    %reduce_max3A_198 = vector.multi_reduction <maximumf>, %slice3A_196, %reduce_max3A_197 [1] : vector<1024x128xf32> to vector<1024xf32>
    %broadcast_in_dim3A_199 = vector.shape_cast %reduce_max3A_198 : vector<1024xf32> to vector<1024x1xf32>
    %slice3A_200 = vector.extract_strided_slice %dot_general3A_11 {offsets = [0, 1536], sizes = [1024, 128], strides = [1, 1]} : vector<1024x2048xf32> to vector<1024x128xf32>
    %reduce_max3A_201 = arith.constant dense<0xFF800000> : vector<1024xf32>
    %reduce_max3A_202 = vector.multi_reduction <maximumf>, %slice3A_200, %reduce_max3A_201 [1] : vector<1024x128xf32> to vector<1024xf32>
    %broadcast_in_dim3A_203 = vector.shape_cast %reduce_max3A_202 : vector<1024xf32> to vector<1024x1xf32>
    %slice3A_204 = vector.extract_strided_slice %dot_general3A_11 {offsets = [0, 1664], sizes = [1024, 128], strides = [1, 1]} : vector<1024x2048xf32> to vector<1024x128xf32>
    %reduce_max3A_205 = arith.constant dense<0xFF800000> : vector<1024xf32>
    %reduce_max3A_206 = vector.multi_reduction <maximumf>, %slice3A_204, %reduce_max3A_205 [1] : vector<1024x128xf32> to vector<1024xf32>
    %broadcast_in_dim3A_207 = vector.shape_cast %reduce_max3A_206 : vector<1024xf32> to vector<1024x1xf32>
    %slice3A_208 = vector.extract_strided_slice %dot_general3A_11 {offsets = [0, 1792], sizes = [1024, 128], strides = [1, 1]} : vector<1024x2048xf32> to vector<1024x128xf32>
    %reduce_max3A_209 = arith.constant dense<0xFF800000> : vector<1024xf32>
    %reduce_max3A_210 = vector.multi_reduction <maximumf>, %slice3A_208, %reduce_max3A_209 [1] : vector<1024x128xf32> to vector<1024xf32>
    %broadcast_in_dim3A_211 = vector.shape_cast %reduce_max3A_210 : vector<1024xf32> to vector<1024x1xf32>
    %slice3A_212 = vector.extract_strided_slice %dot_general3A_11 {offsets = [0, 1920], sizes = [1024, 128], strides = [1, 1]} : vector<1024x2048xf32> to vector<1024x128xf32>
    %reduce_max3A_213 = arith.constant dense<0xFF800000> : vector<1024xf32>
    %reduce_max3A_214 = vector.multi_reduction <maximumf>, %slice3A_212, %reduce_max3A_213 [1] : vector<1024x128xf32> to vector<1024xf32>
    %broadcast_in_dim3A_215 = vector.shape_cast %reduce_max3A_214 : vector<1024xf32> to vector<1024x1xf32>
    %concatenate3A = tpu.concatenate %broadcast_in_dim3A_155, %broadcast_in_dim3A_159, %broadcast_in_dim3A_163, %broadcast_in_dim3A_167, %broadcast_in_dim3A_171, %broadcast_in_dim3A_175, %broadcast_in_dim3A_179, %broadcast_in_dim3A_183, %broadcast_in_dim3A_187, %broadcast_in_dim3A_191, %broadcast_in_dim3A_195, %broadcast_in_dim3A_199, %broadcast_in_dim3A_203, %broadcast_in_dim3A_207, %broadcast_in_dim3A_211, %broadcast_in_dim3A_215 in 1 : vector<1024x1xf32>, vector<1024x1xf32>, vector<1024x1xf32>, vector<1024x1xf32>, vector<1024x1xf32>, vector<1024x1xf32>, vector<1024x1xf32>, vector<1024x1xf32>, vector<1024x1xf32>, vector<1024x1xf32>, vector<1024x1xf32>, vector<1024x1xf32>, vector<1024x1xf32>, vector<1024x1xf32>, vector<1024x1xf32>, vector<1024x1xf32> -> vector<1024x16xf32>
    %swap3A_216 = arith.constant 0 : index
    %swap3A_217 = arith.constant 0 : index
    %swap3A_218 = arith.constant 0 : index
    %swap3A_219 = vector.load %arg4[%swap3A_216, %swap3A_217, %swap3A_218] : memref<1x1024x16xf32, #tpu.memory_space<vmem>>, vector<1x1024x16xf32>
    %swap3A_220 = vector.shape_cast %swap3A_219 : vector<1x1024x16xf32> to vector<1024x16xf32>
    %swap3A_221 = vector.shape_cast %concatenate3A : vector<1024x16xf32> to vector<1x1024x16xf32>
    tpu.vector_store %arg4[%swap3A_216, %swap3A_217, %swap3A_218], %swap3A_221 {strides = array<i32>} : memref<1x1024x16xf32, #tpu.memory_space<vmem>>, vector<1x1024x16xf32>,
    return
  }
  func.func @transform_0(%arg0: i32) -> (i32, i32) {
    %c0_i32 = arith.constant 0 : i32
    %c0_i32_0 = arith.constant 0 : i32
    %c0_i32_1 = arith.constant 0 : i32
    return %c0_i32, %c0_i32_0 : i32, i32
  }
  func.func @transform_1(%arg0: i32) -> (i32, i32) {
    %c0_i32 = arith.constant 0 : i32
    %c0_i32_0 = arith.constant 0 : i32
    return %arg0, %c0_i32 : i32, i32
  }
  func.func @transform_2(%arg0: i32) -> (i32, i32, i32, i32) {
    %c0_i32 = arith.constant 0 : i32
    %c0_i32_0 = arith.constant 0 : i32
    %c0_i32_1 = arith.constant 0 : i32
    %c0_i32_2 = arith.constant 0 : i32
    return %c0_i32, %arg0, %c0_i32_0, %c0_i32_1 : i32, i32, i32, i32
  }
  func.func @transform_3(%arg0: i32) -> (i32, i32, i32) {
    %c0_i32 = arith.constant 0 : i32
    %c0_i32_0 = arith.constant 0 : i32
    %c0_i32_1 = arith.constant 0 : i32
    return %arg0, %c0_i32, %c0_i32_0 : i32, i32, i32
  }
}

module attributes {stable_mosaic.version = 14 : i64} {
  func.func @_chunk_topk_body(%arg0: i32, %arg1: memref<32x128x16xf32, #tpu.memory_space<vmem>>, %arg2: memref<128x16xi32, #tpu.memory_space<vmem>>) attributes {dimension_semantics = [#tpu.dimension_semantics<arbitrary>], iteration_bounds = array<i64: 8>, scalar_prefetch = 0 : i64, scratch_operands = 0 : i64, tpu.core_type = #tpu.core_type<tc>, window_params = [{transform_indices = @transform_0, window_bounds = array<i64: 32, 128, 16>}, {transform_indices = @transform_1, window_bounds = array<i64: 128, 16>}]} {
    %get3A = arith.constant 0 : index
    %get3A_0 = arith.constant 0 : index
    %get3A_1 = arith.constant 0 : index
    %get3A_2 = vector.load %arg1[%get3A, %get3A_0, %get3A_1] : memref<32x128x16xf32, #tpu.memory_space<vmem>>, vector<1x128x16xf32>
    %get3A_3 = vector.shape_cast %get3A_2 : vector<1x128x16xf32> to vector<128x16xf32>
    %get3A_4 = arith.constant 1 : index
    %get3A_5 = arith.constant 0 : index
    %get3A_6 = arith.constant 0 : index
    %get3A_7 = vector.load %arg1[%get3A_4, %get3A_5, %get3A_6] : memref<32x128x16xf32, #tpu.memory_space<vmem>>, vector<1x128x16xf32>
    %get3A_8 = vector.shape_cast %get3A_7 : vector<1x128x16xf32> to vector<128x16xf32>
    %get3A_9 = arith.constant 2 : index
    %get3A_10 = arith.constant 0 : index
    %get3A_11 = arith.constant 0 : index
    %get3A_12 = vector.load %arg1[%get3A_9, %get3A_10, %get3A_11] : memref<32x128x16xf32, #tpu.memory_space<vmem>>, vector<1x128x16xf32>
    %get3A_13 = vector.shape_cast %get3A_12 : vector<1x128x16xf32> to vector<128x16xf32>
    %get3A_14 = arith.constant 3 : index
    %get3A_15 = arith.constant 0 : index
    %get3A_16 = arith.constant 0 : index
    %get3A_17 = vector.load %arg1[%get3A_14, %get3A_15, %get3A_16] : memref<32x128x16xf32, #tpu.memory_space<vmem>>, vector<1x128x16xf32>
    %get3A_18 = vector.shape_cast %get3A_17 : vector<1x128x16xf32> to vector<128x16xf32>
    %get3A_19 = arith.constant 4 : index
    %get3A_20 = arith.constant 0 : index
    %get3A_21 = arith.constant 0 : index
    %get3A_22 = vector.load %arg1[%get3A_19, %get3A_20, %get3A_21] : memref<32x128x16xf32, #tpu.memory_space<vmem>>, vector<1x128x16xf32>
    %get3A_23 = vector.shape_cast %get3A_22 : vector<1x128x16xf32> to vector<128x16xf32>
    %get3A_24 = arith.constant 5 : index
    %get3A_25 = arith.constant 0 : index
    %get3A_26 = arith.constant 0 : index
    %get3A_27 = vector.load %arg1[%get3A_24, %get3A_25, %get3A_26] : memref<32x128x16xf32, #tpu.memory_space<vmem>>, vector<1x128x16xf32>
    %get3A_28 = vector.shape_cast %get3A_27 : vector<1x128x16xf32> to vector<128x16xf32>
    %get3A_29 = arith.constant 6 : index
    %get3A_30 = arith.constant 0 : index
    %get3A_31 = arith.constant 0 : index
    %get3A_32 = vector.load %arg1[%get3A_29, %get3A_30, %get3A_31] : memref<32x128x16xf32, #tpu.memory_space<vmem>>, vector<1x128x16xf32>
    %get3A_33 = vector.shape_cast %get3A_32 : vector<1x128x16xf32> to vector<128x16xf32>
    %get3A_34 = arith.constant 7 : index
    %get3A_35 = arith.constant 0 : index
    %get3A_36 = arith.constant 0 : index
    %get3A_37 = vector.load %arg1[%get3A_34, %get3A_35, %get3A_36] : memref<32x128x16xf32, #tpu.memory_space<vmem>>, vector<1x128x16xf32>
    %get3A_38 = vector.shape_cast %get3A_37 : vector<1x128x16xf32> to vector<128x16xf32>
    %get3A_39 = arith.constant 8 : index
    %get3A_40 = arith.constant 0 : index
    %get3A_41 = arith.constant 0 : index
    %get3A_42 = vector.load %arg1[%get3A_39, %get3A_40, %get3A_41] : memref<32x128x16xf32, #tpu.memory_space<vmem>>, vector<1x128x16xf32>
    %get3A_43 = vector.shape_cast %get3A_42 : vector<1x128x16xf32> to vector<128x16xf32>
    %get3A_44 = arith.constant 9 : index
    %get3A_45 = arith.constant 0 : index
    %get3A_46 = arith.constant 0 : index
    %get3A_47 = vector.load %arg1[%get3A_44, %get3A_45, %get3A_46] : memref<32x128x16xf32, #tpu.memory_space<vmem>>, vector<1x128x16xf32>
    %get3A_48 = vector.shape_cast %get3A_47 : vector<1x128x16xf32> to vector<128x16xf32>
    %get3A_49 = arith.constant 10 : index
    %get3A_50 = arith.constant 0 : index
    %get3A_51 = arith.constant 0 : index
    %get3A_52 = vector.load %arg1[%get3A_49, %get3A_50, %get3A_51] : memref<32x128x16xf32, #tpu.memory_space<vmem>>, vector<1x128x16xf32>
    %get3A_53 = vector.shape_cast %get3A_52 : vector<1x128x16xf32> to vector<128x16xf32>
    %get3A_54 = arith.constant 11 : index
    %get3A_55 = arith.constant 0 : index
    %get3A_56 = arith.constant 0 : index
    %get3A_57 = vector.load %arg1[%get3A_54, %get3A_55, %get3A_56] : memref<32x128x16xf32, #tpu.memory_space<vmem>>, vector<1x128x16xf32>
    %get3A_58 = vector.shape_cast %get3A_57 : vector<1x128x16xf32> to vector<128x16xf32>
    %get3A_59 = arith.constant 12 : index
    %get3A_60 = arith.constant 0 : index
    %get3A_61 = arith.constant 0 : index
    %get3A_62 = vector.load %arg1[%get3A_59, %get3A_60, %get3A_61] : memref<32x128x16xf32, #tpu.memory_space<vmem>>, vector<1x128x16xf32>
    %get3A_63 = vector.shape_cast %get3A_62 : vector<1x128x16xf32> to vector<128x16xf32>
    %get3A_64 = arith.constant 13 : index
    %get3A_65 = arith.constant 0 : index
    %get3A_66 = arith.constant 0 : index
    %get3A_67 = vector.load %arg1[%get3A_64, %get3A_65, %get3A_66] : memref<32x128x16xf32, #tpu.memory_space<vmem>>, vector<1x128x16xf32>
    %get3A_68 = vector.shape_cast %get3A_67 : vector<1x128x16xf32> to vector<128x16xf32>
    %get3A_69 = arith.constant 14 : index
    %get3A_70 = arith.constant 0 : index
    %get3A_71 = arith.constant 0 : index
    %get3A_72 = vector.load %arg1[%get3A_69, %get3A_70, %get3A_71] : memref<32x128x16xf32, #tpu.memory_space<vmem>>, vector<1x128x16xf32>
    %get3A_73 = vector.shape_cast %get3A_72 : vector<1x128x16xf32> to vector<128x16xf32>
    %get3A_74 = arith.constant 15 : index
    %get3A_75 = arith.constant 0 : index
    %get3A_76 = arith.constant 0 : index
    %get3A_77 = vector.load %arg1[%get3A_74, %get3A_75, %get3A_76] : memref<32x128x16xf32, #tpu.memory_space<vmem>>, vector<1x128x16xf32>
    %get3A_78 = vector.shape_cast %get3A_77 : vector<1x128x16xf32> to vector<128x16xf32>
    %get3A_79 = arith.constant 16 : index
    %get3A_80 = arith.constant 0 : index
    %get3A_81 = arith.constant 0 : index
    %get3A_82 = vector.load %arg1[%get3A_79, %get3A_80, %get3A_81] : memref<32x128x16xf32, #tpu.memory_space<vmem>>, vector<1x128x16xf32>
    %get3A_83 = vector.shape_cast %get3A_82 : vector<1x128x16xf32> to vector<128x16xf32>
    %get3A_84 = arith.constant 17 : index
    %get3A_85 = arith.constant 0 : index
    %get3A_86 = arith.constant 0 : index
    %get3A_87 = vector.load %arg1[%get3A_84, %get3A_85, %get3A_86] : memref<32x128x16xf32, #tpu.memory_space<vmem>>, vector<1x128x16xf32>
    %get3A_88 = vector.shape_cast %get3A_87 : vector<1x128x16xf32> to vector<128x16xf32>
    %get3A_89 = arith.constant 18 : index
    %get3A_90 = arith.constant 0 : index
    %get3A_91 = arith.constant 0 : index
    %get3A_92 = vector.load %arg1[%get3A_89, %get3A_90, %get3A_91] : memref<32x128x16xf32, #tpu.memory_space<vmem>>, vector<1x128x16xf32>
    %get3A_93 = vector.shape_cast %get3A_92 : vector<1x128x16xf32> to vector<128x16xf32>
    %get3A_94 = arith.constant 19 : index
    %get3A_95 = arith.constant 0 : index
    %get3A_96 = arith.constant 0 : index
    %get3A_97 = vector.load %arg1[%get3A_94, %get3A_95, %get3A_96] : memref<32x128x16xf32, #tpu.memory_space<vmem>>, vector<1x128x16xf32>
    %get3A_98 = vector.shape_cast %get3A_97 : vector<1x128x16xf32> to vector<128x16xf32>
    %get3A_99 = arith.constant 20 : index
    %get3A_100 = arith.constant 0 : index
    %get3A_101 = arith.constant 0 : index
    %get3A_102 = vector.load %arg1[%get3A_99, %get3A_100, %get3A_101] : memref<32x128x16xf32, #tpu.memory_space<vmem>>, vector<1x128x16xf32>
    %get3A_103 = vector.shape_cast %get3A_102 : vector<1x128x16xf32> to vector<128x16xf32>
    %get3A_104 = arith.constant 21 : index
    %get3A_105 = arith.constant 0 : index
    %get3A_106 = arith.constant 0 : index
    %get3A_107 = vector.load %arg1[%get3A_104, %get3A_105, %get3A_106] : memref<32x128x16xf32, #tpu.memory_space<vmem>>, vector<1x128x16xf32>
    %get3A_108 = vector.shape_cast %get3A_107 : vector<1x128x16xf32> to vector<128x16xf32>
    %get3A_109 = arith.constant 22 : index
    %get3A_110 = arith.constant 0 : index
    %get3A_111 = arith.constant 0 : index
    %get3A_112 = vector.load %arg1[%get3A_109, %get3A_110, %get3A_111] : memref<32x128x16xf32, #tpu.memory_space<vmem>>, vector<1x128x16xf32>
    %get3A_113 = vector.shape_cast %get3A_112 : vector<1x128x16xf32> to vector<128x16xf32>
    %get3A_114 = arith.constant 23 : index
    %get3A_115 = arith.constant 0 : index
    %get3A_116 = arith.constant 0 : index
    %get3A_117 = vector.load %arg1[%get3A_114, %get3A_115, %get3A_116] : memref<32x128x16xf32, #tpu.memory_space<vmem>>, vector<1x128x16xf32>
    %get3A_118 = vector.shape_cast %get3A_117 : vector<1x128x16xf32> to vector<128x16xf32>
    %get3A_119 = arith.constant 24 : index
    %get3A_120 = arith.constant 0 : index
    %get3A_121 = arith.constant 0 : index
    %get3A_122 = vector.load %arg1[%get3A_119, %get3A_120, %get3A_121] : memref<32x128x16xf32, #tpu.memory_space<vmem>>, vector<1x128x16xf32>
    %get3A_123 = vector.shape_cast %get3A_122 : vector<1x128x16xf32> to vector<128x16xf32>
    %get3A_124 = arith.constant 25 : index
    %get3A_125 = arith.constant 0 : index
    %get3A_126 = arith.constant 0 : index
    %get3A_127 = vector.load %arg1[%get3A_124, %get3A_125, %get3A_126] : memref<32x128x16xf32, #tpu.memory_space<vmem>>, vector<1x128x16xf32>
    %get3A_128 = vector.shape_cast %get3A_127 : vector<1x128x16xf32> to vector<128x16xf32>
    %get3A_129 = arith.constant 26 : index
    %get3A_130 = arith.constant 0 : index
    %get3A_131 = arith.constant 0 : index
    %get3A_132 = vector.load %arg1[%get3A_129, %get3A_130, %get3A_131] : memref<32x128x16xf32, #tpu.memory_space<vmem>>, vector<1x128x16xf32>
    %get3A_133 = vector.shape_cast %get3A_132 : vector<1x128x16xf32> to vector<128x16xf32>
    %get3A_134 = arith.constant 27 : index
    %get3A_135 = arith.constant 0 : index
    %get3A_136 = arith.constant 0 : index
    %get3A_137 = vector.load %arg1[%get3A_134, %get3A_135, %get3A_136] : memref<32x128x16xf32, #tpu.memory_space<vmem>>, vector<1x128x16xf32>
    %get3A_138 = vector.shape_cast %get3A_137 : vector<1x128x16xf32> to vector<128x16xf32>
    %get3A_139 = arith.constant 28 : index
    %get3A_140 = arith.constant 0 : index
    %get3A_141 = arith.constant 0 : index
    %get3A_142 = vector.load %arg1[%get3A_139, %get3A_140, %get3A_141] : memref<32x128x16xf32, #tpu.memory_space<vmem>>, vector<1x128x16xf32>
    %get3A_143 = vector.shape_cast %get3A_142 : vector<1x128x16xf32> to vector<128x16xf32>
    %get3A_144 = arith.constant 29 : index
    %get3A_145 = arith.constant 0 : index
    %get3A_146 = arith.constant 0 : index
    %get3A_147 = vector.load %arg1[%get3A_144, %get3A_145, %get3A_146] : memref<32x128x16xf32, #tpu.memory_space<vmem>>, vector<1x128x16xf32>
    %get3A_148 = vector.shape_cast %get3A_147 : vector<1x128x16xf32> to vector<128x16xf32>
    %get3A_149 = arith.constant 30 : index
    %get3A_150 = arith.constant 0 : index
    %get3A_151 = arith.constant 0 : index
    %get3A_152 = vector.load %arg1[%get3A_149, %get3A_150, %get3A_151] : memref<32x128x16xf32, #tpu.memory_space<vmem>>, vector<1x128x16xf32>
    %get3A_153 = vector.shape_cast %get3A_152 : vector<1x128x16xf32> to vector<128x16xf32>
    %get3A_154 = arith.constant 31 : index
    %get3A_155 = arith.constant 0 : index
    %get3A_156 = arith.constant 0 : index
    %get3A_157 = vector.load %arg1[%get3A_154, %get3A_155, %get3A_156] : memref<32x128x16xf32, #tpu.memory_space<vmem>>, vector<1x128x16xf32>
    %get3A_158 = vector.shape_cast %get3A_157 : vector<1x128x16xf32> to vector<128x16xf32>
    %concatenate3A = tpu.concatenate %get3A_3, %get3A_8, %get3A_13, %get3A_18, %get3A_23, %get3A_28, %get3A_33, %get3A_38, %get3A_43, %get3A_48, %get3A_53, %get3A_58, %get3A_63, %get3A_68, %get3A_73, %get3A_78, %get3A_83, %get3A_88, %get3A_93, %get3A_98, %get3A_103, %get3A_108, %get3A_113, %get3A_118, %get3A_123, %get3A_128, %get3A_133, %get3A_138, %get3A_143, %get3A_148, %get3A_153, %get3A_158 in 1 : vector<128x16xf32>, vector<128x16xf32>, vector<128x16xf32>, vector<128x16xf32>, vector<128x16xf32>, vector<128x16xf32>, vector<128x16xf32>, vector<128x16xf32>, vector<128x16xf32>, vector<128x16xf32>, vector<128x16xf32>, vector<128x16xf32>, vector<128x16xf32>, vector<128x16xf32>, vector<128x16xf32>, vector<128x16xf32>, vector<128x16xf32>, vector<128x16xf32>, vector<128x16xf32>, vector<128x16xf32>, vector<128x16xf32>, vector<128x16xf32>, vector<128x16xf32>, vector<128x16xf32>, vector<128x16xf32>, vector<128x16xf32>, vector<128x16xf32>, vector<128x16xf32>, vector<128x16xf32>, vector<128x16xf32>, vector<128x16xf32>, vector<128x16xf32> -> vector<128x512xf32>
    %iota3A = tpu.iota {dimensions = array<i32: 1>} : vector<128x512xi32>
    %bitcast_convert_type3A = tpu.bitcast %concatenate3A : vector<128x512xf32> -> vector<128x512xi32>
    %lt3A = arith.constant 0 : i32
    %lt3A_159 = vector.broadcast %lt3A : i32 to vector<128x512xi32>
    %lt3A_160 = arith.cmpi slt, %bitcast_convert_type3A, %lt3A_159 : vector<128x512xi32>
    %xor3A = arith.constant 2147483647 : i32
    %xor3A_161 = vector.broadcast %xor3A : i32 to vector<128x512xi32>
    %xor3A_162 = arith.xori %bitcast_convert_type3A, %xor3A_161 : vector<128x512xi32>
    %select_n3A = arith.select %lt3A_160, %xor3A_162, %bitcast_convert_type3A : vector<128x512xi1>, vector<128x512xi32>
    %and3A = arith.constant -512 : i32
    %and3A_163 = vector.broadcast %and3A : i32 to vector<128x512xi32>
    %and3A_164 = arith.andi %select_n3A, %and3A_163 : vector<128x512xi32>
    %or3A = arith.ori %and3A_164, %iota3A : vector<128x512xi32>
    %reduce_max3A = arith.constant dense<-2147483648> : vector<128xi32>
    %reduce_max3A_165 = vector.multi_reduction <maxsi>, %or3A, %reduce_max3A [1] : vector<128x512xi32> to vector<128xi32>
    %broadcast_in_dim3A = vector.shape_cast %reduce_max3A_165 : vector<128xi32> to vector<128x1xi32>
    %and3A_166 = arith.constant 511 : i32
    %and3A_167 = vector.broadcast %and3A_166 : i32 to vector<128x1xi32>
    %and3A_168 = arith.andi %broadcast_in_dim3A, %and3A_167 : vector<128x1xi32>
    %eq3A = vector.broadcast %broadcast_in_dim3A : vector<128x1xi32> to vector<128x512xi32>
    %eq3A_169 = arith.cmpi eq, %or3A, %eq3A : vector<128x512xi32>
    %jit3A = arith.constant -2147483648 : i32
    %broadcast_in_dim3A_170 = vector.broadcast %jit3A : i32 to vector<128x512xi32>
    %select_n3A_171 = arith.select %eq3A_169, %broadcast_in_dim3A_170, %or3A : vector<128x512xi1>, vector<128x512xi32>
    %reduce_max3A_172 = arith.constant dense<-2147483648> : vector<128xi32>
    %reduce_max3A_173 = vector.multi_reduction <maxsi>, %select_n3A_171, %reduce_max3A_172 [1] : vector<128x512xi32> to vector<128xi32>
    %broadcast_in_dim3A_174 = vector.shape_cast %reduce_max3A_173 : vector<128xi32> to vector<128x1xi32>
    %and3A_175 = arith.constant 511 : i32
    %and3A_176 = vector.broadcast %and3A_175 : i32 to vector<128x1xi32>
    %and3A_177 = arith.andi %broadcast_in_dim3A_174, %and3A_176 : vector<128x1xi32>
    %eq3A_178 = vector.broadcast %broadcast_in_dim3A_174 : vector<128x1xi32> to vector<128x512xi32>
    %eq3A_179 = arith.cmpi eq, %select_n3A_171, %eq3A_178 : vector<128x512xi32>
    %jit3A_180 = arith.constant -2147483648 : i32
    %broadcast_in_dim3A_181 = vector.broadcast %jit3A_180 : i32 to vector<128x512xi32>
    %select_n3A_182 = arith.select %eq3A_179, %broadcast_in_dim3A_181, %select_n3A_171 : vector<128x512xi1>, vector<128x512xi32>
    %reduce_max3A_183 = arith.constant dense<-2147483648> : vector<128xi32>
    %reduce_max3A_184 = vector.multi_reduction <maxsi>, %select_n3A_182, %reduce_max3A_183 [1] : vector<128x512xi32> to vector<128xi32>
    %broadcast_in_dim3A_185 = vector.shape_cast %reduce_max3A_184 : vector<128xi32> to vector<128x1xi32>
    %and3A_186 = arith.constant 511 : i32
    %and3A_187 = vector.broadcast %and3A_186 : i32 to vector<128x1xi32>
    %and3A_188 = arith.andi %broadcast_in_dim3A_185, %and3A_187 : vector<128x1xi32>
    %eq3A_189 = vector.broadcast %broadcast_in_dim3A_185 : vector<128x1xi32> to vector<128x512xi32>
    %eq3A_190 = arith.cmpi eq, %select_n3A_182, %eq3A_189 : vector<128x512xi32>
    %jit3A_191 = arith.constant -2147483648 : i32
    %broadcast_in_dim3A_192 = vector.broadcast %jit3A_191 : i32 to vector<128x512xi32>
    %select_n3A_193 = arith.select %eq3A_190, %broadcast_in_dim3A_192, %select_n3A_182 : vector<128x512xi1>, vector<128x512xi32>
    %reduce_max3A_194 = arith.constant dense<-2147483648> : vector<128xi32>
    %reduce_max3A_195 = vector.multi_reduction <maxsi>, %select_n3A_193, %reduce_max3A_194 [1] : vector<128x512xi32> to vector<128xi32>
    %broadcast_in_dim3A_196 = vector.shape_cast %reduce_max3A_195 : vector<128xi32> to vector<128x1xi32>
    %and3A_197 = arith.constant 511 : i32
    %and3A_198 = vector.broadcast %and3A_197 : i32 to vector<128x1xi32>
    %and3A_199 = arith.andi %broadcast_in_dim3A_196, %and3A_198 : vector<128x1xi32>
    %eq3A_200 = vector.broadcast %broadcast_in_dim3A_196 : vector<128x1xi32> to vector<128x512xi32>
    %eq3A_201 = arith.cmpi eq, %select_n3A_193, %eq3A_200 : vector<128x512xi32>
    %jit3A_202 = arith.constant -2147483648 : i32
    %broadcast_in_dim3A_203 = vector.broadcast %jit3A_202 : i32 to vector<128x512xi32>
    %select_n3A_204 = arith.select %eq3A_201, %broadcast_in_dim3A_203, %select_n3A_193 : vector<128x512xi1>, vector<128x512xi32>
    %reduce_max3A_205 = arith.constant dense<-2147483648> : vector<128xi32>
    %reduce_max3A_206 = vector.multi_reduction <maxsi>, %select_n3A_204, %reduce_max3A_205 [1] : vector<128x512xi32> to vector<128xi32>
    %broadcast_in_dim3A_207 = vector.shape_cast %reduce_max3A_206 : vector<128xi32> to vector<128x1xi32>
    %and3A_208 = arith.constant 511 : i32
    %and3A_209 = vector.broadcast %and3A_208 : i32 to vector<128x1xi32>
    %and3A_210 = arith.andi %broadcast_in_dim3A_207, %and3A_209 : vector<128x1xi32>
    %eq3A_211 = vector.broadcast %broadcast_in_dim3A_207 : vector<128x1xi32> to vector<128x512xi32>
    %eq3A_212 = arith.cmpi eq, %select_n3A_204, %eq3A_211 : vector<128x512xi32>
    %jit3A_213 = arith.constant -2147483648 : i32
    %broadcast_in_dim3A_214 = vector.broadcast %jit3A_213 : i32 to vector<128x512xi32>
    %select_n3A_215 = arith.select %eq3A_212, %broadcast_in_dim3A_214, %select_n3A_204 : vector<128x512xi1>, vector<128x512xi32>
    %reduce_max3A_216 = arith.constant dense<-2147483648> : vector<128xi32>
    %reduce_max3A_217 = vector.multi_reduction <maxsi>, %select_n3A_215, %reduce_max3A_216 [1] : vector<128x512xi32> to vector<128xi32>
    %broadcast_in_dim3A_218 = vector.shape_cast %reduce_max3A_217 : vector<128xi32> to vector<128x1xi32>
    %and3A_219 = arith.constant 511 : i32
    %and3A_220 = vector.broadcast %and3A_219 : i32 to vector<128x1xi32>
    %and3A_221 = arith.andi %broadcast_in_dim3A_218, %and3A_220 : vector<128x1xi32>
    %eq3A_222 = vector.broadcast %broadcast_in_dim3A_218 : vector<128x1xi32> to vector<128x512xi32>
    %eq3A_223 = arith.cmpi eq, %select_n3A_215, %eq3A_222 : vector<128x512xi32>
    %jit3A_224 = arith.constant -2147483648 : i32
    %broadcast_in_dim3A_225 = vector.broadcast %jit3A_224 : i32 to vector<128x512xi32>
    %select_n3A_226 = arith.select %eq3A_223, %broadcast_in_dim3A_225, %select_n3A_215 : vector<128x512xi1>, vector<128x512xi32>
    %reduce_max3A_227 = arith.constant dense<-2147483648> : vector<128xi32>
    %reduce_max3A_228 = vector.multi_reduction <maxsi>, %select_n3A_226, %reduce_max3A_227 [1] : vector<128x512xi32> to vector<128xi32>
    %broadcast_in_dim3A_229 = vector.shape_cast %reduce_max3A_228 : vector<128xi32> to vector<128x1xi32>
    %and3A_230 = arith.constant 511 : i32
    %and3A_231 = vector.broadcast %and3A_230 : i32 to vector<128x1xi32>
    %and3A_232 = arith.andi %broadcast_in_dim3A_229, %and3A_231 : vector<128x1xi32>
    %eq3A_233 = vector.broadcast %broadcast_in_dim3A_229 : vector<128x1xi32> to vector<128x512xi32>
    %eq3A_234 = arith.cmpi eq, %select_n3A_226, %eq3A_233 : vector<128x512xi32>
    %jit3A_235 = arith.constant -2147483648 : i32
    %broadcast_in_dim3A_236 = vector.broadcast %jit3A_235 : i32 to vector<128x512xi32>
    %select_n3A_237 = arith.select %eq3A_234, %broadcast_in_dim3A_236, %select_n3A_226 : vector<128x512xi1>, vector<128x512xi32>
    %reduce_max3A_238 = arith.constant dense<-2147483648> : vector<128xi32>
    %reduce_max3A_239 = vector.multi_reduction <maxsi>, %select_n3A_237, %reduce_max3A_238 [1] : vector<128x512xi32> to vector<128xi32>
    %broadcast_in_dim3A_240 = vector.shape_cast %reduce_max3A_239 : vector<128xi32> to vector<128x1xi32>
    %and3A_241 = arith.constant 511 : i32
    %and3A_242 = vector.broadcast %and3A_241 : i32 to vector<128x1xi32>
    %and3A_243 = arith.andi %broadcast_in_dim3A_240, %and3A_242 : vector<128x1xi32>
    %eq3A_244 = vector.broadcast %broadcast_in_dim3A_240 : vector<128x1xi32> to vector<128x512xi32>
    %eq3A_245 = arith.cmpi eq, %select_n3A_237, %eq3A_244 : vector<128x512xi32>
    %jit3A_246 = arith.constant -2147483648 : i32
    %broadcast_in_dim3A_247 = vector.broadcast %jit3A_246 : i32 to vector<128x512xi32>
    %select_n3A_248 = arith.select %eq3A_245, %broadcast_in_dim3A_247, %select_n3A_237 : vector<128x512xi1>, vector<128x512xi32>
    %reduce_max3A_249 = arith.constant dense<-2147483648> : vector<128xi32>
    %reduce_max3A_250 = vector.multi_reduction <maxsi>, %select_n3A_248, %reduce_max3A_249 [1] : vector<128x512xi32> to vector<128xi32>
    %broadcast_in_dim3A_251 = vector.shape_cast %reduce_max3A_250 : vector<128xi32> to vector<128x1xi32>
    %and3A_252 = arith.constant 511 : i32
    %and3A_253 = vector.broadcast %and3A_252 : i32 to vector<128x1xi32>
    %and3A_254 = arith.andi %broadcast_in_dim3A_251, %and3A_253 : vector<128x1xi32>
    %eq3A_255 = vector.broadcast %broadcast_in_dim3A_251 : vector<128x1xi32> to vector<128x512xi32>
    %eq3A_256 = arith.cmpi eq, %select_n3A_248, %eq3A_255 : vector<128x512xi32>
    %jit3A_257 = arith.constant -2147483648 : i32
    %broadcast_in_dim3A_258 = vector.broadcast %jit3A_257 : i32 to vector<128x512xi32>
    %select_n3A_259 = arith.select %eq3A_256, %broadcast_in_dim3A_258, %select_n3A_248 : vector<128x512xi1>, vector<128x512xi32>
    %reduce_max3A_260 = arith.constant dense<-2147483648> : vector<128xi32>
    %reduce_max3A_261 = vector.multi_reduction <maxsi>, %select_n3A_259, %reduce_max3A_260 [1] : vector<128x512xi32> to vector<128xi32>
    %broadcast_in_dim3A_262 = vector.shape_cast %reduce_max3A_261 : vector<128xi32> to vector<128x1xi32>
    %and3A_263 = arith.constant 511 : i32
    %and3A_264 = vector.broadcast %and3A_263 : i32 to vector<128x1xi32>
    %and3A_265 = arith.andi %broadcast_in_dim3A_262, %and3A_264 : vector<128x1xi32>
    %eq3A_266 = vector.broadcast %broadcast_in_dim3A_262 : vector<128x1xi32> to vector<128x512xi32>
    %eq3A_267 = arith.cmpi eq, %select_n3A_259, %eq3A_266 : vector<128x512xi32>
    %jit3A_268 = arith.constant -2147483648 : i32
    %broadcast_in_dim3A_269 = vector.broadcast %jit3A_268 : i32 to vector<128x512xi32>
    %select_n3A_270 = arith.select %eq3A_267, %broadcast_in_dim3A_269, %select_n3A_259 : vector<128x512xi1>, vector<128x512xi32>
    %reduce_max3A_271 = arith.constant dense<-2147483648> : vector<128xi32>
    %reduce_max3A_272 = vector.multi_reduction <maxsi>, %select_n3A_270, %reduce_max3A_271 [1] : vector<128x512xi32> to vector<128xi32>
    %broadcast_in_dim3A_273 = vector.shape_cast %reduce_max3A_272 : vector<128xi32> to vector<128x1xi32>
    %and3A_274 = arith.constant 511 : i32
    %and3A_275 = vector.broadcast %and3A_274 : i32 to vector<128x1xi32>
    %and3A_276 = arith.andi %broadcast_in_dim3A_273, %and3A_275 : vector<128x1xi32>
    %eq3A_277 = vector.broadcast %broadcast_in_dim3A_273 : vector<128x1xi32> to vector<128x512xi32>
    %eq3A_278 = arith.cmpi eq, %select_n3A_270, %eq3A_277 : vector<128x512xi32>
    %jit3A_279 = arith.constant -2147483648 : i32
    %broadcast_in_dim3A_280 = vector.broadcast %jit3A_279 : i32 to vector<128x512xi32>
    %select_n3A_281 = arith.select %eq3A_278, %broadcast_in_dim3A_280, %select_n3A_270 : vector<128x512xi1>, vector<128x512xi32>
    %reduce_max3A_282 = arith.constant dense<-2147483648> : vector<128xi32>
    %reduce_max3A_283 = vector.multi_reduction <maxsi>, %select_n3A_281, %reduce_max3A_282 [1] : vector<128x512xi32> to vector<128xi32>
    %broadcast_in_dim3A_284 = vector.shape_cast %reduce_max3A_283 : vector<128xi32> to vector<128x1xi32>
    %and3A_285 = arith.constant 511 : i32
    %and3A_286 = vector.broadcast %and3A_285 : i32 to vector<128x1xi32>
    %and3A_287 = arith.andi %broadcast_in_dim3A_284, %and3A_286 : vector<128x1xi32>
    %eq3A_288 = vector.broadcast %broadcast_in_dim3A_284 : vector<128x1xi32> to vector<128x512xi32>
    %eq3A_289 = arith.cmpi eq, %select_n3A_281, %eq3A_288 : vector<128x512xi32>
    %jit3A_290 = arith.constant -2147483648 : i32
    %broadcast_in_dim3A_291 = vector.broadcast %jit3A_290 : i32 to vector<128x512xi32>
    %select_n3A_292 = arith.select %eq3A_289, %broadcast_in_dim3A_291, %select_n3A_281 : vector<128x512xi1>, vector<128x512xi32>
    %reduce_max3A_293 = arith.constant dense<-2147483648> : vector<128xi32>
    %reduce_max3A_294 = vector.multi_reduction <maxsi>, %select_n3A_292, %reduce_max3A_293 [1] : vector<128x512xi32> to vector<128xi32>
    %broadcast_in_dim3A_295 = vector.shape_cast %reduce_max3A_294 : vector<128xi32> to vector<128x1xi32>
    %and3A_296 = arith.constant 511 : i32
    %and3A_297 = vector.broadcast %and3A_296 : i32 to vector<128x1xi32>
    %and3A_298 = arith.andi %broadcast_in_dim3A_295, %and3A_297 : vector<128x1xi32>
    %eq3A_299 = vector.broadcast %broadcast_in_dim3A_295 : vector<128x1xi32> to vector<128x512xi32>
    %eq3A_300 = arith.cmpi eq, %select_n3A_292, %eq3A_299 : vector<128x512xi32>
    %jit3A_301 = arith.constant -2147483648 : i32
    %broadcast_in_dim3A_302 = vector.broadcast %jit3A_301 : i32 to vector<128x512xi32>
    %select_n3A_303 = arith.select %eq3A_300, %broadcast_in_dim3A_302, %select_n3A_292 : vector<128x512xi1>, vector<128x512xi32>
    %reduce_max3A_304 = arith.constant dense<-2147483648> : vector<128xi32>
    %reduce_max3A_305 = vector.multi_reduction <maxsi>, %select_n3A_303, %reduce_max3A_304 [1] : vector<128x512xi32> to vector<128xi32>
    %broadcast_in_dim3A_306 = vector.shape_cast %reduce_max3A_305 : vector<128xi32> to vector<128x1xi32>
    %and3A_307 = arith.constant 511 : i32
    %and3A_308 = vector.broadcast %and3A_307 : i32 to vector<128x1xi32>
    %and3A_309 = arith.andi %broadcast_in_dim3A_306, %and3A_308 : vector<128x1xi32>
    %eq3A_310 = vector.broadcast %broadcast_in_dim3A_306 : vector<128x1xi32> to vector<128x512xi32>
    %eq3A_311 = arith.cmpi eq, %select_n3A_303, %eq3A_310 : vector<128x512xi32>
    %jit3A_312 = arith.constant -2147483648 : i32
    %broadcast_in_dim3A_313 = vector.broadcast %jit3A_312 : i32 to vector<128x512xi32>
    %select_n3A_314 = arith.select %eq3A_311, %broadcast_in_dim3A_313, %select_n3A_303 : vector<128x512xi1>, vector<128x512xi32>
    %reduce_max3A_315 = arith.constant dense<-2147483648> : vector<128xi32>
    %reduce_max3A_316 = vector.multi_reduction <maxsi>, %select_n3A_314, %reduce_max3A_315 [1] : vector<128x512xi32> to vector<128xi32>
    %broadcast_in_dim3A_317 = vector.shape_cast %reduce_max3A_316 : vector<128xi32> to vector<128x1xi32>
    %and3A_318 = arith.constant 511 : i32
    %and3A_319 = vector.broadcast %and3A_318 : i32 to vector<128x1xi32>
    %and3A_320 = arith.andi %broadcast_in_dim3A_317, %and3A_319 : vector<128x1xi32>
    %eq3A_321 = vector.broadcast %broadcast_in_dim3A_317 : vector<128x1xi32> to vector<128x512xi32>
    %eq3A_322 = arith.cmpi eq, %select_n3A_314, %eq3A_321 : vector<128x512xi32>
    %jit3A_323 = arith.constant -2147483648 : i32
    %broadcast_in_dim3A_324 = vector.broadcast %jit3A_323 : i32 to vector<128x512xi32>
    %select_n3A_325 = arith.select %eq3A_322, %broadcast_in_dim3A_324, %select_n3A_314 : vector<128x512xi1>, vector<128x512xi32>
    %reduce_max3A_326 = arith.constant dense<-2147483648> : vector<128xi32>
    %reduce_max3A_327 = vector.multi_reduction <maxsi>, %select_n3A_325, %reduce_max3A_326 [1] : vector<128x512xi32> to vector<128xi32>
    %broadcast_in_dim3A_328 = vector.shape_cast %reduce_max3A_327 : vector<128xi32> to vector<128x1xi32>
    %and3A_329 = arith.constant 511 : i32
    %and3A_330 = vector.broadcast %and3A_329 : i32 to vector<128x1xi32>
    %and3A_331 = arith.andi %broadcast_in_dim3A_328, %and3A_330 : vector<128x1xi32>
    %concatenate3A_332 = tpu.concatenate %and3A_168, %and3A_177, %and3A_188, %and3A_199, %and3A_210, %and3A_221, %and3A_232, %and3A_243, %and3A_254, %and3A_265, %and3A_276, %and3A_287, %and3A_298, %and3A_309, %and3A_320, %and3A_331 in 1 : vector<128x1xi32>, vector<128x1xi32>, vector<128x1xi32>, vector<128x1xi32>, vector<128x1xi32>, vector<128x1xi32>, vector<128x1xi32>, vector<128x1xi32>, vector<128x1xi32>, vector<128x1xi32>, vector<128x1xi32>, vector<128x1xi32>, vector<128x1xi32>, vector<128x1xi32>, vector<128x1xi32>, vector<128x1xi32> -> vector<128x16xi32>
    %swap3A = arith.constant 0 : index
    %swap3A_333 = arith.constant 0 : index
    %swap3A_334 = vector.load %arg2[%swap3A, %swap3A_333] : memref<128x16xi32, #tpu.memory_space<vmem>>, vector<128x16xi32>
    tpu.vector_store %arg2[%swap3A, %swap3A_333], %concatenate3A_332 {strides = array<i32>} : memref<128x16xi32, #tpu.memory_space<vmem>>, vector<128x16xi32>,
    return
  }
  func.func @transform_0(%arg0: i32) -> (i32, i32, i32) {
    %c0_i32 = arith.constant 0 : i32
    %c0_i32_0 = arith.constant 0 : i32
    %c0_i32_1 = arith.constant 0 : i32
    return %c0_i32, %arg0, %c0_i32_0 : i32, i32, i32
  }
  func.func @transform_1(%arg0: i32) -> (i32, i32) {
    %c0_i32 = arith.constant 0 : i32
    %c0_i32_0 = arith.constant 0 : i32
    return %arg0, %c0_i32 : i32, i32
  }
}

module attributes {stable_mosaic.version = 14 : i64} {
  func.func @_final_topk_body(%arg0: i32, %arg1: memref<64x2048xf32, #tpu.memory_space<vmem>>, %arg2: memref<64x16xi32, #tpu.memory_space<vmem>>, %arg3: memref<64x16xi32, #tpu.memory_space<vmem>>) attributes {dimension_semantics = [#tpu.dimension_semantics<arbitrary>], iteration_bounds = array<i64: 16>, scalar_prefetch = 0 : i64, scratch_operands = 0 : i64, tpu.core_type = #tpu.core_type<tc>, window_params = [{transform_indices = @transform_0, window_bounds = array<i64: 64, 2048>}, {transform_indices = @transform_1, window_bounds = array<i64: 64, 16>}, {transform_indices = @transform_2, window_bounds = array<i64: 64, 16>}]} {
    %get3A = arith.constant 0 : index
    %get3A_0 = arith.constant 0 : index
    %get3A_1 = vector.load %arg2[%get3A, %get3A_0] : memref<64x16xi32, #tpu.memory_space<vmem>>, vector<64x16xi32>
    %iota3A = tpu.iota {dimensions = array<i32: 1>} : vector<64x128xi32>
    %slice3A = vector.extract_strided_slice %get3A_1 {offsets = [0, 0], sizes = [64, 1], strides = [1, 1]} : vector<64x16xi32> to vector<64x1xi32>
    %mul3A = arith.constant 128 : i32
    %mul3A_2 = vector.broadcast %mul3A : i32 to vector<64x1xi32>
    %mul3A_3 = arith.muli %slice3A, %mul3A_2 : vector<64x1xi32>
    %add3A = vector.broadcast %mul3A_3 : vector<64x1xi32> to vector<64x128xi32>
    %add3A_4 = arith.addi %add3A, %iota3A : vector<64x128xi32>
    %slice3A_5 = vector.extract_strided_slice %get3A_1 {offsets = [0, 1], sizes = [64, 1], strides = [1, 1]} : vector<64x16xi32> to vector<64x1xi32>
    %mul3A_6 = arith.constant 128 : i32
    %mul3A_7 = vector.broadcast %mul3A_6 : i32 to vector<64x1xi32>
    %mul3A_8 = arith.muli %slice3A_5, %mul3A_7 : vector<64x1xi32>
    %add3A_9 = vector.broadcast %mul3A_8 : vector<64x1xi32> to vector<64x128xi32>
    %add3A_10 = arith.addi %add3A_9, %iota3A : vector<64x128xi32>
    %slice3A_11 = vector.extract_strided_slice %get3A_1 {offsets = [0, 2], sizes = [64, 1], strides = [1, 1]} : vector<64x16xi32> to vector<64x1xi32>
    %mul3A_12 = arith.constant 128 : i32
    %mul3A_13 = vector.broadcast %mul3A_12 : i32 to vector<64x1xi32>
    %mul3A_14 = arith.muli %slice3A_11, %mul3A_13 : vector<64x1xi32>
    %add3A_15 = vector.broadcast %mul3A_14 : vector<64x1xi32> to vector<64x128xi32>
    %add3A_16 = arith.addi %add3A_15, %iota3A : vector<64x128xi32>
    %slice3A_17 = vector.extract_strided_slice %get3A_1 {offsets = [0, 3], sizes = [64, 1], strides = [1, 1]} : vector<64x16xi32> to vector<64x1xi32>
    %mul3A_18 = arith.constant 128 : i32
    %mul3A_19 = vector.broadcast %mul3A_18 : i32 to vector<64x1xi32>
    %mul3A_20 = arith.muli %slice3A_17, %mul3A_19 : vector<64x1xi32>
    %add3A_21 = vector.broadcast %mul3A_20 : vector<64x1xi32> to vector<64x128xi32>
    %add3A_22 = arith.addi %add3A_21, %iota3A : vector<64x128xi32>
    %slice3A_23 = vector.extract_strided_slice %get3A_1 {offsets = [0, 4], sizes = [64, 1], strides = [1, 1]} : vector<64x16xi32> to vector<64x1xi32>
    %mul3A_24 = arith.constant 128 : i32
    %mul3A_25 = vector.broadcast %mul3A_24 : i32 to vector<64x1xi32>
    %mul3A_26 = arith.muli %slice3A_23, %mul3A_25 : vector<64x1xi32>
    %add3A_27 = vector.broadcast %mul3A_26 : vector<64x1xi32> to vector<64x128xi32>
    %add3A_28 = arith.addi %add3A_27, %iota3A : vector<64x128xi32>
    %slice3A_29 = vector.extract_strided_slice %get3A_1 {offsets = [0, 5], sizes = [64, 1], strides = [1, 1]} : vector<64x16xi32> to vector<64x1xi32>
    %mul3A_30 = arith.constant 128 : i32
    %mul3A_31 = vector.broadcast %mul3A_30 : i32 to vector<64x1xi32>
    %mul3A_32 = arith.muli %slice3A_29, %mul3A_31 : vector<64x1xi32>
    %add3A_33 = vector.broadcast %mul3A_32 : vector<64x1xi32> to vector<64x128xi32>
    %add3A_34 = arith.addi %add3A_33, %iota3A : vector<64x128xi32>
    %slice3A_35 = vector.extract_strided_slice %get3A_1 {offsets = [0, 6], sizes = [64, 1], strides = [1, 1]} : vector<64x16xi32> to vector<64x1xi32>
    %mul3A_36 = arith.constant 128 : i32
    %mul3A_37 = vector.broadcast %mul3A_36 : i32 to vector<64x1xi32>
    %mul3A_38 = arith.muli %slice3A_35, %mul3A_37 : vector<64x1xi32>
    %add3A_39 = vector.broadcast %mul3A_38 : vector<64x1xi32> to vector<64x128xi32>
    %add3A_40 = arith.addi %add3A_39, %iota3A : vector<64x128xi32>
    %slice3A_41 = vector.extract_strided_slice %get3A_1 {offsets = [0, 7], sizes = [64, 1], strides = [1, 1]} : vector<64x16xi32> to vector<64x1xi32>
    %mul3A_42 = arith.constant 128 : i32
    %mul3A_43 = vector.broadcast %mul3A_42 : i32 to vector<64x1xi32>
    %mul3A_44 = arith.muli %slice3A_41, %mul3A_43 : vector<64x1xi32>
    %add3A_45 = vector.broadcast %mul3A_44 : vector<64x1xi32> to vector<64x128xi32>
    %add3A_46 = arith.addi %add3A_45, %iota3A : vector<64x128xi32>
    %slice3A_47 = vector.extract_strided_slice %get3A_1 {offsets = [0, 8], sizes = [64, 1], strides = [1, 1]} : vector<64x16xi32> to vector<64x1xi32>
    %mul3A_48 = arith.constant 128 : i32
    %mul3A_49 = vector.broadcast %mul3A_48 : i32 to vector<64x1xi32>
    %mul3A_50 = arith.muli %slice3A_47, %mul3A_49 : vector<64x1xi32>
    %add3A_51 = vector.broadcast %mul3A_50 : vector<64x1xi32> to vector<64x128xi32>
    %add3A_52 = arith.addi %add3A_51, %iota3A : vector<64x128xi32>
    %slice3A_53 = vector.extract_strided_slice %get3A_1 {offsets = [0, 9], sizes = [64, 1], strides = [1, 1]} : vector<64x16xi32> to vector<64x1xi32>
    %mul3A_54 = arith.constant 128 : i32
    %mul3A_55 = vector.broadcast %mul3A_54 : i32 to vector<64x1xi32>
    %mul3A_56 = arith.muli %slice3A_53, %mul3A_55 : vector<64x1xi32>
    %add3A_57 = vector.broadcast %mul3A_56 : vector<64x1xi32> to vector<64x128xi32>
    %add3A_58 = arith.addi %add3A_57, %iota3A : vector<64x128xi32>
    %slice3A_59 = vector.extract_strided_slice %get3A_1 {offsets = [0, 10], sizes = [64, 1], strides = [1, 1]} : vector<64x16xi32> to vector<64x1xi32>
    %mul3A_60 = arith.constant 128 : i32
    %mul3A_61 = vector.broadcast %mul3A_60 : i32 to vector<64x1xi32>
    %mul3A_62 = arith.muli %slice3A_59, %mul3A_61 : vector<64x1xi32>
    %add3A_63 = vector.broadcast %mul3A_62 : vector<64x1xi32> to vector<64x128xi32>
    %add3A_64 = arith.addi %add3A_63, %iota3A : vector<64x128xi32>
    %slice3A_65 = vector.extract_strided_slice %get3A_1 {offsets = [0, 11], sizes = [64, 1], strides = [1, 1]} : vector<64x16xi32> to vector<64x1xi32>
    %mul3A_66 = arith.constant 128 : i32
    %mul3A_67 = vector.broadcast %mul3A_66 : i32 to vector<64x1xi32>
    %mul3A_68 = arith.muli %slice3A_65, %mul3A_67 : vector<64x1xi32>
    %add3A_69 = vector.broadcast %mul3A_68 : vector<64x1xi32> to vector<64x128xi32>
    %add3A_70 = arith.addi %add3A_69, %iota3A : vector<64x128xi32>
    %slice3A_71 = vector.extract_strided_slice %get3A_1 {offsets = [0, 12], sizes = [64, 1], strides = [1, 1]} : vector<64x16xi32> to vector<64x1xi32>
    %mul3A_72 = arith.constant 128 : i32
    %mul3A_73 = vector.broadcast %mul3A_72 : i32 to vector<64x1xi32>
    %mul3A_74 = arith.muli %slice3A_71, %mul3A_73 : vector<64x1xi32>
    %add3A_75 = vector.broadcast %mul3A_74 : vector<64x1xi32> to vector<64x128xi32>
    %add3A_76 = arith.addi %add3A_75, %iota3A : vector<64x128xi32>
    %slice3A_77 = vector.extract_strided_slice %get3A_1 {offsets = [0, 13], sizes = [64, 1], strides = [1, 1]} : vector<64x16xi32> to vector<64x1xi32>
    %mul3A_78 = arith.constant 128 : i32
    %mul3A_79 = vector.broadcast %mul3A_78 : i32 to vector<64x1xi32>
    %mul3A_80 = arith.muli %slice3A_77, %mul3A_79 : vector<64x1xi32>
    %add3A_81 = vector.broadcast %mul3A_80 : vector<64x1xi32> to vector<64x128xi32>
    %add3A_82 = arith.addi %add3A_81, %iota3A : vector<64x128xi32>
    %slice3A_83 = vector.extract_strided_slice %get3A_1 {offsets = [0, 14], sizes = [64, 1], strides = [1, 1]} : vector<64x16xi32> to vector<64x1xi32>
    %mul3A_84 = arith.constant 128 : i32
    %mul3A_85 = vector.broadcast %mul3A_84 : i32 to vector<64x1xi32>
    %mul3A_86 = arith.muli %slice3A_83, %mul3A_85 : vector<64x1xi32>
    %add3A_87 = vector.broadcast %mul3A_86 : vector<64x1xi32> to vector<64x128xi32>
    %add3A_88 = arith.addi %add3A_87, %iota3A : vector<64x128xi32>
    %slice3A_89 = vector.extract_strided_slice %get3A_1 {offsets = [0, 15], sizes = [64, 1], strides = [1, 1]} : vector<64x16xi32> to vector<64x1xi32>
    %mul3A_90 = arith.constant 128 : i32
    %mul3A_91 = vector.broadcast %mul3A_90 : i32 to vector<64x1xi32>
    %mul3A_92 = arith.muli %slice3A_89, %mul3A_91 : vector<64x1xi32>
    %add3A_93 = vector.broadcast %mul3A_92 : vector<64x1xi32> to vector<64x128xi32>
    %add3A_94 = arith.addi %add3A_93, %iota3A : vector<64x128xi32>
    %concatenate3A = tpu.concatenate %add3A_4, %add3A_10, %add3A_16, %add3A_22, %add3A_28, %add3A_34, %add3A_40, %add3A_46, %add3A_52, %add3A_58, %add3A_64, %add3A_70, %add3A_76, %add3A_82, %add3A_88, %add3A_94 in 1 : vector<64x128xi32>, vector<64x128xi32>, vector<64x128xi32>, vector<64x128xi32>, vector<64x128xi32>, vector<64x128xi32>, vector<64x128xi32>, vector<64x128xi32>, vector<64x128xi32>, vector<64x128xi32>, vector<64x128xi32>, vector<64x128xi32>, vector<64x128xi32>, vector<64x128xi32>, vector<64x128xi32>, vector<64x128xi32> -> vector<64x2048xi32>
    %get3A_95 = arith.constant 0 : index
    %get3A_96 = arith.constant 0 : index
    %get3A_97 = vector.load %arg1[%get3A_95, %get3A_96] : memref<64x2048xf32, #tpu.memory_space<vmem>>, vector<64x2048xf32>
    %bitcast_convert_type3A = tpu.bitcast %get3A_97 : vector<64x2048xf32> -> vector<64x2048xi32>
    %lt3A = arith.constant 0 : i32
    %lt3A_98 = vector.broadcast %lt3A : i32 to vector<64x2048xi32>
    %lt3A_99 = arith.cmpi slt, %bitcast_convert_type3A, %lt3A_98 : vector<64x2048xi32>
    %xor3A = arith.constant 2147483647 : i32
    %xor3A_100 = vector.broadcast %xor3A : i32 to vector<64x2048xi32>
    %xor3A_101 = arith.xori %bitcast_convert_type3A, %xor3A_100 : vector<64x2048xi32>
    %select_n3A = arith.select %lt3A_99, %xor3A_101, %bitcast_convert_type3A : vector<64x2048xi1>, vector<64x2048xi32>
    %and3A = arith.constant -65536 : i32
    %and3A_102 = vector.broadcast %and3A : i32 to vector<64x2048xi32>
    %and3A_103 = arith.andi %select_n3A, %and3A_102 : vector<64x2048xi32>
    %or3A = arith.ori %and3A_103, %concatenate3A : vector<64x2048xi32>
    %reduce_max3A = arith.constant dense<-2147483648> : vector<64xi32>
    %reduce_max3A_104 = vector.multi_reduction <maxsi>, %or3A, %reduce_max3A [1] : vector<64x2048xi32> to vector<64xi32>
    %broadcast_in_dim3A = vector.shape_cast %reduce_max3A_104 : vector<64xi32> to vector<64x1xi32>
    %and3A_105 = arith.constant 65535 : i32
    %and3A_106 = vector.broadcast %and3A_105 : i32 to vector<64x1xi32>
    %and3A_107 = arith.andi %broadcast_in_dim3A, %and3A_106 : vector<64x1xi32>
    %eq3A = vector.broadcast %broadcast_in_dim3A : vector<64x1xi32> to vector<64x2048xi32>
    %eq3A_108 = arith.cmpi eq, %or3A, %eq3A : vector<64x2048xi32>
    %jit3A = arith.constant -2147483648 : i32
    %broadcast_in_dim3A_109 = vector.broadcast %jit3A : i32 to vector<64x2048xi32>
    %select_n3A_110 = arith.select %eq3A_108, %broadcast_in_dim3A_109, %or3A : vector<64x2048xi1>, vector<64x2048xi32>
    %reduce_max3A_111 = arith.constant dense<-2147483648> : vector<64xi32>
    %reduce_max3A_112 = vector.multi_reduction <maxsi>, %select_n3A_110, %reduce_max3A_111 [1] : vector<64x2048xi32> to vector<64xi32>
    %broadcast_in_dim3A_113 = vector.shape_cast %reduce_max3A_112 : vector<64xi32> to vector<64x1xi32>
    %and3A_114 = arith.constant 65535 : i32
    %and3A_115 = vector.broadcast %and3A_114 : i32 to vector<64x1xi32>
    %and3A_116 = arith.andi %broadcast_in_dim3A_113, %and3A_115 : vector<64x1xi32>
    %eq3A_117 = vector.broadcast %broadcast_in_dim3A_113 : vector<64x1xi32> to vector<64x2048xi32>
    %eq3A_118 = arith.cmpi eq, %select_n3A_110, %eq3A_117 : vector<64x2048xi32>
    %jit3A_119 = arith.constant -2147483648 : i32
    %broadcast_in_dim3A_120 = vector.broadcast %jit3A_119 : i32 to vector<64x2048xi32>
    %select_n3A_121 = arith.select %eq3A_118, %broadcast_in_dim3A_120, %select_n3A_110 : vector<64x2048xi1>, vector<64x2048xi32>
    %reduce_max3A_122 = arith.constant dense<-2147483648> : vector<64xi32>
    %reduce_max3A_123 = vector.multi_reduction <maxsi>, %select_n3A_121, %reduce_max3A_122 [1] : vector<64x2048xi32> to vector<64xi32>
    %broadcast_in_dim3A_124 = vector.shape_cast %reduce_max3A_123 : vector<64xi32> to vector<64x1xi32>
    %and3A_125 = arith.constant 65535 : i32
    %and3A_126 = vector.broadcast %and3A_125 : i32 to vector<64x1xi32>
    %and3A_127 = arith.andi %broadcast_in_dim3A_124, %and3A_126 : vector<64x1xi32>
    %eq3A_128 = vector.broadcast %broadcast_in_dim3A_124 : vector<64x1xi32> to vector<64x2048xi32>
    %eq3A_129 = arith.cmpi eq, %select_n3A_121, %eq3A_128 : vector<64x2048xi32>
    %jit3A_130 = arith.constant -2147483648 : i32
    %broadcast_in_dim3A_131 = vector.broadcast %jit3A_130 : i32 to vector<64x2048xi32>
    %select_n3A_132 = arith.select %eq3A_129, %broadcast_in_dim3A_131, %select_n3A_121 : vector<64x2048xi1>, vector<64x2048xi32>
    %reduce_max3A_133 = arith.constant dense<-2147483648> : vector<64xi32>
    %reduce_max3A_134 = vector.multi_reduction <maxsi>, %select_n3A_132, %reduce_max3A_133 [1] : vector<64x2048xi32> to vector<64xi32>
    %broadcast_in_dim3A_135 = vector.shape_cast %reduce_max3A_134 : vector<64xi32> to vector<64x1xi32>
    %and3A_136 = arith.constant 65535 : i32
    %and3A_137 = vector.broadcast %and3A_136 : i32 to vector<64x1xi32>
    %and3A_138 = arith.andi %broadcast_in_dim3A_135, %and3A_137 : vector<64x1xi32>
    %eq3A_139 = vector.broadcast %broadcast_in_dim3A_135 : vector<64x1xi32> to vector<64x2048xi32>
    %eq3A_140 = arith.cmpi eq, %select_n3A_132, %eq3A_139 : vector<64x2048xi32>
    %jit3A_141 = arith.constant -2147483648 : i32
    %broadcast_in_dim3A_142 = vector.broadcast %jit3A_141 : i32 to vector<64x2048xi32>
    %select_n3A_143 = arith.select %eq3A_140, %broadcast_in_dim3A_142, %select_n3A_132 : vector<64x2048xi1>, vector<64x2048xi32>
    %reduce_max3A_144 = arith.constant dense<-2147483648> : vector<64xi32>
    %reduce_max3A_145 = vector.multi_reduction <maxsi>, %select_n3A_143, %reduce_max3A_144 [1] : vector<64x2048xi32> to vector<64xi32>
    %broadcast_in_dim3A_146 = vector.shape_cast %reduce_max3A_145 : vector<64xi32> to vector<64x1xi32>
    %and3A_147 = arith.constant 65535 : i32
    %and3A_148 = vector.broadcast %and3A_147 : i32 to vector<64x1xi32>
    %and3A_149 = arith.andi %broadcast_in_dim3A_146, %and3A_148 : vector<64x1xi32>
    %eq3A_150 = vector.broadcast %broadcast_in_dim3A_146 : vector<64x1xi32> to vector<64x2048xi32>
    %eq3A_151 = arith.cmpi eq, %select_n3A_143, %eq3A_150 : vector<64x2048xi32>
    %jit3A_152 = arith.constant -2147483648 : i32
    %broadcast_in_dim3A_153 = vector.broadcast %jit3A_152 : i32 to vector<64x2048xi32>
    %select_n3A_154 = arith.select %eq3A_151, %broadcast_in_dim3A_153, %select_n3A_143 : vector<64x2048xi1>, vector<64x2048xi32>
    %reduce_max3A_155 = arith.constant dense<-2147483648> : vector<64xi32>
    %reduce_max3A_156 = vector.multi_reduction <maxsi>, %select_n3A_154, %reduce_max3A_155 [1] : vector<64x2048xi32> to vector<64xi32>
    %broadcast_in_dim3A_157 = vector.shape_cast %reduce_max3A_156 : vector<64xi32> to vector<64x1xi32>
    %and3A_158 = arith.constant 65535 : i32
    %and3A_159 = vector.broadcast %and3A_158 : i32 to vector<64x1xi32>
    %and3A_160 = arith.andi %broadcast_in_dim3A_157, %and3A_159 : vector<64x1xi32>
    %eq3A_161 = vector.broadcast %broadcast_in_dim3A_157 : vector<64x1xi32> to vector<64x2048xi32>
    %eq3A_162 = arith.cmpi eq, %select_n3A_154, %eq3A_161 : vector<64x2048xi32>
    %jit3A_163 = arith.constant -2147483648 : i32
    %broadcast_in_dim3A_164 = vector.broadcast %jit3A_163 : i32 to vector<64x2048xi32>
    %select_n3A_165 = arith.select %eq3A_162, %broadcast_in_dim3A_164, %select_n3A_154 : vector<64x2048xi1>, vector<64x2048xi32>
    %reduce_max3A_166 = arith.constant dense<-2147483648> : vector<64xi32>
    %reduce_max3A_167 = vector.multi_reduction <maxsi>, %select_n3A_165, %reduce_max3A_166 [1] : vector<64x2048xi32> to vector<64xi32>
    %broadcast_in_dim3A_168 = vector.shape_cast %reduce_max3A_167 : vector<64xi32> to vector<64x1xi32>
    %and3A_169 = arith.constant 65535 : i32
    %and3A_170 = vector.broadcast %and3A_169 : i32 to vector<64x1xi32>
    %and3A_171 = arith.andi %broadcast_in_dim3A_168, %and3A_170 : vector<64x1xi32>
    %eq3A_172 = vector.broadcast %broadcast_in_dim3A_168 : vector<64x1xi32> to vector<64x2048xi32>
    %eq3A_173 = arith.cmpi eq, %select_n3A_165, %eq3A_172 : vector<64x2048xi32>
    %jit3A_174 = arith.constant -2147483648 : i32
    %broadcast_in_dim3A_175 = vector.broadcast %jit3A_174 : i32 to vector<64x2048xi32>
    %select_n3A_176 = arith.select %eq3A_173, %broadcast_in_dim3A_175, %select_n3A_165 : vector<64x2048xi1>, vector<64x2048xi32>
    %reduce_max3A_177 = arith.constant dense<-2147483648> : vector<64xi32>
    %reduce_max3A_178 = vector.multi_reduction <maxsi>, %select_n3A_176, %reduce_max3A_177 [1] : vector<64x2048xi32> to vector<64xi32>
    %broadcast_in_dim3A_179 = vector.shape_cast %reduce_max3A_178 : vector<64xi32> to vector<64x1xi32>
    %and3A_180 = arith.constant 65535 : i32
    %and3A_181 = vector.broadcast %and3A_180 : i32 to vector<64x1xi32>
    %and3A_182 = arith.andi %broadcast_in_dim3A_179, %and3A_181 : vector<64x1xi32>
    %eq3A_183 = vector.broadcast %broadcast_in_dim3A_179 : vector<64x1xi32> to vector<64x2048xi32>
    %eq3A_184 = arith.cmpi eq, %select_n3A_176, %eq3A_183 : vector<64x2048xi32>
    %jit3A_185 = arith.constant -2147483648 : i32
    %broadcast_in_dim3A_186 = vector.broadcast %jit3A_185 : i32 to vector<64x2048xi32>
    %select_n3A_187 = arith.select %eq3A_184, %broadcast_in_dim3A_186, %select_n3A_176 : vector<64x2048xi1>, vector<64x2048xi32>
    %reduce_max3A_188 = arith.constant dense<-2147483648> : vector<64xi32>
    %reduce_max3A_189 = vector.multi_reduction <maxsi>, %select_n3A_187, %reduce_max3A_188 [1] : vector<64x2048xi32> to vector<64xi32>
    %broadcast_in_dim3A_190 = vector.shape_cast %reduce_max3A_189 : vector<64xi32> to vector<64x1xi32>
    %and3A_191 = arith.constant 65535 : i32
    %and3A_192 = vector.broadcast %and3A_191 : i32 to vector<64x1xi32>
    %and3A_193 = arith.andi %broadcast_in_dim3A_190, %and3A_192 : vector<64x1xi32>
    %eq3A_194 = vector.broadcast %broadcast_in_dim3A_190 : vector<64x1xi32> to vector<64x2048xi32>
    %eq3A_195 = arith.cmpi eq, %select_n3A_187, %eq3A_194 : vector<64x2048xi32>
    %jit3A_196 = arith.constant -2147483648 : i32
    %broadcast_in_dim3A_197 = vector.broadcast %jit3A_196 : i32 to vector<64x2048xi32>
    %select_n3A_198 = arith.select %eq3A_195, %broadcast_in_dim3A_197, %select_n3A_187 : vector<64x2048xi1>, vector<64x2048xi32>
    %reduce_max3A_199 = arith.constant dense<-2147483648> : vector<64xi32>
    %reduce_max3A_200 = vector.multi_reduction <maxsi>, %select_n3A_198, %reduce_max3A_199 [1] : vector<64x2048xi32> to vector<64xi32>
    %broadcast_in_dim3A_201 = vector.shape_cast %reduce_max3A_200 : vector<64xi32> to vector<64x1xi32>
    %and3A_202 = arith.constant 65535 : i32
    %and3A_203 = vector.broadcast %and3A_202 : i32 to vector<64x1xi32>
    %and3A_204 = arith.andi %broadcast_in_dim3A_201, %and3A_203 : vector<64x1xi32>
    %eq3A_205 = vector.broadcast %broadcast_in_dim3A_201 : vector<64x1xi32> to vector<64x2048xi32>
    %eq3A_206 = arith.cmpi eq, %select_n3A_198, %eq3A_205 : vector<64x2048xi32>
    %jit3A_207 = arith.constant -2147483648 : i32
    %broadcast_in_dim3A_208 = vector.broadcast %jit3A_207 : i32 to vector<64x2048xi32>
    %select_n3A_209 = arith.select %eq3A_206, %broadcast_in_dim3A_208, %select_n3A_198 : vector<64x2048xi1>, vector<64x2048xi32>
    %reduce_max3A_210 = arith.constant dense<-2147483648> : vector<64xi32>
    %reduce_max3A_211 = vector.multi_reduction <maxsi>, %select_n3A_209, %reduce_max3A_210 [1] : vector<64x2048xi32> to vector<64xi32>
    %broadcast_in_dim3A_212 = vector.shape_cast %reduce_max3A_211 : vector<64xi32> to vector<64x1xi32>
    %and3A_213 = arith.constant 65535 : i32
    %and3A_214 = vector.broadcast %and3A_213 : i32 to vector<64x1xi32>
    %and3A_215 = arith.andi %broadcast_in_dim3A_212, %and3A_214 : vector<64x1xi32>
    %eq3A_216 = vector.broadcast %broadcast_in_dim3A_212 : vector<64x1xi32> to vector<64x2048xi32>
    %eq3A_217 = arith.cmpi eq, %select_n3A_209, %eq3A_216 : vector<64x2048xi32>
    %jit3A_218 = arith.constant -2147483648 : i32
    %broadcast_in_dim3A_219 = vector.broadcast %jit3A_218 : i32 to vector<64x2048xi32>
    %select_n3A_220 = arith.select %eq3A_217, %broadcast_in_dim3A_219, %select_n3A_209 : vector<64x2048xi1>, vector<64x2048xi32>
    %reduce_max3A_221 = arith.constant dense<-2147483648> : vector<64xi32>
    %reduce_max3A_222 = vector.multi_reduction <maxsi>, %select_n3A_220, %reduce_max3A_221 [1] : vector<64x2048xi32> to vector<64xi32>
    %broadcast_in_dim3A_223 = vector.shape_cast %reduce_max3A_222 : vector<64xi32> to vector<64x1xi32>
    %and3A_224 = arith.constant 65535 : i32
    %and3A_225 = vector.broadcast %and3A_224 : i32 to vector<64x1xi32>
    %and3A_226 = arith.andi %broadcast_in_dim3A_223, %and3A_225 : vector<64x1xi32>
    %eq3A_227 = vector.broadcast %broadcast_in_dim3A_223 : vector<64x1xi32> to vector<64x2048xi32>
    %eq3A_228 = arith.cmpi eq, %select_n3A_220, %eq3A_227 : vector<64x2048xi32>
    %jit3A_229 = arith.constant -2147483648 : i32
    %broadcast_in_dim3A_230 = vector.broadcast %jit3A_229 : i32 to vector<64x2048xi32>
    %select_n3A_231 = arith.select %eq3A_228, %broadcast_in_dim3A_230, %select_n3A_220 : vector<64x2048xi1>, vector<64x2048xi32>
    %reduce_max3A_232 = arith.constant dense<-2147483648> : vector<64xi32>
    %reduce_max3A_233 = vector.multi_reduction <maxsi>, %select_n3A_231, %reduce_max3A_232 [1] : vector<64x2048xi32> to vector<64xi32>
    %broadcast_in_dim3A_234 = vector.shape_cast %reduce_max3A_233 : vector<64xi32> to vector<64x1xi32>
    %and3A_235 = arith.constant 65535 : i32
    %and3A_236 = vector.broadcast %and3A_235 : i32 to vector<64x1xi32>
    %and3A_237 = arith.andi %broadcast_in_dim3A_234, %and3A_236 : vector<64x1xi32>
    %eq3A_238 = vector.broadcast %broadcast_in_dim3A_234 : vector<64x1xi32> to vector<64x2048xi32>
    %eq3A_239 = arith.cmpi eq, %select_n3A_231, %eq3A_238 : vector<64x2048xi32>
    %jit3A_240 = arith.constant -2147483648 : i32
    %broadcast_in_dim3A_241 = vector.broadcast %jit3A_240 : i32 to vector<64x2048xi32>
    %select_n3A_242 = arith.select %eq3A_239, %broadcast_in_dim3A_241, %select_n3A_231 : vector<64x2048xi1>, vector<64x2048xi32>
    %reduce_max3A_243 = arith.constant dense<-2147483648> : vector<64xi32>
    %reduce_max3A_244 = vector.multi_reduction <maxsi>, %select_n3A_242, %reduce_max3A_243 [1] : vector<64x2048xi32> to vector<64xi32>
    %broadcast_in_dim3A_245 = vector.shape_cast %reduce_max3A_244 : vector<64xi32> to vector<64x1xi32>
    %and3A_246 = arith.constant 65535 : i32
    %and3A_247 = vector.broadcast %and3A_246 : i32 to vector<64x1xi32>
    %and3A_248 = arith.andi %broadcast_in_dim3A_245, %and3A_247 : vector<64x1xi32>
    %eq3A_249 = vector.broadcast %broadcast_in_dim3A_245 : vector<64x1xi32> to vector<64x2048xi32>
    %eq3A_250 = arith.cmpi eq, %select_n3A_242, %eq3A_249 : vector<64x2048xi32>
    %jit3A_251 = arith.constant -2147483648 : i32
    %broadcast_in_dim3A_252 = vector.broadcast %jit3A_251 : i32 to vector<64x2048xi32>
    %select_n3A_253 = arith.select %eq3A_250, %broadcast_in_dim3A_252, %select_n3A_242 : vector<64x2048xi1>, vector<64x2048xi32>
    %reduce_max3A_254 = arith.constant dense<-2147483648> : vector<64xi32>
    %reduce_max3A_255 = vector.multi_reduction <maxsi>, %select_n3A_253, %reduce_max3A_254 [1] : vector<64x2048xi32> to vector<64xi32>
    %broadcast_in_dim3A_256 = vector.shape_cast %reduce_max3A_255 : vector<64xi32> to vector<64x1xi32>
    %and3A_257 = arith.constant 65535 : i32
    %and3A_258 = vector.broadcast %and3A_257 : i32 to vector<64x1xi32>
    %and3A_259 = arith.andi %broadcast_in_dim3A_256, %and3A_258 : vector<64x1xi32>
    %eq3A_260 = vector.broadcast %broadcast_in_dim3A_256 : vector<64x1xi32> to vector<64x2048xi32>
    %eq3A_261 = arith.cmpi eq, %select_n3A_253, %eq3A_260 : vector<64x2048xi32>
    %jit3A_262 = arith.constant -2147483648 : i32
    %broadcast_in_dim3A_263 = vector.broadcast %jit3A_262 : i32 to vector<64x2048xi32>
    %select_n3A_264 = arith.select %eq3A_261, %broadcast_in_dim3A_263, %select_n3A_253 : vector<64x2048xi1>, vector<64x2048xi32>
    %reduce_max3A_265 = arith.constant dense<-2147483648> : vector<64xi32>
    %reduce_max3A_266 = vector.multi_reduction <maxsi>, %select_n3A_264, %reduce_max3A_265 [1] : vector<64x2048xi32> to vector<64xi32>
    %broadcast_in_dim3A_267 = vector.shape_cast %reduce_max3A_266 : vector<64xi32> to vector<64x1xi32>
    %and3A_268 = arith.constant 65535 : i32
    %and3A_269 = vector.broadcast %and3A_268 : i32 to vector<64x1xi32>
    %and3A_270 = arith.andi %broadcast_in_dim3A_267, %and3A_269 : vector<64x1xi32>
    %concatenate3A_271 = tpu.concatenate %and3A_107, %and3A_116, %and3A_127, %and3A_138, %and3A_149, %and3A_160, %and3A_171, %and3A_182, %and3A_193, %and3A_204, %and3A_215, %and3A_226, %and3A_237, %and3A_248, %and3A_259, %and3A_270 in 1 : vector<64x1xi32>, vector<64x1xi32>, vector<64x1xi32>, vector<64x1xi32>, vector<64x1xi32>, vector<64x1xi32>, vector<64x1xi32>, vector<64x1xi32>, vector<64x1xi32>, vector<64x1xi32>, vector<64x1xi32>, vector<64x1xi32>, vector<64x1xi32>, vector<64x1xi32>, vector<64x1xi32>, vector<64x1xi32> -> vector<64x16xi32>
    %swap3A = arith.constant 0 : index
    %swap3A_272 = arith.constant 0 : index
    %swap3A_273 = vector.load %arg3[%swap3A, %swap3A_272] : memref<64x16xi32, #tpu.memory_space<vmem>>, vector<64x16xi32>
    tpu.vector_store %arg3[%swap3A, %swap3A_272], %concatenate3A_271 {strides = array<i32>} : memref<64x16xi32, #tpu.memory_space<vmem>>, vector<64x16xi32>,
    return
  }
  func.func @transform_0(%arg0: i32) -> (i32, i32) {
    %c0_i32 = arith.constant 0 : i32
    %c0_i32_0 = arith.constant 0 : i32
    return %arg0, %c0_i32 : i32, i32
  }
  func.func @transform_1(%arg0: i32) -> (i32, i32) {
    %c0_i32 = arith.constant 0 : i32
    %c0_i32_0 = arith.constant 0 : i32
    return %arg0, %c0_i32 : i32, i32
  }
  func.func @transform_2(%arg0: i32) -> (i32, i32) {
    %c0_i32 = arith.constant 0 : i32
    %c0_i32_0 = arith.constant 0 : i32
    return %arg0, %c0_i32 : i32, i32
  }
}

module attributes {stable_mosaic.version = 14 : i64} {
  func.func @_proj_body(%arg0: i32, %arg1: memref<512x1024xf32, #tpu.memory_space<vmem>>, %arg2: memref<1024x1024xf32, #tpu.memory_space<vmem>>, %arg3: memref<1x1024xf32, #tpu.memory_space<vmem>>, %arg4: memref<512x1024xf32, #tpu.memory_space<vmem>>) attributes {dimension_semantics = [#tpu.dimension_semantics<arbitrary>], iteration_bounds = array<i64: 2>, scalar_prefetch = 0 : i64, scratch_operands = 0 : i64, tpu.core_type = #tpu.core_type<tc>, window_params = [{transform_indices = @transform_0, window_bounds = array<i64: 512, 1024>}, {pipeline_mode = #tpu.pipeline_mode<synchronous>, transform_indices = @transform_1, window_bounds = array<i64: 1024, 1024>}, {pipeline_mode = #tpu.pipeline_mode<synchronous>, transform_indices = @transform_2, window_bounds = array<i64: 1, 1024>}, {transform_indices = @transform_3, window_bounds = array<i64: 512, 1024>}]} {
    %get3A = arith.constant 0 : index
    %get3A_0 = arith.constant 0 : index
    %get3A_1 = vector.load %arg1[%get3A, %get3A_0] : memref<512x1024xf32, #tpu.memory_space<vmem>>, vector<512x1024xf32>
    %get3A_2 = arith.constant 0 : index
    %get3A_3 = arith.constant 0 : index
    %get3A_4 = vector.load %arg2[%get3A_2, %get3A_3] : memref<1024x1024xf32, #tpu.memory_space<vmem>>, vector<1024x1024xf32>
    %convert_element_type3A = arith.truncf %get3A_1 : vector<512x1024xf32> to vector<512x1024xbf16>
    %convert_element_type3A_5 = arith.truncf %get3A_4 : vector<1024x1024xf32> to vector<1024x1024xbf16>
    %dot_general3A = arith.constant dense<0.000000e+00> : vector<512x1024xf32>
    %dot_general3A_6 = tpu.matmul %convert_element_type3A, %convert_element_type3A_5, %dot_general3A {dimension_numbers = #tpu.dot_dimension_numbers<[1], [1], [0], [0], [0, 0, 1, 0], [], []>, transpose_lhs_hint = false} : vector<512x1024xbf16>, vector<1024x1024xbf16>, vector<512x1024xf32> -> vector<512x1024xf32>
    %get3A_7 = arith.constant 0 : index
    %get3A_8 = arith.constant 0 : index
    %get3A_9 = vector.load %arg3[%get3A_7, %get3A_8] : memref<1x1024xf32, #tpu.memory_space<vmem>>, vector<1x1024xf32>
    %add3A = vector.broadcast %get3A_9 : vector<1x1024xf32> to vector<512x1024xf32>
    %add3A_10 = arith.addf %dot_general3A_6, %add3A : vector<512x1024xf32>
    %swap3A = arith.constant 0 : index
    %swap3A_11 = arith.constant 0 : index
    %swap3A_12 = vector.load %arg4[%swap3A, %swap3A_11] : memref<512x1024xf32, #tpu.memory_space<vmem>>, vector<512x1024xf32>
    tpu.vector_store %arg4[%swap3A, %swap3A_11], %add3A_10 {strides = array<i32>} : memref<512x1024xf32, #tpu.memory_space<vmem>>, vector<512x1024xf32>,
    return
  }
  func.func @transform_0(%arg0: i32) -> (i32, i32) {
    %c0_i32 = arith.constant 0 : i32
    %c0_i32_0 = arith.constant 0 : i32
    return %arg0, %c0_i32 : i32, i32
  }
  func.func @transform_1(%arg0: i32) -> (i32, i32) {
    %c0_i32 = arith.constant 0 : i32
    %c0_i32_0 = arith.constant 0 : i32
    %c0_i32_1 = arith.constant 0 : i32
    return %c0_i32, %c0_i32_0 : i32, i32
  }
  func.func @transform_2(%arg0: i32) -> (i32, i32) {
    %c0_i32 = arith.constant 0 : i32
    %c0_i32_0 = arith.constant 0 : i32
    %c0_i32_1 = arith.constant 0 : i32
    return %c0_i32, %c0_i32_0 : i32, i32
  }
  func.func @transform_3(%arg0: i32) -> (i32, i32) {
    %c0_i32 = arith.constant 0 : i32
    %c0_i32_0 = arith.constant 0 : i32
    return %arg0, %c0_i32 : i32, i32
  }
}

module attributes {stable_mosaic.version = 14 : i64} {
  func.func @_kv_body(%arg0: i32, %arg1: memref<2048x1024xf32, #tpu.memory_space<vmem>>, %arg2: memref<1024x1024xf32, #tpu.memory_space<vmem>>, %arg3: memref<1024x1024xf32, #tpu.memory_space<vmem>>, %arg4: memref<1x1024xf32, #tpu.memory_space<vmem>>, %arg5: memref<2048x1024xbf16, #tpu.memory_space<vmem>>, %arg6: memref<2048x1024xbf16, #tpu.memory_space<vmem>>) attributes {dimension_semantics = [#tpu.dimension_semantics<arbitrary>], iteration_bounds = array<i64: 8>, scalar_prefetch = 0 : i64, scratch_operands = 0 : i64, tpu.core_type = #tpu.core_type<tc>, window_params = [{transform_indices = @transform_0, window_bounds = array<i64: 2048, 1024>}, {pipeline_mode = #tpu.pipeline_mode<synchronous>, transform_indices = @transform_1, window_bounds = array<i64: 1024, 1024>}, {pipeline_mode = #tpu.pipeline_mode<synchronous>, transform_indices = @transform_2, window_bounds = array<i64: 1024, 1024>}, {pipeline_mode = #tpu.pipeline_mode<synchronous>, transform_indices = @transform_3, window_bounds = array<i64: 1, 1024>}, {transform_indices = @transform_4, window_bounds = array<i64: 2048, 1024>}, {transform_indices = @transform_5, window_bounds = array<i64: 2048, 1024>}]} {
    %get3A = arith.constant 0 : index
    %get3A_0 = arith.constant 0 : index
    %get3A_1 = vector.load %arg1[%get3A, %get3A_0] : memref<2048x1024xf32, #tpu.memory_space<vmem>>, vector<2048x1024xf32>
    %get3A_2 = arith.constant 0 : index
    %get3A_3 = arith.constant 0 : index
    %get3A_4 = vector.load %arg2[%get3A_2, %get3A_3] : memref<1024x1024xf32, #tpu.memory_space<vmem>>, vector<1024x1024xf32>
    %convert_element_type3A = arith.truncf %get3A_1 : vector<2048x1024xf32> to vector<2048x1024xbf16>
    %convert_element_type3A_5 = arith.truncf %get3A_4 : vector<1024x1024xf32> to vector<1024x1024xbf16>
    %dot_general3A = arith.constant dense<0.000000e+00> : vector<2048x1024xf32>
    %dot_general3A_6 = tpu.matmul %convert_element_type3A, %convert_element_type3A_5, %dot_general3A {dimension_numbers = #tpu.dot_dimension_numbers<[1], [1], [0], [0], [0, 0, 1, 0], [], []>, transpose_lhs_hint = false} : vector<2048x1024xbf16>, vector<1024x1024xbf16>, vector<2048x1024xf32> -> vector<2048x1024xf32>
    %convert_element_type3A_7 = arith.truncf %dot_general3A_6 : vector<2048x1024xf32> to vector<2048x1024xbf16>
    %swap3A = arith.constant 0 : index
    %swap3A_8 = arith.constant 0 : index
    %swap3A_9 = vector.load %arg5[%swap3A, %swap3A_8] : memref<2048x1024xbf16, #tpu.memory_space<vmem>>, vector<2048x1024xbf16>
    tpu.vector_store %arg5[%swap3A, %swap3A_8], %convert_element_type3A_7 {strides = array<i32>} : memref<2048x1024xbf16, #tpu.memory_space<vmem>>, vector<2048x1024xbf16>,
    %get3A_10 = arith.constant 0 : index
    %get3A_11 = arith.constant 0 : index
    %get3A_12 = vector.load %arg3[%get3A_10, %get3A_11] : memref<1024x1024xf32, #tpu.memory_space<vmem>>, vector<1024x1024xf32>
    %convert_element_type3A_13 = arith.truncf %get3A_1 : vector<2048x1024xf32> to vector<2048x1024xbf16>
    %convert_element_type3A_14 = arith.truncf %get3A_12 : vector<1024x1024xf32> to vector<1024x1024xbf16>
    %dot_general3A_15 = arith.constant dense<0.000000e+00> : vector<2048x1024xf32>
    %dot_general3A_16 = tpu.matmul %convert_element_type3A_13, %convert_element_type3A_14, %dot_general3A_15 {dimension_numbers = #tpu.dot_dimension_numbers<[1], [1], [0], [0], [0, 0, 1, 0], [], []>, transpose_lhs_hint = false} : vector<2048x1024xbf16>, vector<1024x1024xbf16>, vector<2048x1024xf32> -> vector<2048x1024xf32>
    %get3A_17 = arith.constant 0 : index
    %get3A_18 = arith.constant 0 : index
    %get3A_19 = vector.load %arg4[%get3A_17, %get3A_18] : memref<1x1024xf32, #tpu.memory_space<vmem>>, vector<1x1024xf32>
    %add3A = vector.broadcast %get3A_19 : vector<1x1024xf32> to vector<2048x1024xf32>
    %add3A_20 = arith.addf %dot_general3A_16, %add3A : vector<2048x1024xf32>
    %convert_element_type3A_21 = arith.truncf %add3A_20 : vector<2048x1024xf32> to vector<2048x1024xbf16>
    %swap3A_22 = arith.constant 0 : index
    %swap3A_23 = arith.constant 0 : index
    %swap3A_24 = vector.load %arg6[%swap3A_22, %swap3A_23] : memref<2048x1024xbf16, #tpu.memory_space<vmem>>, vector<2048x1024xbf16>
    tpu.vector_store %arg6[%swap3A_22, %swap3A_23], %convert_element_type3A_21 {strides = array<i32>} : memref<2048x1024xbf16, #tpu.memory_space<vmem>>, vector<2048x1024xbf16>,
    return
  }
  func.func @transform_0(%arg0: i32) -> (i32, i32) {
    %c0_i32 = arith.constant 0 : i32
    %c0_i32_0 = arith.constant 0 : i32
    return %arg0, %c0_i32 : i32, i32
  }
  func.func @transform_1(%arg0: i32) -> (i32, i32) {
    %c0_i32 = arith.constant 0 : i32
    %c0_i32_0 = arith.constant 0 : i32
    %c0_i32_1 = arith.constant 0 : i32
    return %c0_i32, %c0_i32_0 : i32, i32
  }
  func.func @transform_2(%arg0: i32) -> (i32, i32) {
    %c0_i32 = arith.constant 0 : i32
    %c0_i32_0 = arith.constant 0 : i32
    %c0_i32_1 = arith.constant 0 : i32
    return %c0_i32, %c0_i32_0 : i32, i32
  }
  func.func @transform_3(%arg0: i32) -> (i32, i32) {
    %c0_i32 = arith.constant 0 : i32
    %c0_i32_0 = arith.constant 0 : i32
    %c0_i32_1 = arith.constant 0 : i32
    return %c0_i32, %c0_i32_0 : i32, i32
  }
  func.func @transform_4(%arg0: i32) -> (i32, i32) {
    %c0_i32 = arith.constant 0 : i32
    %c0_i32_0 = arith.constant 0 : i32
    return %arg0, %c0_i32 : i32, i32
  }
  func.func @transform_5(%arg0: i32) -> (i32, i32) {
    %c0_i32 = arith.constant 0 : i32
    %c0_i32_0 = arith.constant 0 : i32
    return %arg0, %c0_i32 : i32, i32
  }
}

module attributes {stable_mosaic.version = 14 : i64} {
  func.func @_ma_body(%arg0: i32, %arg1: i32, %arg2: i32, %arg3: memref<512x128xf32, #tpu.memory_space<vmem>>, %arg4: memref<8192x128xbf16, #tpu.memory_space<vmem>>, %arg5: memref<8192x128xbf16, #tpu.memory_space<vmem>>, %arg6: memref<512x128xf32, #tpu.memory_space<vmem>>) attributes {dimension_semantics = [#tpu.dimension_semantics<arbitrary>, #tpu.dimension_semantics<arbitrary>, #tpu.dimension_semantics<arbitrary>], iteration_bounds = array<i64: 2, 8, 1>, scalar_prefetch = 0 : i64, scratch_operands = 0 : i64, tpu.core_type = #tpu.core_type<tc>, window_params = [{transform_indices = @transform_0, window_bounds = array<i64: 512, 128>}, {transform_indices = @transform_1, window_bounds = array<i64: 8192, 128>}, {transform_indices = @transform_2, window_bounds = array<i64: 8192, 128>}, {transform_indices = @transform_3, window_bounds = array<i64: 512, 128>}]} {
    %get3A = arith.constant 0 : index
    %get3A_0 = arith.constant 0 : index
    %get3A_1 = vector.load %arg3[%get3A, %get3A_0] : memref<512x128xf32, #tpu.memory_space<vmem>>, vector<512x64xf32>
    %get3A_2 = arith.constant 0 : index
    %get3A_3 = arith.constant 0 : index
    %get3A_4 = vector.load %arg4[%get3A_2, %get3A_3] : memref<8192x128xbf16, #tpu.memory_space<vmem>>, vector<8192x64xbf16>
    %get3A_5 = arith.constant 0 : index
    %get3A_6 = arith.constant 0 : index
    %get3A_7 = vector.load %arg5[%get3A_5, %get3A_6] : memref<8192x128xbf16, #tpu.memory_space<vmem>>, vector<8192x64xbf16>
    %mul3A = arith.constant 1.250000e-01 : f32
    %mul3A_8 = vector.broadcast %mul3A : f32 to vector<512x64xf32>
    %mul3A_9 = arith.mulf %get3A_1, %mul3A_8 : vector<512x64xf32>
    %convert_element_type3A = arith.truncf %mul3A_9 : vector<512x64xf32> to vector<512x64xbf16>
    %dot_general3A = arith.constant dense<0.000000e+00> : vector<512x8192xf32>
    %dot_general3A_10 = tpu.matmul %convert_element_type3A, %get3A_4, %dot_general3A {dimension_numbers = #tpu.dot_dimension_numbers<[1], [1], [0], [0], [0, 0, 1, 0], [], []>, transpose_lhs_hint = false} : vector<512x64xbf16>, vector<8192x64xbf16>, vector<512x8192xf32> -> vector<512x8192xf32>
    %convert_element_type3A_11 = arith.truncf %dot_general3A_10 : vector<512x8192xf32> to vector<512x8192xbf16>
    %reduce_max3A = arith.constant dense<0xFF80> : vector<512xbf16>
    %reduce_max3A_12 = vector.multi_reduction <maximumf>, %convert_element_type3A_11, %reduce_max3A [1] : vector<512x8192xbf16> to vector<512xbf16>
    %broadcast_in_dim3A = vector.shape_cast %reduce_max3A_12 : vector<512xbf16> to vector<512x1xbf16>
    %sub3A = vector.broadcast %broadcast_in_dim3A : vector<512x1xbf16> to vector<512x8192xbf16>
    %sub3A_13 = arith.subf %convert_element_type3A_11, %sub3A : vector<512x8192xbf16>
    %exp3A = math.exp %sub3A_13 : vector<512x8192xbf16>
    %convert_element_type3A_14 = arith.extf %exp3A : vector<512x8192xbf16> to vector<512x8192xf32>
    %reduce_sum3A = arith.constant dense<0.000000e+00> : vector<512xf32>
    %reduce_sum3A_15 = vector.multi_reduction <add>, %convert_element_type3A_14, %reduce_sum3A [1] : vector<512x8192xf32> to vector<512xf32>
    %broadcast_in_dim3A_16 = vector.shape_cast %reduce_sum3A_15 : vector<512xf32> to vector<512x1xf32>
    %convert_element_type3A_17 = arith.truncf %broadcast_in_dim3A_16 : vector<512x1xf32> to vector<512x1xbf16>
    %dot_general3A_18 = arith.constant dense<0.000000e+00> : vector<512x64xf32>
    %dot_general3A_19 = tpu.matmul %exp3A, %get3A_7, %dot_general3A_18 {dimension_numbers = #tpu.dot_dimension_numbers<[1], [0], [0], [1], [0, 0, 1, 1], [], []>, transpose_lhs_hint = false} : vector<512x8192xbf16>, vector<8192x64xbf16>, vector<512x64xf32> -> vector<512x64xf32>
    %convert_element_type3A_20 = arith.extf %convert_element_type3A_17 : vector<512x1xbf16> to vector<512x1xf32>
    %div3A = vector.broadcast %convert_element_type3A_20 : vector<512x1xf32> to vector<512x64xf32>
    %div3A_21 = arith.divf %dot_general3A_19, %div3A : vector<512x64xf32>
    %swap3A = arith.constant 0 : index
    %swap3A_22 = arith.constant 0 : index
    %swap3A_23 = vector.load %arg6[%swap3A, %swap3A_22] : memref<512x128xf32, #tpu.memory_space<vmem>>, vector<512x64xf32>
    tpu.vector_store %arg6[%swap3A, %swap3A_22], %div3A_21 {strides = array<i32>} : memref<512x128xf32, #tpu.memory_space<vmem>>, vector<512x64xf32>,
    %get3A_24 = arith.constant 0 : index
    %get3A_25 = arith.constant 64 : index
    %get3A_26 = vector.load %arg3[%get3A_24, %get3A_25] : memref<512x128xf32, #tpu.memory_space<vmem>>, vector<512x64xf32>
    %get3A_27 = arith.constant 0 : index
    %get3A_28 = arith.constant 64 : index
    %get3A_29 = vector.load %arg4[%get3A_27, %get3A_28] : memref<8192x128xbf16, #tpu.memory_space<vmem>>, vector<8192x64xbf16>
    %get3A_30 = arith.constant 0 : index
    %get3A_31 = arith.constant 64 : index
    %get3A_32 = vector.load %arg5[%get3A_30, %get3A_31] : memref<8192x128xbf16, #tpu.memory_space<vmem>>, vector<8192x64xbf16>
    %mul3A_33 = arith.constant 1.250000e-01 : f32
    %mul3A_34 = vector.broadcast %mul3A_33 : f32 to vector<512x64xf32>
    %mul3A_35 = arith.mulf %get3A_26, %mul3A_34 : vector<512x64xf32>
    %convert_element_type3A_36 = arith.truncf %mul3A_35 : vector<512x64xf32> to vector<512x64xbf16>
    %dot_general3A_37 = arith.constant dense<0.000000e+00> : vector<512x8192xf32>
    %dot_general3A_38 = tpu.matmul %convert_element_type3A_36, %get3A_29, %dot_general3A_37 {dimension_numbers = #tpu.dot_dimension_numbers<[1], [1], [0], [0], [0, 0, 1, 0], [], []>, transpose_lhs_hint = false} : vector<512x64xbf16>, vector<8192x64xbf16>, vector<512x8192xf32> -> vector<512x8192xf32>
    %convert_element_type3A_39 = arith.truncf %dot_general3A_38 : vector<512x8192xf32> to vector<512x8192xbf16>
    %reduce_max3A_40 = arith.constant dense<0xFF80> : vector<512xbf16>
    %reduce_max3A_41 = vector.multi_reduction <maximumf>, %convert_element_type3A_39, %reduce_max3A_40 [1] : vector<512x8192xbf16> to vector<512xbf16>
    %broadcast_in_dim3A_42 = vector.shape_cast %reduce_max3A_41 : vector<512xbf16> to vector<512x1xbf16>
    %sub3A_43 = vector.broadcast %broadcast_in_dim3A_42 : vector<512x1xbf16> to vector<512x8192xbf16>
    %sub3A_44 = arith.subf %convert_element_type3A_39, %sub3A_43 : vector<512x8192xbf16>
    %exp3A_45 = math.exp %sub3A_44 : vector<512x8192xbf16>
    %convert_element_type3A_46 = arith.extf %exp3A_45 : vector<512x8192xbf16> to vector<512x8192xf32>
    %reduce_sum3A_47 = arith.constant dense<0.000000e+00> : vector<512xf32>
    %reduce_sum3A_48 = vector.multi_reduction <add>, %convert_element_type3A_46, %reduce_sum3A_47 [1] : vector<512x8192xf32> to vector<512xf32>
    %broadcast_in_dim3A_49 = vector.shape_cast %reduce_sum3A_48 : vector<512xf32> to vector<512x1xf32>
    %convert_element_type3A_50 = arith.truncf %broadcast_in_dim3A_49 : vector<512x1xf32> to vector<512x1xbf16>
    %dot_general3A_51 = arith.constant dense<0.000000e+00> : vector<512x64xf32>
    %dot_general3A_52 = tpu.matmul %exp3A_45, %get3A_32, %dot_general3A_51 {dimension_numbers = #tpu.dot_dimension_numbers<[1], [0], [0], [1], [0, 0, 1, 1], [], []>, transpose_lhs_hint = false} : vector<512x8192xbf16>, vector<8192x64xbf16>, vector<512x64xf32> -> vector<512x64xf32>
    %convert_element_type3A_53 = arith.extf %convert_element_type3A_50 : vector<512x1xbf16> to vector<512x1xf32>
    %div3A_54 = vector.broadcast %convert_element_type3A_53 : vector<512x1xf32> to vector<512x64xf32>
    %div3A_55 = arith.divf %dot_general3A_52, %div3A_54 : vector<512x64xf32>
    %swap3A_56 = arith.constant 0 : index
    %swap3A_57 = arith.constant 64 : index
    %swap3A_58 = vector.load %arg6[%swap3A_56, %swap3A_57] : memref<512x128xf32, #tpu.memory_space<vmem>>, vector<512x64xf32>
    tpu.vector_store %arg6[%swap3A_56, %swap3A_57], %div3A_55 {strides = array<i32>} : memref<512x128xf32, #tpu.memory_space<vmem>>, vector<512x64xf32>,
    return
  }
  func.func @transform_0(%arg0: i32, %arg1: i32, %arg2: i32) -> (i32, i32) {
    %mul3A = arith.constant 1 : i32
    %mul3A_0 = arith.muli %arg0, %mul3A : i32
    %add3A = arith.addi %mul3A_0, %arg2 : i32
    %c0_i32 = arith.constant 0 : i32
    return %add3A, %arg1 : i32, i32
  }
  func.func @transform_1(%arg0: i32, %arg1: i32, %arg2: i32) -> (i32, i32) {
    %c0_i32 = arith.constant 0 : i32
    return %arg0, %arg1 : i32, i32
  }
  func.func @transform_2(%arg0: i32, %arg1: i32, %arg2: i32) -> (i32, i32) {
    %c0_i32 = arith.constant 0 : i32
    return %arg0, %arg1 : i32, i32
  }
  func.func @transform_3(%arg0: i32, %arg1: i32, %arg2: i32) -> (i32, i32) {
    %mul3A = arith.constant 1 : i32
    %mul3A_0 = arith.muli %arg0, %mul3A : i32
    %add3A = arith.addi %mul3A_0, %arg2 : i32
    %c0_i32 = arith.constant 0 : i32
    return %add3A, %arg1 : i32, i32
  }
}

module attributes {stable_mosaic.version = 14 : i64} {
  func.func @_tail_body(%arg0: i32, %arg1: i32, %arg2: memref<512x1024xf32, #tpu.memory_space<vmem>>, %arg3: memref<512x1024xf32, #tpu.memory_space<vmem>>, %arg4: memref<1024x1024xf32, #tpu.memory_space<vmem>>, %arg5: memref<1x1024xf32, #tpu.memory_space<vmem>>, %arg6: memref<1x1024xf32, #tpu.memory_space<vmem>>, %arg7: memref<1x1024xf32, #tpu.memory_space<vmem>>, %arg8: memref<1024x1024xf32, #tpu.memory_space<vmem>>, %arg9: memref<1x1024xf32, #tpu.memory_space<vmem>>, %arg10: memref<1024x1024xf32, #tpu.memory_space<vmem>>, %arg11: memref<1x1024xf32, #tpu.memory_space<vmem>>, %arg12: memref<1x1024xf32, #tpu.memory_space<vmem>>, %arg13: memref<1x1024xf32, #tpu.memory_space<vmem>>, %arg14: memref<512x1024xf32, #tpu.memory_space<vmem>>, %arg15: memref<512x1024xf32, #tpu.memory_space<vmem>>, %arg16: memref<512x1024xf32, #tpu.memory_space<vmem>>) attributes {dimension_semantics = [#tpu.dimension_semantics<arbitrary>, #tpu.dimension_semantics<arbitrary>], iteration_bounds = array<i64: 2, 4>, scalar_prefetch = 0 : i64, scratch_operands = 2 : i64, tpu.core_type = #tpu.core_type<tc>, window_params = [{transform_indices = @transform_0, window_bounds = array<i64: 512, 1024>}, {transform_indices = @transform_1, window_bounds = array<i64: 512, 1024>}, {pipeline_mode = #tpu.pipeline_mode<synchronous>, transform_indices = @transform_2, window_bounds = array<i64: 1024, 1024>}, {pipeline_mode = #tpu.pipeline_mode<synchronous>, transform_indices = @transform_3, window_bounds = array<i64: 1, 1024>}, {pipeline_mode = #tpu.pipeline_mode<synchronous>, transform_indices = @transform_4, window_bounds = array<i64: 1, 1024>}, {pipeline_mode = #tpu.pipeline_mode<synchronous>, transform_indices = @transform_5, window_bounds = array<i64: 1, 1024>}, {transform_indices = @transform_6, window_bounds = array<i64: 1024, 1024>}, {transform_indices = @transform_7, window_bounds = array<i64: 1, 1024>}, {transform_indices = @transform_8, window_bounds = array<i64: 1024, 1024>}, {pipeline_mode = #tpu.pipeline_mode<synchronous>, transform_indices = @transform_9, window_bounds = array<i64: 1, 1024>}, {pipeline_mode = #tpu.pipeline_mode<synchronous>, transform_indices = @transform_10, window_bounds = array<i64: 1, 1024>}, {pipeline_mode = #tpu.pipeline_mode<synchronous>, transform_indices = @transform_11, window_bounds = array<i64: 1, 1024>}, {transform_indices = @transform_12, window_bounds = array<i64: 512, 1024>}]} {
    %eq3A = arith.constant 0 : i32
    %eq3A_0 = arith.cmpi eq, %arg1, %eq3A : i32
    %convert_element_type3A = arith.extui %eq3A_0 : i1 to i32
    %cond3A = arith.constant 0 : i32
    %cond3A_1 = arith.cmpi ne, %convert_element_type3A, %cond3A : i32
    scf.if %cond3A_1 {
      %get3A_87 = arith.constant 0 : index
      %get3A_88 = arith.constant 0 : index
      %get3A_89 = vector.load %arg3[%get3A_87, %get3A_88] : memref<512x1024xf32, #tpu.memory_space<vmem>>, vector<512x1024xf32>
      %get3A_90 = arith.constant 0 : index
      %get3A_91 = arith.constant 0 : index
      %get3A_92 = vector.load %arg4[%get3A_90, %get3A_91] : memref<1024x1024xf32, #tpu.memory_space<vmem>>, vector<1024x1024xf32>
      %convert_element_type3A_93 = arith.truncf %get3A_89 : vector<512x1024xf32> to vector<512x1024xbf16>
      %convert_element_type3A_94 = arith.truncf %get3A_92 : vector<1024x1024xf32> to vector<1024x1024xbf16>
      %dot_general3A_95 = arith.constant dense<0.000000e+00> : vector<512x1024xf32>
      %dot_general3A_96 = tpu.matmul %convert_element_type3A_93, %convert_element_type3A_94, %dot_general3A_95 {dimension_numbers = #tpu.dot_dimension_numbers<[1], [1], [0], [0], [0, 0, 1, 0], [], []>, transpose_lhs_hint = false} : vector<512x1024xbf16>, vector<1024x1024xbf16>, vector<512x1024xf32> -> vector<512x1024xf32>
      %get3A_97 = arith.constant 0 : index
      %get3A_98 = arith.constant 0 : index
      %get3A_99 = vector.load %arg5[%get3A_97, %get3A_98] : memref<1x1024xf32, #tpu.memory_space<vmem>>, vector<1x1024xf32>
      %add3A_100 = vector.broadcast %get3A_99 : vector<1x1024xf32> to vector<512x1024xf32>
      %add3A_101 = arith.addf %dot_general3A_96, %add3A_100 : vector<512x1024xf32>
      %get3A_102 = arith.constant 0 : index
      %get3A_103 = arith.constant 0 : index
      %get3A_104 = vector.load %arg2[%get3A_102, %get3A_103] : memref<512x1024xf32, #tpu.memory_space<vmem>>, vector<512x1024xf32>
      %add3A_105 = arith.addf %get3A_104, %add3A_101 : vector<512x1024xf32>
      %get3A_106 = arith.constant 0 : index
      %get3A_107 = arith.constant 0 : index
      %get3A_108 = vector.load %arg6[%get3A_106, %get3A_107] : memref<1x1024xf32, #tpu.memory_space<vmem>>, vector<1x1024xf32>
      %get3A_109 = arith.constant 0 : index
      %get3A_110 = arith.constant 0 : index
      %get3A_111 = vector.load %arg7[%get3A_109, %get3A_110] : memref<1x1024xf32, #tpu.memory_space<vmem>>, vector<1x1024xf32>
      %reduce_sum3A = arith.constant dense<0.000000e+00> : vector<512xf32>
      %reduce_sum3A_112 = vector.multi_reduction <add>, %add3A_105, %reduce_sum3A [1] : vector<512x1024xf32> to vector<512xf32>
      %broadcast_in_dim3A = vector.shape_cast %reduce_sum3A_112 : vector<512xf32> to vector<512x1xf32>
      %div3A_113 = arith.constant 1.024000e+03 : f32
      %div3A_114 = vector.broadcast %div3A_113 : f32 to vector<512x1xf32>
      %div3A_115 = arith.divf %broadcast_in_dim3A, %div3A_114 : vector<512x1xf32>
      %sub3A_116 = vector.broadcast %div3A_115 : vector<512x1xf32> to vector<512x1024xf32>
      %sub3A_117 = arith.subf %add3A_105, %sub3A_116 : vector<512x1024xf32>
      %integer_pow3A = arith.mulf %sub3A_117, %sub3A_117 : vector<512x1024xf32>
      %reduce_sum3A_118 = arith.constant dense<0.000000e+00> : vector<512xf32>
      %reduce_sum3A_119 = vector.multi_reduction <add>, %integer_pow3A, %reduce_sum3A_118 [1] : vector<512x1024xf32> to vector<512xf32>
      %broadcast_in_dim3A_120 = vector.shape_cast %reduce_sum3A_119 : vector<512xf32> to vector<512x1xf32>
      %div3A_121 = arith.constant 1.024000e+03 : f32
      %div3A_122 = vector.broadcast %div3A_121 : f32 to vector<512x1xf32>
      %div3A_123 = arith.divf %broadcast_in_dim3A_120, %div3A_122 : vector<512x1xf32>
      %sub3A_124 = vector.broadcast %div3A_115 : vector<512x1xf32> to vector<512x1024xf32>
      %sub3A_125 = arith.subf %add3A_105, %sub3A_124 : vector<512x1024xf32>
      %add3A_126 = arith.constant 9.99999974E-6 : f32
      %add3A_127 = vector.broadcast %add3A_126 : f32 to vector<512x1xf32>
      %add3A_128 = arith.addf %div3A_123, %add3A_127 : vector<512x1xf32>
      %sqrt3A = math.sqrt %add3A_128 : vector<512x1xf32>
      %div3A_129 = vector.broadcast %sqrt3A : vector<512x1xf32> to vector<512x1024xf32>
      %div3A_130 = arith.divf %sub3A_125, %div3A_129 : vector<512x1024xf32>
      %mul3A_131 = vector.broadcast %get3A_108 : vector<1x1024xf32> to vector<512x1024xf32>
      %mul3A_132 = arith.mulf %div3A_130, %mul3A_131 : vector<512x1024xf32>
      %add3A_133 = vector.broadcast %get3A_111 : vector<1x1024xf32> to vector<512x1024xf32>
      %add3A_134 = arith.addf %mul3A_132, %add3A_133 : vector<512x1024xf32>
      %swap3A_135 = arith.constant 0 : index
      %swap3A_136 = arith.constant 0 : index
      %swap3A_137 = vector.load %arg15[%swap3A_135, %swap3A_136] : memref<512x1024xf32, #tpu.memory_space<vmem>>, vector<512x1024xf32>
      tpu.vector_store %arg15[%swap3A_135, %swap3A_136], %add3A_134 {strides = array<i32>} : memref<512x1024xf32, #tpu.memory_space<vmem>>, vector<512x1024xf32>,
      %broadcast_in_dim3A_138 = arith.constant 0.000000e+00 : f32
      %broadcast_in_dim3A_139 = vector.broadcast %broadcast_in_dim3A_138 : f32 to vector<512x1024xf32>
      %swap3A_140 = arith.constant 0 : index
      %swap3A_141 = arith.constant 0 : index
      %swap3A_142 = vector.load %arg16[%swap3A_140, %swap3A_141] : memref<512x1024xf32, #tpu.memory_space<vmem>>, vector<512x1024xf32>
      tpu.vector_store %arg16[%swap3A_140, %swap3A_141], %broadcast_in_dim3A_139 {strides = array<i32>} : memref<512x1024xf32, #tpu.memory_space<vmem>>, vector<512x1024xf32>,
    } else {
    }
    %get3A = arith.constant 0 : index
    %get3A_2 = arith.constant 0 : index
    %get3A_3 = vector.load %arg15[%get3A, %get3A_2] : memref<512x1024xf32, #tpu.memory_space<vmem>>, vector<512x1024xf32>
    %get3A_4 = arith.constant 0 : index
    %get3A_5 = arith.constant 0 : index
    %get3A_6 = vector.load %arg8[%get3A_4, %get3A_5] : memref<1024x1024xf32, #tpu.memory_space<vmem>>, vector<1024x1024xf32>
    %convert_element_type3A_7 = arith.truncf %get3A_3 : vector<512x1024xf32> to vector<512x1024xbf16>
    %convert_element_type3A_8 = arith.truncf %get3A_6 : vector<1024x1024xf32> to vector<1024x1024xbf16>
    %dot_general3A = arith.constant dense<0.000000e+00> : vector<512x1024xf32>
    %dot_general3A_9 = tpu.matmul %convert_element_type3A_7, %convert_element_type3A_8, %dot_general3A {dimension_numbers = #tpu.dot_dimension_numbers<[1], [1], [0], [0], [0, 0, 1, 0], [], []>, transpose_lhs_hint = false} : vector<512x1024xbf16>, vector<1024x1024xbf16>, vector<512x1024xf32> -> vector<512x1024xf32>
    %get3A_10 = arith.constant 0 : index
    %get3A_11 = arith.constant 0 : index
    %get3A_12 = vector.load %arg9[%get3A_10, %get3A_11] : memref<1x1024xf32, #tpu.memory_space<vmem>>, vector<1x1024xf32>
    %add3A = vector.broadcast %get3A_12 : vector<1x1024xf32> to vector<512x1024xf32>
    %add3A_13 = arith.addf %dot_general3A_9, %add3A : vector<512x1024xf32>
    %mul3A = arith.constant 5.000000e-01 : f32
    %mul3A_14 = vector.broadcast %mul3A : f32 to vector<512x1024xf32>
    %mul3A_15 = arith.mulf %mul3A_14, %add3A_13 : vector<512x1024xf32>
    %mul3A_16 = arith.constant 0.707106769 : f32
    %mul3A_17 = vector.broadcast %mul3A_16 : f32 to vector<512x1024xf32>
    %mul3A_18 = arith.mulf %add3A_13, %mul3A_17 : vector<512x1024xf32>
    %abs3A = math.absf %mul3A_18 : vector<512x1024xf32>
    %mul3A_19 = arith.constant 0.327591091 : f32
    %mul3A_20 = vector.broadcast %mul3A_19 : f32 to vector<512x1024xf32>
    %mul3A_21 = arith.mulf %mul3A_20, %abs3A : vector<512x1024xf32>
    %add3A_22 = arith.constant 1.000000e+00 : f32
    %add3A_23 = vector.broadcast %add3A_22 : f32 to vector<512x1024xf32>
    %add3A_24 = arith.addf %add3A_23, %mul3A_21 : vector<512x1024xf32>
    %div3A = arith.constant 1.000000e+00 : f32
    %div3A_25 = vector.broadcast %div3A : f32 to vector<512x1024xf32>
    %div3A_26 = arith.divf %div3A_25, %add3A_24 : vector<512x1024xf32>
    %mul3A_27 = arith.constant 1.06140542 : f32
    %mul3A_28 = vector.broadcast %mul3A_27 : f32 to vector<512x1024xf32>
    %mul3A_29 = arith.mulf %mul3A_28, %div3A_26 : vector<512x1024xf32>
    %sub3A = arith.constant 1.45315206 : f32
    %sub3A_30 = vector.broadcast %sub3A : f32 to vector<512x1024xf32>
    %sub3A_31 = arith.subf %mul3A_29, %sub3A_30 : vector<512x1024xf32>
    %mul3A_32 = arith.mulf %sub3A_31, %div3A_26 : vector<512x1024xf32>
    %add3A_33 = arith.constant 1.42141378 : f32
    %add3A_34 = vector.broadcast %add3A_33 : f32 to vector<512x1024xf32>
    %add3A_35 = arith.addf %mul3A_32, %add3A_34 : vector<512x1024xf32>
    %mul3A_36 = arith.mulf %add3A_35, %div3A_26 : vector<512x1024xf32>
    %sub3A_37 = arith.constant 0.284496725 : f32
    %sub3A_38 = vector.broadcast %sub3A_37 : f32 to vector<512x1024xf32>
    %sub3A_39 = arith.subf %mul3A_36, %sub3A_38 : vector<512x1024xf32>
    %mul3A_40 = arith.mulf %sub3A_39, %div3A_26 : vector<512x1024xf32>
    %add3A_41 = arith.constant 0.254829586 : f32
    %add3A_42 = vector.broadcast %add3A_41 : f32 to vector<512x1024xf32>
    %add3A_43 = arith.addf %mul3A_40, %add3A_42 : vector<512x1024xf32>
    %mul3A_44 = arith.mulf %add3A_43, %div3A_26 : vector<512x1024xf32>
    %neg3A = arith.constant 0.000000e+00 : f32
    %neg3A_45 = vector.broadcast %neg3A : f32 to vector<512x1024xf32>
    %neg3A_46 = arith.subf %neg3A_45, %mul3A_18 : vector<512x1024xf32>
    %mul3A_47 = arith.mulf %neg3A_46, %mul3A_18 : vector<512x1024xf32>
    %exp3A = math.exp %mul3A_47 : vector<512x1024xf32>
    %mul3A_48 = arith.mulf %mul3A_44, %exp3A : vector<512x1024xf32>
    %sub3A_49 = arith.constant 1.000000e+00 : f32
    %sub3A_50 = vector.broadcast %sub3A_49 : f32 to vector<512x1024xf32>
    %sub3A_51 = arith.subf %sub3A_50, %mul3A_48 : vector<512x1024xf32>
    %sign3A = tpu.bitcast %mul3A_18 : vector<512x1024xf32> -> vector<512x1024xi32>
    %sign3A_52 = arith.constant -2147483648 : i32
    %sign3A_53 = vector.broadcast %sign3A_52 : i32 to vector<512x1024xi32>
    %sign3A_54 = arith.andi %sign3A, %sign3A_53 : vector<512x1024xi32>
    %sign3A_55 = arith.constant 1065353216 : i32
    %sign3A_56 = vector.broadcast %sign3A_55 : i32 to vector<512x1024xi32>
    %sign3A_57 = arith.ori %sign3A_56, %sign3A_54 : vector<512x1024xi32>
    %sign3A_58 = tpu.bitcast %sign3A_57 : vector<512x1024xi32> -> vector<512x1024xf32>
    %sign3A_59 = math.absf %mul3A_18 : vector<512x1024xf32>
    %sign3A_60 = arith.constant 0.000000e+00 : f32
    %sign3A_61 = vector.broadcast %sign3A_60 : f32 to vector<512x1024xf32>
    %sign3A_62 = arith.cmpf ogt, %sign3A_59, %sign3A_61 : vector<512x1024xf32>
    %sign3A_63 = arith.select %sign3A_62, %sign3A_58, %mul3A_18 : vector<512x1024xi1>, vector<512x1024xf32>
    %mul3A_64 = arith.mulf %sign3A_63, %sub3A_51 : vector<512x1024xf32>
    %add3A_65 = arith.constant 1.000000e+00 : f32
    %add3A_66 = vector.broadcast %add3A_65 : f32 to vector<512x1024xf32>
    %add3A_67 = arith.addf %add3A_66, %mul3A_64 : vector<512x1024xf32>
    %mul3A_68 = arith.mulf %mul3A_15, %add3A_67 : vector<512x1024xf32>
    %get3A_69 = arith.constant 0 : index
    %get3A_70 = arith.constant 0 : index
    %get3A_71 = vector.load %arg16[%get3A_69, %get3A_70] : memref<512x1024xf32, #tpu.memory_space<vmem>>, vector<512x1024xf32>
    %get3A_72 = arith.constant 0 : index
    %get3A_73 = arith.constant 0 : index
    %get3A_74 = vector.load %arg10[%get3A_72, %get3A_73] : memref<1024x1024xf32, #tpu.memory_space<vmem>>, vector<1024x1024xf32>
    %convert_element_type3A_75 = arith.truncf %mul3A_68 : vector<512x1024xf32> to vector<512x1024xbf16>
    %convert_element_type3A_76 = arith.truncf %get3A_74 : vector<1024x1024xf32> to vector<1024x1024xbf16>
    %dot_general3A_77 = arith.constant dense<0.000000e+00> : vector<512x1024xf32>
    %dot_general3A_78 = tpu.matmul %convert_element_type3A_75, %convert_element_type3A_76, %dot_general3A_77 {dimension_numbers = #tpu.dot_dimension_numbers<[1], [1], [0], [0], [0, 0, 1, 0], [], []>, transpose_lhs_hint = false} : vector<512x1024xbf16>, vector<1024x1024xbf16>, vector<512x1024xf32> -> vector<512x1024xf32>
    %add3A_79 = arith.addf %get3A_71, %dot_general3A_78 : vector<512x1024xf32>
    %swap3A = arith.constant 0 : index
    %swap3A_80 = arith.constant 0 : index
    %swap3A_81 = vector.load %arg16[%swap3A, %swap3A_80] : memref<512x1024xf32, #tpu.memory_space<vmem>>, vector<512x1024xf32>
    tpu.vector_store %arg16[%swap3A, %swap3A_80], %add3A_79 {strides = array<i32>} : memref<512x1024xf32, #tpu.memory_space<vmem>>, vector<512x1024xf32>,
    %eq3A_82 = arith.constant 3 : i32
    %eq3A_83 = arith.cmpi eq, %arg1, %eq3A_82 : i32
    %convert_element_type3A_84 = arith.extui %eq3A_83 : i1 to i32
    %cond3A_85 = arith.constant 0 : i32
    %cond3A_86 = arith.cmpi ne, %convert_element_type3A_84, %cond3A_85 : i32
    scf.if %cond3A_86 {
      %get3A_87 = arith.constant 0 : index
      %get3A_88 = arith.constant 0 : index
      %get3A_89 = vector.load %arg15[%get3A_87, %get3A_88] : memref<512x1024xf32, #tpu.memory_space<vmem>>, vector<512x1024xf32>
      %get3A_90 = arith.constant 0 : index
      %get3A_91 = arith.constant 0 : index
      %get3A_92 = vector.load %arg16[%get3A_90, %get3A_91] : memref<512x1024xf32, #tpu.memory_space<vmem>>, vector<512x1024xf32>
      %add3A_93 = arith.addf %get3A_89, %get3A_92 : vector<512x1024xf32>
      %get3A_94 = arith.constant 0 : index
      %get3A_95 = arith.constant 0 : index
      %get3A_96 = vector.load %arg11[%get3A_94, %get3A_95] : memref<1x1024xf32, #tpu.memory_space<vmem>>, vector<1x1024xf32>
      %add3A_97 = vector.broadcast %get3A_96 : vector<1x1024xf32> to vector<512x1024xf32>
      %add3A_98 = arith.addf %add3A_93, %add3A_97 : vector<512x1024xf32>
      %get3A_99 = arith.constant 0 : index
      %get3A_100 = arith.constant 0 : index
      %get3A_101 = vector.load %arg12[%get3A_99, %get3A_100] : memref<1x1024xf32, #tpu.memory_space<vmem>>, vector<1x1024xf32>
      %get3A_102 = arith.constant 0 : index
      %get3A_103 = arith.constant 0 : index
      %get3A_104 = vector.load %arg13[%get3A_102, %get3A_103] : memref<1x1024xf32, #tpu.memory_space<vmem>>, vector<1x1024xf32>
      %reduce_sum3A = arith.constant dense<0.000000e+00> : vector<512xf32>
      %reduce_sum3A_105 = vector.multi_reduction <add>, %add3A_98, %reduce_sum3A [1] : vector<512x1024xf32> to vector<512xf32>
      %broadcast_in_dim3A = vector.shape_cast %reduce_sum3A_105 : vector<512xf32> to vector<512x1xf32>
      %div3A_106 = arith.constant 1.024000e+03 : f32
      %div3A_107 = vector.broadcast %div3A_106 : f32 to vector<512x1xf32>
      %div3A_108 = arith.divf %broadcast_in_dim3A, %div3A_107 : vector<512x1xf32>
      %sub3A_109 = vector.broadcast %div3A_108 : vector<512x1xf32> to vector<512x1024xf32>
      %sub3A_110 = arith.subf %add3A_98, %sub3A_109 : vector<512x1024xf32>
      %integer_pow3A = arith.mulf %sub3A_110, %sub3A_110 : vector<512x1024xf32>
      %reduce_sum3A_111 = arith.constant dense<0.000000e+00> : vector<512xf32>
      %reduce_sum3A_112 = vector.multi_reduction <add>, %integer_pow3A, %reduce_sum3A_111 [1] : vector<512x1024xf32> to vector<512xf32>
      %broadcast_in_dim3A_113 = vector.shape_cast %reduce_sum3A_112 : vector<512xf32> to vector<512x1xf32>
      %div3A_114 = arith.constant 1.024000e+03 : f32
      %div3A_115 = vector.broadcast %div3A_114 : f32 to vector<512x1xf32>
      %div3A_116 = arith.divf %broadcast_in_dim3A_113, %div3A_115 : vector<512x1xf32>
      %sub3A_117 = vector.broadcast %div3A_108 : vector<512x1xf32> to vector<512x1024xf32>
      %sub3A_118 = arith.subf %add3A_98, %sub3A_117 : vector<512x1024xf32>
      %add3A_119 = arith.constant 9.99999974E-6 : f32
      %add3A_120 = vector.broadcast %add3A_119 : f32 to vector<512x1xf32>
      %add3A_121 = arith.addf %div3A_116, %add3A_120 : vector<512x1xf32>
      %sqrt3A = math.sqrt %add3A_121 : vector<512x1xf32>
      %div3A_122 = vector.broadcast %sqrt3A : vector<512x1xf32> to vector<512x1024xf32>
      %div3A_123 = arith.divf %sub3A_118, %div3A_122 : vector<512x1024xf32>
      %mul3A_124 = vector.broadcast %get3A_101 : vector<1x1024xf32> to vector<512x1024xf32>
      %mul3A_125 = arith.mulf %div3A_123, %mul3A_124 : vector<512x1024xf32>
      %add3A_126 = vector.broadcast %get3A_104 : vector<1x1024xf32> to vector<512x1024xf32>
      %add3A_127 = arith.addf %mul3A_125, %add3A_126 : vector<512x1024xf32>
      %swap3A_128 = arith.constant 0 : index
      %swap3A_129 = arith.constant 0 : index
      %swap3A_130 = vector.load %arg14[%swap3A_128, %swap3A_129] : memref<512x1024xf32, #tpu.memory_space<vmem>>, vector<512x1024xf32>
      tpu.vector_store %arg14[%swap3A_128, %swap3A_129], %add3A_127 {strides = array<i32>} : memref<512x1024xf32, #tpu.memory_space<vmem>>, vector<512x1024xf32>,
    } else {
    }
    return
  }
  func.func @transform_0(%arg0: i32, %arg1: i32) -> (i32, i32) {
    %c0_i32 = arith.constant 0 : i32
    %c0_i32_0 = arith.constant 0 : i32
    return %arg0, %c0_i32 : i32, i32
  }
  func.func @transform_1(%arg0: i32, %arg1: i32) -> (i32, i32) {
    %c0_i32 = arith.constant 0 : i32
    %c0_i32_0 = arith.constant 0 : i32
    return %arg0, %c0_i32 : i32, i32
  }
  func.func @transform_2(%arg0: i32, %arg1: i32) -> (i32, i32) {
    %c0_i32 = arith.constant 0 : i32
    %c0_i32_0 = arith.constant 0 : i32
    %c0_i32_1 = arith.constant 0 : i32
    return %c0_i32, %c0_i32_0 : i32, i32
  }
  func.func @transform_3(%arg0: i32, %arg1: i32) -> (i32, i32) {
    %c0_i32 = arith.constant 0 : i32
    %c0_i32_0 = arith.constant 0 : i32
    %c0_i32_1 = arith.constant 0 : i32
    return %c0_i32, %c0_i32_0 : i32, i32
  }
  func.func @transform_4(%arg0: i32, %arg1: i32) -> (i32, i32) {
    %c0_i32 = arith.constant 0 : i32
    %c0_i32_0 = arith.constant 0 : i32
    %c0_i32_1 = arith.constant 0 : i32
    return %c0_i32, %c0_i32_0 : i32, i32
  }
  func.func @transform_5(%arg0: i32, %arg1: i32) -> (i32, i32) {
    %c0_i32 = arith.constant 0 : i32
    %c0_i32_0 = arith.constant 0 : i32
    %c0_i32_1 = arith.constant 0 : i32
    return %c0_i32, %c0_i32_0 : i32, i32
  }
  func.func @transform_6(%arg0: i32, %arg1: i32) -> (i32, i32) {
    %c0_i32 = arith.constant 0 : i32
    %c0_i32_0 = arith.constant 0 : i32
    return %arg1, %c0_i32 : i32, i32
  }
  func.func @transform_7(%arg0: i32, %arg1: i32) -> (i32, i32) {
    %c0_i32 = arith.constant 0 : i32
    %c0_i32_0 = arith.constant 0 : i32
    return %c0_i32, %arg1 : i32, i32
  }
  func.func @transform_8(%arg0: i32, %arg1: i32) -> (i32, i32) {
    %c0_i32 = arith.constant 0 : i32
    %c0_i32_0 = arith.constant 0 : i32
    return %c0_i32, %arg1 : i32, i32
  }
  func.func @transform_9(%arg0: i32, %arg1: i32) -> (i32, i32) {
    %c0_i32 = arith.constant 0 : i32
    %c0_i32_0 = arith.constant 0 : i32
    %c0_i32_1 = arith.constant 0 : i32
    return %c0_i32, %c0_i32_0 : i32, i32
  }
  func.func @transform_10(%arg0: i32, %arg1: i32) -> (i32, i32) {
    %c0_i32 = arith.constant 0 : i32
    %c0_i32_0 = arith.constant 0 : i32
    %c0_i32_1 = arith.constant 0 : i32
    return %c0_i32, %c0_i32_0 : i32, i32
  }
  func.func @transform_11(%arg0: i32, %arg1: i32) -> (i32, i32) {
    %c0_i32 = arith.constant 0 : i32
    %c0_i32_0 = arith.constant 0 : i32
    %c0_i32_1 = arith.constant 0 : i32
    return %c0_i32, %c0_i32_0 : i32, i32
  }
  func.func @transform_12(%arg0: i32, %arg1: i32) -> (i32, i32) {
    %c0_i32 = arith.constant 0 : i32
    %c0_i32_0 = arith.constant 0 : i32
    return %arg0, %c0_i32 : i32, i32
  }
}

</mosaic_0001>

<sc_bundles>
// kernel: kernel.14.cloned.1.call-start
scs
__scs_entry_jumppad:
0x0: {  	(pc) =	sbr.rel $0x88, $3  }
0x1: {  	(tag) =	ssettag $0x0;
	lr =	simm.s32 $0x1  }
0x2: {  	[smem:$0x3F8C] =	sst lr;
	_ =	strace $0xD0000000  }
0x3: {  	_ = 	snop  }
0x4: {  	_ = 	snop  }
0x5: {  	_ = 	snop  }
0x6: {  	_ = 	snop  }
0x7: {  	_ = 	snop  }
__scs_overlays_trampoline_lowered:
0x8: {  	[smem:$0x3F9B] =	sst s0  }
0x9: {  	[smem:$0x3F9C] =	sst s1  }
0xa: {  	[smem:$0x3F9D] =	sst s2  }
0xb: {  	[smem:$0x3F9E] =	sst s3  }
0xc: {  	[smem:$0x3F9F] =	sst s4  }
0xd: {  	[smem:$0x3FA0] =	sst s5  }
0xe: {  	[smem:$0x3FA1] =	sst s6  }
0xf: {  	[smem:$0x3FA2] =	sst s7  }
0x10: {  	[smem:$0x3FA3] =	sst s8  }
0x11: {  	[smem:$0x3FA4] =	sst s9;
	s0 =	simm.s32 @!p0 $0x0  }
0x12: {  	s1 =	sld [smem:$0x3F8A];
	s0 =	simm.s32 @p0 $0x1  }
0x13: {  	[smem:$0x3FA5] =	sst s0;
	s0 =	simm.s32 @!p1 $0x0  }
0x14: {  	s2 =	sld [smem:$0x3F89];
	s0 =	simm.s32 @p1 $0x1  }
0x15: {  	[smem:$0x3FA6] =	sst s0;
	s0 =	simm.s32 @!p2 $0x0  }
0x16: {  	s3 =	sld [smem:$0x3FDB];
	s0 =	simm.s32 @p2 $0x1  }
0x17: {  	s4 =	simm.s32 $0x1BF5;
	[smem:$0x3FA8] =	sst s0  }
0x18: {  	s0 =	sld [smem:$0x3F8B];
	_ =	swait.ge [sflag:s4], $0x0  }
0x19: {  	s7 =	sld [smem:$0x3F8C]  }
0x1a: {  	s8 =	sadd.s32 $0xFFFFE003, lr  }
0x1b: {  	s9 =	sadd.s32 $0xFFFFFEF7, lr;
	s5 =	simm.s32 $0xFFFFFFFF;
	p2 =	slt.u32 s8, $0xFFFFF086  }
0x1c: {  	p1 =	slt.u32 s9, $0xF7A;
	s5 =	simm.s32 @!p2 $0x0  }
0x1d: {  	s5 =	simm.s32 @p1 $0x1;
	p0 =	seq.s32 s7, s2  }
0x1e: {  	s7 =	smul.u32 @!p0 $0xF7A, s2;
	p2 =	seq.s32 @!p0 s5, $0x0  }
0x1f: {  	s9 =	smul.u32 $0xF7A, s1;
	s8 =	simm.s32 @!p0 $0x1BF5;
	p2 =	por !p2, p0  }
0x20: {  	[sflag:s8] =	ssyncset.s32 @!p0 $0xFFFFF086;
	s6 =	sadd.s32 @!p0 s3, s7;
	s7 =	simm.s32 @!p0 $0x108  }
0x21: {  	s3 =	sadd.s32 s3, s9;
	s6 =	sadd.s32 @!p0 $0x88, s6;
	s7 =	simm.s32 @p2 $0x1082  }
0x22: {  	[simem:s7], [sflag:s8] =	dma.local @!p0 [hbm:s6], $0xF7A  }
0x23: {  	s9 =	sor.u32 $0xD0000000, s2;
	s6 =	simm.s32 $0x108;
	_ =	swait.ge @!p0 [sflag:s8], $0x0  }
0x24: {  	s3 =	sadd.s32 $0x88, s3;
	s6 =	simm.s32 @!p1 $0x1082;
	[sflag:s4] =	ssyncset.s32 $0xFFFFF086  }
0x25: {  	[simem:s6], [sflag:s4] =	dma.local [hbm:s3], $0xF7A  }
0x26: {  	[smem:$0x3F8C] =	sst s1;
	(tag) =	ssettag s2;
	_ =	strace s9  }
0x27: {  	s1 =	sld [smem:$0x3F9C]  }
0x28: {  	s2 =	sld [smem:$0x3F9D]  }
0x29: {  	s4 =	sld [smem:$0x3F9F]  }
0x2a: {  	p0 =	seq.s32 s5, $0x0;
	s5 =	sld [smem:$0x3FA0]  }
0x2b: {  	s6 =	sld [smem:$0x3FA1]  }
0x2c: {  	s7 =	sld [smem:$0x3FA2]  }
0x2d: {  	s3 =	simm.s32 $0x108;
	s8 =	sld [smem:$0x3FA3]  }
0x2e: {  	s3 =	simm.s32 @!p0 $0x1082;
	s9 =	sld [smem:$0x3FA4]  }
0x2f: {  	lr =	sadd.s32 s0, s3;
	s0 =	sld [smem:$0x3F9B]  }
0x30: {  	s3 =	sld [smem:$0x3F9E]  }
0x31: {  	[smem:$0x3FA7] =	sst s10  }
0x32: {  	s10 =	sld [smem:$0x3FA5];
	_ =	sdelay $0x3  }
0x33: {  	p0 =	seq.s32 s10, $0x1;
	s10 =	sld [smem:$0x3FA7];
	_ =	sdelay $0x3  }
0x34: {  	[smem:$0x3FA7] =	sst s10  }
0x35: {  	s10 =	sld [smem:$0x3FA6];
	_ =	sdelay $0x3  }
0x36: {  	p1 =	seq.s32 s10, $0x1;
	s10 =	sld [smem:$0x3FA7];
	_ =	sdelay $0x3  }
0x37: {  	[smem:$0x3FA7] =	sst s10  }
0x38: {  	s10 =	sld [smem:$0x3FA8]  }
0x39: {  	_ = 	snop;
	(pc) =	sbr.ind lr, $3  }
0x3a: {  	_ = 	snop  }
0x3b: {  	_ = 	snop  }
0x3c: {  	p2 =	seq.s32 s10, $0x1;
	s10 =	sld [smem:$0x3FA7]  }
0x3d: {  	_ =	shalt  }
0x3e: {  	_ =	shalt  }
0x3f: {  	_ =	shalt  }
0x40: {  	_ =	shalt  }
0x41: {  	_ =	shalt  }
0x42: {  	_ =	shalt  }
0x43: {  	_ =	shalt  }
0x44: {  	_ =	shalt  }
0x45: {  	_ =	shalt  }
0x46: {  	_ =	shalt  }
0x47: {  	_ =	shalt  }
0x48: {  	_ =	shalt  }
0x49: {  	_ =	shalt  }
0x4a: {  	_ =	shalt  }
0x4b: {  	_ =	shalt  }
0x4c: {  	_ =	shalt  }
0x4d: {  	_ =	shalt  }
0x4e: {  	_ =	shalt  }
0x4f: {  	_ =	shalt  }
0x50: {  	_ =	shalt  }
0x51: {  	_ =	shalt  }
0x52: {  	_ =	shalt  }
0x53: {  	_ =	shalt  }
0x54: {  	_ =	shalt  }
0x55: {  	_ =	shalt  }
0x56: {  	_ =	shalt  }
0x57: {  	_ =	shalt  }
0x58: {  	_ =	shalt  }
0x59: {  	_ =	shalt  }
0x5a: {  	_ =	shalt  }
0x5b: {  	_ =	shalt  }
0x5c: {  	_ =	shalt  }
0x5d: {  	_ =	shalt  }
0x5e: {  	_ =	shalt  }
0x5f: {  	_ =	shalt  }
0x60: {  	_ =	shalt  }
0x61: {  	_ =	shalt  }
0x62: {  	_ =	shalt  }
0x63: {  	_ =	shalt  }
0x64: {  	_ =	shalt  }
0x65: {  	_ =	shalt  }
0x66: {  	_ =	shalt  }
0x67: {  	_ =	shalt  }
0x68: {  	_ =	shalt  }
0x69: {  	_ =	shalt  }
0x6a: {  	_ =	shalt  }
0x6b: {  	_ =	shalt  }
0x6c: {  	_ =	shalt  }
0x6d: {  	_ =	shalt  }
0x6e: {  	_ =	shalt  }
0x6f: {  	_ =	shalt  }
0x70: {  	_ =	shalt  }
0x71: {  	_ =	shalt  }
0x72: {  	_ =	shalt  }
0x73: {  	_ =	shalt  }
0x74: {  	_ =	shalt  }
0x75: {  	_ =	shalt  }
0x76: {  	_ =	shalt  }
0x77: {  	_ =	shalt  }
0x78: {  	_ =	shalt  }
0x79: {  	_ =	shalt  }
0x7a: {  	_ =	shalt  }
0x7b: {  	_ =	shalt  }
0x7c: {  	_ =	shalt  }
0x7d: {  	_ =	shalt  }
0x7e: {  	_ =	shalt  }
0x7f: {  	_ =	shalt  }
0x80: {  	_ =	shalt  }
0x81: {  	_ =	shalt  }
0x82: {  	_ =	shalt  }
0x83: {  	_ =	shalt  }
0x84: {  	_ =	shalt  }
0x85: {  	_ =	shalt  }
0x86: {  	_ =	shalt  }
0x87: {  	_ =	shalt  }
.Lfunc_end0:
.L_simem_size_0:
called_computation_lowered:
.L_overlay_start_0:
0x88: {  	s2 =	sld [smem:$0x3FD9]  }
0x89: {  	s3 =	sld [smem:$0x3FFE];
	_ =	sdelay $0x1  }
0x8a: {  	s1 =	srdreg.scid  }
0x8b: {  	s0 =	sand.u32 $0x1, s1  }
0x8c: {  	s16 =	sshll.u32 s0, $0xA;
	s2 =	sadd.s32 s3, s2  }
0x8d: {  	s2 =	sadd.s32 s2, s16  }
0x8e: {  	[smem:$0x3FB3] =	sst s2  }
0x8f: {  	_ = 	snop  }
0x90: {  	(tm) =	ssettm $0x1  }
0x91: {  	s17 =	sld [smem:$0x3FFB];
	_ =	sdelay $0x3  }
0x92: {  	_ =	strace s17  }
0x93: {  	s2 =	sld [smem:$0x3FFC];
	_ =	sdelay $0x3  }
0x94: {  	_ =	strace s2  }
0x95: {  	s2 =	sld [smem:$0x3FFD];
	_ =	sdelay $0x3  }
0x96: {  	_ =	strace s2  }
0x97: {  	_ =	strace $0x8FFFFFFF  }
0x98: {  	s18 =	sld [smem:$0x3FDB];
	_ =	sdelay $0x1  }
0x99: {  	s19 =	simm.s32 $_scs_section_size  }
0x9a: {  	s4 =	simm.s32 $_size__tile_overlayer_lowered;
	s5 =	simm.s32 $_tile_overlayer_lowered  }
0x9b: {  	s22 =	simm.s32 $0x1BFF;
	s21 =	sshll.u32 s5, $0x1;
	s2 =	sadd.s32 s19, s18  }
0x9c: {  	s6 =	simm.s32 $0x0;
	s20 =	sshll.u32 s4, $0x1;
	s4 =	sadd.s32 s21, s2  }
0x9d: {  	[timem:s6], [sflag:s22] =	dma.local [hbm:s4], s20  }
0x9e: {  	_ =	swait.ge [sflag:s22], s20  }
0x9f: {  	s3 =	ssub.s32 $0x0, s20;
	[sflag:s22] =	ssyncset.done $0x0  }
0xa0: {  	[sflag:s22] =	ssyncadd.s32 s3;
	_ =	sdelay $0x1  }
0xa1: {  	s23 =	simm.s32 $0x1B8B  }
0xa2: {  	_ =	swait.ge [sflag:s23], $0x1  }
0xa3: {  	[sflag:s23] =	ssyncset.done $0x0  }
0xa4: {  	s25 =	simm.s32 $0x1B8E;
	s24 =	sld [smem:$0x3FFE];
	[sflag:s23] =	ssyncadd.s32 $0xFFFFFFFF  }
0xa5: {  	s26 =	simm.s32 $execute0_lowered;
	[smem:$0x3FD2] =	sst s25  }
0xa6: {  	s4 =	sshll.u32 s26, $0x1;
	_ =	strace $0x80000046;
	[dreg:$0x1] =	wrdreg $0xFFFFFFFF  }
0xa7: {  	s28 =	simm.s32 $_size_execute0_lowered;
	s2 =	sadd.s32 s2, s4;
	[dreg:$0x0] =	wrdreg $0x0  }
0xa8: {  	s4 =	sshll.u32 s28, $0x1;
	[dreg:$0x2] =	wrdreg s2  }
0xa9: {  	[dreg:$0x3] =	wrdreg s4  }
0xaa: {  	[dreg:$0x4] =	wrdreg $0xC0  }
0xab: {  	_ =	task [dreg:s6], $0x5FFFF  }
0xac: {  	[dreg:$0x1] =	wrdreg $0xFFFFFFFF  }
0xad: {  	[dreg:$0x0] =	wrdreg $0x60  }
0xae: {  	[dreg:$0x2] =	wrdreg s24  }
0xaf: {  	[dreg:$0x3] =	wrdreg $0x9  }
0xb0: {  	_ =	task.clear_ibuf [dreg:s6], $0x4FFFF;
	_ =	strace $0x90000046  }
0xb1: {  	s29 =	simm.s32 $0x9;
	_ =	strace $0x80000048  }
0xb2: {  	_ =	swait.ge [sflag:s29], $0x1  }
0xb3: {  	[sflag:s29] =	ssyncadd.s32 $0xFFFFFFFF  }
0xb4: {  	_ =	strace $0x90000048  }
0xb5: {  	_ =	sfence  }
0xb6: {  	s30 =	sld [smem:$0x0];
	_ =	sdelay $0x2  }
0xb7: {  	s31 =	sshll.u32 s1, $0xD;
	s1 =	sshrl.u32 s1, $0x2  }
0xb8: {  	s3 =	sand.u32 $0x4000, s31;
	s1 =	sadd.s32 s1, s30  }
0xb9: {  	s0 =	sor.u32 s3, s0;
	s1 =	sshll.u32 s1, $0x11  }
0xba: {  	s0 =	sor.u32 s1, s0  }
0xbb: {  	s0 =	sadd.s32 $0x8F2B, s0  }
0xbc: {  	[sflag:s0] =	ssyncadd.remote.s32 $0x1  }
0xbd: {  	_ =	sfence.sel $0xFFFF  }
0xbe: {  	[dreg:$0x0] =	wrdreg $0xFFFFFFFF;
	(pc) =	sbr.abs _section_cstart, $3  }
0xbf: {  	[dreg:$0x1] =	wrdreg $0xFFFFFFFF  }
0xc0: {  	_ =	task.clear_ibuf [dreg:s6], $0x2FFFF;
	_ =	strace $0x9FFFFFFF  }
0xc1: {  	(tm) =	ssettm $0x7FFFFFFF  }
tec
execute0_lowered:
.L_overlay_start_1:
0x0: {  	(tag) =	ssettag $0x1  }
0x1: {  	s0 =	srdreg.scid  }
0x2: {  	s9 =	rddreg [dreg:$0x0];
	s16 =	sand.u32 $0x1, s0  }
0x3: {  	s1 =	stileid.u32;
	s2 =	simm.s32 $0x0;
	s3 =	sshll.u32 s16, $0x6  }
0x4: {  	s0 =	rddreg [dreg:$0x1];
	s4 =	sshll.u32 s1, $0x7;
	s3 =	sadd.s32 s3, s9  }
0x5: {  	[smem:$0x7FF] =	sst s2;
	s3 =	sadd.s32 s4, s3  }
0x6: {  	_ =	strace $0x80000047;
	s4 =	sadd.s32 $0x21800, s3;
	s3 =	simm.s32 $0x3  }
0x7: {  	[tilespmem:s2], [sflag:$0x3] =	stream.linear.gather [hbm4b:s4+s2], $0x200, $0x38;
	[tilespmem:$0x8200] =	vst v63  }
0x8: {  	_ =	swait.ge [sflag:s3], $0x200  }
0x9: {  	s6 =	simm.s32 $0x80;
	s7 =	simm.s32 $0x200;
	[sflag:s3] =	ssyncset.done $0x0  }
0xa: {  	s8 =	simm.s32 $0x1;
	s5 =	sadd.s32 $0xA1800, s9;
	[sflag:s3] =	ssyncadd.s32 $0xFFFFFE00  }
0xb: {  	[tilespmem:s7], [sflag:$0x1] =	stream.indirect.gather [hbm4b:s5+s6], $0x80, s2, s6, $0xb8;
	[tilespmem:$0x8200] =	vst v63  }
0xc: {  	s10 =	sshll.u32 s1, $0xE;
	s11 =	sshll.u32 s16, $0xD;
	_ =	swait.ge [sflag:s8], $0x4000  }
0xd: {  	s10 =	sor.u32 s11, s10;
	[sflag:s8] =	ssyncset.done $0x0  }
0xe: {  	s17 =	sadd.s32 s10, s9;
	s9 =	simm.s32 $0x4200;
	[sflag:s8] =	ssyncadd.s32 $0xFFFFC000  }
0xf: {  	[tilespmem:s9], [sflag:$0x2] =	stream.indirect.gather [hbm4b:s5+s6], $0x80, s6, s6, $0xb8;
	[tilespmem:$0x8200] =	vst v63  }
0x10: {  	s10 =	sadd.s32 $0x22000, s17  }
0x11: {  	[hbm4b:s10+s2] =	stream.linear.scatter [tilespmem:s7], [sflag:$0x3], $0x4000, $0x38;
	[tilespmem:$0x8200] =	vst v63  }
0x12: {  	_ =	swait.ge [sflag:s3], $0x4000  }
0x13: {  	[sflag:s3] =	ssyncset.done $0x0  }
0x14: {  	s11 =	simm.s32 $0x2;
	[sflag:s3] =	ssyncadd.s32 $0xFFFFC000  }
0x15: {  	_ =	swait.ge [sflag:s11], $0x4000  }
0x16: {  	[sflag:s11] =	ssyncset.done $0x0  }
0x17: {  	s12 =	simm.s32 $0x100;
	[sflag:s11] =	ssyncadd.s32 $0xFFFFC000  }
0x18: {  	[tilespmem:s7], [sflag:$0x1] =	stream.indirect.gather [hbm4b:s5+s6], $0x80, s12, s6, $0xb8;
	[tilespmem:$0x8200] =	vst v63  }
0x19: {  	s13 =	sadd.s32 $0x22800, s17  }
0x1a: {  	[hbm4b:s13+s2] =	stream.linear.scatter [tilespmem:s9], [sflag:$0x3], $0x4000, $0x38;
	[tilespmem:$0x8200] =	vst v63  }
0x1b: {  	_ =	swait.ge [sflag:s3], $0x4000  }
0x1c: {  	[sflag:s3] =	ssyncset.done $0x0  }
0x1d: {  	[sflag:s3] =	ssyncadd.s32 $0xFFFFC000  }
0x1e: {  	_ =	swait.ge [sflag:s8], $0x4000  }
0x1f: {  	[sflag:s8] =	ssyncset.done $0x0  }
0x20: {  	s14 =	simm.s32 $0x180;
	[sflag:s8] =	ssyncadd.s32 $0xFFFFC000  }
0x21: {  	[tilespmem:s9], [sflag:$0x2] =	stream.indirect.gather [hbm4b:s5+s6], $0x80, s14, s6, $0xb8;
	[tilespmem:$0x8200] =	vst v63  }
0x22: {  	s16 =	ssub.s32 $0x2, s16;
	s15 =	sadd.s32 $0x23000, s17  }
0x23: {  	[hbm4b:s15+s2] =	stream.linear.scatter [tilespmem:s7], [sflag:$0x3], $0x4000, $0x38;
	[tilespmem:$0x8200] =	vst v63  }
0x24: {  	s18 =	sshrl.u32 s16, $0x1;
	_ =	swait.ge [sflag:s3], $0x4000  }
0x25: {  	s18 =	ssub.s32 s16, s18;
	[sflag:s3] =	ssyncset.done $0x0  }
0x26: {  	s31 =	smax.u32 s18, $0x1;
	[sflag:s3] =	ssyncadd.s32 $0xFFFFC000  }
0x27: {  	p0 =	sne.s32 s31, $0x1;
	_ =	swait.ge [sflag:s11], $0x4000  }
.Ltmp0:
0x28: {  	[sflag:s11] =	ssyncset.done $0x0;
	(pc) =	sbr.rel @!p0 .LBB2_2-.Ltmp0, $4  }
0x29: {  	s16 =	sadd.s32 $0x23800, s17;
	[sflag:s11] =	ssyncadd.s32 $0xFFFFC000  }
0x2a: {  	[hbm4b:s16+s2] =	stream.linear.scatter [tilespmem:s9], [sflag:$0x3], $0x4000, $0x38;
	[tilespmem:$0x8200] =	vst v63  }
0x2b: {  	_ =	swait.ge [sflag:s3], $0x4000  }
0x2c: {  	s17 =	sadd.s32 $0xFFFFFFFF, s31;
	[sflag:s3] =	ssyncset.done $0x0  }
.LBB2_1:
0x2d: {  	p0 =	sne.s32 s17, $0x1;
	s17 =	sadd.s32 $0xFFFFFFFF, s17;
	[sflag:s3] =	ssyncadd.s32 $0xFFFFC000  }
0x2e: {  	[tilespmem:s2], [sflag:$0x3] =	stream.linear.gather [hbm4b:s4+s2], $0x200, $0x38;
	[tilespmem:$0x8200] =	vst v63  }
0x2f: {  	_ =	swait.ge [sflag:s3], $0x200  }
0x30: {  	[sflag:s3] =	ssyncset.done $0x0  }
0x31: {  	[sflag:s3] =	ssyncadd.s32 $0xFFFFFE00  }
0x32: {  	[tilespmem:s7], [sflag:$0x1] =	stream.indirect.gather [hbm4b:s5+s6], $0x80, s2, s6, $0xb8;
	[tilespmem:$0x8200] =	vst v63  }
0x33: {  	_ =	swait.ge [sflag:s8], $0x4000  }
0x34: {  	[sflag:s8] =	ssyncset.done $0x0  }
0x35: {  	[sflag:s8] =	ssyncadd.s32 $0xFFFFC000  }
0x36: {  	[tilespmem:s9], [sflag:$0x2] =	stream.indirect.gather [hbm4b:s5+s6], $0x80, s6, s6, $0xb8;
	[tilespmem:$0x8200] =	vst v63  }
0x37: {  	_ = 	snop  }
0x38: {  	[hbm4b:s10+s2] =	stream.linear.scatter [tilespmem:s7], [sflag:$0x3], $0x4000, $0x38;
	[tilespmem:$0x8200] =	vst v63  }
0x39: {  	_ =	swait.ge [sflag:s3], $0x4000  }
0x3a: {  	[sflag:s3] =	ssyncset.done $0x0  }
0x3b: {  	[sflag:s3] =	ssyncadd.s32 $0xFFFFC000  }
0x3c: {  	_ =	swait.ge [sflag:s11], $0x4000  }
0x3d: {  	[sflag:s11] =	ssyncset.done $0x0  }
0x3e: {  	[sflag:s11] =	ssyncadd.s32 $0xFFFFC000  }
0x3f: {  	[tilespmem:s7], [sflag:$0x1] =	stream.indirect.gather [hbm4b:s5+s6], $0x80, s12, s6, $0xb8;
	[tilespmem:$0x8200] =	vst v63  }
0x40: {  	_ = 	snop  }
0x41: {  	[hbm4b:s13+s2] =	stream.linear.scatter [tilespmem:s9], [sflag:$0x3], $0x4000, $0x38;
	[tilespmem:$0x8200] =	vst v63  }
0x42: {  	_ =	swait.ge [sflag:s3], $0x4000  }
0x43: {  	[sflag:s3] =	ssyncset.done $0x0  }
0x44: {  	[sflag:s3] =	ssyncadd.s32 $0xFFFFC000  }
0x45: {  	_ =	swait.ge [sflag:s8], $0x4000  }
0x46: {  	[sflag:s8] =	ssyncset.done $0x0  }
0x47: {  	[sflag:s8] =	ssyncadd.s32 $0xFFFFC000  }
0x48: {  	[tilespmem:s9], [sflag:$0x2] =	stream.indirect.gather [hbm4b:s5+s6], $0x80, s14, s6, $0xb8;
	[tilespmem:$0x8200] =	vst v63  }
0x49: {  	_ = 	snop  }
0x4a: {  	[hbm4b:s15+s2] =	stream.linear.scatter [tilespmem:s7], [sflag:$0x3], $0x4000, $0x38;
	[tilespmem:$0x8200] =	vst v63  }
0x4b: {  	_ =	swait.ge [sflag:s3], $0x4000  }
0x4c: {  	[sflag:s3] =	ssyncset.done $0x0  }
0x4d: {  	[sflag:s3] =	ssyncadd.s32 $0xFFFFC000  }
0x4e: {  	_ =	swait.ge [sflag:s11], $0x4000  }
.Ltmp1:
0x4f: {  	[sflag:s11] =	ssyncset.done $0x0;
	(pc) =	sbr.rel @p0 .LBB2_1-.Ltmp1, $4  }
0x50: {  	[sflag:s11] =	ssyncadd.s32 $0xFFFFC000  }
0x51: {  	[hbm4b:s16+s2] =	stream.linear.scatter [tilespmem:s9], [sflag:$0x3], $0x4000, $0x38;
	[tilespmem:$0x8200] =	vst v63  }
0x52: {  	_ =	swait.ge [sflag:s3], $0x4000  }
0x53: {  	[sflag:s3] =	ssyncset.done $0x0  }
.LBB2_2:
0x54: {  	[sflag:s3] =	ssyncadd.s32 $0xFFFFC000  }
0x55: {  	_ =	sfence.sel $0x180000  }
0x56: {  	[bflag:$0x0] =	sbarrier.arrive $0xFFFF  }
0x57: {  	p0 =	sne.s32 s1, $0x0;
	_ =	strace $0x90000047  }
0x58: {  	s0 =	sadd.s32 @!p0 $0x100000, s0;
	[bflag:$0x2] =	sbarrier.arrive $0xFFFF  }
0x59: {  	[sflag:s0] =	ssyncadd.tile.s32 @!p0 $0x1;
	_ =	shalt  }
.Lfunc_end2:
_tile_overlayer_lowered:
.L_overlay_start_2:
0x5a: {  	(tag) =	ssettag $0x2  }
0x5b: {  	s0 =	rddreg [dreg:$0x0];
	s2 =	stileid.u32  }
0x5c: {  	s1 =	rddreg [dreg:$0x1];
	p0 =	sne.s32 s2, $0x0  }
0x5d: {  	s3 =	rddreg [dreg:$0x2];
	[bflag:$0x3] =	sbarrier.arrive $0xFFFF;
	s2 =	simm.s32 @!p0 $0x1C03  }
0x5e: {  	[timem:s3], [sflag:s2] =	dma.local @!p0 [hbm:s0], s1  }
0x5f: {  	s0 =	simm.s32 @!p0 $0x3  }
0x60: {  	_ =	swait.ge @!p0 [sflag:s0], s1  }
0x61: {  	s1 =	ssub.s32 @!p0 $0x0, s1;
	[sflag:s0] =	ssyncset.done @!p0 $0x0  }
0x62: {  	[sflag:s0] =	ssyncadd.s32 @!p0 s1  }
0x63: {  	[bflag:$0x3] =	sbarrier.arrive $0xFFFF  }
0x64: {  	_ =	shalt  }

// kernel: kernel.17.cloned.1.call-start
scs
__scs_entry_jumppad:
0x0: {  	(pc) =	sbr.rel $0x88, $3  }
0x1: {  	(tag) =	ssettag $0x0;
	lr =	simm.s32 $0x1  }
0x2: {  	[smem:$0x3F8C] =	sst lr;
	_ =	strace $0xD0000000  }
0x3: {  	_ = 	snop  }
0x4: {  	_ = 	snop  }
0x5: {  	_ = 	snop  }
0x6: {  	_ = 	snop  }
0x7: {  	_ = 	snop  }
__scs_overlays_trampoline_lowered:
0x8: {  	[smem:$0x3F9B] =	sst s0  }
0x9: {  	[smem:$0x3F9C] =	sst s1  }
0xa: {  	[smem:$0x3F9D] =	sst s2  }
0xb: {  	[smem:$0x3F9E] =	sst s3  }
0xc: {  	[smem:$0x3F9F] =	sst s4  }
0xd: {  	[smem:$0x3FA0] =	sst s5  }
0xe: {  	[smem:$0x3FA1] =	sst s6  }
0xf: {  	[smem:$0x3FA2] =	sst s7  }
0x10: {  	[smem:$0x3FA3] =	sst s8  }
0x11: {  	[smem:$0x3FA4] =	sst s9;
	s0 =	simm.s32 @!p0 $0x0  }
0x12: {  	s1 =	sld [smem:$0x3F8A];
	s0 =	simm.s32 @p0 $0x1  }
0x13: {  	[smem:$0x3FA5] =	sst s0;
	s0 =	simm.s32 @!p1 $0x0  }
0x14: {  	s2 =	sld [smem:$0x3F89];
	s0 =	simm.s32 @p1 $0x1  }
0x15: {  	[smem:$0x3FA6] =	sst s0;
	s0 =	simm.s32 @!p2 $0x0  }
0x16: {  	s3 =	sld [smem:$0x3FDB];
	s0 =	simm.s32 @p2 $0x1  }
0x17: {  	s4 =	simm.s32 $0x1BF5;
	[smem:$0x3FA8] =	sst s0  }
0x18: {  	s0 =	sld [smem:$0x3F8B];
	_ =	swait.ge [sflag:s4], $0x0  }
0x19: {  	s7 =	sld [smem:$0x3F8C]  }
0x1a: {  	s8 =	sadd.s32 $0xFFFFE003, lr  }
0x1b: {  	s9 =	sadd.s32 $0xFFFFFEF7, lr;
	s5 =	simm.s32 $0xFFFFFFFF;
	p2 =	slt.u32 s8, $0xFFFFF086  }
0x1c: {  	p1 =	slt.u32 s9, $0xF7A;
	s5 =	simm.s32 @!p2 $0x0  }
0x1d: {  	s5 =	simm.s32 @p1 $0x1;
	p0 =	seq.s32 s7, s2  }
0x1e: {  	s7 =	smul.u32 @!p0 $0xF7A, s2;
	p2 =	seq.s32 @!p0 s5, $0x0  }
0x1f: {  	s9 =	smul.u32 $0xF7A, s1;
	s8 =	simm.s32 @!p0 $0x1BF5;
	p2 =	por !p2, p0  }
0x20: {  	[sflag:s8] =	ssyncset.s32 @!p0 $0xFFFFF086;
	s6 =	sadd.s32 @!p0 s3, s7;
	s7 =	simm.s32 @!p0 $0x108  }
0x21: {  	s3 =	sadd.s32 s3, s9;
	s6 =	sadd.s32 @!p0 $0x88, s6;
	s7 =	simm.s32 @p2 $0x1082  }
0x22: {  	[simem:s7], [sflag:s8] =	dma.local @!p0 [hbm:s6], $0xF7A  }
0x23: {  	s9 =	sor.u32 $0xD0000000, s2;
	s6 =	simm.s32 $0x108;
	_ =	swait.ge @!p0 [sflag:s8], $0x0  }
0x24: {  	s3 =	sadd.s32 $0x88, s3;
	s6 =	simm.s32 @!p1 $0x1082;
	[sflag:s4] =	ssyncset.s32 $0xFFFFF086  }
0x25: {  	[simem:s6], [sflag:s4] =	dma.local [hbm:s3], $0xF7A  }
0x26: {  	[smem:$0x3F8C] =	sst s1;
	(tag) =	ssettag s2;
	_ =	strace s9  }
0x27: {  	s1 =	sld [smem:$0x3F9C]  }
0x28: {  	s2 =	sld [smem:$0x3F9D]  }
0x29: {  	s4 =	sld [smem:$0x3F9F]  }
0x2a: {  	p0 =	seq.s32 s5, $0x0;
	s5 =	sld [smem:$0x3FA0]  }
0x2b: {  	s6 =	sld [smem:$0x3FA1]  }
0x2c: {  	s7 =	sld [smem:$0x3FA2]  }
0x2d: {  	s3 =	simm.s32 $0x108;
	s8 =	sld [smem:$0x3FA3]  }
0x2e: {  	s3 =	simm.s32 @!p0 $0x1082;
	s9 =	sld [smem:$0x3FA4]  }
0x2f: {  	lr =	sadd.s32 s0, s3;
	s0 =	sld [smem:$0x3F9B]  }
0x30: {  	s3 =	sld [smem:$0x3F9E]  }
0x31: {  	[smem:$0x3FA7] =	sst s10  }
0x32: {  	s10 =	sld [smem:$0x3FA5];
	_ =	sdelay $0x3  }
0x33: {  	p0 =	seq.s32 s10, $0x1;
	s10 =	sld [smem:$0x3FA7];
	_ =	sdelay $0x3  }
0x34: {  	[smem:$0x3FA7] =	sst s10  }
0x35: {  	s10 =	sld [smem:$0x3FA6];
	_ =	sdelay $0x3  }
0x36: {  	p1 =	seq.s32 s10, $0x1;
	s10 =	sld [smem:$0x3FA7];
	_ =	sdelay $0x3  }
0x37: {  	[smem:$0x3FA7] =	sst s10  }
0x38: {  	s10 =	sld [smem:$0x3FA8]  }
0x39: {  	_ = 	snop;
	(pc) =	sbr.ind lr, $3  }
0x3a: {  	_ = 	snop  }
0x3b: {  	_ = 	snop  }
0x3c: {  	p2 =	seq.s32 s10, $0x1;
	s10 =	sld [smem:$0x3FA7]  }
0x3d: {  	_ =	shalt  }
0x3e: {  	_ =	shalt  }
0x3f: {  	_ =	shalt  }
0x40: {  	_ =	shalt  }
0x41: {  	_ =	shalt  }
0x42: {  	_ =	shalt  }
0x43: {  	_ =	shalt  }
0x44: {  	_ =	shalt  }
0x45: {  	_ =	shalt  }
0x46: {  	_ =	shalt  }
0x47: {  	_ =	shalt  }
0x48: {  	_ =	shalt  }
0x49: {  	_ =	shalt  }
0x4a: {  	_ =	shalt  }
0x4b: {  	_ =	shalt  }
0x4c: {  	_ =	shalt  }
0x4d: {  	_ =	shalt  }
0x4e: {  	_ =	shalt  }
0x4f: {  	_ =	shalt  }
0x50: {  	_ =	shalt  }
0x51: {  	_ =	shalt  }
0x52: {  	_ =	shalt  }
0x53: {  	_ =	shalt  }
0x54: {  	_ =	shalt  }
0x55: {  	_ =	shalt  }
0x56: {  	_ =	shalt  }
0x57: {  	_ =	shalt  }
0x58: {  	_ =	shalt  }
0x59: {  	_ =	shalt  }
0x5a: {  	_ =	shalt  }
0x5b: {  	_ =	shalt  }
0x5c: {  	_ =	shalt  }
0x5d: {  	_ =	shalt  }
0x5e: {  	_ =	shalt  }
0x5f: {  	_ =	shalt  }
0x60: {  	_ =	shalt  }
0x61: {  	_ =	shalt  }
0x62: {  	_ =	shalt  }
0x63: {  	_ =	shalt  }
0x64: {  	_ =	shalt  }
0x65: {  	_ =	shalt  }
0x66: {  	_ =	shalt  }
0x67: {  	_ =	shalt  }
0x68: {  	_ =	shalt  }
0x69: {  	_ =	shalt  }
0x6a: {  	_ =	shalt  }
0x6b: {  	_ =	shalt  }
0x6c: {  	_ =	shalt  }
0x6d: {  	_ =	shalt  }
0x6e: {  	_ =	shalt  }
0x6f: {  	_ =	shalt  }
0x70: {  	_ =	shalt  }
0x71: {  	_ =	shalt  }
0x72: {  	_ =	shalt  }
0x73: {  	_ =	shalt  }
0x74: {  	_ =	shalt  }
0x75: {  	_ =	shalt  }
0x76: {  	_ =	shalt  }
0x77: {  	_ =	shalt  }
0x78: {  	_ =	shalt  }
0x79: {  	_ =	shalt  }
0x7a: {  	_ =	shalt  }
0x7b: {  	_ =	shalt  }
0x7c: {  	_ =	shalt  }
0x7d: {  	_ =	shalt  }
0x7e: {  	_ =	shalt  }
0x7f: {  	_ =	shalt  }
0x80: {  	_ =	shalt  }
0x81: {  	_ =	shalt  }
0x82: {  	_ =	shalt  }
0x83: {  	_ =	shalt  }
0x84: {  	_ =	shalt  }
0x85: {  	_ =	shalt  }
0x86: {  	_ =	shalt  }
0x87: {  	_ =	shalt  }
.Lfunc_end0:
.L_simem_size_0:
called_computation.1_lowered:
.L_overlay_start_0:
0x88: {  	s2 =	sld [smem:$0x3FD9]  }
0x89: {  	s3 =	sld [smem:$0x3FFE];
	_ =	sdelay $0x1  }
0x8a: {  	s1 =	srdreg.scid  }
0x8b: {  	s0 =	sand.u32 $0x1, s1  }
0x8c: {  	s17 =	sshll.u32 s0, $0xA;
	s2 =	sadd.s32 s3, s2  }
0x8d: {  	s2 =	sadd.s32 s2, s17  }
0x8e: {  	[smem:$0x3FB3] =	sst s2  }
0x8f: {  	_ = 	snop  }
0x90: {  	s2 =	sld [smem:$0x3FC1];
	(tm) =	ssettm $0x1  }
0x91: {  	s18 =	sld [smem:$0x3FFB];
	_ =	sdelay $0x3  }
0x92: {  	_ =	strace s18  }
0x93: {  	s3 =	sld [smem:$0x3FFC];
	_ =	sdelay $0x3  }
0x94: {  	_ =	strace s3  }
0x95: {  	s3 =	sld [smem:$0x3FFD];
	_ =	sdelay $0x3  }
0x96: {  	_ =	strace s3  }
0x97: {  	_ =	strace $0x8FFFFFFF  }
0x98: {  	s19 =	sld [smem:$0x3FDB];
	_ =	sdelay $0x1  }
0x99: {  	s4 =	simm.s32 $_scs_section_size  }
0x9a: {  	s5 =	simm.s32 $_size__tile_overlayer_lowered;
	s6 =	simm.s32 $_tile_overlayer_lowered  }
0x9b: {  	s22 =	simm.s32 $0x1BFF;
	s21 =	sshll.u32 s6, $0x1;
	s3 =	sadd.s32 s4, s19  }
0x9c: {  	s7 =	simm.s32 $0x0;
	s20 =	sshll.u32 s5, $0x1;
	s5 =	sadd.s32 s21, s3  }
0x9d: {  	[timem:s7], [sflag:s22] =	dma.local [hbm:s5], s20  }
0x9e: {  	_ =	swait.ge [sflag:s22], s20  }
0x9f: {  	s4 =	ssub.s32 $0x0, s20;
	[sflag:s22] =	ssyncset.done $0x0  }
0xa0: {  	[sflag:s22] =	ssyncadd.s32 s4;
	_ =	sdelay $0x1  }
0xa1: {  	s23 =	simm.s32 $0x1B8B  }
0xa2: {  	_ =	swait.ge [sflag:s23], $0x1  }
0xa3: {  	[sflag:s23] =	ssyncset.done $0x0  }
0xa4: {  	s25 =	simm.s32 $0x1B8E;
	s24 =	sld [smem:$0x3FFE];
	[sflag:s23] =	ssyncadd.s32 $0xFFFFFFFF  }
0xa5: {  	s26 =	simm.s32 $execute0_lowered;
	[smem:$0x3FD2] =	sst s25  }
0xa6: {  	s5 =	sshll.u32 s26, $0x1;
	_ =	strace $0x80000049;
	[dreg:$0x1] =	wrdreg $0xFFFFFFFF  }
0xa7: {  	s28 =	simm.s32 $_size_execute0_lowered;
	s3 =	sadd.s32 s3, s5;
	[dreg:$0x0] =	wrdreg $0x0  }
0xa8: {  	s5 =	sshll.u32 s28, $0x1;
	[dreg:$0x2] =	wrdreg s3  }
0xa9: {  	[dreg:$0x3] =	wrdreg s5  }
0xaa: {  	[dreg:$0x4] =	wrdreg $0xC0  }
0xab: {  	_ =	task [dreg:s7], $0x5FFFF  }
0xac: {  	[dreg:$0x1] =	wrdreg $0xFFFFFFFF  }
0xad: {  	[dreg:$0x0] =	wrdreg $0x60  }
0xae: {  	[dreg:$0x2] =	wrdreg s2  }
0xaf: {  	[dreg:$0x3] =	wrdreg s24  }
0xb0: {  	[dreg:$0x4] =	wrdreg $0x9  }
0xb1: {  	_ =	task.clear_ibuf [dreg:s7], $0x5FFFF;
	_ =	strace $0x90000049  }
0xb2: {  	s29 =	simm.s32 $0x9;
	_ =	strace $0x8000004B  }
0xb3: {  	_ =	swait.ge [sflag:s29], $0x1  }
0xb4: {  	[sflag:s29] =	ssyncadd.s32 $0xFFFFFFFF  }
0xb5: {  	_ =	strace $0x9000004B  }
0xb6: {  	_ =	sfence  }
0xb7: {  	s30 =	sld [smem:$0x0];
	_ =	sdelay $0x2  }
0xb8: {  	s31 =	sshll.u32 s1, $0xD;
	s1 =	sshrl.u32 s1, $0x2  }
0xb9: {  	s3 =	sand.u32 $0x4000, s31;
	s1 =	sadd.s32 s1, s30  }
0xba: {  	s0 =	sor.u32 s3, s0;
	s1 =	sshll.u32 s1, $0x11  }
0xbb: {  	s0 =	sor.u32 s1, s0  }
0xbc: {  	s0 =	sadd.s32 $0x8F2B, s0  }
0xbd: {  	[sflag:s0] =	ssyncadd.remote.s32 $0x1  }
0xbe: {  	_ =	sfence.sel $0xFFFF  }
0xbf: {  	[dreg:$0x0] =	wrdreg $0xFFFFFFFF;
	(pc) =	sbr.abs _section_cstart, $3  }
0xc0: {  	[dreg:$0x1] =	wrdreg $0xFFFFFFFF  }
0xc1: {  	_ =	task.clear_ibuf [dreg:s7], $0x2FFFF;
	_ =	strace $0x9FFFFFFF  }
0xc2: {  	(tm) =	ssettm $0x7FFFFFFF  }
0xc3: {  	_ =	shalt  }
tec
execute0_lowered:
.L_overlay_start_1:
0x0: {  	(tag) =	ssettag $0x1  }
0x1: {  	s0 =	srdreg.scid;
	s1 =	stileid.u32  }
0x2: {  	s0 =	sand.u32 $0x1, s0;
	s1 =	sshll.u32 s1, $0x1  }
0x3: {  	s2 =	rddreg [dreg:$0x0];
	s1 =	sor.u32 s0, s1  }
0x4: {  	s4 =	rddreg [dreg:$0x1];
	s5 =	sshll.u32 s1, $0x8  }
0x5: {  	s3 =	simm.s32 $0x0;
	s1 =	sshll.u32 s1, $0x10;
	s5 =	sadd.s32 s5, s4  }
0x6: {  	[smem:$0x7FF] =	sst s3;
	s1 =	sadd.s32 s1, s4;
	s14 =	sadd.s32 $0x25800, s5  }
0x7: {  	_ =	strace $0x8000004A;
	s15 =	sadd.s32 $0x27800, s1;
	[dreg:$0x3] =	wrdreg s14  }
0x8: {  	s16 =	sadd.s32 $0x28800, s1;
	[dreg:$0x4] =	wrdreg s15  }
0x9: {  	s17 =	sadd.s32 $0x29800, s1;
	[dreg:$0x5] =	wrdreg s16  }
0xa: {  	s18 =	sadd.s32 $0x2A800, s1;
	[dreg:$0x6] =	wrdreg s17  }
0xb: {  	s19 =	sadd.s32 $0x2B800, s1;
	[dreg:$0x7] =	wrdreg s18  }
0xc: {  	s20 =	sadd.s32 $0x2C800, s1;
	[dreg:$0x8] =	wrdreg s19  }
0xd: {  	s21 =	sadd.s32 $0x2D800, s1;
	[dreg:$0x9] =	wrdreg s20  }
0xe: {  	s22 =	sadd.s32 $0x2E800, s1;
	[dreg:$0xa] =	wrdreg s21  }
0xf: {  	s23 =	sadd.s32 $0x2F800, s1;
	[dreg:$0xb] =	wrdreg s22  }
0x10: {  	s8 =	simm.s32 $0x3;
	s24 =	sadd.s32 $0x30800, s1;
	[dreg:$0xc] =	wrdreg s23  }
0x11: {  	s9 =	simm.s32 $0x800;
	s25 =	sadd.s32 $0x31800, s1;
	[dreg:$0xd] =	wrdreg s24  }
0x12: {  	s6 =	sadd.s32 $0x300, s2;
	s26 =	sadd.s32 $0x32800, s1;
	[dreg:$0xe] =	wrdreg s25  }
0x13: {  	s0 =	ssub.s32 $0x2, s0;
	s28 =	sadd.s32 $0x33800, s1;
	[dreg:$0xf] =	wrdreg s26  }
0x14: {  	s29 =	sshrl.u32 s0, $0x1;
	s30 =	sadd.s32 $0x34800, s1;
	[dreg:$0x10] =	wrdreg s28  }
0x15: {  	s0 =	ssub.s32 s0, s29;
	s31 =	sadd.s32 $0x35800, s1;
	[dreg:$0x11] =	wrdreg s30  }
0x16: {  	v2 =	vlaneseq.u32;
	s4 =	sadd.s32 $0x100, s2;
	s1 =	sadd.s32 $0x36800, s1;
	[dreg:$0x12] =	wrdreg s31  }
0x17: {  	vm0 =	vmmov $0xffff;
	v1 =	vshrl.u32 v2, $0x3;
	s5 =	sadd.s32 $0x200, s2;
	[dreg:$0x13] =	wrdreg s1;
	s22 =	smax.u32 s0, $0x1  }
0x18: {  	v0 =	vand.u32 $0x7, v2;
	v2 =	vor.u32 $0x8, v2;
	v1 =	vmul.u32 $0x8, v1;
	s25 =	simm.s32 $0x1;
	s26 =	simm.s32 $0x8800;
	s19 =	simm.s32 $0x2  }
.LBB2_1:
0x19: {  	s20 =	rddreg [dreg:$0x3]  }
0x1a: {  	[tilespmem:s3], [sflag:$0x3] =	stream.linear.gather [hbm4b:s20+s3], $0x800, $0x38;
	[tilespmem:$0x10800] =	vst v63  }
0x1b: {  	_ =	swait.ge [sflag:s8], $0x800  }
0x1c: {  	[sflag:s8] =	ssyncset.done $0x0  }
0x1d: {  	[sflag:s8] =	ssyncadd.s32 $0xFFFFF800  }
0x1e: {  	v3 =	vld [tilespmem:$0x0];
	_ =	sdelay $0x4  }
0x1f: {  	v4 =	vshll.u32 v3, $0x3  }
0x20: {  	v3 =	vand.u32 $0x7, v3;
	v4 =	vand.u32 $0xFFFFFFC0, v4  }
0x21: {  	v3 =	vor.u32 v3, v4  }
0x22: {  	v4 =	vperm.xlane v3, v0;
	_ =	sdelay $0x1  }
0x23: {  	v4 =	vadd.s32 v1, v4;
	_ =	sdelay $0x4  }
0x24: {  	[tilespmem:s9], [sflag:$0x1] =	stream.indirect_vreg.gather [hbm4b:s2+s3], $0x80, v4, vm0, $0xb8;
	[tilespmem:$0x10800] =	vst v63  }
0x25: {  	s0 =	simm.s32 $0x1000;
	v3 =	vperm.xlane v3, v2  }
0x26: {  	[tilespmem:s0], [sflag:$0x1] =	stream.indirect_vreg.gather [hbm4b:s4+s3], $0x80, v4, vm0, $0xb8;
	[tilespmem:$0x10800] =	vst v63  }
0x27: {  	s11 =	simm.s32 $0x1800;
	v3 =	vadd.s32 v1, v3  }
0x28: {  	[tilespmem:s11], [sflag:$0x1] =	stream.indirect_vreg.gather [hbm4b:s5+s3], $0x80, v4, vm0, $0xb8;
	[tilespmem:$0x10800] =	vst v63  }
0x29: {  	s12 =	simm.s32 $0x2000  }
0x2a: {  	[tilespmem:s12], [sflag:$0x1] =	stream.indirect_vreg.gather [hbm4b:s6+s3], $0x80, v4, vm0, $0xb8;
	[tilespmem:$0x10800] =	vst v63  }
0x2b: {  	s13 =	simm.s32 $0x2800  }
0x2c: {  	[tilespmem:s13], [sflag:$0x1] =	stream.indirect_vreg.gather [hbm4b:s2+s3], $0x80, v3, vm0, $0xb8;
	[tilespmem:$0x10800] =	vst v63  }
0x2d: {  	s15 =	simm.s32 $0x3000  }
0x2e: {  	[tilespmem:s15], [sflag:$0x1] =	stream.indirect_vreg.gather [hbm4b:s4+s3], $0x80, v3, vm0, $0xb8;
	[tilespmem:$0x10800] =	vst v63  }
0x2f: {  	s16 =	simm.s32 $0x3800  }
0x30: {  	[tilespmem:s16], [sflag:$0x1] =	stream.indirect_vreg.gather [hbm4b:s5+s3], $0x80, v3, vm0, $0xb8;
	[tilespmem:$0x10800] =	vst v63  }
0x31: {  	s17 =	simm.s32 $0x4000  }
0x32: {  	[tilespmem:s17], [sflag:$0x1] =	stream.indirect_vreg.gather [hbm4b:s6+s3], $0x80, v3, vm0, $0xb8;
	[tilespmem:$0x10800] =	vst v63  }
0x33: {  	v3 =	vld [tilespmem:$0x10];
	_ =	sdelay $0x4  }
0x34: {  	v33 =	vshll.u32 v3, $0x3  }
0x35: {  	v3 =	vand.u32 $0x7, v3;
	v4 =	vand.u32 $0xFFFFFFC0, v33  }
0x36: {  	v3 =	vor.u32 v3, v4  }
0x37: {  	v4 =	vperm.xlane v3, v0;
	_ =	sdelay $0x1  }
0x38: {  	v4 =	vadd.s32 v1, v4;
	_ =	sdelay $0x3  }
0x39: {  	s18 =	simm.s32 $0x4800  }
0x3a: {  	[tilespmem:s18], [sflag:$0x1] =	stream.indirect_vreg.gather [hbm4b:s2+s3], $0x80, v4, vm0, $0xb8;
	[tilespmem:$0x10800] =	vst v63  }
0x3b: {  	s20 =	simm.s32 $0x5000;
	v3 =	vperm.xlane v3, v2  }
0x3c: {  	[tilespmem:s20], [sflag:$0x1] =	stream.indirect_vreg.gather [hbm4b:s4+s3], $0x80, v4, vm0, $0xb8;
	[tilespmem:$0x10800] =	vst v63  }
0x3d: {  	s1 =	simm.s32 $0x5800;
	v3 =	vadd.s32 v1, v3  }
0x3e: {  	[tilespmem:s1], [sflag:$0x1] =	stream.indirect_vreg.gather [hbm4b:s5+s3], $0x80, v4, vm0, $0xb8;
	[tilespmem:$0x10800] =	vst v63  }
0x3f: {  	s7 =	simm.s32 $0x6000  }
0x40: {  	[tilespmem:s7], [sflag:$0x1] =	stream.indirect_vreg.gather [hbm4b:s6+s3], $0x80, v4, vm0, $0xb8;
	[tilespmem:$0x10800] =	vst v63  }
0x41: {  	s10 =	simm.s32 $0x6800  }
0x42: {  	[tilespmem:s10], [sflag:$0x1] =	stream.indirect_vreg.gather [hbm4b:s2+s3], $0x80, v3, vm0, $0xb8;
	[tilespmem:$0x10800] =	vst v63  }
0x43: {  	s11 =	simm.s32 $0x7000  }
0x44: {  	[tilespmem:s11], [sflag:$0x1] =	stream.indirect_vreg.gather [hbm4b:s4+s3], $0x80, v3, vm0, $0xb8;
	[tilespmem:$0x10800] =	vst v63  }
0x45: {  	s13 =	simm.s32 $0x7800  }
0x46: {  	[tilespmem:s13], [sflag:$0x1] =	stream.indirect_vreg.gather [hbm4b:s5+s3], $0x80, v3, vm0, $0xb8;
	[tilespmem:$0x10800] =	vst v63  }
0x47: {  	s15 =	simm.s32 $0x8000  }
0x48: {  	[tilespmem:s15], [sflag:$0x1] =	stream.indirect_vreg.gather [hbm4b:s6+s3], $0x80, v3, vm0, $0xb8;
	[tilespmem:$0x10800] =	vst v63  }
0x49: {  	_ =	swait.ge [sflag:s25], $0x8000  }
0x4a: {  	[sflag:s25] =	ssyncset.done $0x0  }
0x4b: {  	[sflag:s25] =	ssyncadd.s32 $0xFFFF8000  }
0x4c: {  	v3 =	vld [tilespmem:$0x80];
	_ =	sdelay $0x4  }
0x4d: {  	v34 =	vshll.u32 v3, $0x3  }
0x4e: {  	v3 =	vand.u32 $0x7, v3;
	v4 =	vand.u32 $0xFFFFFFC0, v34  }
0x4f: {  	v3 =	vor.u32 v3, v4  }
0x50: {  	v4 =	vperm.xlane v3, v0;
	_ =	sdelay $0x1  }
0x51: {  	v4 =	vadd.s32 v1, v4;
	_ =	sdelay $0x4  }
0x52: {  	[tilespmem:s26], [sflag:$0x2] =	stream.indirect_vreg.gather [hbm4b:s2+s3], $0x80, v4, vm0, $0xb8;
	[tilespmem:$0x10800] =	vst v63  }
0x53: {  	s15 =	simm.s32 $0x9000;
	v3 =	vperm.xlane v3, v2  }
0x54: {  	[tilespmem:s15], [sflag:$0x2] =	stream.indirect_vreg.gather [hbm4b:s4+s3], $0x80, v4, vm0, $0xb8;
	[tilespmem:$0x10800] =	vst v63  }
0x55: {  	s17 =	simm.s32 $0x9800;
	v3 =	vadd.s32 v1, v3  }
0x56: {  	[tilespmem:s17], [sflag:$0x2] =	stream.indirect_vreg.gather [hbm4b:s5+s3], $0x80, v4, vm0, $0xb8;
	[tilespmem:$0x10800] =	vst v63  }
0x57: {  	s18 =	simm.s32 $0xA000  }
0x58: {  	[tilespmem:s18], [sflag:$0x2] =	stream.indirect_vreg.gather [hbm4b:s6+s3], $0x80, v4, vm0, $0xb8;
	[tilespmem:$0x10800] =	vst v63  }
0x59: {  	s20 =	simm.s32 $0xA800  }
0x5a: {  	[tilespmem:s20], [sflag:$0x2] =	stream.indirect_vreg.gather [hbm4b:s2+s3], $0x80, v3, vm0, $0xb8;
	[tilespmem:$0x10800] =	vst v63  }
0x5b: {  	s13 =	simm.s32 $0xB000  }
0x5c: {  	[tilespmem:s13], [sflag:$0x2] =	stream.indirect_vreg.gather [hbm4b:s4+s3], $0x80, v3, vm0, $0xb8;
	[tilespmem:$0x10800] =	vst v63  }
0x5d: {  	s15 =	simm.s32 $0xB800  }
0x5e: {  	[tilespmem:s15], [sflag:$0x2] =	stream.indirect_vreg.gather [hbm4b:s5+s3], $0x80, v3, vm0, $0xb8;
	[tilespmem:$0x10800] =	vst v63  }
0x5f: {  	s17 =	simm.s32 $0xC000  }
0x60: {  	[tilespmem:s17], [sflag:$0x2] =	stream.indirect_vreg.gather [hbm4b:s6+s3], $0x80, v3, vm0, $0xb8;
	[tilespmem:$0x10800] =	vst v63  }
0x61: {  	v3 =	vld [tilespmem:$0x90];
	_ =	sdelay $0x4  }
0x62: {  	v35 =	vshll.u32 v3, $0x3  }
0x63: {  	v3 =	vand.u32 $0x7, v3;
	v4 =	vand.u32 $0xFFFFFFC0, v35  }
0x64: {  	v3 =	vor.u32 v3, v4  }
0x65: {  	v4 =	vperm.xlane v3, v0;
	_ =	sdelay $0x1  }
0x66: {  	v4 =	vadd.s32 v1, v4;
	_ =	sdelay $0x3  }
0x67: {  	s18 =	simm.s32 $0xC800  }
0x68: {  	[tilespmem:s18], [sflag:$0x2] =	stream.indirect_vreg.gather [hbm4b:s2+s3], $0x80, v4, vm0, $0xb8;
	[tilespmem:$0x10800] =	vst v63  }
0x69: {  	s13 =	simm.s32 $0xD000;
	v3 =	vperm.xlane v3, v2  }
0x6a: {  	[tilespmem:s13], [sflag:$0x2] =	stream.indirect_vreg.gather [hbm4b:s4+s3], $0x80, v4, vm0, $0xb8;
	[tilespmem:$0x10800] =	vst v63  }
0x6b: {  	s15 =	simm.s32 $0xD800;
	v3 =	vadd.s32 v1, v3  }
0x6c: {  	[tilespmem:s15], [sflag:$0x2] =	stream.indirect_vreg.gather [hbm4b:s5+s3], $0x80, v4, vm0, $0xb8;
	[tilespmem:$0x10800] =	vst v63  }
0x6d: {  	s13 =	simm.s32 $0xE000  }
0x6e: {  	[tilespmem:s13], [sflag:$0x2] =	stream.indirect_vreg.gather [hbm4b:s6+s3], $0x80, v4, vm0, $0xb8;
	[tilespmem:$0x10800] =	vst v63  }
0x6f: {  	s15 =	simm.s32 $0xE800  }
0x70: {  	[tilespmem:s15], [sflag:$0x2] =	stream.indirect_vreg.gather [hbm4b:s2+s3], $0x80, v3, vm0, $0xb8;
	[tilespmem:$0x10800] =	vst v63  }
0x71: {  	s13 =	simm.s32 $0xF000  }
0x72: {  	[tilespmem:s13], [sflag:$0x2] =	stream.indirect_vreg.gather [hbm4b:s4+s3], $0x80, v3, vm0, $0xb8;
	[tilespmem:$0x10800] =	vst v63  }
0x73: {  	s15 =	simm.s32 $0xF800  }
0x74: {  	[tilespmem:s15], [sflag:$0x2] =	stream.indirect_vreg.gather [hbm4b:s5+s3], $0x80, v3, vm0, $0xb8;
	[tilespmem:$0x10800] =	vst v63  }
0x75: {  	s13 =	simm.s32 $0x10000  }
0x76: {  	[tilespmem:s13], [sflag:$0x2] =	stream.indirect_vreg.gather [hbm4b:s6+s3], $0x80, v3, vm0, $0xb8;
	[tilespmem:$0x10800] =	vst v63  }
0x77: {  	s20 =	rddreg [dreg:$0x4]  }
0x78: {  	[hbm4b:s20+s3] =	stream.linear.scatter [tilespmem:s9], [sflag:$0x3], $0x8000, $0x38;
	[tilespmem:$0x10800] =	vst v63  }
0x79: {  	_ =	swait.ge [sflag:s8], $0x8000  }
0x7a: {  	[sflag:s8] =	ssyncset.done $0x0  }
0x7b: {  	[sflag:s8] =	ssyncadd.s32 $0xFFFF8000  }
0x7c: {  	_ =	swait.ge [sflag:s19], $0x8000  }
0x7d: {  	[sflag:s19] =	ssyncset.done $0x0  }
0x7e: {  	[sflag:s19] =	ssyncadd.s32 $0xFFFF8000  }
0x7f: {  	v3 =	vld [tilespmem:$0x100];
	_ =	sdelay $0x4  }
0x80: {  	v36 =	vshll.u32 v3, $0x3  }
0x81: {  	v3 =	vand.u32 $0x7, v3;
	v4 =	vand.u32 $0xFFFFFFC0, v36  }
0x82: {  	v3 =	vor.u32 v3, v4  }
0x83: {  	v4 =	vperm.xlane v3, v0;
	_ =	sdelay $0x1  }
0x84: {  	v4 =	vadd.s32 v1, v4;
	_ =	sdelay $0x4  }
0x85: {  	[tilespmem:s9], [sflag:$0x1] =	stream.indirect_vreg.gather [hbm4b:s2+s3], $0x80, v4, vm0, $0xb8;
	[tilespmem:$0x10800] =	vst v63  }
0x86: {  	s21 =	simm.s32 $0x1000;
	v3 =	vperm.xlane v3, v2  }
0x87: {  	[tilespmem:s21], [sflag:$0x1] =	stream.indirect_vreg.gather [hbm4b:s4+s3], $0x80, v4, vm0, $0xb8;
	[tilespmem:$0x10800] =	vst v63  }
0x88: {  	s14 =	simm.s32 $0x1800;
	v3 =	vadd.s32 v1, v3  }
0x89: {  	[tilespmem:s14], [sflag:$0x1] =	stream.indirect_vreg.gather [hbm4b:s5+s3], $0x80, v4, vm0, $0xb8;
	[tilespmem:$0x10800] =	vst v63  }
0x8a: {  	s23 =	simm.s32 $0x2000  }
0x8b: {  	[tilespmem:s23], [sflag:$0x1] =	stream.indirect_vreg.gather [hbm4b:s6+s3], $0x80, v4, vm0, $0xb8;
	[tilespmem:$0x10800] =	vst v63  }
0x8c: {  	s24 =	simm.s32 $0x2800  }
0x8d: {  	[tilespmem:s24], [sflag:$0x1] =	stream.indirect_vreg.gather [hbm4b:s2+s3], $0x80, v3, vm0, $0xb8;
	[tilespmem:$0x10800] =	vst v63  }
0x8e: {  	s28 =	simm.s32 $0x3000  }
0x8f: {  	[tilespmem:s28], [sflag:$0x1] =	stream.indirect_vreg.gather [hbm4b:s4+s3], $0x80, v3, vm0, $0xb8;
	[tilespmem:$0x10800] =	vst v63  }
0x90: {  	s29 =	simm.s32 $0x3800  }
0x91: {  	[tilespmem:s29], [sflag:$0x1] =	stream.indirect_vreg.gather [hbm4b:s5+s3], $0x80, v3, vm0, $0xb8;
	[tilespmem:$0x10800] =	vst v63  }
0x92: {  	s30 =	simm.s32 $0x4000  }
0x93: {  	[tilespmem:s30], [sflag:$0x1] =	stream.indirect_vreg.gather [hbm4b:s6+s3], $0x80, v3, vm0, $0xb8;
	[tilespmem:$0x10800] =	vst v63  }
0x94: {  	v3 =	vld [tilespmem:$0x110];
	_ =	sdelay $0x4  }
0x95: {  	v37 =	vshll.u32 v3, $0x3  }
0x96: {  	v3 =	vand.u32 $0x7, v3;
	v4 =	vand.u32 $0xFFFFFFC0, v37  }
0x97: {  	v3 =	vor.u32 v3, v4  }
0x98: {  	v4 =	vperm.xlane v3, v0;
	_ =	sdelay $0x1  }
0x99: {  	v4 =	vadd.s32 v1, v4;
	_ =	sdelay $0x3  }
0x9a: {  	s31 =	simm.s32 $0x4800  }
0x9b: {  	[tilespmem:s31], [sflag:$0x1] =	stream.indirect_vreg.gather [hbm4b:s2+s3], $0x80, v4, vm0, $0xb8;
	[tilespmem:$0x10800] =	vst v63  }
0x9c: {  	s16 =	simm.s32 $0x5000;
	v3 =	vperm.xlane v3, v2  }
0x9d: {  	[tilespmem:s16], [sflag:$0x1] =	stream.indirect_vreg.gather [hbm4b:s4+s3], $0x80, v4, vm0, $0xb8;
	[tilespmem:$0x10800] =	vst v63  }
0x9e: {  	s12 =	simm.s32 $0x5800;
	v3 =	vadd.s32 v1, v3  }
0x9f: {  	[tilespmem:s12], [sflag:$0x1] =	stream.indirect_vreg.gather [hbm4b:s5+s3], $0x80, v4, vm0, $0xb8;
	[tilespmem:$0x10800] =	vst v63  }
0xa0: {  	s12 =	simm.s32 $0x6000  }
0xa1: {  	[tilespmem:s12], [sflag:$0x1] =	stream.indirect_vreg.gather [hbm4b:s6+s3], $0x80, v4, vm0, $0xb8;
	[tilespmem:$0x10800] =	vst v63  }
0xa2: {  	s14 =	simm.s32 $0x6800  }
0xa3: {  	[tilespmem:s14], [sflag:$0x1] =	stream.indirect_vreg.gather [hbm4b:s2+s3], $0x80, v3, vm0, $0xb8;
	[tilespmem:$0x10800] =	vst v63  }
0xa4: {  	s16 =	simm.s32 $0x7000  }
0xa5: {  	[tilespmem:s16], [sflag:$0x1] =	stream.indirect_vreg.gather [hbm4b:s4+s3], $0x80, v3, vm0, $0xb8;
	[tilespmem:$0x10800] =	vst v63  }
0xa6: {  	s21 =	simm.s32 $0x7800  }
0xa7: {  	[tilespmem:s21], [sflag:$0x1] =	stream.indirect_vreg.gather [hbm4b:s5+s3], $0x80, v3, vm0, $0xb8;
	[tilespmem:$0x10800] =	vst v63  }
0xa8: {  	s11 =	simm.s32 $0x8000  }
0xa9: {  	[tilespmem:s11], [sflag:$0x1] =	stream.indirect_vreg.gather [hbm4b:s6+s3], $0x80, v3, vm0, $0xb8;
	[tilespmem:$0x10800] =	vst v63  }
0xaa: {  	s30 =	rddreg [dreg:$0x5]  }
0xab: {  	[hbm4b:s30+s3] =	stream.linear.scatter [tilespmem:s26], [sflag:$0x3], $0x8000, $0x38;
	[tilespmem:$0x10800] =	vst v63  }
0xac: {  	_ =	swait.ge [sflag:s8], $0x8000  }
0xad: {  	[sflag:s8] =	ssyncset.done $0x0  }
0xae: {  	[sflag:s8] =	ssyncadd.s32 $0xFFFF8000  }
0xaf: {  	_ =	swait.ge [sflag:s25], $0x8000  }
0xb0: {  	[sflag:s25] =	ssyncset.done $0x0  }
0xb1: {  	[sflag:s25] =	ssyncadd.s32 $0xFFFF8000  }
0xb2: {  	v3 =	vld [tilespmem:$0x180];
	_ =	sdelay $0x4  }
0xb3: {  	v38 =	vshll.u32 v3, $0x3  }
0xb4: {  	v3 =	vand.u32 $0x7, v3;
	v4 =	vand.u32 $0xFFFFFFC0, v38  }
0xb5: {  	v3 =	vor.u32 v3, v4  }
0xb6: {  	v4 =	vperm.xlane v3, v0;
	_ =	sdelay $0x1  }
0xb7: {  	v4 =	vadd.s32 v1, v4;
	_ =	sdelay $0x4  }
0xb8: {  	[tilespmem:s26], [sflag:$0x2] =	stream.indirect_vreg.gather [hbm4b:s2+s3], $0x80, v4, vm0, $0xb8;
	[tilespmem:$0x10800] =	vst v63  }
0xb9: {  	s10 =	simm.s32 $0x9000;
	v3 =	vperm.xlane v3, v2  }
0xba: {  	[tilespmem:s10], [sflag:$0x2] =	stream.indirect_vreg.gather [hbm4b:s4+s3], $0x80, v4, vm0, $0xb8;
	[tilespmem:$0x10800] =	vst v63  }
0xbb: {  	s1 =	simm.s32 $0x9800;
	v3 =	vadd.s32 v1, v3  }
0xbc: {  	[tilespmem:s1], [sflag:$0x2] =	stream.indirect_vreg.gather [hbm4b:s5+s3], $0x80, v4, vm0, $0xb8;
	[tilespmem:$0x10800] =	vst v63  }
0xbd: {  	s7 =	simm.s32 $0xA000  }
0xbe: {  	[tilespmem:s7], [sflag:$0x2] =	stream.indirect_vreg.gather [hbm4b:s6+s3], $0x80, v4, vm0, $0xb8;
	[tilespmem:$0x10800] =	vst v63  }
0xbf: {  	s0 =	simm.s32 $0xA800  }
0xc0: {  	[tilespmem:s0], [sflag:$0x2] =	stream.indirect_vreg.gather [hbm4b:s2+s3], $0x80, v3, vm0, $0xb8;
	[tilespmem:$0x10800] =	vst v63  }
0xc1: {  	s15 =	simm.s32 $0xB000  }
0xc2: {  	[tilespmem:s15], [sflag:$0x2] =	stream.indirect_vreg.gather [hbm4b:s4+s3], $0x80, v3, vm0, $0xb8;
	[tilespmem:$0x10800] =	vst v63  }
0xc3: {  	s0 =	simm.s32 $0xB800  }
0xc4: {  	[tilespmem:s0], [sflag:$0x2] =	stream.indirect_vreg.gather [hbm4b:s5+s3], $0x80, v3, vm0, $0xb8;
	[tilespmem:$0x10800] =	vst v63  }
0xc5: {  	s17 =	simm.s32 $0xC000  }
0xc6: {  	[tilespmem:s17], [sflag:$0x2] =	stream.indirect_vreg.gather [hbm4b:s6+s3], $0x80, v3, vm0, $0xb8;
	[tilespmem:$0x10800] =	vst v63  }
0xc7: {  	v3 =	vld [tilespmem:$0x190];
	_ =	sdelay $0x4  }
0xc8: {  	v39 =	vshll.u32 v3, $0x3  }
0xc9: {  	v3 =	vand.u32 $0x7, v3;
	v4 =	vand.u32 $0xFFFFFFC0, v39  }
0xca: {  	v3 =	vor.u32 v3, v4  }
0xcb: {  	v4 =	vperm.xlane v3, v0;
	_ =	sdelay $0x1  }
0xcc: {  	v4 =	vadd.s32 v1, v4;
	_ =	sdelay $0x3  }
0xcd: {  	s18 =	simm.s32 $0xC800  }
0xce: {  	[tilespmem:s18], [sflag:$0x2] =	stream.indirect_vreg.gather [hbm4b:s2+s3], $0x80, v4, vm0, $0xb8;
	[tilespmem:$0x10800] =	vst v63  }
0xcf: {  	s10 =	simm.s32 $0xD000;
	v3 =	vperm.xlane v3, v2  }
0xd0: {  	[tilespmem:s10], [sflag:$0x2] =	stream.indirect_vreg.gather [hbm4b:s4+s3], $0x80, v4, vm0, $0xb8;
	[tilespmem:$0x10800] =	vst v63  }
0xd1: {  	s1 =	simm.s32 $0xD800;
	v3 =	vadd.s32 v1, v3  }
0xd2: {  	[tilespmem:s1], [sflag:$0x2] =	stream.indirect_vreg.gather [hbm4b:s5+s3], $0x80, v4, vm0, $0xb8;
	[tilespmem:$0x10800] =	vst v63  }
0xd3: {  	s7 =	simm.s32 $0xE000  }
0xd4: {  	[tilespmem:s7], [sflag:$0x2] =	stream.indirect_vreg.gather [hbm4b:s6+s3], $0x80, v4, vm0, $0xb8;
	[tilespmem:$0x10800] =	vst v63  }
0xd5: {  	s18 =	simm.s32 $0xE800  }
0xd6: {  	[tilespmem:s18], [sflag:$0x2] =	stream.indirect_vreg.gather [hbm4b:s2+s3], $0x80, v3, vm0, $0xb8;
	[tilespmem:$0x10800] =	vst v63  }
0xd7: {  	s17 =	simm.s32 $0xF000  }
0xd8: {  	[tilespmem:s17], [sflag:$0x2] =	stream.indirect_vreg.gather [hbm4b:s4+s3], $0x80, v3, vm0, $0xb8;
	[tilespmem:$0x10800] =	vst v63  }
0xd9: {  	s11 =	simm.s32 $0xF800  }
0xda: {  	[tilespmem:s11], [sflag:$0x2] =	stream.indirect_vreg.gather [hbm4b:s5+s3], $0x80, v3, vm0, $0xb8;
	[tilespmem:$0x10800] =	vst v63  }
0xdb: {  	s13 =	simm.s32 $0x10000  }
0xdc: {  	[tilespmem:s13], [sflag:$0x2] =	stream.indirect_vreg.gather [hbm4b:s6+s3], $0x80, v3, vm0, $0xb8;
	[tilespmem:$0x10800] =	vst v63  }
0xdd: {  	s20 =	rddreg [dreg:$0x6]  }
0xde: {  	[hbm4b:s20+s3] =	stream.linear.scatter [tilespmem:s9], [sflag:$0x3], $0x8000, $0x38;
	[tilespmem:$0x10800] =	vst v63  }
0xdf: {  	_ =	swait.ge [sflag:s8], $0x8000  }
0xe0: {  	[sflag:s8] =	ssyncset.done $0x0  }
0xe1: {  	[sflag:s8] =	ssyncadd.s32 $0xFFFF8000  }
0xe2: {  	_ =	swait.ge [sflag:s19], $0x8000  }
0xe3: {  	[sflag:s19] =	ssyncset.done $0x0  }
0xe4: {  	[sflag:s19] =	ssyncadd.s32 $0xFFFF8000  }
0xe5: {  	v3 =	vld [tilespmem:$0x200];
	_ =	sdelay $0x4  }
0xe6: {  	v40 =	vshll.u32 v3, $0x3  }
0xe7: {  	v3 =	vand.u32 $0x7, v3;
	v4 =	vand.u32 $0xFFFFFFC0, v40  }
0xe8: {  	v3 =	vor.u32 v3, v4  }
0xe9: {  	v4 =	vperm.xlane v3, v0;
	_ =	sdelay $0x1  }
0xea: {  	v4 =	vadd.s32 v1, v4;
	_ =	sdelay $0x4  }
0xeb: {  	[tilespmem:s9], [sflag:$0x1] =	stream.indirect_vreg.gather [hbm4b:s2+s3], $0x80, v4, vm0, $0xb8;
	[tilespmem:$0x10800] =	vst v63  }
0xec: {  	s20 =	simm.s32 $0x1000;
	v3 =	vperm.xlane v3, v2  }
0xed: {  	[tilespmem:s20], [sflag:$0x1] =	stream.indirect_vreg.gather [hbm4b:s4+s3], $0x80, v4, vm0, $0xb8;
	[tilespmem:$0x10800] =	vst v63  }
0xee: {  	v3 =	vadd.s32 v1, v3;
	s20 =	simm.s32 $0x1800  }
0xef: {  	[tilespmem:s20], [sflag:$0x1] =	stream.indirect_vreg.gather [hbm4b:s5+s3], $0x80, v4, vm0, $0xb8;
	[tilespmem:$0x10800] =	vst v63  }
0xf0: {  	s20 =	simm.s32 $0x2000  }
0xf1: {  	[tilespmem:s20], [sflag:$0x1] =	stream.indirect_vreg.gather [hbm4b:s6+s3], $0x80, v4, vm0, $0xb8;
	[tilespmem:$0x10800] =	vst v63  }
0xf2: {  	s20 =	simm.s32 $0x2800  }
0xf3: {  	[tilespmem:s20], [sflag:$0x1] =	stream.indirect_vreg.gather [hbm4b:s2+s3], $0x80, v3, vm0, $0xb8;
	[tilespmem:$0x10800] =	vst v63  }
0xf4: {  	s20 =	simm.s32 $0x3000  }
0xf5: {  	[tilespmem:s20], [sflag:$0x1] =	stream.indirect_vreg.gather [hbm4b:s4+s3], $0x80, v3, vm0, $0xb8;
	[tilespmem:$0x10800] =	vst v63  }
0xf6: {  	s20 =	simm.s32 $0x3800  }
0xf7: {  	[tilespmem:s20], [sflag:$0x1] =	stream.indirect_vreg.gather [hbm4b:s5+s3], $0x80, v3, vm0, $0xb8;
	[tilespmem:$0x10800] =	vst v63  }
0xf8: {  	s20 =	simm.s32 $0x4000  }
0xf9: {  	[tilespmem:s20], [sflag:$0x1] =	stream.indirect_vreg.gather [hbm4b:s6+s3], $0x80, v3, vm0, $0xb8;
	[tilespmem:$0x10800] =	vst v63  }
0xfa: {  	v3 =	vld [tilespmem:$0x210];
	_ =	sdelay $0x4  }
0xfb: {  	v41 =	vshll.u32 v3, $0x3  }
0xfc: {  	v3 =	vand.u32 $0x7, v3;
	v4 =	vand.u32 $0xFFFFFFC0, v41  }
0xfd: {  	v3 =	vor.u32 v3, v4  }
0xfe: {  	v4 =	vperm.xlane v3, v0;
	_ =	sdelay $0x1  }
0xff: {  	v4 =	vadd.s32 v1, v4;
	_ =	sdelay $0x3  }
0x100: {  	s20 =	simm.s32 $0x4800  }
0x101: {  	[tilespmem:s20], [sflag:$0x1] =	stream.indirect_vreg.gather [hbm4b:s2+s3], $0x80, v4, vm0, $0xb8;
	[tilespmem:$0x10800] =	vst v63  }
0x102: {  	v3 =	vperm.xlane v3, v2;
	s20 =	simm.s32 $0x5000  }
0x103: {  	[tilespmem:s20], [sflag:$0x1] =	stream.indirect_vreg.gather [hbm4b:s4+s3], $0x80, v4, vm0, $0xb8;
	[tilespmem:$0x10800] =	vst v63  }
0x104: {  	v3 =	vadd.s32 v1, v3;
	s20 =	simm.s32 $0x5800  }
0x105: {  	[tilespmem:s20], [sflag:$0x1] =	stream.indirect_vreg.gather [hbm4b:s5+s3], $0x80, v4, vm0, $0xb8;
	[tilespmem:$0x10800] =	vst v63  }
0x106: {  	_ = 	snop  }
0x107: {  	[tilespmem:s12], [sflag:$0x1] =	stream.indirect_vreg.gather [hbm4b:s6+s3], $0x80, v4, vm0, $0xb8;
	[tilespmem:$0x10800] =	vst v63  }
0x108: {  	_ = 	snop  }
0x109: {  	[tilespmem:s14], [sflag:$0x1] =	stream.indirect_vreg.gather [hbm4b:s2+s3], $0x80, v3, vm0, $0xb8;
	[tilespmem:$0x10800] =	vst v63  }
0x10a: {  	_ = 	snop  }
0x10b: {  	[tilespmem:s16], [sflag:$0x1] =	stream.indirect_vreg.gather [hbm4b:s4+s3], $0x80, v3, vm0, $0xb8;
	[tilespmem:$0x10800] =	vst v63  }
0x10c: {  	_ = 	snop  }
0x10d: {  	[tilespmem:s21], [sflag:$0x1] =	stream.indirect_vreg.gather [hbm4b:s5+s3], $0x80, v3, vm0, $0xb8;
	[tilespmem:$0x10800] =	vst v63  }
0x10e: {  	s31 =	simm.s32 $0x8000  }
0x10f: {  	[tilespmem:s31], [sflag:$0x1] =	stream.indirect_vreg.gather [hbm4b:s6+s3], $0x80, v3, vm0, $0xb8;
	[tilespmem:$0x10800] =	vst v63  }
0x110: {  	s20 =	rddreg [dreg:$0x7]  }
0x111: {  	[hbm4b:s20+s3] =	stream.linear.scatter [tilespmem:s26], [sflag:$0x3], $0x8000, $0x38;
	[tilespmem:$0x10800] =	vst v63  }
0x112: {  	_ =	swait.ge [sflag:s8], $0x8000  }
0x113: {  	[sflag:s8] =	ssyncset.done $0x0  }
0x114: {  	[sflag:s8] =	ssyncadd.s32 $0xFFFF8000  }
0x115: {  	_ =	swait.ge [sflag:s25], $0x8000  }
0x116: {  	[sflag:s25] =	ssyncset.done $0x0  }
0x117: {  	[sflag:s25] =	ssyncadd.s32 $0xFFFF8000  }
0x118: {  	v3 =	vld [tilespmem:$0x280];
	_ =	sdelay $0x4  }
0x119: {  	v42 =	vshll.u32 v3, $0x3  }
0x11a: {  	v3 =	vand.u32 $0x7, v3;
	v4 =	vand.u32 $0xFFFFFFC0, v42  }
0x11b: {  	v3 =	vor.u32 v3, v4  }
0x11c: {  	v4 =	vperm.xlane v3, v0;
	_ =	sdelay $0x1  }
0x11d: {  	v4 =	vadd.s32 v1, v4;
	_ =	sdelay $0x4  }
0x11e: {  	[tilespmem:s26], [sflag:$0x2] =	stream.indirect_vreg.gather [hbm4b:s2+s3], $0x80, v4, vm0, $0xb8;
	[tilespmem:$0x10800] =	vst v63  }
0x11f: {  	s30 =	simm.s32 $0x9000;
	v3 =	vperm.xlane v3, v2  }
0x120: {  	[tilespmem:s30], [sflag:$0x2] =	stream.indirect_vreg.gather [hbm4b:s4+s3], $0x80, v4, vm0, $0xb8;
	[tilespmem:$0x10800] =	vst v63  }
0x121: {  	s23 =	simm.s32 $0x9800;
	v3 =	vadd.s32 v1, v3  }
0x122: {  	[tilespmem:s23], [sflag:$0x2] =	stream.indirect_vreg.gather [hbm4b:s5+s3], $0x80, v4, vm0, $0xb8;
	[tilespmem:$0x10800] =	vst v63  }
0x123: {  	s24 =	simm.s32 $0xA000  }
0x124: {  	[tilespmem:s24], [sflag:$0x2] =	stream.indirect_vreg.gather [hbm4b:s6+s3], $0x80, v4, vm0, $0xb8;
	[tilespmem:$0x10800] =	vst v63  }
0x125: {  	s31 =	simm.s32 $0xA800  }
0x126: {  	[tilespmem:s31], [sflag:$0x2] =	stream.indirect_vreg.gather [hbm4b:s2+s3], $0x80, v3, vm0, $0xb8;
	[tilespmem:$0x10800] =	vst v63  }
0x127: {  	_ = 	snop  }
0x128: {  	[tilespmem:s15], [sflag:$0x2] =	stream.indirect_vreg.gather [hbm4b:s4+s3], $0x80, v3, vm0, $0xb8;
	[tilespmem:$0x10800] =	vst v63  }
0x129: {  	_ = 	snop  }
0x12a: {  	[tilespmem:s0], [sflag:$0x2] =	stream.indirect_vreg.gather [hbm4b:s5+s3], $0x80, v3, vm0, $0xb8;
	[tilespmem:$0x10800] =	vst v63  }
0x12b: {  	s28 =	simm.s32 $0xC000  }
0x12c: {  	[tilespmem:s28], [sflag:$0x2] =	stream.indirect_vreg.gather [hbm4b:s6+s3], $0x80, v3, vm0, $0xb8;
	[tilespmem:$0x10800] =	vst v63  }
0x12d: {  	v3 =	vld [tilespmem:$0x290];
	_ =	sdelay $0x4  }
0x12e: {  	v43 =	vshll.u32 v3, $0x3  }
0x12f: {  	v3 =	vand.u32 $0x7, v3;
	v4 =	vand.u32 $0xFFFFFFC0, v43  }
0x130: {  	v3 =	vor.u32 v3, v4  }
0x131: {  	v4 =	vperm.xlane v3, v0;
	_ =	sdelay $0x1  }
0x132: {  	v4 =	vadd.s32 v1, v4;
	_ =	sdelay $0x3  }
0x133: {  	s29 =	simm.s32 $0xC800  }
0x134: {  	[tilespmem:s29], [sflag:$0x2] =	stream.indirect_vreg.gather [hbm4b:s2+s3], $0x80, v4, vm0, $0xb8;
	[tilespmem:$0x10800] =	vst v63  }
0x135: {  	v3 =	vperm.xlane v3, v2  }
0x136: {  	[tilespmem:s10], [sflag:$0x2] =	stream.indirect_vreg.gather [hbm4b:s4+s3], $0x80, v4, vm0, $0xb8;
	[tilespmem:$0x10800] =	vst v63  }
0x137: {  	v3 =	vadd.s32 v1, v3  }
0x138: {  	[tilespmem:s1], [sflag:$0x2] =	stream.indirect_vreg.gather [hbm4b:s5+s3], $0x80, v4, vm0, $0xb8;
	[tilespmem:$0x10800] =	vst v63  }
0x139: {  	_ = 	snop  }
0x13a: {  	[tilespmem:s7], [sflag:$0x2] =	stream.indirect_vreg.gather [hbm4b:s6+s3], $0x80, v4, vm0, $0xb8;
	[tilespmem:$0x10800] =	vst v63  }
0x13b: {  	_ = 	snop  }
0x13c: {  	[tilespmem:s18], [sflag:$0x2] =	stream.indirect_vreg.gather [hbm4b:s2+s3], $0x80, v3, vm0, $0xb8;
	[tilespmem:$0x10800] =	vst v63  }
0x13d: {  	_ = 	snop  }
0x13e: {  	[tilespmem:s17], [sflag:$0x2] =	stream.indirect_vreg.gather [hbm4b:s4+s3], $0x80, v3, vm0, $0xb8;
	[tilespmem:$0x10800] =	vst v63  }
0x13f: {  	_ = 	snop  }
0x140: {  	[tilespmem:s11], [sflag:$0x2] =	stream.indirect_vreg.gather [hbm4b:s5+s3], $0x80, v3, vm0, $0xb8;
	[tilespmem:$0x10800] =	vst v63  }
0x141: {  	s13 =	simm.s32 $0x10000  }
0x142: {  	[tilespmem:s13], [sflag:$0x2] =	stream.indirect_vreg.gather [hbm4b:s6+s3], $0x80, v3, vm0, $0xb8;
	[tilespmem:$0x10800] =	vst v63  }
0x143: {  	s18 =	rddreg [dreg:$0x8]  }
0x144: {  	[hbm4b:s18+s3] =	stream.linear.scatter [tilespmem:s9], [sflag:$0x3], $0x8000, $0x38;
	[tilespmem:$0x10800] =	vst v63  }
0x145: {  	_ =	swait.ge [sflag:s8], $0x8000  }
0x146: {  	[sflag:s8] =	ssyncset.done $0x0  }
0x147: {  	[sflag:s8] =	ssyncadd.s32 $0xFFFF8000  }
0x148: {  	_ =	swait.ge [sflag:s19], $0x8000  }
0x149: {  	[sflag:s19] =	ssyncset.done $0x0  }
0x14a: {  	[sflag:s19] =	ssyncadd.s32 $0xFFFF8000  }
0x14b: {  	v3 =	vld [tilespmem:$0x300];
	_ =	sdelay $0x4  }
0x14c: {  	v44 =	vshll.u32 v3, $0x3  }
0x14d: {  	v3 =	vand.u32 $0x7, v3;
	v4 =	vand.u32 $0xFFFFFFC0, v44  }
0x14e: {  	v3 =	vor.u32 v3, v4  }
0x14f: {  	v4 =	vperm.xlane v3, v0;
	_ =	sdelay $0x1  }
0x150: {  	v4 =	vadd.s32 v1, v4;
	_ =	sdelay $0x4  }
0x151: {  	[tilespmem:s9], [sflag:$0x1] =	stream.indirect_vreg.gather [hbm4b:s2+s3], $0x80, v4, vm0, $0xb8;
	[tilespmem:$0x10800] =	vst v63  }
0x152: {  	s29 =	simm.s32 $0x1000;
	v3 =	vperm.xlane v3, v2  }
0x153: {  	[tilespmem:s29], [sflag:$0x1] =	stream.indirect_vreg.gather [hbm4b:s4+s3], $0x80, v4, vm0, $0xb8;
	[tilespmem:$0x10800] =	vst v63  }
0x154: {  	s20 =	simm.s32 $0x1800;
	v3 =	vadd.s32 v1, v3  }
0x155: {  	[tilespmem:s20], [sflag:$0x1] =	stream.indirect_vreg.gather [hbm4b:s5+s3], $0x80, v4, vm0, $0xb8;
	[tilespmem:$0x10800] =	vst v63  }
0x156: {  	s29 =	simm.s32 $0x2000  }
0x157: {  	[tilespmem:s29], [sflag:$0x1] =	stream.indirect_vreg.gather [hbm4b:s6+s3], $0x80, v4, vm0, $0xb8;
	[tilespmem:$0x10800] =	vst v63  }
0x158: {  	s20 =	simm.s32 $0x2800  }
0x159: {  	[tilespmem:s20], [sflag:$0x1] =	stream.indirect_vreg.gather [hbm4b:s2+s3], $0x80, v3, vm0, $0xb8;
	[tilespmem:$0x10800] =	vst v63  }
0x15a: {  	s29 =	simm.s32 $0x3000  }
0x15b: {  	[tilespmem:s29], [sflag:$0x1] =	stream.indirect_vreg.gather [hbm4b:s4+s3], $0x80, v3, vm0, $0xb8;
	[tilespmem:$0x10800] =	vst v63  }
0x15c: {  	s20 =	simm.s32 $0x3800  }
0x15d: {  	[tilespmem:s20], [sflag:$0x1] =	stream.indirect_vreg.gather [hbm4b:s5+s3], $0x80, v3, vm0, $0xb8;
	[tilespmem:$0x10800] =	vst v63  }
0x15e: {  	s29 =	simm.s32 $0x4000  }
0x15f: {  	[tilespmem:s29], [sflag:$0x1] =	stream.indirect_vreg.gather [hbm4b:s6+s3], $0x80, v3, vm0, $0xb8;
	[tilespmem:$0x10800] =	vst v63  }
0x160: {  	v3 =	vld [tilespmem:$0x310];
	_ =	sdelay $0x4  }
0x161: {  	v45 =	vshll.u32 v3, $0x3  }
0x162: {  	v3 =	vand.u32 $0x7, v3;
	v4 =	vand.u32 $0xFFFFFFC0, v45  }
0x163: {  	v3 =	vor.u32 v3, v4  }
0x164: {  	v4 =	vperm.xlane v3, v0;
	_ =	sdelay $0x1  }
0x165: {  	v4 =	vadd.s32 v1, v4;
	_ =	sdelay $0x3  }
0x166: {  	s20 =	simm.s32 $0x4800  }
0x167: {  	[tilespmem:s20], [sflag:$0x1] =	stream.indirect_vreg.gather [hbm4b:s2+s3], $0x80, v4, vm0, $0xb8;
	[tilespmem:$0x10800] =	vst v63  }
0x168: {  	s29 =	simm.s32 $0x5000;
	v3 =	vperm.xlane v3, v2  }
0x169: {  	[tilespmem:s29], [sflag:$0x1] =	stream.indirect_vreg.gather [hbm4b:s4+s3], $0x80, v4, vm0, $0xb8;
	[tilespmem:$0x10800] =	vst v63  }
0x16a: {  	v3 =	vadd.s32 v1, v3;
	s20 =	simm.s32 $0x5800  }
0x16b: {  	[tilespmem:s20], [sflag:$0x1] =	stream.indirect_vreg.gather [hbm4b:s5+s3], $0x80, v4, vm0, $0xb8;
	[tilespmem:$0x10800] =	vst v63  }
0x16c: {  	s12 =	simm.s32 $0x6000  }
0x16d: {  	[tilespmem:s12], [sflag:$0x1] =	stream.indirect_vreg.gather [hbm4b:s6+s3], $0x80, v4, vm0, $0xb8;
	[tilespmem:$0x10800] =	vst v63  }
0x16e: {  	s14 =	simm.s32 $0x6800  }
0x16f: {  	[tilespmem:s14], [sflag:$0x1] =	stream.indirect_vreg.gather [hbm4b:s2+s3], $0x80, v3, vm0, $0xb8;
	[tilespmem:$0x10800] =	vst v63  }
0x170: {  	s16 =	simm.s32 $0x7000  }
0x171: {  	[tilespmem:s16], [sflag:$0x1] =	stream.indirect_vreg.gather [hbm4b:s4+s3], $0x80, v3, vm0, $0xb8;
	[tilespmem:$0x10800] =	vst v63  }
0x172: {  	s21 =	simm.s32 $0x7800  }
0x173: {  	[tilespmem:s21], [sflag:$0x1] =	stream.indirect_vreg.gather [hbm4b:s5+s3], $0x80, v3, vm0, $0xb8;
	[tilespmem:$0x10800] =	vst v63  }
0x174: {  	s21 =	simm.s32 $0x8000  }
0x175: {  	[tilespmem:s21], [sflag:$0x1] =	stream.indirect_vreg.gather [hbm4b:s6+s3], $0x80, v3, vm0, $0xb8;
	[tilespmem:$0x10800] =	vst v63  }
0x176: {  	s20 =	rddreg [dreg:$0x9]  }
0x177: {  	[hbm4b:s20+s3] =	stream.linear.scatter [tilespmem:s26], [sflag:$0x3], $0x8000, $0x38;
	[tilespmem:$0x10800] =	vst v63  }
0x178: {  	_ =	swait.ge [sflag:s8], $0x8000  }
0x179: {  	[sflag:s8] =	ssyncset.done $0x0  }
0x17a: {  	[sflag:s8] =	ssyncadd.s32 $0xFFFF8000  }
0x17b: {  	_ =	swait.ge [sflag:s25], $0x8000  }
0x17c: {  	[sflag:s25] =	ssyncset.done $0x0  }
0x17d: {  	[sflag:s25] =	ssyncadd.s32 $0xFFFF8000  }
0x17e: {  	v3 =	vld [tilespmem:$0x380];
	_ =	sdelay $0x4  }
0x17f: {  	v46 =	vshll.u32 v3, $0x3  }
0x180: {  	v3 =	vand.u32 $0x7, v3;
	v4 =	vand.u32 $0xFFFFFFC0, v46  }
0x181: {  	v3 =	vor.u32 v3, v4  }
0x182: {  	v4 =	vperm.xlane v3, v0;
	_ =	sdelay $0x1  }
0x183: {  	v4 =	vadd.s32 v1, v4;
	_ =	sdelay $0x4  }
0x184: {  	[tilespmem:s26], [sflag:$0x2] =	stream.indirect_vreg.gather [hbm4b:s2+s3], $0x80, v4, vm0, $0xb8;
	[tilespmem:$0x10800] =	vst v63  }
0x185: {  	s21 =	simm.s32 $0x9000;
	v3 =	vperm.xlane v3, v2  }
0x186: {  	[tilespmem:s21], [sflag:$0x2] =	stream.indirect_vreg.gather [hbm4b:s4+s3], $0x80, v4, vm0, $0xb8;
	[tilespmem:$0x10800] =	vst v63  }
0x187: {  	s23 =	simm.s32 $0x9800;
	v3 =	vadd.s32 v1, v3  }
0x188: {  	[tilespmem:s23], [sflag:$0x2] =	stream.indirect_vreg.gather [hbm4b:s5+s3], $0x80, v4, vm0, $0xb8;
	[tilespmem:$0x10800] =	vst v63  }
0x189: {  	s24 =	simm.s32 $0xA000  }
0x18a: {  	[tilespmem:s24], [sflag:$0x2] =	stream.indirect_vreg.gather [hbm4b:s6+s3], $0x80, v4, vm0, $0xb8;
	[tilespmem:$0x10800] =	vst v63  }
0x18b: {  	s21 =	simm.s32 $0xA800  }
0x18c: {  	[tilespmem:s21], [sflag:$0x2] =	stream.indirect_vreg.gather [hbm4b:s2+s3], $0x80, v3, vm0, $0xb8;
	[tilespmem:$0x10800] =	vst v63  }
0x18d: {  	s15 =	simm.s32 $0xB000  }
0x18e: {  	[tilespmem:s15], [sflag:$0x2] =	stream.indirect_vreg.gather [hbm4b:s4+s3], $0x80, v3, vm0, $0xb8;
	[tilespmem:$0x10800] =	vst v63  }
0x18f: {  	s31 =	simm.s32 $0xB800  }
0x190: {  	[tilespmem:s31], [sflag:$0x2] =	stream.indirect_vreg.gather [hbm4b:s5+s3], $0x80, v3, vm0, $0xb8;
	[tilespmem:$0x10800] =	vst v63  }
0x191: {  	s0 =	simm.s32 $0xC000  }
0x192: {  	[tilespmem:s0], [sflag:$0x2] =	stream.indirect_vreg.gather [hbm4b:s6+s3], $0x80, v3, vm0, $0xb8;
	[tilespmem:$0x10800] =	vst v63  }
0x193: {  	v3 =	vld [tilespmem:$0x390];
	_ =	sdelay $0x4  }
0x194: {  	v47 =	vshll.u32 v3, $0x3  }
0x195: {  	v3 =	vand.u32 $0x7, v3;
	v4 =	vand.u32 $0xFFFFFFC0, v47  }
0x196: {  	v3 =	vor.u32 v3, v4  }
0x197: {  	v4 =	vperm.xlane v3, v0;
	_ =	sdelay $0x1  }
0x198: {  	v4 =	vadd.s32 v1, v4;
	_ =	sdelay $0x3  }
0x199: {  	s28 =	simm.s32 $0xC800  }
0x19a: {  	[tilespmem:s28], [sflag:$0x2] =	stream.indirect_vreg.gather [hbm4b:s2+s3], $0x80, v4, vm0, $0xb8;
	[tilespmem:$0x10800] =	vst v63  }
0x19b: {  	s30 =	simm.s32 $0xD000;
	v3 =	vperm.xlane v3, v2  }
0x19c: {  	[tilespmem:s30], [sflag:$0x2] =	stream.indirect_vreg.gather [hbm4b:s4+s3], $0x80, v4, vm0, $0xb8;
	[tilespmem:$0x10800] =	vst v63  }
0x19d: {  	s1 =	simm.s32 $0xD800;
	v3 =	vadd.s32 v1, v3  }
0x19e: {  	[tilespmem:s1], [sflag:$0x2] =	stream.indirect_vreg.gather [hbm4b:s5+s3], $0x80, v4, vm0, $0xb8;
	[tilespmem:$0x10800] =	vst v63  }
0x19f: {  	s7 =	simm.s32 $0xE000  }
0x1a0: {  	[tilespmem:s7], [sflag:$0x2] =	stream.indirect_vreg.gather [hbm4b:s6+s3], $0x80, v4, vm0, $0xb8;
	[tilespmem:$0x10800] =	vst v63  }
0x1a1: {  	s10 =	simm.s32 $0xE800  }
0x1a2: {  	[tilespmem:s10], [sflag:$0x2] =	stream.indirect_vreg.gather [hbm4b:s2+s3], $0x80, v3, vm0, $0xb8;
	[tilespmem:$0x10800] =	vst v63  }
0x1a3: {  	s17 =	simm.s32 $0xF000  }
0x1a4: {  	[tilespmem:s17], [sflag:$0x2] =	stream.indirect_vreg.gather [hbm4b:s4+s3], $0x80, v3, vm0, $0xb8;
	[tilespmem:$0x10800] =	vst v63  }
0x1a5: {  	s11 =	simm.s32 $0xF800  }
0x1a6: {  	[tilespmem:s11], [sflag:$0x2] =	stream.indirect_vreg.gather [hbm4b:s5+s3], $0x80, v3, vm0, $0xb8;
	[tilespmem:$0x10800] =	vst v63  }
0x1a7: {  	s13 =	simm.s32 $0x10000  }
0x1a8: {  	[tilespmem:s13], [sflag:$0x2] =	stream.indirect_vreg.gather [hbm4b:s6+s3], $0x80, v3, vm0, $0xb8;
	[tilespmem:$0x10800] =	vst v63  }
0x1a9: {  	s30 =	rddreg [dreg:$0xa]  }
0x1aa: {  	[hbm4b:s30+s3] =	stream.linear.scatter [tilespmem:s9], [sflag:$0x3], $0x8000, $0x38;
	[tilespmem:$0x10800] =	vst v63  }
0x1ab: {  	_ =	swait.ge [sflag:s8], $0x8000  }
0x1ac: {  	[sflag:s8] =	ssyncset.done $0x0  }
0x1ad: {  	[sflag:s8] =	ssyncadd.s32 $0xFFFF8000  }
0x1ae: {  	_ =	swait.ge [sflag:s19], $0x8000  }
0x1af: {  	[sflag:s19] =	ssyncset.done $0x0  }
0x1b0: {  	[sflag:s19] =	ssyncadd.s32 $0xFFFF8000  }
0x1b1: {  	v3 =	vld [tilespmem:$0x400];
	_ =	sdelay $0x4  }
0x1b2: {  	v48 =	vshll.u32 v3, $0x3  }
0x1b3: {  	v3 =	vand.u32 $0x7, v3;
	v4 =	vand.u32 $0xFFFFFFC0, v48  }
0x1b4: {  	v3 =	vor.u32 v3, v4  }
0x1b5: {  	v4 =	vperm.xlane v3, v0;
	_ =	sdelay $0x1  }
0x1b6: {  	v4 =	vadd.s32 v1, v4;
	_ =	sdelay $0x4  }
0x1b7: {  	[tilespmem:s9], [sflag:$0x1] =	stream.indirect_vreg.gather [hbm4b:s2+s3], $0x80, v4, vm0, $0xb8;
	[tilespmem:$0x10800] =	vst v63  }
0x1b8: {  	s30 =	simm.s32 $0x1000;
	v3 =	vperm.xlane v3, v2  }
0x1b9: {  	[tilespmem:s30], [sflag:$0x1] =	stream.indirect_vreg.gather [hbm4b:s4+s3], $0x80, v4, vm0, $0xb8;
	[tilespmem:$0x10800] =	vst v63  }
0x1ba: {  	v3 =	vadd.s32 v1, v3;
	s30 =	simm.s32 $0x1800  }
0x1bb: {  	[tilespmem:s30], [sflag:$0x1] =	stream.indirect_vreg.gather [hbm4b:s5+s3], $0x80, v4, vm0, $0xb8;
	[tilespmem:$0x10800] =	vst v63  }
0x1bc: {  	s30 =	simm.s32 $0x2000  }
0x1bd: {  	[tilespmem:s30], [sflag:$0x1] =	stream.indirect_vreg.gather [hbm4b:s6+s3], $0x80, v4, vm0, $0xb8;
	[tilespmem:$0x10800] =	vst v63  }
0x1be: {  	s30 =	simm.s32 $0x2800  }
0x1bf: {  	[tilespmem:s30], [sflag:$0x1] =	stream.indirect_vreg.gather [hbm4b:s2+s3], $0x80, v3, vm0, $0xb8;
	[tilespmem:$0x10800] =	vst v63  }
0x1c0: {  	s30 =	simm.s32 $0x3000  }
0x1c1: {  	[tilespmem:s30], [sflag:$0x1] =	stream.indirect_vreg.gather [hbm4b:s4+s3], $0x80, v3, vm0, $0xb8;
	[tilespmem:$0x10800] =	vst v63  }
0x1c2: {  	s30 =	simm.s32 $0x3800  }
0x1c3: {  	[tilespmem:s30], [sflag:$0x1] =	stream.indirect_vreg.gather [hbm4b:s5+s3], $0x80, v3, vm0, $0xb8;
	[tilespmem:$0x10800] =	vst v63  }
0x1c4: {  	s30 =	simm.s32 $0x4000  }
0x1c5: {  	[tilespmem:s30], [sflag:$0x1] =	stream.indirect_vreg.gather [hbm4b:s6+s3], $0x80, v3, vm0, $0xb8;
	[tilespmem:$0x10800] =	vst v63  }
0x1c6: {  	v3 =	vld [tilespmem:$0x410];
	_ =	sdelay $0x4  }
0x1c7: {  	v49 =	vshll.u32 v3, $0x3  }
0x1c8: {  	v3 =	vand.u32 $0x7, v3;
	v4 =	vand.u32 $0xFFFFFFC0, v49  }
0x1c9: {  	v3 =	vor.u32 v3, v4  }
0x1ca: {  	v4 =	vperm.xlane v3, v0;
	_ =	sdelay $0x1  }
0x1cb: {  	v4 =	vadd.s32 v1, v4;
	_ =	sdelay $0x3  }
0x1cc: {  	s30 =	simm.s32 $0x4800  }
0x1cd: {  	[tilespmem:s30], [sflag:$0x1] =	stream.indirect_vreg.gather [hbm4b:s2+s3], $0x80, v4, vm0, $0xb8;
	[tilespmem:$0x10800] =	vst v63  }
0x1ce: {  	v3 =	vperm.xlane v3, v2;
	s30 =	simm.s32 $0x5000  }
0x1cf: {  	[tilespmem:s30], [sflag:$0x1] =	stream.indirect_vreg.gather [hbm4b:s4+s3], $0x80, v4, vm0, $0xb8;
	[tilespmem:$0x10800] =	vst v63  }
0x1d0: {  	s29 =	simm.s32 $0x5800;
	v3 =	vadd.s32 v1, v3  }
0x1d1: {  	[tilespmem:s29], [sflag:$0x1] =	stream.indirect_vreg.gather [hbm4b:s5+s3], $0x80, v4, vm0, $0xb8;
	[tilespmem:$0x10800] =	vst v63  }
0x1d2: {  	s12 =	simm.s32 $0x6000  }
0x1d3: {  	[tilespmem:s12], [sflag:$0x1] =	stream.indirect_vreg.gather [hbm4b:s6+s3], $0x80, v4, vm0, $0xb8;
	[tilespmem:$0x10800] =	vst v63  }
0x1d4: {  	s14 =	simm.s32 $0x6800  }
0x1d5: {  	[tilespmem:s14], [sflag:$0x1] =	stream.indirect_vreg.gather [hbm4b:s2+s3], $0x80, v3, vm0, $0xb8;
	[tilespmem:$0x10800] =	vst v63  }
0x1d6: {  	s16 =	simm.s32 $0x7000  }
0x1d7: {  	[tilespmem:s16], [sflag:$0x1] =	stream.indirect_vreg.gather [hbm4b:s4+s3], $0x80, v3, vm0, $0xb8;
	[tilespmem:$0x10800] =	vst v63  }
0x1d8: {  	s18 =	simm.s32 $0x7800  }
0x1d9: {  	[tilespmem:s18], [sflag:$0x1] =	stream.indirect_vreg.gather [hbm4b:s5+s3], $0x80, v3, vm0, $0xb8;
	[tilespmem:$0x10800] =	vst v63  }
0x1da: {  	s12 =	simm.s32 $0x8000  }
0x1db: {  	[tilespmem:s12], [sflag:$0x1] =	stream.indirect_vreg.gather [hbm4b:s6+s3], $0x80, v3, vm0, $0xb8;
	[tilespmem:$0x10800] =	vst v63  }
0x1dc: {  	s20 =	rddreg [dreg:$0xb]  }
0x1dd: {  	[hbm4b:s20+s3] =	stream.linear.scatter [tilespmem:s26], [sflag:$0x3], $0x8000, $0x38;
	[tilespmem:$0x10800] =	vst v63  }
0x1de: {  	_ =	swait.ge [sflag:s8], $0x8000  }
0x1df: {  	[sflag:s8] =	ssyncset.done $0x0  }
0x1e0: {  	[sflag:s8] =	ssyncadd.s32 $0xFFFF8000  }
0x1e1: {  	_ =	swait.ge [sflag:s25], $0x8000  }
0x1e2: {  	[sflag:s25] =	ssyncset.done $0x0  }
0x1e3: {  	[sflag:s25] =	ssyncadd.s32 $0xFFFF8000  }
0x1e4: {  	v3 =	vld [tilespmem:$0x480];
	_ =	sdelay $0x4  }
0x1e5: {  	v50 =	vshll.u32 v3, $0x3  }
0x1e6: {  	v3 =	vand.u32 $0x7, v3;
	v4 =	vand.u32 $0xFFFFFFC0, v50  }
0x1e7: {  	v3 =	vor.u32 v3, v4  }
0x1e8: {  	v4 =	vperm.xlane v3, v0;
	_ =	sdelay $0x1  }
0x1e9: {  	v4 =	vadd.s32 v1, v4;
	_ =	sdelay $0x4  }
0x1ea: {  	[tilespmem:s26], [sflag:$0x2] =	stream.indirect_vreg.gather [hbm4b:s2+s3], $0x80, v4, vm0, $0xb8;
	[tilespmem:$0x10800] =	vst v63  }
0x1eb: {  	s20 =	simm.s32 $0x9000;
	v3 =	vperm.xlane v3, v2  }
0x1ec: {  	[tilespmem:s20], [sflag:$0x2] =	stream.indirect_vreg.gather [hbm4b:s4+s3], $0x80, v4, vm0, $0xb8;
	[tilespmem:$0x10800] =	vst v63  }
0x1ed: {  	s23 =	simm.s32 $0x9800;
	v3 =	vadd.s32 v1, v3  }
0x1ee: {  	[tilespmem:s23], [sflag:$0x2] =	stream.indirect_vreg.gather [hbm4b:s5+s3], $0x80, v4, vm0, $0xb8;
	[tilespmem:$0x10800] =	vst v63  }
0x1ef: {  	s24 =	simm.s32 $0xA000  }
0x1f0: {  	[tilespmem:s24], [sflag:$0x2] =	stream.indirect_vreg.gather [hbm4b:s6+s3], $0x80, v4, vm0, $0xb8;
	[tilespmem:$0x10800] =	vst v63  }
0x1f1: {  	s21 =	simm.s32 $0xA800  }
0x1f2: {  	[tilespmem:s21], [sflag:$0x2] =	stream.indirect_vreg.gather [hbm4b:s2+s3], $0x80, v3, vm0, $0xb8;
	[tilespmem:$0x10800] =	vst v63  }
0x1f3: {  	s15 =	simm.s32 $0xB000  }
0x1f4: {  	[tilespmem:s15], [sflag:$0x2] =	stream.indirect_vreg.gather [hbm4b:s4+s3], $0x80, v3, vm0, $0xb8;
	[tilespmem:$0x10800] =	vst v63  }
0x1f5: {  	s20 =	simm.s32 $0xB800  }
0x1f6: {  	[tilespmem:s20], [sflag:$0x2] =	stream.indirect_vreg.gather [hbm4b:s5+s3], $0x80, v3, vm0, $0xb8;
	[tilespmem:$0x10800] =	vst v63  }
0x1f7: {  	s0 =	simm.s32 $0xC000  }
0x1f8: {  	[tilespmem:s0], [sflag:$0x2] =	stream.indirect_vreg.gather [hbm4b:s6+s3], $0x80, v3, vm0, $0xb8;
	[tilespmem:$0x10800] =	vst v63  }
0x1f9: {  	v3 =	vld [tilespmem:$0x490];
	_ =	sdelay $0x4  }
0x1fa: {  	v51 =	vshll.u32 v3, $0x3  }
0x1fb: {  	v3 =	vand.u32 $0x7, v3;
	v4 =	vand.u32 $0xFFFFFFC0, v51  }
0x1fc: {  	v3 =	vor.u32 v3, v4  }
0x1fd: {  	v4 =	vperm.xlane v3, v0;
	_ =	sdelay $0x1  }
0x1fe: {  	v4 =	vadd.s32 v1, v4;
	_ =	sdelay $0x3  }
0x1ff: {  	s28 =	simm.s32 $0xC800  }
0x200: {  	[tilespmem:s28], [sflag:$0x2] =	stream.indirect_vreg.gather [hbm4b:s2+s3], $0x80, v4, vm0, $0xb8;
	[tilespmem:$0x10800] =	vst v63  }
0x201: {  	s31 =	simm.s32 $0xD000;
	v3 =	vperm.xlane v3, v2  }
0x202: {  	[tilespmem:s31], [sflag:$0x2] =	stream.indirect_vreg.gather [hbm4b:s4+s3], $0x80, v4, vm0, $0xb8;
	[tilespmem:$0x10800] =	vst v63  }
0x203: {  	s1 =	simm.s32 $0xD800;
	v3 =	vadd.s32 v1, v3  }
0x204: {  	[tilespmem:s1], [sflag:$0x2] =	stream.indirect_vreg.gather [hbm4b:s5+s3], $0x80, v4, vm0, $0xb8;
	[tilespmem:$0x10800] =	vst v63  }
0x205: {  	s7 =	simm.s32 $0xE000  }
0x206: {  	[tilespmem:s7], [sflag:$0x2] =	stream.indirect_vreg.gather [hbm4b:s6+s3], $0x80, v4, vm0, $0xb8;
	[tilespmem:$0x10800] =	vst v63  }
0x207: {  	s10 =	simm.s32 $0xE800  }
0x208: {  	[tilespmem:s10], [sflag:$0x2] =	stream.indirect_vreg.gather [hbm4b:s2+s3], $0x80, v3, vm0, $0xb8;
	[tilespmem:$0x10800] =	vst v63  }
0x209: {  	s17 =	simm.s32 $0xF000  }
0x20a: {  	[tilespmem:s17], [sflag:$0x2] =	stream.indirect_vreg.gather [hbm4b:s4+s3], $0x80, v3, vm0, $0xb8;
	[tilespmem:$0x10800] =	vst v63  }
0x20b: {  	s11 =	simm.s32 $0xF800  }
0x20c: {  	[tilespmem:s11], [sflag:$0x2] =	stream.indirect_vreg.gather [hbm4b:s5+s3], $0x80, v3, vm0, $0xb8;
	[tilespmem:$0x10800] =	vst v63  }
0x20d: {  	s13 =	simm.s32 $0x10000  }
0x20e: {  	[tilespmem:s13], [sflag:$0x2] =	stream.indirect_vreg.gather [hbm4b:s6+s3], $0x80, v3, vm0, $0xb8;
	[tilespmem:$0x10800] =	vst v63  }
0x20f: {  	s31 =	rddreg [dreg:$0xc]  }
0x210: {  	[hbm4b:s31+s3] =	stream.linear.scatter [tilespmem:s9], [sflag:$0x3], $0x8000, $0x38;
	[tilespmem:$0x10800] =	vst v63  }
0x211: {  	_ =	swait.ge [sflag:s8], $0x8000  }
0x212: {  	[sflag:s8] =	ssyncset.done $0x0  }
0x213: {  	[sflag:s8] =	ssyncadd.s32 $0xFFFF8000  }
0x214: {  	_ =	swait.ge [sflag:s19], $0x8000  }
0x215: {  	[sflag:s19] =	ssyncset.done $0x0  }
0x216: {  	[sflag:s19] =	ssyncadd.s32 $0xFFFF8000  }
0x217: {  	v3 =	vld [tilespmem:$0x500];
	_ =	sdelay $0x4  }
0x218: {  	v52 =	vshll.u32 v3, $0x3  }
0x219: {  	v3 =	vand.u32 $0x7, v3;
	v4 =	vand.u32 $0xFFFFFFC0, v52  }
0x21a: {  	v3 =	vor.u32 v3, v4  }
0x21b: {  	v4 =	vperm.xlane v3, v0;
	_ =	sdelay $0x1  }
0x21c: {  	v4 =	vadd.s32 v1, v4;
	_ =	sdelay $0x4  }
0x21d: {  	[tilespmem:s9], [sflag:$0x1] =	stream.indirect_vreg.gather [hbm4b:s2+s3], $0x80, v4, vm0, $0xb8;
	[tilespmem:$0x10800] =	vst v63  }
0x21e: {  	s31 =	simm.s32 $0x1000;
	v3 =	vperm.xlane v3, v2  }
0x21f: {  	[tilespmem:s31], [sflag:$0x1] =	stream.indirect_vreg.gather [hbm4b:s4+s3], $0x80, v4, vm0, $0xb8;
	[tilespmem:$0x10800] =	vst v63  }
0x220: {  	v3 =	vadd.s32 v1, v3;
	s31 =	simm.s32 $0x1800  }
0x221: {  	[tilespmem:s31], [sflag:$0x1] =	stream.indirect_vreg.gather [hbm4b:s5+s3], $0x80, v4, vm0, $0xb8;
	[tilespmem:$0x10800] =	vst v63  }
0x222: {  	s31 =	simm.s32 $0x2000  }
0x223: {  	[tilespmem:s31], [sflag:$0x1] =	stream.indirect_vreg.gather [hbm4b:s6+s3], $0x80, v4, vm0, $0xb8;
	[tilespmem:$0x10800] =	vst v63  }
0x224: {  	s31 =	simm.s32 $0x2800  }
0x225: {  	[tilespmem:s31], [sflag:$0x1] =	stream.indirect_vreg.gather [hbm4b:s2+s3], $0x80, v3, vm0, $0xb8;
	[tilespmem:$0x10800] =	vst v63  }
0x226: {  	s31 =	simm.s32 $0x3000  }
0x227: {  	[tilespmem:s31], [sflag:$0x1] =	stream.indirect_vreg.gather [hbm4b:s4+s3], $0x80, v3, vm0, $0xb8;
	[tilespmem:$0x10800] =	vst v63  }
0x228: {  	s31 =	simm.s32 $0x3800  }
0x229: {  	[tilespmem:s31], [sflag:$0x1] =	stream.indirect_vreg.gather [hbm4b:s5+s3], $0x80, v3, vm0, $0xb8;
	[tilespmem:$0x10800] =	vst v63  }
0x22a: {  	s31 =	simm.s32 $0x4000  }
0x22b: {  	[tilespmem:s31], [sflag:$0x1] =	stream.indirect_vreg.gather [hbm4b:s6+s3], $0x80, v3, vm0, $0xb8;
	[tilespmem:$0x10800] =	vst v63  }
0x22c: {  	v3 =	vld [tilespmem:$0x510];
	_ =	sdelay $0x4  }
0x22d: {  	v53 =	vshll.u32 v3, $0x3  }
0x22e: {  	v3 =	vand.u32 $0x7, v3;
	v4 =	vand.u32 $0xFFFFFFC0, v53  }
0x22f: {  	v3 =	vor.u32 v3, v4  }
0x230: {  	v4 =	vperm.xlane v3, v0;
	_ =	sdelay $0x1  }
0x231: {  	v4 =	vadd.s32 v1, v4;
	_ =	sdelay $0x3  }
0x232: {  	s31 =	simm.s32 $0x4800  }
0x233: {  	[tilespmem:s31], [sflag:$0x1] =	stream.indirect_vreg.gather [hbm4b:s2+s3], $0x80, v4, vm0, $0xb8;
	[tilespmem:$0x10800] =	vst v63  }
0x234: {  	v3 =	vperm.xlane v3, v2;
	s31 =	simm.s32 $0x5000  }
0x235: {  	[tilespmem:s31], [sflag:$0x1] =	stream.indirect_vreg.gather [hbm4b:s4+s3], $0x80, v4, vm0, $0xb8;
	[tilespmem:$0x10800] =	vst v63  }
0x236: {  	s30 =	simm.s32 $0x5800;
	v3 =	vadd.s32 v1, v3  }
0x237: {  	[tilespmem:s30], [sflag:$0x1] =	stream.indirect_vreg.gather [hbm4b:s5+s3], $0x80, v4, vm0, $0xb8;
	[tilespmem:$0x10800] =	vst v63  }
0x238: {  	s29 =	simm.s32 $0x6000  }
0x239: {  	[tilespmem:s29], [sflag:$0x1] =	stream.indirect_vreg.gather [hbm4b:s6+s3], $0x80, v4, vm0, $0xb8;
	[tilespmem:$0x10800] =	vst v63  }
0x23a: {  	s14 =	simm.s32 $0x6800  }
0x23b: {  	[tilespmem:s14], [sflag:$0x1] =	stream.indirect_vreg.gather [hbm4b:s2+s3], $0x80, v3, vm0, $0xb8;
	[tilespmem:$0x10800] =	vst v63  }
0x23c: {  	s16 =	simm.s32 $0x7000  }
0x23d: {  	[tilespmem:s16], [sflag:$0x1] =	stream.indirect_vreg.gather [hbm4b:s4+s3], $0x80, v3, vm0, $0xb8;
	[tilespmem:$0x10800] =	vst v63  }
0x23e: {  	s18 =	simm.s32 $0x7800  }
0x23f: {  	[tilespmem:s18], [sflag:$0x1] =	stream.indirect_vreg.gather [hbm4b:s5+s3], $0x80, v3, vm0, $0xb8;
	[tilespmem:$0x10800] =	vst v63  }
0x240: {  	s31 =	simm.s32 $0x8000  }
0x241: {  	[tilespmem:s31], [sflag:$0x1] =	stream.indirect_vreg.gather [hbm4b:s6+s3], $0x80, v3, vm0, $0xb8;
	[tilespmem:$0x10800] =	vst v63  }
0x242: {  	s29 =	rddreg [dreg:$0xd]  }
0x243: {  	[hbm4b:s29+s3] =	stream.linear.scatter [tilespmem:s26], [sflag:$0x3], $0x8000, $0x38;
	[tilespmem:$0x10800] =	vst v63  }
0x244: {  	_ =	swait.ge [sflag:s8], $0x8000  }
0x245: {  	[sflag:s8] =	ssyncset.done $0x0  }
0x246: {  	[sflag:s8] =	ssyncadd.s32 $0xFFFF8000  }
0x247: {  	_ =	swait.ge [sflag:s25], $0x8000  }
0x248: {  	[sflag:s25] =	ssyncset.done $0x0  }
0x249: {  	[sflag:s25] =	ssyncadd.s32 $0xFFFF8000  }
0x24a: {  	v3 =	vld [tilespmem:$0x580];
	_ =	sdelay $0x4  }
0x24b: {  	v54 =	vshll.u32 v3, $0x3  }
0x24c: {  	v3 =	vand.u32 $0x7, v3;
	v4 =	vand.u32 $0xFFFFFFC0, v54  }
0x24d: {  	v3 =	vor.u32 v3, v4  }
0x24e: {  	v4 =	vperm.xlane v3, v0;
	_ =	sdelay $0x1  }
0x24f: {  	v4 =	vadd.s32 v1, v4;
	_ =	sdelay $0x4  }
0x250: {  	[tilespmem:s26], [sflag:$0x2] =	stream.indirect_vreg.gather [hbm4b:s2+s3], $0x80, v4, vm0, $0xb8;
	[tilespmem:$0x10800] =	vst v63  }
0x251: {  	s20 =	simm.s32 $0x9000;
	v3 =	vperm.xlane v3, v2  }
0x252: {  	[tilespmem:s20], [sflag:$0x2] =	stream.indirect_vreg.gather [hbm4b:s4+s3], $0x80, v4, vm0, $0xb8;
	[tilespmem:$0x10800] =	vst v63  }
0x253: {  	s12 =	simm.s32 $0x9800;
	v3 =	vadd.s32 v1, v3  }
0x254: {  	[tilespmem:s12], [sflag:$0x2] =	stream.indirect_vreg.gather [hbm4b:s5+s3], $0x80, v4, vm0, $0xb8;
	[tilespmem:$0x10800] =	vst v63  }
0x255: {  	s24 =	simm.s32 $0xA000  }
0x256: {  	[tilespmem:s24], [sflag:$0x2] =	stream.indirect_vreg.gather [hbm4b:s6+s3], $0x80, v4, vm0, $0xb8;
	[tilespmem:$0x10800] =	vst v63  }
0x257: {  	s21 =	simm.s32 $0xA800  }
0x258: {  	[tilespmem:s21], [sflag:$0x2] =	stream.indirect_vreg.gather [hbm4b:s2+s3], $0x80, v3, vm0, $0xb8;
	[tilespmem:$0x10800] =	vst v63  }
0x259: {  	s23 =	simm.s32 $0xB000  }
0x25a: {  	[tilespmem:s23], [sflag:$0x2] =	stream.indirect_vreg.gather [hbm4b:s4+s3], $0x80, v3, vm0, $0xb8;
	[tilespmem:$0x10800] =	vst v63  }
0x25b: {  	s15 =	simm.s32 $0xB800  }
0x25c: {  	[tilespmem:s15], [sflag:$0x2] =	stream.indirect_vreg.gather [hbm4b:s5+s3], $0x80, v3, vm0, $0xb8;
	[tilespmem:$0x10800] =	vst v63  }
0x25d: {  	s0 =	simm.s32 $0xC000  }
0x25e: {  	[tilespmem:s0], [sflag:$0x2] =	stream.indirect_vreg.gather [hbm4b:s6+s3], $0x80, v3, vm0, $0xb8;
	[tilespmem:$0x10800] =	vst v63  }
0x25f: {  	v3 =	vld [tilespmem:$0x590];
	_ =	sdelay $0x4  }
0x260: {  	v55 =	vshll.u32 v3, $0x3  }
0x261: {  	v3 =	vand.u32 $0x7, v3;
	v4 =	vand.u32 $0xFFFFFFC0, v55  }
0x262: {  	v3 =	vor.u32 v3, v4  }
0x263: {  	v4 =	vperm.xlane v3, v0;
	_ =	sdelay $0x1  }
0x264: {  	v4 =	vadd.s32 v1, v4;
	_ =	sdelay $0x3  }
0x265: {  	s24 =	simm.s32 $0xC800  }
0x266: {  	[tilespmem:s24], [sflag:$0x2] =	stream.indirect_vreg.gather [hbm4b:s2+s3], $0x80, v4, vm0, $0xb8;
	[tilespmem:$0x10800] =	vst v63  }
0x267: {  	s28 =	simm.s32 $0xD000;
	v3 =	vperm.xlane v3, v2  }
0x268: {  	[tilespmem:s28], [sflag:$0x2] =	stream.indirect_vreg.gather [hbm4b:s4+s3], $0x80, v4, vm0, $0xb8;
	[tilespmem:$0x10800] =	vst v63  }
0x269: {  	s1 =	simm.s32 $0xD800;
	v3 =	vadd.s32 v1, v3  }
0x26a: {  	[tilespmem:s1], [sflag:$0x2] =	stream.indirect_vreg.gather [hbm4b:s5+s3], $0x80, v4, vm0, $0xb8;
	[tilespmem:$0x10800] =	vst v63  }
0x26b: {  	s7 =	simm.s32 $0xE000  }
0x26c: {  	[tilespmem:s7], [sflag:$0x2] =	stream.indirect_vreg.gather [hbm4b:s6+s3], $0x80, v4, vm0, $0xb8;
	[tilespmem:$0x10800] =	vst v63  }
0x26d: {  	s10 =	simm.s32 $0xE800  }
0x26e: {  	[tilespmem:s10], [sflag:$0x2] =	stream.indirect_vreg.gather [hbm4b:s2+s3], $0x80, v3, vm0, $0xb8;
	[tilespmem:$0x10800] =	vst v63  }
0x26f: {  	s17 =	simm.s32 $0xF000  }
0x270: {  	[tilespmem:s17], [sflag:$0x2] =	stream.indirect_vreg.gather [hbm4b:s4+s3], $0x80, v3, vm0, $0xb8;
	[tilespmem:$0x10800] =	vst v63  }
0x271: {  	s11 =	simm.s32 $0xF800  }
0x272: {  	[tilespmem:s11], [sflag:$0x2] =	stream.indirect_vreg.gather [hbm4b:s5+s3], $0x80, v3, vm0, $0xb8;
	[tilespmem:$0x10800] =	vst v63  }
0x273: {  	s13 =	simm.s32 $0x10000  }
0x274: {  	[tilespmem:s13], [sflag:$0x2] =	stream.indirect_vreg.gather [hbm4b:s6+s3], $0x80, v3, vm0, $0xb8;
	[tilespmem:$0x10800] =	vst v63  }
0x275: {  	s28 =	rddreg [dreg:$0xe]  }
0x276: {  	[hbm4b:s28+s3] =	stream.linear.scatter [tilespmem:s9], [sflag:$0x3], $0x8000, $0x38;
	[tilespmem:$0x10800] =	vst v63  }
0x277: {  	_ =	swait.ge [sflag:s8], $0x8000  }
0x278: {  	[sflag:s8] =	ssyncset.done $0x0  }
0x279: {  	[sflag:s8] =	ssyncadd.s32 $0xFFFF8000  }
0x27a: {  	_ =	swait.ge [sflag:s19], $0x8000  }
0x27b: {  	[sflag:s19] =	ssyncset.done $0x0  }
0x27c: {  	[sflag:s19] =	ssyncadd.s32 $0xFFFF8000  }
0x27d: {  	v3 =	vld [tilespmem:$0x600];
	_ =	sdelay $0x4  }
0x27e: {  	v56 =	vshll.u32 v3, $0x3  }
0x27f: {  	v3 =	vand.u32 $0x7, v3;
	v4 =	vand.u32 $0xFFFFFFC0, v56  }
0x280: {  	v3 =	vor.u32 v3, v4  }
0x281: {  	v4 =	vperm.xlane v3, v0;
	_ =	sdelay $0x1  }
0x282: {  	v4 =	vadd.s32 v1, v4;
	_ =	sdelay $0x4  }
0x283: {  	[tilespmem:s9], [sflag:$0x1] =	stream.indirect_vreg.gather [hbm4b:s2+s3], $0x80, v4, vm0, $0xb8;
	[tilespmem:$0x10800] =	vst v63  }
0x284: {  	s17 =	simm.s32 $0x1000;
	v3 =	vperm.xlane v3, v2  }
0x285: {  	[tilespmem:s17], [sflag:$0x1] =	stream.indirect_vreg.gather [hbm4b:s4+s3], $0x80, v4, vm0, $0xb8;
	[tilespmem:$0x10800] =	vst v63  }
0x286: {  	s20 =	simm.s32 $0x1800;
	v3 =	vadd.s32 v1, v3  }
0x287: {  	[tilespmem:s20], [sflag:$0x1] =	stream.indirect_vreg.gather [hbm4b:s5+s3], $0x80, v4, vm0, $0xb8;
	[tilespmem:$0x10800] =	vst v63  }
0x288: {  	s28 =	simm.s32 $0x2000  }
0x289: {  	[tilespmem:s28], [sflag:$0x1] =	stream.indirect_vreg.gather [hbm4b:s6+s3], $0x80, v4, vm0, $0xb8;
	[tilespmem:$0x10800] =	vst v63  }
0x28a: {  	s17 =	simm.s32 $0x2800  }
0x28b: {  	[tilespmem:s17], [sflag:$0x1] =	stream.indirect_vreg.gather [hbm4b:s2+s3], $0x80, v3, vm0, $0xb8;
	[tilespmem:$0x10800] =	vst v63  }
0x28c: {  	s20 =	simm.s32 $0x3000  }
0x28d: {  	[tilespmem:s20], [sflag:$0x1] =	stream.indirect_vreg.gather [hbm4b:s4+s3], $0x80, v3, vm0, $0xb8;
	[tilespmem:$0x10800] =	vst v63  }
0x28e: {  	s28 =	simm.s32 $0x3800  }
0x28f: {  	[tilespmem:s28], [sflag:$0x1] =	stream.indirect_vreg.gather [hbm4b:s5+s3], $0x80, v3, vm0, $0xb8;
	[tilespmem:$0x10800] =	vst v63  }
0x290: {  	s17 =	simm.s32 $0x4000  }
0x291: {  	[tilespmem:s17], [sflag:$0x1] =	stream.indirect_vreg.gather [hbm4b:s6+s3], $0x80, v3, vm0, $0xb8;
	[tilespmem:$0x10800] =	vst v63  }
0x292: {  	v3 =	vld [tilespmem:$0x610];
	_ =	sdelay $0x4  }
0x293: {  	v57 =	vshll.u32 v3, $0x3  }
0x294: {  	v3 =	vand.u32 $0x7, v3;
	v4 =	vand.u32 $0xFFFFFFC0, v57  }
0x295: {  	v3 =	vor.u32 v3, v4  }
0x296: {  	v4 =	vperm.xlane v3, v0;
	_ =	sdelay $0x1  }
0x297: {  	v4 =	vadd.s32 v1, v4;
	_ =	sdelay $0x3  }
0x298: {  	s20 =	simm.s32 $0x4800  }
0x299: {  	[tilespmem:s20], [sflag:$0x1] =	stream.indirect_vreg.gather [hbm4b:s2+s3], $0x80, v4, vm0, $0xb8;
	[tilespmem:$0x10800] =	vst v63  }
0x29a: {  	s28 =	simm.s32 $0x5000;
	v3 =	vperm.xlane v3, v2  }
0x29b: {  	[tilespmem:s28], [sflag:$0x1] =	stream.indirect_vreg.gather [hbm4b:s4+s3], $0x80, v4, vm0, $0xb8;
	[tilespmem:$0x10800] =	vst v63  }
0x29c: {  	s17 =	simm.s32 $0x5800;
	v3 =	vadd.s32 v1, v3  }
0x29d: {  	[tilespmem:s17], [sflag:$0x1] =	stream.indirect_vreg.gather [hbm4b:s5+s3], $0x80, v4, vm0, $0xb8;
	[tilespmem:$0x10800] =	vst v63  }
0x29e: {  	s20 =	simm.s32 $0x6000  }
0x29f: {  	[tilespmem:s20], [sflag:$0x1] =	stream.indirect_vreg.gather [hbm4b:s6+s3], $0x80, v4, vm0, $0xb8;
	[tilespmem:$0x10800] =	vst v63  }
0x2a0: {  	s30 =	simm.s32 $0x6800  }
0x2a1: {  	[tilespmem:s30], [sflag:$0x1] =	stream.indirect_vreg.gather [hbm4b:s2+s3], $0x80, v3, vm0, $0xb8;
	[tilespmem:$0x10800] =	vst v63  }
0x2a2: {  	s16 =	simm.s32 $0x7000  }
0x2a3: {  	[tilespmem:s16], [sflag:$0x1] =	stream.indirect_vreg.gather [hbm4b:s4+s3], $0x80, v3, vm0, $0xb8;
	[tilespmem:$0x10800] =	vst v63  }
0x2a4: {  	s18 =	simm.s32 $0x7800  }
0x2a5: {  	[tilespmem:s18], [sflag:$0x1] =	stream.indirect_vreg.gather [hbm4b:s5+s3], $0x80, v3, vm0, $0xb8;
	[tilespmem:$0x10800] =	vst v63  }
0x2a6: {  	s18 =	simm.s32 $0x8000  }
0x2a7: {  	[tilespmem:s18], [sflag:$0x1] =	stream.indirect_vreg.gather [hbm4b:s6+s3], $0x80, v3, vm0, $0xb8;
	[tilespmem:$0x10800] =	vst v63  }
0x2a8: {  	s28 =	rddreg [dreg:$0xf]  }
0x2a9: {  	[hbm4b:s28+s3] =	stream.linear.scatter [tilespmem:s26], [sflag:$0x3], $0x8000, $0x38;
	[tilespmem:$0x10800] =	vst v63  }
0x2aa: {  	_ =	swait.ge [sflag:s8], $0x8000  }
0x2ab: {  	[sflag:s8] =	ssyncset.done $0x0  }
0x2ac: {  	[sflag:s8] =	ssyncadd.s32 $0xFFFF8000  }
0x2ad: {  	_ =	swait.ge [sflag:s25], $0x8000  }
0x2ae: {  	[sflag:s25] =	ssyncset.done $0x0  }
0x2af: {  	[sflag:s25] =	ssyncadd.s32 $0xFFFF8000  }
0x2b0: {  	v3 =	vld [tilespmem:$0x680];
	_ =	sdelay $0x4  }
0x2b1: {  	v58 =	vshll.u32 v3, $0x3  }
0x2b2: {  	v3 =	vand.u32 $0x7, v3;
	v4 =	vand.u32 $0xFFFFFFC0, v58  }
0x2b3: {  	v3 =	vor.u32 v3, v4  }
0x2b4: {  	v4 =	vperm.xlane v3, v0;
	_ =	sdelay $0x1  }
0x2b5: {  	v4 =	vadd.s32 v1, v4;
	_ =	sdelay $0x4  }
0x2b6: {  	[tilespmem:s26], [sflag:$0x2] =	stream.indirect_vreg.gather [hbm4b:s2+s3], $0x80, v4, vm0, $0xb8;
	[tilespmem:$0x10800] =	vst v63  }
0x2b7: {  	s28 =	simm.s32 $0x9000;
	v3 =	vperm.xlane v3, v2  }
0x2b8: {  	[tilespmem:s28], [sflag:$0x2] =	stream.indirect_vreg.gather [hbm4b:s4+s3], $0x80, v4, vm0, $0xb8;
	[tilespmem:$0x10800] =	vst v63  }
0x2b9: {  	s12 =	simm.s32 $0x9800;
	v3 =	vadd.s32 v1, v3  }
0x2ba: {  	[tilespmem:s12], [sflag:$0x2] =	stream.indirect_vreg.gather [hbm4b:s5+s3], $0x80, v4, vm0, $0xb8;
	[tilespmem:$0x10800] =	vst v63  }
0x2bb: {  	s29 =	simm.s32 $0xA000  }
0x2bc: {  	[tilespmem:s29], [sflag:$0x2] =	stream.indirect_vreg.gather [hbm4b:s6+s3], $0x80, v4, vm0, $0xb8;
	[tilespmem:$0x10800] =	vst v63  }
0x2bd: {  	s14 =	simm.s32 $0xA800  }
0x2be: {  	[tilespmem:s14], [sflag:$0x2] =	stream.indirect_vreg.gather [hbm4b:s2+s3], $0x80, v3, vm0, $0xb8;
	[tilespmem:$0x10800] =	vst v63  }
0x2bf: {  	s23 =	simm.s32 $0xB000  }
0x2c0: {  	[tilespmem:s23], [sflag:$0x2] =	stream.indirect_vreg.gather [hbm4b:s4+s3], $0x80, v3, vm0, $0xb8;
	[tilespmem:$0x10800] =	vst v63  }
0x2c1: {  	s15 =	simm.s32 $0xB800  }
0x2c2: {  	[tilespmem:s15], [sflag:$0x2] =	stream.indirect_vreg.gather [hbm4b:s5+s3], $0x80, v3, vm0, $0xb8;
	[tilespmem:$0x10800] =	vst v63  }
0x2c3: {  	s0 =	simm.s32 $0xC000  }
0x2c4: {  	[tilespmem:s0], [sflag:$0x2] =	stream.indirect_vreg.gather [hbm4b:s6+s3], $0x80, v3, vm0, $0xb8;
	[tilespmem:$0x10800] =	vst v63  }
0x2c5: {  	v3 =	vld [tilespmem:$0x690];
	_ =	sdelay $0x4  }
0x2c6: {  	v59 =	vshll.u32 v3, $0x3  }
0x2c7: {  	v3 =	vand.u32 $0x7, v3;
	v4 =	vand.u32 $0xFFFFFFC0, v59  }
0x2c8: {  	v3 =	vor.u32 v3, v4  }
0x2c9: {  	v4 =	vperm.xlane v3, v0;
	_ =	sdelay $0x1  }
0x2ca: {  	v4 =	vadd.s32 v1, v4;
	_ =	sdelay $0x3  }
0x2cb: {  	s29 =	simm.s32 $0xC800  }
0x2cc: {  	[tilespmem:s29], [sflag:$0x2] =	stream.indirect_vreg.gather [hbm4b:s2+s3], $0x80, v4, vm0, $0xb8;
	[tilespmem:$0x10800] =	vst v63  }
0x2cd: {  	s21 =	simm.s32 $0xD000;
	v3 =	vperm.xlane v3, v2  }
0x2ce: {  	[tilespmem:s21], [sflag:$0x2] =	stream.indirect_vreg.gather [hbm4b:s4+s3], $0x80, v4, vm0, $0xb8;
	[tilespmem:$0x10800] =	vst v63  }
0x2cf: {  	s31 =	simm.s32 $0xD800;
	v3 =	vadd.s32 v1, v3  }
0x2d0: {  	[tilespmem:s31], [sflag:$0x2] =	stream.indirect_vreg.gather [hbm4b:s5+s3], $0x80, v4, vm0, $0xb8;
	[tilespmem:$0x10800] =	vst v63  }
0x2d1: {  	s7 =	simm.s32 $0xE000  }
0x2d2: {  	[tilespmem:s7], [sflag:$0x2] =	stream.indirect_vreg.gather [hbm4b:s6+s3], $0x80, v4, vm0, $0xb8;
	[tilespmem:$0x10800] =	vst v63  }
0x2d3: {  	s10 =	simm.s32 $0xE800  }
0x2d4: {  	[tilespmem:s10], [sflag:$0x2] =	stream.indirect_vreg.gather [hbm4b:s2+s3], $0x80, v3, vm0, $0xb8;
	[tilespmem:$0x10800] =	vst v63  }
0x2d5: {  	s1 =	simm.s32 $0xF000  }
0x2d6: {  	[tilespmem:s1], [sflag:$0x2] =	stream.indirect_vreg.gather [hbm4b:s4+s3], $0x80, v3, vm0, $0xb8;
	[tilespmem:$0x10800] =	vst v63  }
0x2d7: {  	s11 =	simm.s32 $0xF800  }
0x2d8: {  	[tilespmem:s11], [sflag:$0x2] =	stream.indirect_vreg.gather [hbm4b:s5+s3], $0x80, v3, vm0, $0xb8;
	[tilespmem:$0x10800] =	vst v63  }
0x2d9: {  	s24 =	simm.s32 $0x10000  }
0x2da: {  	[tilespmem:s24], [sflag:$0x2] =	stream.indirect_vreg.gather [hbm4b:s6+s3], $0x80, v3, vm0, $0xb8;
	[tilespmem:$0x10800] =	vst v63  }
0x2db: {  	s11 =	rddreg [dreg:$0x10]  }
0x2dc: {  	[hbm4b:s11+s3] =	stream.linear.scatter [tilespmem:s9], [sflag:$0x3], $0x8000, $0x38;
	[tilespmem:$0x10800] =	vst v63  }
0x2dd: {  	_ =	swait.ge [sflag:s8], $0x8000  }
0x2de: {  	[sflag:s8] =	ssyncset.done $0x0  }
0x2df: {  	[sflag:s8] =	ssyncadd.s32 $0xFFFF8000  }
0x2e0: {  	_ =	swait.ge [sflag:s19], $0x8000  }
0x2e1: {  	[sflag:s19] =	ssyncset.done $0x0  }
0x2e2: {  	[sflag:s19] =	ssyncadd.s32 $0xFFFF8000  }
0x2e3: {  	v3 =	vld [tilespmem:$0x700];
	_ =	sdelay $0x4  }
0x2e4: {  	v60 =	vshll.u32 v3, $0x3  }
0x2e5: {  	v3 =	vand.u32 $0x7, v3;
	v4 =	vand.u32 $0xFFFFFFC0, v60  }
0x2e6: {  	v3 =	vor.u32 v3, v4  }
0x2e7: {  	v4 =	vperm.xlane v3, v0;
	_ =	sdelay $0x1  }
0x2e8: {  	v4 =	vadd.s32 v1, v4;
	_ =	sdelay $0x4  }
0x2e9: {  	[tilespmem:s9], [sflag:$0x1] =	stream.indirect_vreg.gather [hbm4b:s2+s3], $0x80, v4, vm0, $0xb8;
	[tilespmem:$0x10800] =	vst v63  }
0x2ea: {  	s24 =	simm.s32 $0x1000;
	v3 =	vperm.xlane v3, v2  }
0x2eb: {  	[tilespmem:s24], [sflag:$0x1] =	stream.indirect_vreg.gather [hbm4b:s4+s3], $0x80, v4, vm0, $0xb8;
	[tilespmem:$0x10800] =	vst v63  }
0x2ec: {  	s31 =	simm.s32 $0x1800;
	v3 =	vadd.s32 v1, v3  }
0x2ed: {  	[tilespmem:s31], [sflag:$0x1] =	stream.indirect_vreg.gather [hbm4b:s5+s3], $0x80, v4, vm0, $0xb8;
	[tilespmem:$0x10800] =	vst v63  }
0x2ee: {  	s20 =	simm.s32 $0x2000  }
0x2ef: {  	[tilespmem:s20], [sflag:$0x1] =	stream.indirect_vreg.gather [hbm4b:s6+s3], $0x80, v4, vm0, $0xb8;
	[tilespmem:$0x10800] =	vst v63  }
0x2f0: {  	s24 =	simm.s32 $0x2800  }
0x2f1: {  	[tilespmem:s24], [sflag:$0x1] =	stream.indirect_vreg.gather [hbm4b:s2+s3], $0x80, v3, vm0, $0xb8;
	[tilespmem:$0x10800] =	vst v63  }
0x2f2: {  	s31 =	simm.s32 $0x3000  }
0x2f3: {  	[tilespmem:s31], [sflag:$0x1] =	stream.indirect_vreg.gather [hbm4b:s4+s3], $0x80, v3, vm0, $0xb8;
	[tilespmem:$0x10800] =	vst v63  }
0x2f4: {  	s20 =	simm.s32 $0x3800  }
0x2f5: {  	[tilespmem:s20], [sflag:$0x1] =	stream.indirect_vreg.gather [hbm4b:s5+s3], $0x80, v3, vm0, $0xb8;
	[tilespmem:$0x10800] =	vst v63  }
0x2f6: {  	s24 =	simm.s32 $0x4000  }
0x2f7: {  	[tilespmem:s24], [sflag:$0x1] =	stream.indirect_vreg.gather [hbm4b:s6+s3], $0x80, v3, vm0, $0xb8;
	[tilespmem:$0x10800] =	vst v63  }
0x2f8: {  	v3 =	vld [tilespmem:$0x710];
	_ =	sdelay $0x4  }
0x2f9: {  	v61 =	vshll.u32 v3, $0x3  }
0x2fa: {  	v3 =	vand.u32 $0x7, v3;
	v4 =	vand.u32 $0xFFFFFFC0, v61  }
0x2fb: {  	v3 =	vor.u32 v3, v4  }
0x2fc: {  	v4 =	vperm.xlane v3, v0;
	_ =	sdelay $0x1  }
0x2fd: {  	v4 =	vadd.s32 v1, v4;
	_ =	sdelay $0x3  }
0x2fe: {  	s31 =	simm.s32 $0x4800  }
0x2ff: {  	[tilespmem:s31], [sflag:$0x1] =	stream.indirect_vreg.gather [hbm4b:s2+s3], $0x80, v4, vm0, $0xb8;
	[tilespmem:$0x10800] =	vst v63  }
0x300: {  	s20 =	simm.s32 $0x5000;
	v3 =	vperm.xlane v3, v2  }
0x301: {  	[tilespmem:s20], [sflag:$0x1] =	stream.indirect_vreg.gather [hbm4b:s4+s3], $0x80, v4, vm0, $0xb8;
	[tilespmem:$0x10800] =	vst v63  }
0x302: {  	s24 =	simm.s32 $0x5800;
	v3 =	vadd.s32 v1, v3  }
0x303: {  	[tilespmem:s24], [sflag:$0x1] =	stream.indirect_vreg.gather [hbm4b:s5+s3], $0x80, v4, vm0, $0xb8;
	[tilespmem:$0x10800] =	vst v63  }
0x304: {  	s31 =	simm.s32 $0x6000  }
0x305: {  	[tilespmem:s31], [sflag:$0x1] =	stream.indirect_vreg.gather [hbm4b:s6+s3], $0x80, v4, vm0, $0xb8;
	[tilespmem:$0x10800] =	vst v63  }
0x306: {  	s30 =	simm.s32 $0x6800  }
0x307: {  	[tilespmem:s30], [sflag:$0x1] =	stream.indirect_vreg.gather [hbm4b:s2+s3], $0x80, v3, vm0, $0xb8;
	[tilespmem:$0x10800] =	vst v63  }
0x308: {  	s17 =	simm.s32 $0x7000  }
0x309: {  	[tilespmem:s17], [sflag:$0x1] =	stream.indirect_vreg.gather [hbm4b:s4+s3], $0x80, v3, vm0, $0xb8;
	[tilespmem:$0x10800] =	vst v63  }
0x30a: {  	s16 =	simm.s32 $0x7800  }
0x30b: {  	[tilespmem:s16], [sflag:$0x1] =	stream.indirect_vreg.gather [hbm4b:s5+s3], $0x80, v3, vm0, $0xb8;
	[tilespmem:$0x10800] =	vst v63  }
0x30c: {  	s17 =	simm.s32 $0x8000  }
0x30d: {  	[tilespmem:s17], [sflag:$0x1] =	stream.indirect_vreg.gather [hbm4b:s6+s3], $0x80, v3, vm0, $0xb8;
	[tilespmem:$0x10800] =	vst v63  }
0x30e: {  	s16 =	rddreg [dreg:$0x11]  }
0x30f: {  	[hbm4b:s16+s3] =	stream.linear.scatter [tilespmem:s26], [sflag:$0x3], $0x8000, $0x38;
	[tilespmem:$0x10800] =	vst v63  }
0x310: {  	_ =	swait.ge [sflag:s8], $0x8000  }
0x311: {  	[sflag:s8] =	ssyncset.done $0x0  }
0x312: {  	[sflag:s8] =	ssyncadd.s32 $0xFFFF8000  }
0x313: {  	_ =	swait.ge [sflag:s25], $0x8000  }
0x314: {  	[sflag:s25] =	ssyncset.done $0x0  }
0x315: {  	[sflag:s25] =	ssyncadd.s32 $0xFFFF8000  }
0x316: {  	v3 =	vld [tilespmem:$0x780];
	_ =	sdelay $0x4  }
0x317: {  	v62 =	vshll.u32 v3, $0x3  }
0x318: {  	v3 =	vand.u32 $0x7, v3;
	v4 =	vand.u32 $0xFFFFFFC0, v62  }
0x319: {  	v3 =	vor.u32 v3, v4  }
0x31a: {  	v4 =	vperm.xlane v3, v0;
	_ =	sdelay $0x1  }
0x31b: {  	v4 =	vadd.s32 v1, v4;
	_ =	sdelay $0x4  }
0x31c: {  	[tilespmem:s26], [sflag:$0x2] =	stream.indirect_vreg.gather [hbm4b:s2+s3], $0x80, v4, vm0, $0xb8;
	[tilespmem:$0x10800] =	vst v63  }
0x31d: {  	s24 =	simm.s32 $0x9000;
	v3 =	vperm.xlane v3, v2  }
0x31e: {  	[tilespmem:s24], [sflag:$0x2] =	stream.indirect_vreg.gather [hbm4b:s4+s3], $0x80, v4, vm0, $0xb8;
	[tilespmem:$0x10800] =	vst v63  }
0x31f: {  	s13 =	simm.s32 $0x9800;
	v3 =	vadd.s32 v1, v3  }
0x320: {  	[tilespmem:s13], [sflag:$0x2] =	stream.indirect_vreg.gather [hbm4b:s5+s3], $0x80, v4, vm0, $0xb8;
	[tilespmem:$0x10800] =	vst v63  }
0x321: {  	s28 =	simm.s32 $0xA000  }
0x322: {  	[tilespmem:s28], [sflag:$0x2] =	stream.indirect_vreg.gather [hbm4b:s6+s3], $0x80, v4, vm0, $0xb8;
	[tilespmem:$0x10800] =	vst v63  }
0x323: {  	s12 =	simm.s32 $0xA800  }
0x324: {  	[tilespmem:s12], [sflag:$0x2] =	stream.indirect_vreg.gather [hbm4b:s2+s3], $0x80, v3, vm0, $0xb8;
	[tilespmem:$0x10800] =	vst v63  }
0x325: {  	s18 =	simm.s32 $0xB000  }
0x326: {  	[tilespmem:s18], [sflag:$0x2] =	stream.indirect_vreg.gather [hbm4b:s4+s3], $0x80, v3, vm0, $0xb8;
	[tilespmem:$0x10800] =	vst v63  }
0x327: {  	s14 =	simm.s32 $0xB800  }
0x328: {  	[tilespmem:s14], [sflag:$0x2] =	stream.indirect_vreg.gather [hbm4b:s5+s3], $0x80, v3, vm0, $0xb8;
	[tilespmem:$0x10800] =	vst v63  }
0x329: {  	s15 =	simm.s32 $0xC000  }
0x32a: {  	[tilespmem:s15], [sflag:$0x2] =	stream.indirect_vreg.gather [hbm4b:s6+s3], $0x80, v3, vm0, $0xb8;
	[tilespmem:$0x10800] =	vst v63  }
0x32b: {  	v3 =	vld [tilespmem:$0x790];
	_ =	sdelay $0x4  }
0x32c: {  	v63 =	vshll.u32 v3, $0x3  }
0x32d: {  	v3 =	vand.u32 $0x7, v3;
	v4 =	vand.u32 $0xFFFFFFC0, v63  }
0x32e: {  	v3 =	vor.u32 v3, v4  }
0x32f: {  	v4 =	vperm.xlane v3, v0;
	_ =	sdelay $0x1  }
0x330: {  	v4 =	vadd.s32 v1, v4;
	_ =	sdelay $0x3  }
0x331: {  	s28 =	simm.s32 $0xC800  }
0x332: {  	[tilespmem:s28], [sflag:$0x2] =	stream.indirect_vreg.gather [hbm4b:s2+s3], $0x80, v4, vm0, $0xb8;
	[tilespmem:$0x10800] =	vst v63  }
0x333: {  	s0 =	simm.s32 $0xD000;
	v3 =	vperm.xlane v3, v2  }
0x334: {  	[tilespmem:s0], [sflag:$0x2] =	stream.indirect_vreg.gather [hbm4b:s4+s3], $0x80, v4, vm0, $0xb8;
	[tilespmem:$0x10800] =	vst v63  }
0x335: {  	s29 =	simm.s32 $0xD800;
	v3 =	vadd.s32 v1, v3  }
0x336: {  	[tilespmem:s29], [sflag:$0x2] =	stream.indirect_vreg.gather [hbm4b:s5+s3], $0x80, v4, vm0, $0xb8;
	[tilespmem:$0x10800] =	vst v63  }
0x337: {  	s23 =	simm.s32 $0xE000  }
0x338: {  	[tilespmem:s23], [sflag:$0x2] =	stream.indirect_vreg.gather [hbm4b:s6+s3], $0x80, v4, vm0, $0xb8;
	[tilespmem:$0x10800] =	vst v63  }
0x339: {  	s7 =	simm.s32 $0xE800  }
0x33a: {  	[tilespmem:s7], [sflag:$0x2] =	stream.indirect_vreg.gather [hbm4b:s2+s3], $0x80, v3, vm0, $0xb8;
	[tilespmem:$0x10800] =	vst v63  }
0x33b: {  	s21 =	simm.s32 $0xF000  }
0x33c: {  	[tilespmem:s21], [sflag:$0x2] =	stream.indirect_vreg.gather [hbm4b:s4+s3], $0x80, v3, vm0, $0xb8;
	[tilespmem:$0x10800] =	vst v63  }
0x33d: {  	s1 =	simm.s32 $0xF800  }
0x33e: {  	[tilespmem:s1], [sflag:$0x2] =	stream.indirect_vreg.gather [hbm4b:s5+s3], $0x80, v3, vm0, $0xb8;
	[tilespmem:$0x10800] =	vst v63  }
0x33f: {  	s10 =	simm.s32 $0x10000  }
0x340: {  	[tilespmem:s10], [sflag:$0x2] =	stream.indirect_vreg.gather [hbm4b:s6+s3], $0x80, v3, vm0, $0xb8;
	[tilespmem:$0x10800] =	vst v63  }
0x341: {  	s30 =	rddreg [dreg:$0x12]  }
0x342: {  	[hbm4b:s30+s3] =	stream.linear.scatter [tilespmem:s9], [sflag:$0x3], $0x8000, $0x38;
	[tilespmem:$0x10800] =	vst v63  }
0x343: {  	_ =	swait.ge [sflag:s8], $0x8000  }
0x344: {  	[sflag:s8] =	ssyncset.done $0x0  }
0x345: {  	[sflag:s8] =	ssyncadd.s32 $0xFFFF8000  }
0x346: {  	_ =	swait.ge [sflag:s19], $0x8000  }
0x347: {  	p0 =	sne.s32 s22, $0x1;
	[sflag:s19] =	ssyncset.done $0x0  }
.Ltmp0:
0x348: {  	s31 =	rddreg [dreg:$0x13];
	[sflag:s19] =	ssyncadd.s32 $0xFFFF8000;
	(pc) =	sbr.rel @p0 .LBB2_1-.Ltmp0, $4  }
0x349: {  	[hbm4b:s31+s3] =	stream.linear.scatter [tilespmem:s26], [sflag:$0x3], $0x8000, $0x38;
	[tilespmem:$0x10800] =	vst v63  }
0x34a: {  	_ =	swait.ge [sflag:s8], $0x8000  }
0x34b: {  	[sflag:s8] =	ssyncset.done $0x0  }
0x34c: {  	s22 =	sadd.s32 $0xFFFFFFFF, s22;
	[sflag:s8] =	ssyncadd.s32 $0xFFFF8000  }
0x34d: {  	_ =	sfence.sel $0x180000  }
0x34e: {  	[bflag:$0x0] =	sbarrier.arrive $0xFFFF  }
0x34f: {  	_ =	strace $0x9000004A  }
0x350: {  	s0 =	stileid.u32;
	[bflag:$0x2] =	sbarrier.arrive $0xFFFF  }
0x351: {  	p0 =	sne.s32 s0, $0x0;
	s0 =	rddreg [dreg:$0x2]  }
0x352: {  	s0 =	sadd.s32 @!p0 $0x100000, s0  }
0x353: {  	[sflag:s0] =	ssyncadd.tile.s32 @!p0 $0x1;
	_ =	shalt  }
.Lfunc_end2:
_tile_overlayer_lowered:
.L_overlay_start_2:
0x354: {  	(tag) =	ssettag $0x2  }
0x355: {  	s0 =	rddreg [dreg:$0x0];
	s2 =	stileid.u32  }
0x356: {  	s1 =	rddreg [dreg:$0x1];
	p0 =	sne.s32 s2, $0x0  }
0x357: {  	s3 =	rddreg [dreg:$0x2];
	[bflag:$0x3] =	sbarrier.arrive $0xFFFF;
	s2 =	simm.s32 @!p0 $0x1C03  }
0x358: {  	[timem:s3], [sflag:s2] =	dma.local @!p0 [hbm:s0], s1  }
0x359: {  	s0 =	simm.s32 @!p0 $0x3  }
0x35a: {  	_ =	swait.ge @!p0 [sflag:s0], s1  }
0x35b: {  	s1 =	ssub.s32 @!p0 $0x0, s1;
	[sflag:s0] =	ssyncset.done @!p0 $0x0  }
0x35c: {  	[sflag:s0] =	ssyncadd.s32 @!p0 s1  }
0x35d: {  	[bflag:$0x3] =	sbarrier.arrive $0xFFFF  }
0x35e: {  	_ =	shalt  }

</sc_bundles>
